<compile_context>
chip_gen: v7x
topology: tpu7x:2x2x1
jax: 0.10.2.dev20260603
libtpu: 0.0.44.dev20260713+nightly
codegen_flags: <defaults>
</compile_context>

<pallas_src>
import jax
import jax.numpy as jnp
from jax import lax
from jax.experimental import pallas as pl
from jax.experimental.pallas import tpu as pltpu
from jax.experimental.pallas import tpu_sc as plsc

L = 16
NC, NS = 2, 16
NW = NC * NS
E = 320000
D = 128
EPW = E // NW
C = 80
NCHUNK = EPW // C
G = C // L
NBUF = 2

_BITREV = (0, 8, 4, 12, 2, 10, 6, 14, 1, 9, 5, 13, 3, 11, 7, 15)

_DNUMS = lax.GatherDimensionNumbers(
    offset_dims=(), collapsed_slice_dims=(0,), start_index_map=(0,))


def _xlane_take(v, idx):
    return lax.gather(v, idx[:, None], _DNUMS, slice_sizes=(1,),
                      mode=lax.GatherScatterMode.PROMISE_IN_BOUNDS)


def _body(x_hbm, src_hbm, dst_hbm, out_hbm,
          idx_a, idx_b, out_all,
          rows_a0, rows_b0, rows_a1, rows_b1,
          sem_a0, sem_b0, sem_a1, sem_b1):
    wid = lax.axis_index("s") * NC + lax.axis_index("c")
    base = wid * EPW
    lane = lax.iota(jnp.int32, L)

    pltpu.sync_copy(src_hbm.at[pl.ds(base, EPW)], idx_a)
    pltpu.sync_copy(dst_hbm.at[pl.ds(base, EPW)], idx_b)

    bufs = ((rows_a0, rows_b0, sem_a0, sem_b0),
            (rows_a1, rows_b1, sem_a1, sem_b1))

    def fire(cid, buf):
        ra, rb, sa, sb = buf
        off = jnp.minimum(cid, NCHUNK - 1) * C
        pltpu.async_copy(x_hbm.at[idx_a.at[pl.ds(off, C)]], ra, sa)
        pltpu.async_copy(x_hbm.at[idx_b.at[pl.ds(off, C)]], rb, sb)

    def drain(buf):
        ra, rb, sa, sb = buf
        pltpu.make_async_copy(x_hbm.at[idx_a.at[pl.ds(0, C)]], ra, sa).wait()
        pltpu.make_async_copy(x_hbm.at[idx_b.at[pl.ds(0, C)]], rb, sb).wait()

    def merge(u, v, w):
        m = (lane & w) == 0
        pu = _xlane_take(u, lane ^ w)
        pv = _xlane_take(v, lane ^ w)
        return jnp.where(m, u, pv) + jnp.where(m, pu, v)

    def compute(cid, buf):
        ra, rb, _, _ = buf
        off = jnp.minimum(cid, NCHUNK - 1) * C

        @plsc.parallel_loop(0, C, step=L, unroll=1)
        def _grp(eb):
            accs = [None] * L
            for j in range(L):
                acc = ra[eb + j, pl.ds(0, L)] * rb[eb + j, pl.ds(0, L)]
                for k in range(1, D // L):
                    acc = acc + (ra[eb + j, pl.ds(k * L, L)]
                                 * rb[eb + j, pl.ds(k * L, L)])
                accs[j] = acc
            vs = [None] * L
            for j in range(L):
                vs[_BITREV[j]] = accs[j]
            for w in (8, 4, 2, 1):
                vs = [merge(vs[2 * i], vs[2 * i + 1], w)
                      for i in range(len(vs) // 2)]
            out_all[pl.ds(off + eb, L)] = vs[0]

    for b in range(NBUF):
        fire(b, bufs[b])

    def pair(p, carry):
        i = p * NBUF
        for b in range(NBUF):
            drain(bufs[b])
            compute(i + b, bufs[b])
            fire(i + b + NBUF, bufs[b])
        return carry

    lax.fori_loop(0, (NCHUNK + NBUF - 1) // NBUF, pair, 0)

    for b in range(NBUF):
        drain(bufs[b])

    pltpu.sync_copy(out_all, out_hbm.at[pl.ds(base, EPW)])


def kernel(x, edge_label_index):
    idx = edge_label_index.astype(jnp.int32)
    f = pl.kernel(
        _body,
        out_type=jax.ShapeDtypeStruct((E,), jnp.float32),
        mesh=plsc.VectorSubcoreMesh(core_axis_name="c", subcore_axis_name="s"),
        scratch_types=[
            pltpu.VMEM((EPW,), jnp.int32),
            pltpu.VMEM((EPW,), jnp.int32),
            pltpu.VMEM((EPW,), jnp.float32),
            pltpu.VMEM((C, D), jnp.float32),
            pltpu.VMEM((C, D), jnp.float32),
            pltpu.VMEM((C, D), jnp.float32),
            pltpu.VMEM((C, D), jnp.float32),
            pltpu.SemaphoreType.DMA,
            pltpu.SemaphoreType.DMA,
            pltpu.SemaphoreType.DMA,
            pltpu.SemaphoreType.DMA,
        ],
    )
    return f(x, idx[0], idx[1])

# --- scband reference (transcript-rebuilt; emitter-appended) ---
"""Pipeline reference for scband-classifier-12395275616887 (READ-ONLY COPY).

The authoritative reference and input builder live on the scoring server;
editing this copy changes nothing except your own understanding.
"""

import jax, jax.numpy as jnp
import numpy as np


def setup_inputs(seed: int = 0) -> dict:
    key = jax.random.key(seed)
    k1, k2 = jax.random.split(key)
    x = jax.random.normal(k1, (10000, 128), dtype=jnp.float32)
    edge_label_index = jax.random.randint(k2, (2, 320000), 0, 10000, dtype=jnp.int64)
    return {"x": x, "edge_label_index": edge_label_index}


def reference(x, edge_label_index):
    from_edges = jnp.take(x, edge_label_index[0], axis=0)
    to_edges = jnp.take(x, edge_label_index[1], axis=0)
    return (from_edges * to_edges).sum(axis=-1)

if __name__ == "__main__":
    import jax
    _d = setup_inputs()
    print(jax.jit(kernel)(*tuple(_d.values())))

</pallas_src>

<mosaic_0001>
#map = affine_map<(d0, d1) -> (0, 0)>
#map1 = affine_map<(d0, d1) -> (0)>
module attributes {stable_mosaic.version = 14 : i64} {
  func.func @_body(%arg0: i32, %arg1: i32, %arg2: memref<10000x128xf32, #tpu.memory_space<hbm>>, %arg3: memref<320000xi32, #tpu.memory_space<hbm>>, %arg4: memref<320000xi32, #tpu.memory_space<hbm>>, %arg5: memref<320000xf32, #tpu.memory_space<hbm>>, %arg6: memref<10000xi32, #tpu.memory_space<vmem>>, %arg7: memref<10000xi32, #tpu.memory_space<vmem>>, %arg8: memref<10000xf32, #tpu.memory_space<vmem>>, %arg9: memref<80x128xf32, #tpu.memory_space<vmem>>, %arg10: memref<80x128xf32, #tpu.memory_space<vmem>>, %arg11: memref<80x128xf32, #tpu.memory_space<vmem>>, %arg12: memref<80x128xf32, #tpu.memory_space<vmem>>, %arg13: memref<!tpu.dma_semaphore, #tpu.memory_space<semaphore_mem>>, %arg14: memref<!tpu.dma_semaphore, #tpu.memory_space<semaphore_mem>>, %arg15: memref<!tpu.dma_semaphore, #tpu.memory_space<semaphore_mem>>, %arg16: memref<!tpu.dma_semaphore, #tpu.memory_space<semaphore_mem>>) attributes {dimension_semantics = [#tpu.dimension_semantics<core_parallel>, #tpu.dimension_semantics<subcore_parallel>], iteration_bounds = array<i64: 2, 16>, scalar_prefetch = 0 : i64, scratch_operands = 11 : i64, tpu.core_type = #tpu.core_type<sc_vector_subcore>, window_params = [{transform_indices = #map}, {transform_indices = #map1}, {transform_indices = #map1}, {transform_indices = #map1}]} {
    %mul3A = arith.constant 2 : i32
    %mul3A_0 = arith.muli %arg1, %mul3A : i32
    %add3A = arith.addi %mul3A_0, %arg0 : i32
    %mul3A_1 = arith.constant 10000 : i32
    %mul3A_2 = arith.muli %add3A, %mul3A_1 : i32
    %iota3A = tpu.iota {dimensions = array<i32: 0>} : vector<16xi32>
    "tpu.region"() ({
      %run_scoped3A = tpu.sem_alloc : memref<!tpu.dma_semaphore, #tpu.memory_space<semaphore_mem>>
      %dma_start3A_51 = tpu.memref_slice %arg3[%mul3A_2] : memref<320000xi32, #tpu.memory_space<hbm>> -> memref<10000xi32, #tpu.memory_space<hbm>>
      %dma_start3A_52 = tpu.memref_slice %arg3[%mul3A_2] : memref<320000xi32, #tpu.memory_space<hbm>> -> memref<10000xi32, #tpu.memory_space<hbm>>
      tpu.enqueue_dma source(%dma_start3A_52 : memref<10000xi32, #tpu.memory_space<hbm>>) target(%arg6 : memref<10000xi32, #tpu.memory_space<vmem>>) target_semaphore(%run_scoped3A : memref<!tpu.dma_semaphore, #tpu.memory_space<semaphore_mem>>)
      %dma_wait3A_53 = tpu.memref_slice %arg3[%mul3A_2] : memref<320000xi32, #tpu.memory_space<hbm>> -> memref<10000xi32, #tpu.memory_space<hbm>>
      %dma_wait3A_54 = tpu.memref_slice %arg3[%mul3A_2] : memref<320000xi32, #tpu.memory_space<hbm>> -> memref<10000xi32, #tpu.memory_space<hbm>>
      tpu.wait_dma2 semaphore(%run_scoped3A : memref<!tpu.dma_semaphore, #tpu.memory_space<semaphore_mem>>) src(%dma_wait3A_54 : memref<10000xi32, #tpu.memory_space<hbm>>) dst(%arg6 : memref<10000xi32, #tpu.memory_space<vmem>>)
      tpu.yield
    }) : () -> ()
    "tpu.region"() ({
      %run_scoped3A = tpu.sem_alloc : memref<!tpu.dma_semaphore, #tpu.memory_space<semaphore_mem>>
      %dma_start3A_51 = tpu.memref_slice %arg4[%mul3A_2] : memref<320000xi32, #tpu.memory_space<hbm>> -> memref<10000xi32, #tpu.memory_space<hbm>>
      %dma_start3A_52 = tpu.memref_slice %arg4[%mul3A_2] : memref<320000xi32, #tpu.memory_space<hbm>> -> memref<10000xi32, #tpu.memory_space<hbm>>
      tpu.enqueue_dma source(%dma_start3A_52 : memref<10000xi32, #tpu.memory_space<hbm>>) target(%arg7 : memref<10000xi32, #tpu.memory_space<vmem>>) target_semaphore(%run_scoped3A : memref<!tpu.dma_semaphore, #tpu.memory_space<semaphore_mem>>)
      %dma_wait3A_53 = tpu.memref_slice %arg4[%mul3A_2] : memref<320000xi32, #tpu.memory_space<hbm>> -> memref<10000xi32, #tpu.memory_space<hbm>>
      %dma_wait3A_54 = tpu.memref_slice %arg4[%mul3A_2] : memref<320000xi32, #tpu.memory_space<hbm>> -> memref<10000xi32, #tpu.memory_space<hbm>>
      tpu.wait_dma2 semaphore(%run_scoped3A : memref<!tpu.dma_semaphore, #tpu.memory_space<semaphore_mem>>) src(%dma_wait3A_54 : memref<10000xi32, #tpu.memory_space<hbm>>) dst(%arg7 : memref<10000xi32, #tpu.memory_space<vmem>>)
      tpu.yield
    }) : () -> ()
    %min3A = arith.constant 0 : i32
    %min3A_3 = arith.constant 124 : i32
    %min3A_4 = arith.minsi %min3A, %min3A_3 : i32
    %mul3A_5 = arith.constant 80 : i32
    %mul3A_6 = arith.muli %min3A_4, %mul3A_5 : i32
    %dma_start3A = tpu.memref_slice %arg6[%mul3A_6] : memref<10000xi32, #tpu.memory_space<vmem>> -> memref<80xi32, #tpu.memory_space<vmem>>
    %dma_start3A_7 = arith.constant 0 : i32
    %dma_start3A_8 = arith.constant 0 : i32
    %dma_start3A_9 = tpu.memref_slice %arg2[%dma_start3A_7, %dma_start3A_8] : memref<10000x128xf32, #tpu.memory_space<hbm>> -> memref<10000x128xf32, #tpu.memory_space<hbm>>
    tpu.enqueue_indirect_dma source(%dma_start3A_9 : memref<10000x128xf32, #tpu.memory_space<hbm>>) target(%arg9 : memref<80x128xf32, #tpu.memory_space<vmem>>) offsets(%dma_start3A : memref<80xi32, #tpu.memory_space<vmem>>) semaphore(%arg13 : memref<!tpu.dma_semaphore, #tpu.memory_space<semaphore_mem>>)
    %dma_start3A_10 = tpu.memref_slice %arg7[%mul3A_6] : memref<10000xi32, #tpu.memory_space<vmem>> -> memref<80xi32, #tpu.memory_space<vmem>>
    %dma_start3A_11 = arith.constant 0 : i32
    %dma_start3A_12 = arith.constant 0 : i32
    %dma_start3A_13 = tpu.memref_slice %arg2[%dma_start3A_11, %dma_start3A_12] : memref<10000x128xf32, #tpu.memory_space<hbm>> -> memref<10000x128xf32, #tpu.memory_space<hbm>>
    tpu.enqueue_indirect_dma source(%dma_start3A_13 : memref<10000x128xf32, #tpu.memory_space<hbm>>) target(%arg10 : memref<80x128xf32, #tpu.memory_space<vmem>>) offsets(%dma_start3A_10 : memref<80xi32, #tpu.memory_space<vmem>>) semaphore(%arg14 : memref<!tpu.dma_semaphore, #tpu.memory_space<semaphore_mem>>)
    %min3A_14 = arith.constant 1 : i32
    %min3A_15 = arith.constant 124 : i32
    %min3A_16 = arith.minsi %min3A_14, %min3A_15 : i32
    %mul3A_17 = arith.constant 80 : i32
    %mul3A_18 = arith.muli %min3A_16, %mul3A_17 : i32
    %dma_start3A_19 = tpu.memref_slice %arg6[%mul3A_18] : memref<10000xi32, #tpu.memory_space<vmem>> -> memref<80xi32, #tpu.memory_space<vmem>>
    %dma_start3A_20 = arith.constant 0 : i32
    %dma_start3A_21 = arith.constant 0 : i32
    %dma_start3A_22 = tpu.memref_slice %arg2[%dma_start3A_20, %dma_start3A_21] : memref<10000x128xf32, #tpu.memory_space<hbm>> -> memref<10000x128xf32, #tpu.memory_space<hbm>>
    tpu.enqueue_indirect_dma source(%dma_start3A_22 : memref<10000x128xf32, #tpu.memory_space<hbm>>) target(%arg11 : memref<80x128xf32, #tpu.memory_space<vmem>>) offsets(%dma_start3A_19 : memref<80xi32, #tpu.memory_space<vmem>>) semaphore(%arg15 : memref<!tpu.dma_semaphore, #tpu.memory_space<semaphore_mem>>)
    %dma_start3A_23 = tpu.memref_slice %arg7[%mul3A_18] : memref<10000xi32, #tpu.memory_space<vmem>> -> memref<80xi32, #tpu.memory_space<vmem>>
    %dma_start3A_24 = arith.constant 0 : i32
    %dma_start3A_25 = arith.constant 0 : i32
    %dma_start3A_26 = tpu.memref_slice %arg2[%dma_start3A_24, %dma_start3A_25] : memref<10000x128xf32, #tpu.memory_space<hbm>> -> memref<10000x128xf32, #tpu.memory_space<hbm>>
    tpu.enqueue_indirect_dma source(%dma_start3A_26 : memref<10000x128xf32, #tpu.memory_space<hbm>>) target(%arg12 : memref<80x128xf32, #tpu.memory_space<vmem>>) offsets(%dma_start3A_23 : memref<80xi32, #tpu.memory_space<vmem>>) semaphore(%arg16 : memref<!tpu.dma_semaphore, #tpu.memory_space<semaphore_mem>>)
    %scan3A = arith.constant 0 : i32
    %scan3A_27 = arith.constant 0 : i32
    %scan3A_28 = arith.constant 63 : i32
    %scan3A_29 = arith.addi %scan3A_27, %scan3A_28 : i32
    %scan3A_30 = arith.constant 1 : i32
    scf.for %scan3A_51 = %scan3A_27 to %scan3A_29 step %scan3A_30  : i32 {
      %mul3A_52 = arith.constant 2 : i32
      %mul3A_53 = arith.muli %scan3A_51, %mul3A_52 : i32
      %dma_wait3A_54 = arith.constant 0 : i32
      %dma_wait3A_55 = tpu.memref_slice %arg6[%dma_wait3A_54] : memref<10000xi32, #tpu.memory_space<vmem>> -> memref<80xi32, #tpu.memory_space<vmem>>
      %dma_wait3A_56 = arith.constant 0 : i32
      %dma_wait3A_57 = arith.constant 0 : i32
      %dma_wait3A_58 = tpu.memref_slice %arg2[%dma_wait3A_56, %dma_wait3A_57] : memref<10000x128xf32, #tpu.memory_space<hbm>> -> memref<10000x128xf32, #tpu.memory_space<hbm>>
      tpu.wait_indirect_dma semaphore(%arg13 : memref<!tpu.dma_semaphore, #tpu.memory_space<semaphore_mem>>) src(%dma_wait3A_58 : memref<10000x128xf32, #tpu.memory_space<hbm>>) dst(%arg9 : memref<80x128xf32, #tpu.memory_space<vmem>>)
      %dma_wait3A_59 = arith.constant 0 : i32
      %dma_wait3A_60 = tpu.memref_slice %arg7[%dma_wait3A_59] : memref<10000xi32, #tpu.memory_space<vmem>> -> memref<80xi32, #tpu.memory_space<vmem>>
      %dma_wait3A_61 = arith.constant 0 : i32
      %dma_wait3A_62 = arith.constant 0 : i32
      %dma_wait3A_63 = tpu.memref_slice %arg2[%dma_wait3A_61, %dma_wait3A_62] : memref<10000x128xf32, #tpu.memory_space<hbm>> -> memref<10000x128xf32, #tpu.memory_space<hbm>>
      tpu.wait_indirect_dma semaphore(%arg14 : memref<!tpu.dma_semaphore, #tpu.memory_space<semaphore_mem>>) src(%dma_wait3A_63 : memref<10000x128xf32, #tpu.memory_space<hbm>>) dst(%arg10 : memref<80x128xf32, #tpu.memory_space<vmem>>)
      %add3A_64 = arith.constant 0 : i32
      %add3A_65 = arith.addi %mul3A_53, %add3A_64 : i32
      %min3A_66 = arith.constant 124 : i32
      %min3A_67 = arith.minsi %add3A_65, %min3A_66 : i32
      %mul3A_68 = arith.constant 80 : i32
      %mul3A_69 = arith.muli %min3A_67, %mul3A_68 : i32
      %parallel_loop3A = arith.constant 0 : i32
      %parallel_loop3A_70 = arith.constant 80 : i32
      %parallel_loop3A_71 = arith.constant 16 : i32
      scf.for %parallel_loop3A_123 = %parallel_loop3A to %parallel_loop3A_70 step %parallel_loop3A_71  : i32 {
        %parallel_loop3A_124 = arith.constant 0 : i32
        %parallel_loop3A_125 = arith.addi %parallel_loop3A_123, %parallel_loop3A_124 : i32
        %parallel_loop3A_126 = arith.index_cast %parallel_loop3A_125 : i32 to index
        %parallel_loop3A_127 = arith.constant 0 : index
        %parallel_loop3A_128 = tpu.vector_load %arg9[%parallel_loop3A_126, %parallel_loop3A_127] {strides = array<i32>} : memref<80x128xf32, #tpu.memory_space<vmem>>, vector<1x16xf32>,
        %parallel_loop3A_129 = vector.shape_cast %parallel_loop3A_128 : vector<1x16xf32> to vector<16xf32>
        %parallel_loop3A_130 = arith.constant 0 : i32
        %parallel_loop3A_131 = arith.addi %parallel_loop3A_123, %parallel_loop3A_130 : i32
        %parallel_loop3A_132 = arith.index_cast %parallel_loop3A_131 : i32 to index
        %parallel_loop3A_133 = arith.constant 0 : index
        %parallel_loop3A_134 = tpu.vector_load %arg10[%parallel_loop3A_132, %parallel_loop3A_133] {strides = array<i32>} : memref<80x128xf32, #tpu.memory_space<vmem>>, vector<1x16xf32>,
        %parallel_loop3A_135 = vector.shape_cast %parallel_loop3A_134 : vector<1x16xf32> to vector<16xf32>
        %parallel_loop3A_136 = arith.mulf %parallel_loop3A_129, %parallel_loop3A_135 : vector<16xf32>
        %parallel_loop3A_137 = arith.constant 0 : i32
        %parallel_loop3A_138 = arith.addi %parallel_loop3A_123, %parallel_loop3A_137 : i32
        %parallel_loop3A_139 = arith.index_cast %parallel_loop3A_138 : i32 to index
        %parallel_loop3A_140 = arith.constant 16 : index
        %parallel_loop3A_141 = tpu.vector_load %arg9[%parallel_loop3A_139, %parallel_loop3A_140] {strides = array<i32>} : memref<80x128xf32, #tpu.memory_space<vmem>>, vector<1x16xf32>,
        %parallel_loop3A_142 = vector.shape_cast %parallel_loop3A_141 : vector<1x16xf32> to vector<16xf32>
        %parallel_loop3A_143 = arith.constant 0 : i32
        %parallel_loop3A_144 = arith.addi %parallel_loop3A_123, %parallel_loop3A_143 : i32
        %parallel_loop3A_145 = arith.index_cast %parallel_loop3A_144 : i32 to index
        %parallel_loop3A_146 = arith.constant 16 : index
        %parallel_loop3A_147 = tpu.vector_load %arg10[%parallel_loop3A_145, %parallel_loop3A_146] {strides = array<i32>} : memref<80x128xf32, #tpu.memory_space<vmem>>, vector<1x16xf32>,
        %parallel_loop3A_148 = vector.shape_cast %parallel_loop3A_147 : vector<1x16xf32> to vector<16xf32>
        %parallel_loop3A_149 = arith.mulf %parallel_loop3A_142, %parallel_loop3A_148 : vector<16xf32>
        %parallel_loop3A_150 = arith.addf %parallel_loop3A_136, %parallel_loop3A_149 : vector<16xf32>
        %parallel_loop3A_151 = arith.constant 0 : i32
        %parallel_loop3A_152 = arith.addi %parallel_loop3A_123, %parallel_loop3A_151 : i32
        %parallel_loop3A_153 = arith.index_cast %parallel_loop3A_152 : i32 to index
        %parallel_loop3A_154 = arith.constant 32 : index
        %parallel_loop3A_155 = tpu.vector_load %arg9[%parallel_loop3A_153, %parallel_loop3A_154] {strides = array<i32>} : memref<80x128xf32, #tpu.memory_space<vmem>>, vector<1x16xf32>,
        %parallel_loop3A_156 = vector.shape_cast %parallel_loop3A_155 : vector<1x16xf32> to vector<16xf32>
        %parallel_loop3A_157 = arith.constant 0 : i32
        %parallel_loop3A_158 = arith.addi %parallel_loop3A_123, %parallel_loop3A_157 : i32
        %parallel_loop3A_159 = arith.index_cast %parallel_loop3A_158 : i32 to index
        %parallel_loop3A_160 = arith.constant 32 : index
        %parallel_loop3A_161 = tpu.vector_load %arg10[%parallel_loop3A_159, %parallel_loop3A_160] {strides = array<i32>} : memref<80x128xf32, #tpu.memory_space<vmem>>, vector<1x16xf32>,
        %parallel_loop3A_162 = vector.shape_cast %parallel_loop3A_161 : vector<1x16xf32> to vector<16xf32>
        %parallel_loop3A_163 = arith.mulf %parallel_loop3A_156, %parallel_loop3A_162 : vector<16xf32>
        %parallel_loop3A_164 = arith.addf %parallel_loop3A_150, %parallel_loop3A_163 : vector<16xf32>
        %parallel_loop3A_165 = arith.constant 0 : i32
        %parallel_loop3A_166 = arith.addi %parallel_loop3A_123, %parallel_loop3A_165 : i32
        %parallel_loop3A_167 = arith.index_cast %parallel_loop3A_166 : i32 to index
        %parallel_loop3A_168 = arith.constant 48 : index
        %parallel_loop3A_169 = tpu.vector_load %arg9[%parallel_loop3A_167, %parallel_loop3A_168] {strides = array<i32>} : memref<80x128xf32, #tpu.memory_space<vmem>>, vector<1x16xf32>,
        %parallel_loop3A_170 = vector.shape_cast %parallel_loop3A_169 : vector<1x16xf32> to vector<16xf32>
        %parallel_loop3A_171 = arith.constant 0 : i32
        %parallel_loop3A_172 = arith.addi %parallel_loop3A_123, %parallel_loop3A_171 : i32
        %parallel_loop3A_173 = arith.index_cast %parallel_loop3A_172 : i32 to index
        %parallel_loop3A_174 = arith.constant 48 : index
        %parallel_loop3A_175 = tpu.vector_load %arg10[%parallel_loop3A_173, %parallel_loop3A_174] {strides = array<i32>} : memref<80x128xf32, #tpu.memory_space<vmem>>, vector<1x16xf32>,
        %parallel_loop3A_176 = vector.shape_cast %parallel_loop3A_175 : vector<1x16xf32> to vector<16xf32>
        %parallel_loop3A_177 = arith.mulf %parallel_loop3A_170, %parallel_loop3A_176 : vector<16xf32>
        %parallel_loop3A_178 = arith.addf %parallel_loop3A_164, %parallel_loop3A_177 : vector<16xf32>
        %parallel_loop3A_179 = arith.constant 0 : i32
        %parallel_loop3A_180 = arith.addi %parallel_loop3A_123, %parallel_loop3A_179 : i32
        %parallel_loop3A_181 = arith.index_cast %parallel_loop3A_180 : i32 to index
        %parallel_loop3A_182 = arith.constant 64 : index
        %parallel_loop3A_183 = tpu.vector_load %arg9[%parallel_loop3A_181, %parallel_loop3A_182] {strides = array<i32>} : memref<80x128xf32, #tpu.memory_space<vmem>>, vector<1x16xf32>,
        %parallel_loop3A_184 = vector.shape_cast %parallel_loop3A_183 : vector<1x16xf32> to vector<16xf32>
        %parallel_loop3A_185 = arith.constant 0 : i32
        %parallel_loop3A_186 = arith.addi %parallel_loop3A_123, %parallel_loop3A_185 : i32
        %parallel_loop3A_187 = arith.index_cast %parallel_loop3A_186 : i32 to index
        %parallel_loop3A_188 = arith.constant 64 : index
        %parallel_loop3A_189 = tpu.vector_load %arg10[%parallel_loop3A_187, %parallel_loop3A_188] {strides = array<i32>} : memref<80x128xf32, #tpu.memory_space<vmem>>, vector<1x16xf32>,
        %parallel_loop3A_190 = vector.shape_cast %parallel_loop3A_189 : vector<1x16xf32> to vector<16xf32>
        %parallel_loop3A_191 = arith.mulf %parallel_loop3A_184, %parallel_loop3A_190 : vector<16xf32>
        %parallel_loop3A_192 = arith.addf %parallel_loop3A_178, %parallel_loop3A_191 : vector<16xf32>
        %parallel_loop3A_193 = arith.constant 0 : i32
        %parallel_loop3A_194 = arith.addi %parallel_loop3A_123, %parallel_loop3A_193 : i32
        %parallel_loop3A_195 = arith.index_cast %parallel_loop3A_194 : i32 to index
        %parallel_loop3A_196 = arith.constant 80 : index
        %parallel_loop3A_197 = tpu.vector_load %arg9[%parallel_loop3A_195, %parallel_loop3A_196] {strides = array<i32>} : memref<80x128xf32, #tpu.memory_space<vmem>>, vector<1x16xf32>,
        %parallel_loop3A_198 = vector.shape_cast %parallel_loop3A_197 : vector<1x16xf32> to vector<16xf32>
        %parallel_loop3A_199 = arith.constant 0 : i32
        %parallel_loop3A_200 = arith.addi %parallel_loop3A_123, %parallel_loop3A_199 : i32
        %parallel_loop3A_201 = arith.index_cast %parallel_loop3A_200 : i32 to index
        %parallel_loop3A_202 = arith.constant 80 : index
        %parallel_loop3A_203 = tpu.vector_load %arg10[%parallel_loop3A_201, %parallel_loop3A_202] {strides = array<i32>} : memref<80x128xf32, #tpu.memory_space<vmem>>, vector<1x16xf32>,
        %parallel_loop3A_204 = vector.shape_cast %parallel_loop3A_203 : vector<1x16xf32> to vector<16xf32>
        %parallel_loop3A_205 = arith.mulf %parallel_loop3A_198, %parallel_loop3A_204 : vector<16xf32>
        %parallel_loop3A_206 = arith.addf %parallel_loop3A_192, %parallel_loop3A_205 : vector<16xf32>
        %parallel_loop3A_207 = arith.constant 0 : i32
        %parallel_loop3A_208 = arith.addi %parallel_loop3A_123, %parallel_loop3A_207 : i32
        %parallel_loop3A_209 = arith.index_cast %parallel_loop3A_208 : i32 to index
        %parallel_loop3A_210 = arith.constant 96 : index
        %parallel_loop3A_211 = tpu.vector_load %arg9[%parallel_loop3A_209, %parallel_loop3A_210] {strides = array<i32>} : memref<80x128xf32, #tpu.memory_space<vmem>>, vector<1x16xf32>,
        %parallel_loop3A_212 = vector.shape_cast %parallel_loop3A_211 : vector<1x16xf32> to vector<16xf32>
        %parallel_loop3A_213 = arith.constant 0 : i32
        %parallel_loop3A_214 = arith.addi %parallel_loop3A_123, %parallel_loop3A_213 : i32
        %parallel_loop3A_215 = arith.index_cast %parallel_loop3A_214 : i32 to index
        %parallel_loop3A_216 = arith.constant 96 : index
        %parallel_loop3A_217 = tpu.vector_load %arg10[%parallel_loop3A_215, %parallel_loop3A_216] {strides = array<i32>} : memref<80x128xf32, #tpu.memory_space<vmem>>, vector<1x16xf32>,
        %parallel_loop3A_218 = vector.shape_cast %parallel_loop3A_217 : vector<1x16xf32> to vector<16xf32>
        %parallel_loop3A_219 = arith.mulf %parallel_loop3A_212, %parallel_loop3A_218 : vector<16xf32>
        %parallel_loop3A_220 = arith.addf %parallel_loop3A_206, %parallel_loop3A_219 : vector<16xf32>
        %parallel_loop3A_221 = arith.constant 0 : i32
        %parallel_loop3A_222 = arith.addi %parallel_loop3A_123, %parallel_loop3A_221 : i32
        %parallel_loop3A_223 = arith.index_cast %parallel_loop3A_222 : i32 to index
        %parallel_loop3A_224 = arith.constant 112 : index
        %parallel_loop3A_225 = tpu.vector_load %arg9[%parallel_loop3A_223, %parallel_loop3A_224] {strides = array<i32>} : memref<80x128xf32, #tpu.memory_space<vmem>>, vector<1x16xf32>,
        %parallel_loop3A_226 = vector.shape_cast %parallel_loop3A_225 : vector<1x16xf32> to vector<16xf32>
        %parallel_loop3A_227 = arith.constant 0 : i32
        %parallel_loop3A_228 = arith.addi %parallel_loop3A_123, %parallel_loop3A_227 : i32
        %parallel_loop3A_229 = arith.index_cast %parallel_loop3A_228 : i32 to index
        %parallel_loop3A_230 = arith.constant 112 : index
        %parallel_loop3A_231 = tpu.vector_load %arg10[%parallel_loop3A_229, %parallel_loop3A_230] {strides = array<i32>} : memref<80x128xf32, #tpu.memory_space<vmem>>, vector<1x16xf32>,
        %parallel_loop3A_232 = vector.shape_cast %parallel_loop3A_231 : vector<1x16xf32> to vector<16xf32>
        %parallel_loop3A_233 = arith.mulf %parallel_loop3A_226, %parallel_loop3A_232 : vector<16xf32>
        %parallel_loop3A_234 = arith.addf %parallel_loop3A_220, %parallel_loop3A_233 : vector<16xf32>
        %parallel_loop3A_235 = arith.constant 1 : i32
        %parallel_loop3A_236 = arith.addi %parallel_loop3A_123, %parallel_loop3A_235 : i32
        %parallel_loop3A_237 = arith.index_cast %parallel_loop3A_236 : i32 to index
        %parallel_loop3A_238 = arith.constant 0 : index
        %parallel_loop3A_239 = tpu.vector_load %arg9[%parallel_loop3A_237, %parallel_loop3A_238] {strides = array<i32>} : memref<80x128xf32, #tpu.memory_space<vmem>>, vector<1x16xf32>,
        %parallel_loop3A_240 = vector.shape_cast %parallel_loop3A_239 : vector<1x16xf32> to vector<16xf32>
        %parallel_loop3A_241 = arith.constant 1 : i32
        %parallel_loop3A_242 = arith.addi %parallel_loop3A_123, %parallel_loop3A_241 : i32
        %parallel_loop3A_243 = arith.index_cast %parallel_loop3A_242 : i32 to index
        %parallel_loop3A_244 = arith.constant 0 : index
        %parallel_loop3A_245 = tpu.vector_load %arg10[%parallel_loop3A_243, %parallel_loop3A_244] {strides = array<i32>} : memref<80x128xf32, #tpu.memory_space<vmem>>, vector<1x16xf32>,
        %parallel_loop3A_246 = vector.shape_cast %parallel_loop3A_245 : vector<1x16xf32> to vector<16xf32>
        %parallel_loop3A_247 = arith.mulf %parallel_loop3A_240, %parallel_loop3A_246 : vector<16xf32>
        %parallel_loop3A_248 = arith.constant 1 : i32
        %parallel_loop3A_249 = arith.addi %parallel_loop3A_123, %parallel_loop3A_248 : i32
        %parallel_loop3A_250 = arith.index_cast %parallel_loop3A_249 : i32 to index
        %parallel_loop3A_251 = arith.constant 16 : index
        %parallel_loop3A_252 = tpu.vector_load %arg9[%parallel_loop3A_250, %parallel_loop3A_251] {strides = array<i32>} : memref<80x128xf32, #tpu.memory_space<vmem>>, vector<1x16xf32>,
        %parallel_loop3A_253 = vector.shape_cast %parallel_loop3A_252 : vector<1x16xf32> to vector<16xf32>
        %parallel_loop3A_254 = arith.constant 1 : i32
        %parallel_loop3A_255 = arith.addi %parallel_loop3A_123, %parallel_loop3A_254 : i32
        %parallel_loop3A_256 = arith.index_cast %parallel_loop3A_255 : i32 to index
        %parallel_loop3A_257 = arith.constant 16 : index
        %parallel_loop3A_258 = tpu.vector_load %arg10[%parallel_loop3A_256, %parallel_loop3A_257] {strides = array<i32>} : memref<80x128xf32, #tpu.memory_space<vmem>>, vector<1x16xf32>,
        %parallel_loop3A_259 = vector.shape_cast %parallel_loop3A_258 : vector<1x16xf32> to vector<16xf32>
        %parallel_loop3A_260 = arith.mulf %parallel_loop3A_253, %parallel_loop3A_259 : vector<16xf32>
        %parallel_loop3A_261 = arith.addf %parallel_loop3A_247, %parallel_loop3A_260 : vector<16xf32>
        %parallel_loop3A_262 = arith.constant 1 : i32
        %parallel_loop3A_263 = arith.addi %parallel_loop3A_123, %parallel_loop3A_262 : i32
        %parallel_loop3A_264 = arith.index_cast %parallel_loop3A_263 : i32 to index
        %parallel_loop3A_265 = arith.constant 32 : index
        %parallel_loop3A_266 = tpu.vector_load %arg9[%parallel_loop3A_264, %parallel_loop3A_265] {strides = array<i32>} : memref<80x128xf32, #tpu.memory_space<vmem>>, vector<1x16xf32>,
        %parallel_loop3A_267 = vector.shape_cast %parallel_loop3A_266 : vector<1x16xf32> to vector<16xf32>
        %parallel_loop3A_268 = arith.constant 1 : i32
        %parallel_loop3A_269 = arith.addi %parallel_loop3A_123, %parallel_loop3A_268 : i32
        %parallel_loop3A_270 = arith.index_cast %parallel_loop3A_269 : i32 to index
        %parallel_loop3A_271 = arith.constant 32 : index
        %parallel_loop3A_272 = tpu.vector_load %arg10[%parallel_loop3A_270, %parallel_loop3A_271] {strides = array<i32>} : memref<80x128xf32, #tpu.memory_space<vmem>>, vector<1x16xf32>,
        %parallel_loop3A_273 = vector.shape_cast %parallel_loop3A_272 : vector<1x16xf32> to vector<16xf32>
        %parallel_loop3A_274 = arith.mulf %parallel_loop3A_267, %parallel_loop3A_273 : vector<16xf32>
        %parallel_loop3A_275 = arith.addf %parallel_loop3A_261, %parallel_loop3A_274 : vector<16xf32>
        %parallel_loop3A_276 = arith.constant 1 : i32
        %parallel_loop3A_277 = arith.addi %parallel_loop3A_123, %parallel_loop3A_276 : i32
        %parallel_loop3A_278 = arith.index_cast %parallel_loop3A_277 : i32 to index
        %parallel_loop3A_279 = arith.constant 48 : index
        %parallel_loop3A_280 = tpu.vector_load %arg9[%parallel_loop3A_278, %parallel_loop3A_279] {strides = array<i32>} : memref<80x128xf32, #tpu.memory_space<vmem>>, vector<1x16xf32>,
        %parallel_loop3A_281 = vector.shape_cast %parallel_loop3A_280 : vector<1x16xf32> to vector<16xf32>
        %parallel_loop3A_282 = arith.constant 1 : i32
        %parallel_loop3A_283 = arith.addi %parallel_loop3A_123, %parallel_loop3A_282 : i32
        %parallel_loop3A_284 = arith.index_cast %parallel_loop3A_283 : i32 to index
        %parallel_loop3A_285 = arith.constant 48 : index
        %parallel_loop3A_286 = tpu.vector_load %arg10[%parallel_loop3A_284, %parallel_loop3A_285] {strides = array<i32>} : memref<80x128xf32, #tpu.memory_space<vmem>>, vector<1x16xf32>,
        %parallel_loop3A_287 = vector.shape_cast %parallel_loop3A_286 : vector<1x16xf32> to vector<16xf32>
        %parallel_loop3A_288 = arith.mulf %parallel_loop3A_281, %parallel_loop3A_287 : vector<16xf32>
        %parallel_loop3A_289 = arith.addf %parallel_loop3A_275, %parallel_loop3A_288 : vector<16xf32>
        %parallel_loop3A_290 = arith.constant 1 : i32
        %parallel_loop3A_291 = arith.addi %parallel_loop3A_123, %parallel_loop3A_290 : i32
        %parallel_loop3A_292 = arith.index_cast %parallel_loop3A_291 : i32 to index
        %parallel_loop3A_293 = arith.constant 64 : index
        %parallel_loop3A_294 = tpu.vector_load %arg9[%parallel_loop3A_292, %parallel_loop3A_293] {strides = array<i32>} : memref<80x128xf32, #tpu.memory_space<vmem>>, vector<1x16xf32>,
        %parallel_loop3A_295 = vector.shape_cast %parallel_loop3A_294 : vector<1x16xf32> to vector<16xf32>
        %parallel_loop3A_296 = arith.constant 1 : i32
        %parallel_loop3A_297 = arith.addi %parallel_loop3A_123, %parallel_loop3A_296 : i32
        %parallel_loop3A_298 = arith.index_cast %parallel_loop3A_297 : i32 to index
        %parallel_loop3A_299 = arith.constant 64 : index
        %parallel_loop3A_300 = tpu.vector_load %arg10[%parallel_loop3A_298, %parallel_loop3A_299] {strides = array<i32>} : memref<80x128xf32, #tpu.memory_space<vmem>>, vector<1x16xf32>,
        %parallel_loop3A_301 = vector.shape_cast %parallel_loop3A_300 : vector<1x16xf32> to vector<16xf32>
        %parallel_loop3A_302 = arith.mulf %parallel_loop3A_295, %parallel_loop3A_301 : vector<16xf32>
        %parallel_loop3A_303 = arith.addf %parallel_loop3A_289, %parallel_loop3A_302 : vector<16xf32>
        %parallel_loop3A_304 = arith.constant 1 : i32
        %parallel_loop3A_305 = arith.addi %parallel_loop3A_123, %parallel_loop3A_304 : i32
        %parallel_loop3A_306 = arith.index_cast %parallel_loop3A_305 : i32 to index
        %parallel_loop3A_307 = arith.constant 80 : index
        %parallel_loop3A_308 = tpu.vector_load %arg9[%parallel_loop3A_306, %parallel_loop3A_307] {strides = array<i32>} : memref<80x128xf32, #tpu.memory_space<vmem>>, vector<1x16xf32>,
        %parallel_loop3A_309 = vector.shape_cast %parallel_loop3A_308 : vector<1x16xf32> to vector<16xf32>
        %parallel_loop3A_310 = arith.constant 1 : i32
        %parallel_loop3A_311 = arith.addi %parallel_loop3A_123, %parallel_loop3A_310 : i32
        %parallel_loop3A_312 = arith.index_cast %parallel_loop3A_311 : i32 to index
        %parallel_loop3A_313 = arith.constant 80 : index
        %parallel_loop3A_314 = tpu.vector_load %arg10[%parallel_loop3A_312, %parallel_loop3A_313] {strides = array<i32>} : memref<80x128xf32, #tpu.memory_space<vmem>>, vector<1x16xf32>,
        %parallel_loop3A_315 = vector.shape_cast %parallel_loop3A_314 : vector<1x16xf32> to vector<16xf32>
        %parallel_loop3A_316 = arith.mulf %parallel_loop3A_309, %parallel_loop3A_315 : vector<16xf32>
        %parallel_loop3A_317 = arith.addf %parallel_loop3A_303, %parallel_loop3A_316 : vector<16xf32>
        %parallel_loop3A_318 = arith.constant 1 : i32
        %parallel_loop3A_319 = arith.addi %parallel_loop3A_123, %parallel_loop3A_318 : i32
        %parallel_loop3A_320 = arith.index_cast %parallel_loop3A_319 : i32 to index
        %parallel_loop3A_321 = arith.constant 96 : index
        %parallel_loop3A_322 = tpu.vector_load %arg9[%parallel_loop3A_320, %parallel_loop3A_321] {strides = array<i32>} : memref<80x128xf32, #tpu.memory_space<vmem>>, vector<1x16xf32>,
        %parallel_loop3A_323 = vector.shape_cast %parallel_loop3A_322 : vector<1x16xf32> to vector<16xf32>
        %parallel_loop3A_324 = arith.constant 1 : i32
        %parallel_loop3A_325 = arith.addi %parallel_loop3A_123, %parallel_loop3A_324 : i32
        %parallel_loop3A_326 = arith.index_cast %parallel_loop3A_325 : i32 to index
        %parallel_loop3A_327 = arith.constant 96 : index
        %parallel_loop3A_328 = tpu.vector_load %arg10[%parallel_loop3A_326, %parallel_loop3A_327] {strides = array<i32>} : memref<80x128xf32, #tpu.memory_space<vmem>>, vector<1x16xf32>,
        %parallel_loop3A_329 = vector.shape_cast %parallel_loop3A_328 : vector<1x16xf32> to vector<16xf32>
        %parallel_loop3A_330 = arith.mulf %parallel_loop3A_323, %parallel_loop3A_329 : vector<16xf32>
        %parallel_loop3A_331 = arith.addf %parallel_loop3A_317, %parallel_loop3A_330 : vector<16xf32>
        %parallel_loop3A_332 = arith.constant 1 : i32
        %parallel_loop3A_333 = arith.addi %parallel_loop3A_123, %parallel_loop3A_332 : i32
        %parallel_loop3A_334 = arith.index_cast %parallel_loop3A_333 : i32 to index
        %parallel_loop3A_335 = arith.constant 112 : index
        %parallel_loop3A_336 = tpu.vector_load %arg9[%parallel_loop3A_334, %parallel_loop3A_335] {strides = array<i32>} : memref<80x128xf32, #tpu.memory_space<vmem>>, vector<1x16xf32>,
        %parallel_loop3A_337 = vector.shape_cast %parallel_loop3A_336 : vector<1x16xf32> to vector<16xf32>
        %parallel_loop3A_338 = arith.constant 1 : i32
        %parallel_loop3A_339 = arith.addi %parallel_loop3A_123, %parallel_loop3A_338 : i32
        %parallel_loop3A_340 = arith.index_cast %parallel_loop3A_339 : i32 to index
        %parallel_loop3A_341 = arith.constant 112 : index
        %parallel_loop3A_342 = tpu.vector_load %arg10[%parallel_loop3A_340, %parallel_loop3A_341] {strides = array<i32>} : memref<80x128xf32, #tpu.memory_space<vmem>>, vector<1x16xf32>,
        %parallel_loop3A_343 = vector.shape_cast %parallel_loop3A_342 : vector<1x16xf32> to vector<16xf32>
        %parallel_loop3A_344 = arith.mulf %parallel_loop3A_337, %parallel_loop3A_343 : vector<16xf32>
        %parallel_loop3A_345 = arith.addf %parallel_loop3A_331, %parallel_loop3A_344 : vector<16xf32>
        %parallel_loop3A_346 = arith.constant 2 : i32
        %parallel_loop3A_347 = arith.addi %parallel_loop3A_123, %parallel_loop3A_346 : i32
        %parallel_loop3A_348 = arith.index_cast %parallel_loop3A_347 : i32 to index
        %parallel_loop3A_349 = arith.constant 0 : index
        %parallel_loop3A_350 = tpu.vector_load %arg9[%parallel_loop3A_348, %parallel_loop3A_349] {strides = array<i32>} : memref<80x128xf32, #tpu.memory_space<vmem>>, vector<1x16xf32>,
        %parallel_loop3A_351 = vector.shape_cast %parallel_loop3A_350 : vector<1x16xf32> to vector<16xf32>
        %parallel_loop3A_352 = arith.constant 2 : i32
        %parallel_loop3A_353 = arith.addi %parallel_loop3A_123, %parallel_loop3A_352 : i32
        %parallel_loop3A_354 = arith.index_cast %parallel_loop3A_353 : i32 to index
        %parallel_loop3A_355 = arith.constant 0 : index
        %parallel_loop3A_356 = tpu.vector_load %arg10[%parallel_loop3A_354, %parallel_loop3A_355] {strides = array<i32>} : memref<80x128xf32, #tpu.memory_space<vmem>>, vector<1x16xf32>,
        %parallel_loop3A_357 = vector.shape_cast %parallel_loop3A_356 : vector<1x16xf32> to vector<16xf32>
        %parallel_loop3A_358 = arith.mulf %parallel_loop3A_351, %parallel_loop3A_357 : vector<16xf32>
        %parallel_loop3A_359 = arith.constant 2 : i32
        %parallel_loop3A_360 = arith.addi %parallel_loop3A_123, %parallel_loop3A_359 : i32
        %parallel_loop3A_361 = arith.index_cast %parallel_loop3A_360 : i32 to index
        %parallel_loop3A_362 = arith.constant 16 : index
        %parallel_loop3A_363 = tpu.vector_load %arg9[%parallel_loop3A_361, %parallel_loop3A_362] {strides = array<i32>} : memref<80x128xf32, #tpu.memory_space<vmem>>, vector<1x16xf32>,
        %parallel_loop3A_364 = vector.shape_cast %parallel_loop3A_363 : vector<1x16xf32> to vector<16xf32>
        %parallel_loop3A_365 = arith.constant 2 : i32
        %parallel_loop3A_366 = arith.addi %parallel_loop3A_123, %parallel_loop3A_365 : i32
        %parallel_loop3A_367 = arith.index_cast %parallel_loop3A_366 : i32 to index
        %parallel_loop3A_368 = arith.constant 16 : index
        %parallel_loop3A_369 = tpu.vector_load %arg10[%parallel_loop3A_367, %parallel_loop3A_368] {strides = array<i32>} : memref<80x128xf32, #tpu.memory_space<vmem>>, vector<1x16xf32>,
        %parallel_loop3A_370 = vector.shape_cast %parallel_loop3A_369 : vector<1x16xf32> to vector<16xf32>
        %parallel_loop3A_371 = arith.mulf %parallel_loop3A_364, %parallel_loop3A_370 : vector<16xf32>
        %parallel_loop3A_372 = arith.addf %parallel_loop3A_358, %parallel_loop3A_371 : vector<16xf32>
        %parallel_loop3A_373 = arith.constant 2 : i32
        %parallel_loop3A_374 = arith.addi %parallel_loop3A_123, %parallel_loop3A_373 : i32
        %parallel_loop3A_375 = arith.index_cast %parallel_loop3A_374 : i32 to index
        %parallel_loop3A_376 = arith.constant 32 : index
        %parallel_loop3A_377 = tpu.vector_load %arg9[%parallel_loop3A_375, %parallel_loop3A_376] {strides = array<i32>} : memref<80x128xf32, #tpu.memory_space<vmem>>, vector<1x16xf32>,
        %parallel_loop3A_378 = vector.shape_cast %parallel_loop3A_377 : vector<1x16xf32> to vector<16xf32>
        %parallel_loop3A_379 = arith.constant 2 : i32
        %parallel_loop3A_380 = arith.addi %parallel_loop3A_123, %parallel_loop3A_379 : i32
        %parallel_loop3A_381 = arith.index_cast %parallel_loop3A_380 : i32 to index
        %parallel_loop3A_382 = arith.constant 32 : index
        %parallel_loop3A_383 = tpu.vector_load %arg10[%parallel_loop3A_381, %parallel_loop3A_382] {strides = array<i32>} : memref<80x128xf32, #tpu.memory_space<vmem>>, vector<1x16xf32>,
        %parallel_loop3A_384 = vector.shape_cast %parallel_loop3A_383 : vector<1x16xf32> to vector<16xf32>
        %parallel_loop3A_385 = arith.mulf %parallel_loop3A_378, %parallel_loop3A_384 : vector<16xf32>
        %parallel_loop3A_386 = arith.addf %parallel_loop3A_372, %parallel_loop3A_385 : vector<16xf32>
        %parallel_loop3A_387 = arith.constant 2 : i32
        %parallel_loop3A_388 = arith.addi %parallel_loop3A_123, %parallel_loop3A_387 : i32
        %parallel_loop3A_389 = arith.index_cast %parallel_loop3A_388 : i32 to index
        %parallel_loop3A_390 = arith.constant 48 : index
        %parallel_loop3A_391 = tpu.vector_load %arg9[%parallel_loop3A_389, %parallel_loop3A_390] {strides = array<i32>} : memref<80x128xf32, #tpu.memory_space<vmem>>, vector<1x16xf32>,
        %parallel_loop3A_392 = vector.shape_cast %parallel_loop3A_391 : vector<1x16xf32> to vector<16xf32>
        %parallel_loop3A_393 = arith.constant 2 : i32
        %parallel_loop3A_394 = arith.addi %parallel_loop3A_123, %parallel_loop3A_393 : i32
        %parallel_loop3A_395 = arith.index_cast %parallel_loop3A_394 : i32 to index
        %parallel_loop3A_396 = arith.constant 48 : index
        %parallel_loop3A_397 = tpu.vector_load %arg10[%parallel_loop3A_395, %parallel_loop3A_396] {strides = array<i32>} : memref<80x128xf32, #tpu.memory_space<vmem>>, vector<1x16xf32>,
        %parallel_loop3A_398 = vector.shape_cast %parallel_loop3A_397 : vector<1x16xf32> to vector<16xf32>
        %parallel_loop3A_399 = arith.mulf %parallel_loop3A_392, %parallel_loop3A_398 : vector<16xf32>
        %parallel_loop3A_400 = arith.addf %parallel_loop3A_386, %parallel_loop3A_399 : vector<16xf32>
        %parallel_loop3A_401 = arith.constant 2 : i32
        %parallel_loop3A_402 = arith.addi %parallel_loop3A_123, %parallel_loop3A_401 : i32
        %parallel_loop3A_403 = arith.index_cast %parallel_loop3A_402 : i32 to index
        %parallel_loop3A_404 = arith.constant 64 : index
        %parallel_loop3A_405 = tpu.vector_load %arg9[%parallel_loop3A_403, %parallel_loop3A_404] {strides = array<i32>} : memref<80x128xf32, #tpu.memory_space<vmem>>, vector<1x16xf32>,
        %parallel_loop3A_406 = vector.shape_cast %parallel_loop3A_405 : vector<1x16xf32> to vector<16xf32>
        %parallel_loop3A_407 = arith.constant 2 : i32
        %parallel_loop3A_408 = arith.addi %parallel_loop3A_123, %parallel_loop3A_407 : i32
        %parallel_loop3A_409 = arith.index_cast %parallel_loop3A_408 : i32 to index
        %parallel_loop3A_410 = arith.constant 64 : index
        %parallel_loop3A_411 = tpu.vector_load %arg10[%parallel_loop3A_409, %parallel_loop3A_410] {strides = array<i32>} : memref<80x128xf32, #tpu.memory_space<vmem>>, vector<1x16xf32>,
        %parallel_loop3A_412 = vector.shape_cast %parallel_loop3A_411 : vector<1x16xf32> to vector<16xf32>
        %parallel_loop3A_413 = arith.mulf %parallel_loop3A_406, %parallel_loop3A_412 : vector<16xf32>
        %parallel_loop3A_414 = arith.addf %parallel_loop3A_400, %parallel_loop3A_413 : vector<16xf32>
        %parallel_loop3A_415 = arith.constant 2 : i32
        %parallel_loop3A_416 = arith.addi %parallel_loop3A_123, %parallel_loop3A_415 : i32
        %parallel_loop3A_417 = arith.index_cast %parallel_loop3A_416 : i32 to index
        %parallel_loop3A_418 = arith.constant 80 : index
        %parallel_loop3A_419 = tpu.vector_load %arg9[%parallel_loop3A_417, %parallel_loop3A_418] {strides = array<i32>} : memref<80x128xf32, #tpu.memory_space<vmem>>, vector<1x16xf32>,
        %parallel_loop3A_420 = vector.shape_cast %parallel_loop3A_419 : vector<1x16xf32> to vector<16xf32>
        %parallel_loop3A_421 = arith.constant 2 : i32
        %parallel_loop3A_422 = arith.addi %parallel_loop3A_123, %parallel_loop3A_421 : i32
        %parallel_loop3A_423 = arith.index_cast %parallel_loop3A_422 : i32 to index
        %parallel_loop3A_424 = arith.constant 80 : index
        %parallel_loop3A_425 = tpu.vector_load %arg10[%parallel_loop3A_423, %parallel_loop3A_424] {strides = array<i32>} : memref<80x128xf32, #tpu.memory_space<vmem>>, vector<1x16xf32>,
        %parallel_loop3A_426 = vector.shape_cast %parallel_loop3A_425 : vector<1x16xf32> to vector<16xf32>
        %parallel_loop3A_427 = arith.mulf %parallel_loop3A_420, %parallel_loop3A_426 : vector<16xf32>
        %parallel_loop3A_428 = arith.addf %parallel_loop3A_414, %parallel_loop3A_427 : vector<16xf32>
        %parallel_loop3A_429 = arith.constant 2 : i32
        %parallel_loop3A_430 = arith.addi %parallel_loop3A_123, %parallel_loop3A_429 : i32
        %parallel_loop3A_431 = arith.index_cast %parallel_loop3A_430 : i32 to index
        %parallel_loop3A_432 = arith.constant 96 : index
        %parallel_loop3A_433 = tpu.vector_load %arg9[%parallel_loop3A_431, %parallel_loop3A_432] {strides = array<i32>} : memref<80x128xf32, #tpu.memory_space<vmem>>, vector<1x16xf32>,
        %parallel_loop3A_434 = vector.shape_cast %parallel_loop3A_433 : vector<1x16xf32> to vector<16xf32>
        %parallel_loop3A_435 = arith.constant 2 : i32
        %parallel_loop3A_436 = arith.addi %parallel_loop3A_123, %parallel_loop3A_435 : i32
        %parallel_loop3A_437 = arith.index_cast %parallel_loop3A_436 : i32 to index
        %parallel_loop3A_438 = arith.constant 96 : index
        %parallel_loop3A_439 = tpu.vector_load %arg10[%parallel_loop3A_437, %parallel_loop3A_438] {strides = array<i32>} : memref<80x128xf32, #tpu.memory_space<vmem>>, vector<1x16xf32>,
        %parallel_loop3A_440 = vector.shape_cast %parallel_loop3A_439 : vector<1x16xf32> to vector<16xf32>
        %parallel_loop3A_441 = arith.mulf %parallel_loop3A_434, %parallel_loop3A_440 : vector<16xf32>
        %parallel_loop3A_442 = arith.addf %parallel_loop3A_428, %parallel_loop3A_441 : vector<16xf32>
        %parallel_loop3A_443 = arith.constant 2 : i32
        %parallel_loop3A_444 = arith.addi %parallel_loop3A_123, %parallel_loop3A_443 : i32
        %parallel_loop3A_445 = arith.index_cast %parallel_loop3A_444 : i32 to index
        %parallel_loop3A_446 = arith.constant 112 : index
        %parallel_loop3A_447 = tpu.vector_load %arg9[%parallel_loop3A_445, %parallel_loop3A_446] {strides = array<i32>} : memref<80x128xf32, #tpu.memory_space<vmem>>, vector<1x16xf32>,
        %parallel_loop3A_448 = vector.shape_cast %parallel_loop3A_447 : vector<1x16xf32> to vector<16xf32>
        %parallel_loop3A_449 = arith.constant 2 : i32
        %parallel_loop3A_450 = arith.addi %parallel_loop3A_123, %parallel_loop3A_449 : i32
        %parallel_loop3A_451 = arith.index_cast %parallel_loop3A_450 : i32 to index
        %parallel_loop3A_452 = arith.constant 112 : index
        %parallel_loop3A_453 = tpu.vector_load %arg10[%parallel_loop3A_451, %parallel_loop3A_452] {strides = array<i32>} : memref<80x128xf32, #tpu.memory_space<vmem>>, vector<1x16xf32>,
        %parallel_loop3A_454 = vector.shape_cast %parallel_loop3A_453 : vector<1x16xf32> to vector<16xf32>
        %parallel_loop3A_455 = arith.mulf %parallel_loop3A_448, %parallel_loop3A_454 : vector<16xf32>
        %parallel_loop3A_456 = arith.addf %parallel_loop3A_442, %parallel_loop3A_455 : vector<16xf32>
        %parallel_loop3A_457 = arith.constant 3 : i32
        %parallel_loop3A_458 = arith.addi %parallel_loop3A_123, %parallel_loop3A_457 : i32
        %parallel_loop3A_459 = arith.index_cast %parallel_loop3A_458 : i32 to index
        %parallel_loop3A_460 = arith.constant 0 : index
        %parallel_loop3A_461 = tpu.vector_load %arg9[%parallel_loop3A_459, %parallel_loop3A_460] {strides = array<i32>} : memref<80x128xf32, #tpu.memory_space<vmem>>, vector<1x16xf32>,
        %parallel_loop3A_462 = vector.shape_cast %parallel_loop3A_461 : vector<1x16xf32> to vector<16xf32>
        %parallel_loop3A_463 = arith.constant 3 : i32
        %parallel_loop3A_464 = arith.addi %parallel_loop3A_123, %parallel_loop3A_463 : i32
        %parallel_loop3A_465 = arith.index_cast %parallel_loop3A_464 : i32 to index
        %parallel_loop3A_466 = arith.constant 0 : index
        %parallel_loop3A_467 = tpu.vector_load %arg10[%parallel_loop3A_465, %parallel_loop3A_466] {strides = array<i32>} : memref<80x128xf32, #tpu.memory_space<vmem>>, vector<1x16xf32>,
        %parallel_loop3A_468 = vector.shape_cast %parallel_loop3A_467 : vector<1x16xf32> to vector<16xf32>
        %parallel_loop3A_469 = arith.mulf %parallel_loop3A_462, %parallel_loop3A_468 : vector<16xf32>
        %parallel_loop3A_470 = arith.constant 3 : i32
        %parallel_loop3A_471 = arith.addi %parallel_loop3A_123, %parallel_loop3A_470 : i32
        %parallel_loop3A_472 = arith.index_cast %parallel_loop3A_471 : i32 to index
        %parallel_loop3A_473 = arith.constant 16 : index
        %parallel_loop3A_474 = tpu.vector_load %arg9[%parallel_loop3A_472, %parallel_loop3A_473] {strides = array<i32>} : memref<80x128xf32, #tpu.memory_space<vmem>>, vector<1x16xf32>,
        %parallel_loop3A_475 = vector.shape_cast %parallel_loop3A_474 : vector<1x16xf32> to vector<16xf32>
        %parallel_loop3A_476 = arith.constant 3 : i32
        %parallel_loop3A_477 = arith.addi %parallel_loop3A_123, %parallel_loop3A_476 : i32
        %parallel_loop3A_478 = arith.index_cast %parallel_loop3A_477 : i32 to index
        %parallel_loop3A_479 = arith.constant 16 : index
        %parallel_loop3A_480 = tpu.vector_load %arg10[%parallel_loop3A_478, %parallel_loop3A_479] {strides = array<i32>} : memref<80x128xf32, #tpu.memory_space<vmem>>, vector<1x16xf32>,
        %parallel_loop3A_481 = vector.shape_cast %parallel_loop3A_480 : vector<1x16xf32> to vector<16xf32>
        %parallel_loop3A_482 = arith.mulf %parallel_loop3A_475, %parallel_loop3A_481 : vector<16xf32>
        %parallel_loop3A_483 = arith.addf %parallel_loop3A_469, %parallel_loop3A_482 : vector<16xf32>
        %parallel_loop3A_484 = arith.constant 3 : i32
        %parallel_loop3A_485 = arith.addi %parallel_loop3A_123, %parallel_loop3A_484 : i32
        %parallel_loop3A_486 = arith.index_cast %parallel_loop3A_485 : i32 to index
        %parallel_loop3A_487 = arith.constant 32 : index
        %parallel_loop3A_488 = tpu.vector_load %arg9[%parallel_loop3A_486, %parallel_loop3A_487] {strides = array<i32>} : memref<80x128xf32, #tpu.memory_space<vmem>>, vector<1x16xf32>,
        %parallel_loop3A_489 = vector.shape_cast %parallel_loop3A_488 : vector<1x16xf32> to vector<16xf32>
        %parallel_loop3A_490 = arith.constant 3 : i32
        %parallel_loop3A_491 = arith.addi %parallel_loop3A_123, %parallel_loop3A_490 : i32
        %parallel_loop3A_492 = arith.index_cast %parallel_loop3A_491 : i32 to index
        %parallel_loop3A_493 = arith.constant 32 : index
        %parallel_loop3A_494 = tpu.vector_load %arg10[%parallel_loop3A_492, %parallel_loop3A_493] {strides = array<i32>} : memref<80x128xf32, #tpu.memory_space<vmem>>, vector<1x16xf32>,
        %parallel_loop3A_495 = vector.shape_cast %parallel_loop3A_494 : vector<1x16xf32> to vector<16xf32>
        %parallel_loop3A_496 = arith.mulf %parallel_loop3A_489, %parallel_loop3A_495 : vector<16xf32>
        %parallel_loop3A_497 = arith.addf %parallel_loop3A_483, %parallel_loop3A_496 : vector<16xf32>
        %parallel_loop3A_498 = arith.constant 3 : i32
        %parallel_loop3A_499 = arith.addi %parallel_loop3A_123, %parallel_loop3A_498 : i32
        %parallel_loop3A_500 = arith.index_cast %parallel_loop3A_499 : i32 to index
        %parallel_loop3A_501 = arith.constant 48 : index
        %parallel_loop3A_502 = tpu.vector_load %arg9[%parallel_loop3A_500, %parallel_loop3A_501] {strides = array<i32>} : memref<80x128xf32, #tpu.memory_space<vmem>>, vector<1x16xf32>,
        %parallel_loop3A_503 = vector.shape_cast %parallel_loop3A_502 : vector<1x16xf32> to vector<16xf32>
        %parallel_loop3A_504 = arith.constant 3 : i32
        %parallel_loop3A_505 = arith.addi %parallel_loop3A_123, %parallel_loop3A_504 : i32
        %parallel_loop3A_506 = arith.index_cast %parallel_loop3A_505 : i32 to index
        %parallel_loop3A_507 = arith.constant 48 : index
        %parallel_loop3A_508 = tpu.vector_load %arg10[%parallel_loop3A_506, %parallel_loop3A_507] {strides = array<i32>} : memref<80x128xf32, #tpu.memory_space<vmem>>, vector<1x16xf32>,
        %parallel_loop3A_509 = vector.shape_cast %parallel_loop3A_508 : vector<1x16xf32> to vector<16xf32>
        %parallel_loop3A_510 = arith.mulf %parallel_loop3A_503, %parallel_loop3A_509 : vector<16xf32>
        %parallel_loop3A_511 = arith.addf %parallel_loop3A_497, %parallel_loop3A_510 : vector<16xf32>
        %parallel_loop3A_512 = arith.constant 3 : i32
        %parallel_loop3A_513 = arith.addi %parallel_loop3A_123, %parallel_loop3A_512 : i32
        %parallel_loop3A_514 = arith.index_cast %parallel_loop3A_513 : i32 to index
        %parallel_loop3A_515 = arith.constant 64 : index
        %parallel_loop3A_516 = tpu.vector_load %arg9[%parallel_loop3A_514, %parallel_loop3A_515] {strides = array<i32>} : memref<80x128xf32, #tpu.memory_space<vmem>>, vector<1x16xf32>,
        %parallel_loop3A_517 = vector.shape_cast %parallel_loop3A_516 : vector<1x16xf32> to vector<16xf32>
        %parallel_loop3A_518 = arith.constant 3 : i32
        %parallel_loop3A_519 = arith.addi %parallel_loop3A_123, %parallel_loop3A_518 : i32
        %parallel_loop3A_520 = arith.index_cast %parallel_loop3A_519 : i32 to index
        %parallel_loop3A_521 = arith.constant 64 : index
        %parallel_loop3A_522 = tpu.vector_load %arg10[%parallel_loop3A_520, %parallel_loop3A_521] {strides = array<i32>} : memref<80x128xf32, #tpu.memory_space<vmem>>, vector<1x16xf32>,
        %parallel_loop3A_523 = vector.shape_cast %parallel_loop3A_522 : vector<1x16xf32> to vector<16xf32>
        %parallel_loop3A_524 = arith.mulf %parallel_loop3A_517, %parallel_loop3A_523 : vector<16xf32>
        %parallel_loop3A_525 = arith.addf %parallel_loop3A_511, %parallel_loop3A_524 : vector<16xf32>
        %parallel_loop3A_526 = arith.constant 3 : i32
        %parallel_loop3A_527 = arith.addi %parallel_loop3A_123, %parallel_loop3A_526 : i32
        %parallel_loop3A_528 = arith.index_cast %parallel_loop3A_527 : i32 to index
        %parallel_loop3A_529 = arith.constant 80 : index
        %parallel_loop3A_530 = tpu.vector_load %arg9[%parallel_loop3A_528, %parallel_loop3A_529] {strides = array<i32>} : memref<80x128xf32, #tpu.memory_space<vmem>>, vector<1x16xf32>,
        %parallel_loop3A_531 = vector.shape_cast %parallel_loop3A_530 : vector<1x16xf32> to vector<16xf32>
        %parallel_loop3A_532 = arith.constant 3 : i32
        %parallel_loop3A_533 = arith.addi %parallel_loop3A_123, %parallel_loop3A_532 : i32
        %parallel_loop3A_534 = arith.index_cast %parallel_loop3A_533 : i32 to index
        %parallel_loop3A_535 = arith.constant 80 : index
        %parallel_loop3A_536 = tpu.vector_load %arg10[%parallel_loop3A_534, %parallel_loop3A_535] {strides = array<i32>} : memref<80x128xf32, #tpu.memory_space<vmem>>, vector<1x16xf32>,
        %parallel_loop3A_537 = vector.shape_cast %parallel_loop3A_536 : vector<1x16xf32> to vector<16xf32>
        %parallel_loop3A_538 = arith.mulf %parallel_loop3A_531, %parallel_loop3A_537 : vector<16xf32>
        %parallel_loop3A_539 = arith.addf %parallel_loop3A_525, %parallel_loop3A_538 : vector<16xf32>
        %parallel_loop3A_540 = arith.constant 3 : i32
        %parallel_loop3A_541 = arith.addi %parallel_loop3A_123, %parallel_loop3A_540 : i32
        %parallel_loop3A_542 = arith.index_cast %parallel_loop3A_541 : i32 to index
        %parallel_loop3A_543 = arith.constant 96 : index
        %parallel_loop3A_544 = tpu.vector_load %arg9[%parallel_loop3A_542, %parallel_loop3A_543] {strides = array<i32>} : memref<80x128xf32, #tpu.memory_space<vmem>>, vector<1x16xf32>,
        %parallel_loop3A_545 = vector.shape_cast %parallel_loop3A_544 : vector<1x16xf32> to vector<16xf32>
        %parallel_loop3A_546 = arith.constant 3 : i32
        %parallel_loop3A_547 = arith.addi %parallel_loop3A_123, %parallel_loop3A_546 : i32
        %parallel_loop3A_548 = arith.index_cast %parallel_loop3A_547 : i32 to index
        %parallel_loop3A_549 = arith.constant 96 : index
        %parallel_loop3A_550 = tpu.vector_load %arg10[%parallel_loop3A_548, %parallel_loop3A_549] {strides = array<i32>} : memref<80x128xf32, #tpu.memory_space<vmem>>, vector<1x16xf32>,
        %parallel_loop3A_551 = vector.shape_cast %parallel_loop3A_550 : vector<1x16xf32> to vector<16xf32>
        %parallel_loop3A_552 = arith.mulf %parallel_loop3A_545, %parallel_loop3A_551 : vector<16xf32>
        %parallel_loop3A_553 = arith.addf %parallel_loop3A_539, %parallel_loop3A_552 : vector<16xf32>
        %parallel_loop3A_554 = arith.constant 3 : i32
        %parallel_loop3A_555 = arith.addi %parallel_loop3A_123, %parallel_loop3A_554 : i32
        %parallel_loop3A_556 = arith.index_cast %parallel_loop3A_555 : i32 to index
        %parallel_loop3A_557 = arith.constant 112 : index
        %parallel_loop3A_558 = tpu.vector_load %arg9[%parallel_loop3A_556, %parallel_loop3A_557] {strides = array<i32>} : memref<80x128xf32, #tpu.memory_space<vmem>>, vector<1x16xf32>,
        %parallel_loop3A_559 = vector.shape_cast %parallel_loop3A_558 : vector<1x16xf32> to vector<16xf32>
        %parallel_loop3A_560 = arith.constant 3 : i32
        %parallel_loop3A_561 = arith.addi %parallel_loop3A_123, %parallel_loop3A_560 : i32
        %parallel_loop3A_562 = arith.index_cast %parallel_loop3A_561 : i32 to index
        %parallel_loop3A_563 = arith.constant 112 : index
        %parallel_loop3A_564 = tpu.vector_load %arg10[%parallel_loop3A_562, %parallel_loop3A_563] {strides = array<i32>} : memref<80x128xf32, #tpu.memory_space<vmem>>, vector<1x16xf32>,
        %parallel_loop3A_565 = vector.shape_cast %parallel_loop3A_564 : vector<1x16xf32> to vector<16xf32>
        %parallel_loop3A_566 = arith.mulf %parallel_loop3A_559, %parallel_loop3A_565 : vector<16xf32>
        %parallel_loop3A_567 = arith.addf %parallel_loop3A_553, %parallel_loop3A_566 : vector<16xf32>
        %parallel_loop3A_568 = arith.constant 4 : i32
        %parallel_loop3A_569 = arith.addi %parallel_loop3A_123, %parallel_loop3A_568 : i32
        %parallel_loop3A_570 = arith.index_cast %parallel_loop3A_569 : i32 to index
        %parallel_loop3A_571 = arith.constant 0 : index
        %parallel_loop3A_572 = tpu.vector_load %arg9[%parallel_loop3A_570, %parallel_loop3A_571] {strides = array<i32>} : memref<80x128xf32, #tpu.memory_space<vmem>>, vector<1x16xf32>,
        %parallel_loop3A_573 = vector.shape_cast %parallel_loop3A_572 : vector<1x16xf32> to vector<16xf32>
        %parallel_loop3A_574 = arith.constant 4 : i32
        %parallel_loop3A_575 = arith.addi %parallel_loop3A_123, %parallel_loop3A_574 : i32
        %parallel_loop3A_576 = arith.index_cast %parallel_loop3A_575 : i32 to index
        %parallel_loop3A_577 = arith.constant 0 : index
        %parallel_loop3A_578 = tpu.vector_load %arg10[%parallel_loop3A_576, %parallel_loop3A_577] {strides = array<i32>} : memref<80x128xf32, #tpu.memory_space<vmem>>, vector<1x16xf32>,
        %parallel_loop3A_579 = vector.shape_cast %parallel_loop3A_578 : vector<1x16xf32> to vector<16xf32>
        %parallel_loop3A_580 = arith.mulf %parallel_loop3A_573, %parallel_loop3A_579 : vector<16xf32>
        %parallel_loop3A_581 = arith.constant 4 : i32
        %parallel_loop3A_582 = arith.addi %parallel_loop3A_123, %parallel_loop3A_581 : i32
        %parallel_loop3A_583 = arith.index_cast %parallel_loop3A_582 : i32 to index
        %parallel_loop3A_584 = arith.constant 16 : index
        %parallel_loop3A_585 = tpu.vector_load %arg9[%parallel_loop3A_583, %parallel_loop3A_584] {strides = array<i32>} : memref<80x128xf32, #tpu.memory_space<vmem>>, vector<1x16xf32>,
        %parallel_loop3A_586 = vector.shape_cast %parallel_loop3A_585 : vector<1x16xf32> to vector<16xf32>
        %parallel_loop3A_587 = arith.constant 4 : i32
        %parallel_loop3A_588 = arith.addi %parallel_loop3A_123, %parallel_loop3A_587 : i32
        %parallel_loop3A_589 = arith.index_cast %parallel_loop3A_588 : i32 to index
        %parallel_loop3A_590 = arith.constant 16 : index
        %parallel_loop3A_591 = tpu.vector_load %arg10[%parallel_loop3A_589, %parallel_loop3A_590] {strides = array<i32>} : memref<80x128xf32, #tpu.memory_space<vmem>>, vector<1x16xf32>,
        %parallel_loop3A_592 = vector.shape_cast %parallel_loop3A_591 : vector<1x16xf32> to vector<16xf32>
        %parallel_loop3A_593 = arith.mulf %parallel_loop3A_586, %parallel_loop3A_592 : vector<16xf32>
        %parallel_loop3A_594 = arith.addf %parallel_loop3A_580, %parallel_loop3A_593 : vector<16xf32>
        %parallel_loop3A_595 = arith.constant 4 : i32
        %parallel_loop3A_596 = arith.addi %parallel_loop3A_123, %parallel_loop3A_595 : i32
        %parallel_loop3A_597 = arith.index_cast %parallel_loop3A_596 : i32 to index
        %parallel_loop3A_598 = arith.constant 32 : index
        %parallel_loop3A_599 = tpu.vector_load %arg9[%parallel_loop3A_597, %parallel_loop3A_598] {strides = array<i32>} : memref<80x128xf32, #tpu.memory_space<vmem>>, vector<1x16xf32>,
        %parallel_loop3A_600 = vector.shape_cast %parallel_loop3A_599 : vector<1x16xf32> to vector<16xf32>
        %parallel_loop3A_601 = arith.constant 4 : i32
        %parallel_loop3A_602 = arith.addi %parallel_loop3A_123, %parallel_loop3A_601 : i32
        %parallel_loop3A_603 = arith.index_cast %parallel_loop3A_602 : i32 to index
        %parallel_loop3A_604 = arith.constant 32 : index
        %parallel_loop3A_605 = tpu.vector_load %arg10[%parallel_loop3A_603, %parallel_loop3A_604] {strides = array<i32>} : memref<80x128xf32, #tpu.memory_space<vmem>>, vector<1x16xf32>,
        %parallel_loop3A_606 = vector.shape_cast %parallel_loop3A_605 : vector<1x16xf32> to vector<16xf32>
        %parallel_loop3A_607 = arith.mulf %parallel_loop3A_600, %parallel_loop3A_606 : vector<16xf32>
        %parallel_loop3A_608 = arith.addf %parallel_loop3A_594, %parallel_loop3A_607 : vector<16xf32>
        %parallel_loop3A_609 = arith.constant 4 : i32
        %parallel_loop3A_610 = arith.addi %parallel_loop3A_123, %parallel_loop3A_609 : i32
        %parallel_loop3A_611 = arith.index_cast %parallel_loop3A_610 : i32 to index
        %parallel_loop3A_612 = arith.constant 48 : index
        %parallel_loop3A_613 = tpu.vector_load %arg9[%parallel_loop3A_611, %parallel_loop3A_612] {strides = array<i32>} : memref<80x128xf32, #tpu.memory_space<vmem>>, vector<1x16xf32>,
        %parallel_loop3A_614 = vector.shape_cast %parallel_loop3A_613 : vector<1x16xf32> to vector<16xf32>
        %parallel_loop3A_615 = arith.constant 4 : i32
        %parallel_loop3A_616 = arith.addi %parallel_loop3A_123, %parallel_loop3A_615 : i32
        %parallel_loop3A_617 = arith.index_cast %parallel_loop3A_616 : i32 to index
        %parallel_loop3A_618 = arith.constant 48 : index
        %parallel_loop3A_619 = tpu.vector_load %arg10[%parallel_loop3A_617, %parallel_loop3A_618] {strides = array<i32>} : memref<80x128xf32, #tpu.memory_space<vmem>>, vector<1x16xf32>,
        %parallel_loop3A_620 = vector.shape_cast %parallel_loop3A_619 : vector<1x16xf32> to vector<16xf32>
        %parallel_loop3A_621 = arith.mulf %parallel_loop3A_614, %parallel_loop3A_620 : vector<16xf32>
        %parallel_loop3A_622 = arith.addf %parallel_loop3A_608, %parallel_loop3A_621 : vector<16xf32>
        %parallel_loop3A_623 = arith.constant 4 : i32
        %parallel_loop3A_624 = arith.addi %parallel_loop3A_123, %parallel_loop3A_623 : i32
        %parallel_loop3A_625 = arith.index_cast %parallel_loop3A_624 : i32 to index
        %parallel_loop3A_626 = arith.constant 64 : index
        %parallel_loop3A_627 = tpu.vector_load %arg9[%parallel_loop3A_625, %parallel_loop3A_626] {strides = array<i32>} : memref<80x128xf32, #tpu.memory_space<vmem>>, vector<1x16xf32>,
        %parallel_loop3A_628 = vector.shape_cast %parallel_loop3A_627 : vector<1x16xf32> to vector<16xf32>
        %parallel_loop3A_629 = arith.constant 4 : i32
        %parallel_loop3A_630 = arith.addi %parallel_loop3A_123, %parallel_loop3A_629 : i32
        %parallel_loop3A_631 = arith.index_cast %parallel_loop3A_630 : i32 to index
        %parallel_loop3A_632 = arith.constant 64 : index
        %parallel_loop3A_633 = tpu.vector_load %arg10[%parallel_loop3A_631, %parallel_loop3A_632] {strides = array<i32>} : memref<80x128xf32, #tpu.memory_space<vmem>>, vector<1x16xf32>,
        %parallel_loop3A_634 = vector.shape_cast %parallel_loop3A_633 : vector<1x16xf32> to vector<16xf32>
        %parallel_loop3A_635 = arith.mulf %parallel_loop3A_628, %parallel_loop3A_634 : vector<16xf32>
        %parallel_loop3A_636 = arith.addf %parallel_loop3A_622, %parallel_loop3A_635 : vector<16xf32>
        %parallel_loop3A_637 = arith.constant 4 : i32
        %parallel_loop3A_638 = arith.addi %parallel_loop3A_123, %parallel_loop3A_637 : i32
        %parallel_loop3A_639 = arith.index_cast %parallel_loop3A_638 : i32 to index
        %parallel_loop3A_640 = arith.constant 80 : index
        %parallel_loop3A_641 = tpu.vector_load %arg9[%parallel_loop3A_639, %parallel_loop3A_640] {strides = array<i32>} : memref<80x128xf32, #tpu.memory_space<vmem>>, vector<1x16xf32>,
        %parallel_loop3A_642 = vector.shape_cast %parallel_loop3A_641 : vector<1x16xf32> to vector<16xf32>
        %parallel_loop3A_643 = arith.constant 4 : i32
        %parallel_loop3A_644 = arith.addi %parallel_loop3A_123, %parallel_loop3A_643 : i32
        %parallel_loop3A_645 = arith.index_cast %parallel_loop3A_644 : i32 to index
        %parallel_loop3A_646 = arith.constant 80 : index
        %parallel_loop3A_647 = tpu.vector_load %arg10[%parallel_loop3A_645, %parallel_loop3A_646] {strides = array<i32>} : memref<80x128xf32, #tpu.memory_space<vmem>>, vector<1x16xf32>,
        %parallel_loop3A_648 = vector.shape_cast %parallel_loop3A_647 : vector<1x16xf32> to vector<16xf32>
        %parallel_loop3A_649 = arith.mulf %parallel_loop3A_642, %parallel_loop3A_648 : vector<16xf32>
        %parallel_loop3A_650 = arith.addf %parallel_loop3A_636, %parallel_loop3A_649 : vector<16xf32>
        %parallel_loop3A_651 = arith.constant 4 : i32
        %parallel_loop3A_652 = arith.addi %parallel_loop3A_123, %parallel_loop3A_651 : i32
        %parallel_loop3A_653 = arith.index_cast %parallel_loop3A_652 : i32 to index
        %parallel_loop3A_654 = arith.constant 96 : index
        %parallel_loop3A_655 = tpu.vector_load %arg9[%parallel_loop3A_653, %parallel_loop3A_654] {strides = array<i32>} : memref<80x128xf32, #tpu.memory_space<vmem>>, vector<1x16xf32>,
        %parallel_loop3A_656 = vector.shape_cast %parallel_loop3A_655 : vector<1x16xf32> to vector<16xf32>
        %parallel_loop3A_657 = arith.constant 4 : i32
        %parallel_loop3A_658 = arith.addi %parallel_loop3A_123, %parallel_loop3A_657 : i32
        %parallel_loop3A_659 = arith.index_cast %parallel_loop3A_658 : i32 to index
        %parallel_loop3A_660 = arith.constant 96 : index
        %parallel_loop3A_661 = tpu.vector_load %arg10[%parallel_loop3A_659, %parallel_loop3A_660] {strides = array<i32>} : memref<80x128xf32, #tpu.memory_space<vmem>>, vector<1x16xf32>,
        %parallel_loop3A_662 = vector.shape_cast %parallel_loop3A_661 : vector<1x16xf32> to vector<16xf32>
        %parallel_loop3A_663 = arith.mulf %parallel_loop3A_656, %parallel_loop3A_662 : vector<16xf32>
        %parallel_loop3A_664 = arith.addf %parallel_loop3A_650, %parallel_loop3A_663 : vector<16xf32>
        %parallel_loop3A_665 = arith.constant 4 : i32
        %parallel_loop3A_666 = arith.addi %parallel_loop3A_123, %parallel_loop3A_665 : i32
        %parallel_loop3A_667 = arith.index_cast %parallel_loop3A_666 : i32 to index
        %parallel_loop3A_668 = arith.constant 112 : index
        %parallel_loop3A_669 = tpu.vector_load %arg9[%parallel_loop3A_667, %parallel_loop3A_668] {strides = array<i32>} : memref<80x128xf32, #tpu.memory_space<vmem>>, vector<1x16xf32>,
        %parallel_loop3A_670 = vector.shape_cast %parallel_loop3A_669 : vector<1x16xf32> to vector<16xf32>
        %parallel_loop3A_671 = arith.constant 4 : i32
        %parallel_loop3A_672 = arith.addi %parallel_loop3A_123, %parallel_loop3A_671 : i32
        %parallel_loop3A_673 = arith.index_cast %parallel_loop3A_672 : i32 to index
        %parallel_loop3A_674 = arith.constant 112 : index
        %parallel_loop3A_675 = tpu.vector_load %arg10[%parallel_loop3A_673, %parallel_loop3A_674] {strides = array<i32>} : memref<80x128xf32, #tpu.memory_space<vmem>>, vector<1x16xf32>,
        %parallel_loop3A_676 = vector.shape_cast %parallel_loop3A_675 : vector<1x16xf32> to vector<16xf32>
        %parallel_loop3A_677 = arith.mulf %parallel_loop3A_670, %parallel_loop3A_676 : vector<16xf32>
        %parallel_loop3A_678 = arith.addf %parallel_loop3A_664, %parallel_loop3A_677 : vector<16xf32>
        %parallel_loop3A_679 = arith.constant 5 : i32
        %parallel_loop3A_680 = arith.addi %parallel_loop3A_123, %parallel_loop3A_679 : i32
        %parallel_loop3A_681 = arith.index_cast %parallel_loop3A_680 : i32 to index
        %parallel_loop3A_682 = arith.constant 0 : index
        %parallel_loop3A_683 = tpu.vector_load %arg9[%parallel_loop3A_681, %parallel_loop3A_682] {strides = array<i32>} : memref<80x128xf32, #tpu.memory_space<vmem>>, vector<1x16xf32>,
        %parallel_loop3A_684 = vector.shape_cast %parallel_loop3A_683 : vector<1x16xf32> to vector<16xf32>
        %parallel_loop3A_685 = arith.constant 5 : i32
        %parallel_loop3A_686 = arith.addi %parallel_loop3A_123, %parallel_loop3A_685 : i32
        %parallel_loop3A_687 = arith.index_cast %parallel_loop3A_686 : i32 to index
        %parallel_loop3A_688 = arith.constant 0 : index
        %parallel_loop3A_689 = tpu.vector_load %arg10[%parallel_loop3A_687, %parallel_loop3A_688] {strides = array<i32>} : memref<80x128xf32, #tpu.memory_space<vmem>>, vector<1x16xf32>,
        %parallel_loop3A_690 = vector.shape_cast %parallel_loop3A_689 : vector<1x16xf32> to vector<16xf32>
        %parallel_loop3A_691 = arith.mulf %parallel_loop3A_684, %parallel_loop3A_690 : vector<16xf32>
        %parallel_loop3A_692 = arith.constant 5 : i32
        %parallel_loop3A_693 = arith.addi %parallel_loop3A_123, %parallel_loop3A_692 : i32
        %parallel_loop3A_694 = arith.index_cast %parallel_loop3A_693 : i32 to index
        %parallel_loop3A_695 = arith.constant 16 : index
        %parallel_loop3A_696 = tpu.vector_load %arg9[%parallel_loop3A_694, %parallel_loop3A_695] {strides = array<i32>} : memref<80x128xf32, #tpu.memory_space<vmem>>, vector<1x16xf32>,
        %parallel_loop3A_697 = vector.shape_cast %parallel_loop3A_696 : vector<1x16xf32> to vector<16xf32>
        %parallel_loop3A_698 = arith.constant 5 : i32
        %parallel_loop3A_699 = arith.addi %parallel_loop3A_123, %parallel_loop3A_698 : i32
        %parallel_loop3A_700 = arith.index_cast %parallel_loop3A_699 : i32 to index
        %parallel_loop3A_701 = arith.constant 16 : index
        %parallel_loop3A_702 = tpu.vector_load %arg10[%parallel_loop3A_700, %parallel_loop3A_701] {strides = array<i32>} : memref<80x128xf32, #tpu.memory_space<vmem>>, vector<1x16xf32>,
        %parallel_loop3A_703 = vector.shape_cast %parallel_loop3A_702 : vector<1x16xf32> to vector<16xf32>
        %parallel_loop3A_704 = arith.mulf %parallel_loop3A_697, %parallel_loop3A_703 : vector<16xf32>
        %parallel_loop3A_705 = arith.addf %parallel_loop3A_691, %parallel_loop3A_704 : vector<16xf32>
        %parallel_loop3A_706 = arith.constant 5 : i32
        %parallel_loop3A_707 = arith.addi %parallel_loop3A_123, %parallel_loop3A_706 : i32
        %parallel_loop3A_708 = arith.index_cast %parallel_loop3A_707 : i32 to index
        %parallel_loop3A_709 = arith.constant 32 : index
        %parallel_loop3A_710 = tpu.vector_load %arg9[%parallel_loop3A_708, %parallel_loop3A_709] {strides = array<i32>} : memref<80x128xf32, #tpu.memory_space<vmem>>, vector<1x16xf32>,
        %parallel_loop3A_711 = vector.shape_cast %parallel_loop3A_710 : vector<1x16xf32> to vector<16xf32>
        %parallel_loop3A_712 = arith.constant 5 : i32
        %parallel_loop3A_713 = arith.addi %parallel_loop3A_123, %parallel_loop3A_712 : i32
        %parallel_loop3A_714 = arith.index_cast %parallel_loop3A_713 : i32 to index
        %parallel_loop3A_715 = arith.constant 32 : index
        %parallel_loop3A_716 = tpu.vector_load %arg10[%parallel_loop3A_714, %parallel_loop3A_715] {strides = array<i32>} : memref<80x128xf32, #tpu.memory_space<vmem>>, vector<1x16xf32>,
        %parallel_loop3A_717 = vector.shape_cast %parallel_loop3A_716 : vector<1x16xf32> to vector<16xf32>
        %parallel_loop3A_718 = arith.mulf %parallel_loop3A_711, %parallel_loop3A_717 : vector<16xf32>
        %parallel_loop3A_719 = arith.addf %parallel_loop3A_705, %parallel_loop3A_718 : vector<16xf32>
        %parallel_loop3A_720 = arith.constant 5 : i32
        %parallel_loop3A_721 = arith.addi %parallel_loop3A_123, %parallel_loop3A_720 : i32
        %parallel_loop3A_722 = arith.index_cast %parallel_loop3A_721 : i32 to index
        %parallel_loop3A_723 = arith.constant 48 : index
        %parallel_loop3A_724 = tpu.vector_load %arg9[%parallel_loop3A_722, %parallel_loop3A_723] {strides = array<i32>} : memref<80x128xf32, #tpu.memory_space<vmem>>, vector<1x16xf32>,
        %parallel_loop3A_725 = vector.shape_cast %parallel_loop3A_724 : vector<1x16xf32> to vector<16xf32>
        %parallel_loop3A_726 = arith.constant 5 : i32
        %parallel_loop3A_727 = arith.addi %parallel_loop3A_123, %parallel_loop3A_726 : i32
        %parallel_loop3A_728 = arith.index_cast %parallel_loop3A_727 : i32 to index
        %parallel_loop3A_729 = arith.constant 48 : index
        %parallel_loop3A_730 = tpu.vector_load %arg10[%parallel_loop3A_728, %parallel_loop3A_729] {strides = array<i32>} : memref<80x128xf32, #tpu.memory_space<vmem>>, vector<1x16xf32>,
        %parallel_loop3A_731 = vector.shape_cast %parallel_loop3A_730 : vector<1x16xf32> to vector<16xf32>
        %parallel_loop3A_732 = arith.mulf %parallel_loop3A_725, %parallel_loop3A_731 : vector<16xf32>
        %parallel_loop3A_733 = arith.addf %parallel_loop3A_719, %parallel_loop3A_732 : vector<16xf32>
        %parallel_loop3A_734 = arith.constant 5 : i32
        %parallel_loop3A_735 = arith.addi %parallel_loop3A_123, %parallel_loop3A_734 : i32
        %parallel_loop3A_736 = arith.index_cast %parallel_loop3A_735 : i32 to index
        %parallel_loop3A_737 = arith.constant 64 : index
        %parallel_loop3A_738 = tpu.vector_load %arg9[%parallel_loop3A_736, %parallel_loop3A_737] {strides = array<i32>} : memref<80x128xf32, #tpu.memory_space<vmem>>, vector<1x16xf32>,
        %parallel_loop3A_739 = vector.shape_cast %parallel_loop3A_738 : vector<1x16xf32> to vector<16xf32>
        %parallel_loop3A_740 = arith.constant 5 : i32
        %parallel_loop3A_741 = arith.addi %parallel_loop3A_123, %parallel_loop3A_740 : i32
        %parallel_loop3A_742 = arith.index_cast %parallel_loop3A_741 : i32 to index
        %parallel_loop3A_743 = arith.constant 64 : index
        %parallel_loop3A_744 = tpu.vector_load %arg10[%parallel_loop3A_742, %parallel_loop3A_743] {strides = array<i32>} : memref<80x128xf32, #tpu.memory_space<vmem>>, vector<1x16xf32>,
        %parallel_loop3A_745 = vector.shape_cast %parallel_loop3A_744 : vector<1x16xf32> to vector<16xf32>
        %parallel_loop3A_746 = arith.mulf %parallel_loop3A_739, %parallel_loop3A_745 : vector<16xf32>
        %parallel_loop3A_747 = arith.addf %parallel_loop3A_733, %parallel_loop3A_746 : vector<16xf32>
        %parallel_loop3A_748 = arith.constant 5 : i32
        %parallel_loop3A_749 = arith.addi %parallel_loop3A_123, %parallel_loop3A_748 : i32
        %parallel_loop3A_750 = arith.index_cast %parallel_loop3A_749 : i32 to index
        %parallel_loop3A_751 = arith.constant 80 : index
        %parallel_loop3A_752 = tpu.vector_load %arg9[%parallel_loop3A_750, %parallel_loop3A_751] {strides = array<i32>} : memref<80x128xf32, #tpu.memory_space<vmem>>, vector<1x16xf32>,
        %parallel_loop3A_753 = vector.shape_cast %parallel_loop3A_752 : vector<1x16xf32> to vector<16xf32>
        %parallel_loop3A_754 = arith.constant 5 : i32
        %parallel_loop3A_755 = arith.addi %parallel_loop3A_123, %parallel_loop3A_754 : i32
        %parallel_loop3A_756 = arith.index_cast %parallel_loop3A_755 : i32 to index
        %parallel_loop3A_757 = arith.constant 80 : index
        %parallel_loop3A_758 = tpu.vector_load %arg10[%parallel_loop3A_756, %parallel_loop3A_757] {strides = array<i32>} : memref<80x128xf32, #tpu.memory_space<vmem>>, vector<1x16xf32>,
        %parallel_loop3A_759 = vector.shape_cast %parallel_loop3A_758 : vector<1x16xf32> to vector<16xf32>
        %parallel_loop3A_760 = arith.mulf %parallel_loop3A_753, %parallel_loop3A_759 : vector<16xf32>
        %parallel_loop3A_761 = arith.addf %parallel_loop3A_747, %parallel_loop3A_760 : vector<16xf32>
        %parallel_loop3A_762 = arith.constant 5 : i32
        %parallel_loop3A_763 = arith.addi %parallel_loop3A_123, %parallel_loop3A_762 : i32
        %parallel_loop3A_764 = arith.index_cast %parallel_loop3A_763 : i32 to index
        %parallel_loop3A_765 = arith.constant 96 : index
        %parallel_loop3A_766 = tpu.vector_load %arg9[%parallel_loop3A_764, %parallel_loop3A_765] {strides = array<i32>} : memref<80x128xf32, #tpu.memory_space<vmem>>, vector<1x16xf32>,
        %parallel_loop3A_767 = vector.shape_cast %parallel_loop3A_766 : vector<1x16xf32> to vector<16xf32>
        %parallel_loop3A_768 = arith.constant 5 : i32
        %parallel_loop3A_769 = arith.addi %parallel_loop3A_123, %parallel_loop3A_768 : i32
        %parallel_loop3A_770 = arith.index_cast %parallel_loop3A_769 : i32 to index
        %parallel_loop3A_771 = arith.constant 96 : index
        %parallel_loop3A_772 = tpu.vector_load %arg10[%parallel_loop3A_770, %parallel_loop3A_771] {strides = array<i32>} : memref<80x128xf32, #tpu.memory_space<vmem>>, vector<1x16xf32>,
        %parallel_loop3A_773 = vector.shape_cast %parallel_loop3A_772 : vector<1x16xf32> to vector<16xf32>
        %parallel_loop3A_774 = arith.mulf %parallel_loop3A_767, %parallel_loop3A_773 : vector<16xf32>
        %parallel_loop3A_775 = arith.addf %parallel_loop3A_761, %parallel_loop3A_774 : vector<16xf32>
        %parallel_loop3A_776 = arith.constant 5 : i32
        %parallel_loop3A_777 = arith.addi %parallel_loop3A_123, %parallel_loop3A_776 : i32
        %parallel_loop3A_778 = arith.index_cast %parallel_loop3A_777 : i32 to index
        %parallel_loop3A_779 = arith.constant 112 : index
        %parallel_loop3A_780 = tpu.vector_load %arg9[%parallel_loop3A_778, %parallel_loop3A_779] {strides = array<i32>} : memref<80x128xf32, #tpu.memory_space<vmem>>, vector<1x16xf32>,
        %parallel_loop3A_781 = vector.shape_cast %parallel_loop3A_780 : vector<1x16xf32> to vector<16xf32>
        %parallel_loop3A_782 = arith.constant 5 : i32
        %parallel_loop3A_783 = arith.addi %parallel_loop3A_123, %parallel_loop3A_782 : i32
        %parallel_loop3A_784 = arith.index_cast %parallel_loop3A_783 : i32 to index
        %parallel_loop3A_785 = arith.constant 112 : index
        %parallel_loop3A_786 = tpu.vector_load %arg10[%parallel_loop3A_784, %parallel_loop3A_785] {strides = array<i32>} : memref<80x128xf32, #tpu.memory_space<vmem>>, vector<1x16xf32>,
        %parallel_loop3A_787 = vector.shape_cast %parallel_loop3A_786 : vector<1x16xf32> to vector<16xf32>
        %parallel_loop3A_788 = arith.mulf %parallel_loop3A_781, %parallel_loop3A_787 : vector<16xf32>
        %parallel_loop3A_789 = arith.addf %parallel_loop3A_775, %parallel_loop3A_788 : vector<16xf32>
        %parallel_loop3A_790 = arith.constant 6 : i32
        %parallel_loop3A_791 = arith.addi %parallel_loop3A_123, %parallel_loop3A_790 : i32
        %parallel_loop3A_792 = arith.index_cast %parallel_loop3A_791 : i32 to index
        %parallel_loop3A_793 = arith.constant 0 : index
        %parallel_loop3A_794 = tpu.vector_load %arg9[%parallel_loop3A_792, %parallel_loop3A_793] {strides = array<i32>} : memref<80x128xf32, #tpu.memory_space<vmem>>, vector<1x16xf32>,
        %parallel_loop3A_795 = vector.shape_cast %parallel_loop3A_794 : vector<1x16xf32> to vector<16xf32>
        %parallel_loop3A_796 = arith.constant 6 : i32
        %parallel_loop3A_797 = arith.addi %parallel_loop3A_123, %parallel_loop3A_796 : i32
        %parallel_loop3A_798 = arith.index_cast %parallel_loop3A_797 : i32 to index
        %parallel_loop3A_799 = arith.constant 0 : index
        %parallel_loop3A_800 = tpu.vector_load %arg10[%parallel_loop3A_798, %parallel_loop3A_799] {strides = array<i32>} : memref<80x128xf32, #tpu.memory_space<vmem>>, vector<1x16xf32>,
        %parallel_loop3A_801 = vector.shape_cast %parallel_loop3A_800 : vector<1x16xf32> to vector<16xf32>
        %parallel_loop3A_802 = arith.mulf %parallel_loop3A_795, %parallel_loop3A_801 : vector<16xf32>
        %parallel_loop3A_803 = arith.constant 6 : i32
        %parallel_loop3A_804 = arith.addi %parallel_loop3A_123, %parallel_loop3A_803 : i32
        %parallel_loop3A_805 = arith.index_cast %parallel_loop3A_804 : i32 to index
        %parallel_loop3A_806 = arith.constant 16 : index
        %parallel_loop3A_807 = tpu.vector_load %arg9[%parallel_loop3A_805, %parallel_loop3A_806] {strides = array<i32>} : memref<80x128xf32, #tpu.memory_space<vmem>>, vector<1x16xf32>,
        %parallel_loop3A_808 = vector.shape_cast %parallel_loop3A_807 : vector<1x16xf32> to vector<16xf32>
        %parallel_loop3A_809 = arith.constant 6 : i32
        %parallel_loop3A_810 = arith.addi %parallel_loop3A_123, %parallel_loop3A_809 : i32
        %parallel_loop3A_811 = arith.index_cast %parallel_loop3A_810 : i32 to index
        %parallel_loop3A_812 = arith.constant 16 : index
        %parallel_loop3A_813 = tpu.vector_load %arg10[%parallel_loop3A_811, %parallel_loop3A_812] {strides = array<i32>} : memref<80x128xf32, #tpu.memory_space<vmem>>, vector<1x16xf32>,
        %parallel_loop3A_814 = vector.shape_cast %parallel_loop3A_813 : vector<1x16xf32> to vector<16xf32>
        %parallel_loop3A_815 = arith.mulf %parallel_loop3A_808, %parallel_loop3A_814 : vector<16xf32>
        %parallel_loop3A_816 = arith.addf %parallel_loop3A_802, %parallel_loop3A_815 : vector<16xf32>
        %parallel_loop3A_817 = arith.constant 6 : i32
        %parallel_loop3A_818 = arith.addi %parallel_loop3A_123, %parallel_loop3A_817 : i32
        %parallel_loop3A_819 = arith.index_cast %parallel_loop3A_818 : i32 to index
        %parallel_loop3A_820 = arith.constant 32 : index
        %parallel_loop3A_821 = tpu.vector_load %arg9[%parallel_loop3A_819, %parallel_loop3A_820] {strides = array<i32>} : memref<80x128xf32, #tpu.memory_space<vmem>>, vector<1x16xf32>,
        %parallel_loop3A_822 = vector.shape_cast %parallel_loop3A_821 : vector<1x16xf32> to vector<16xf32>
        %parallel_loop3A_823 = arith.constant 6 : i32
        %parallel_loop3A_824 = arith.addi %parallel_loop3A_123, %parallel_loop3A_823 : i32
        %parallel_loop3A_825 = arith.index_cast %parallel_loop3A_824 : i32 to index
        %parallel_loop3A_826 = arith.constant 32 : index
        %parallel_loop3A_827 = tpu.vector_load %arg10[%parallel_loop3A_825, %parallel_loop3A_826] {strides = array<i32>} : memref<80x128xf32, #tpu.memory_space<vmem>>, vector<1x16xf32>,
        %parallel_loop3A_828 = vector.shape_cast %parallel_loop3A_827 : vector<1x16xf32> to vector<16xf32>
        %parallel_loop3A_829 = arith.mulf %parallel_loop3A_822, %parallel_loop3A_828 : vector<16xf32>
        %parallel_loop3A_830 = arith.addf %parallel_loop3A_816, %parallel_loop3A_829 : vector<16xf32>
        %parallel_loop3A_831 = arith.constant 6 : i32
        %parallel_loop3A_832 = arith.addi %parallel_loop3A_123, %parallel_loop3A_831 : i32
        %parallel_loop3A_833 = arith.index_cast %parallel_loop3A_832 : i32 to index
        %parallel_loop3A_834 = arith.constant 48 : index
        %parallel_loop3A_835 = tpu.vector_load %arg9[%parallel_loop3A_833, %parallel_loop3A_834] {strides = array<i32>} : memref<80x128xf32, #tpu.memory_space<vmem>>, vector<1x16xf32>,
        %parallel_loop3A_836 = vector.shape_cast %parallel_loop3A_835 : vector<1x16xf32> to vector<16xf32>
        %parallel_loop3A_837 = arith.constant 6 : i32
        %parallel_loop3A_838 = arith.addi %parallel_loop3A_123, %parallel_loop3A_837 : i32
        %parallel_loop3A_839 = arith.index_cast %parallel_loop3A_838 : i32 to index
        %parallel_loop3A_840 = arith.constant 48 : index
        %parallel_loop3A_841 = tpu.vector_load %arg10[%parallel_loop3A_839, %parallel_loop3A_840] {strides = array<i32>} : memref<80x128xf32, #tpu.memory_space<vmem>>, vector<1x16xf32>,
        %parallel_loop3A_842 = vector.shape_cast %parallel_loop3A_841 : vector<1x16xf32> to vector<16xf32>
        %parallel_loop3A_843 = arith.mulf %parallel_loop3A_836, %parallel_loop3A_842 : vector<16xf32>
        %parallel_loop3A_844 = arith.addf %parallel_loop3A_830, %parallel_loop3A_843 : vector<16xf32>
        %parallel_loop3A_845 = arith.constant 6 : i32
        %parallel_loop3A_846 = arith.addi %parallel_loop3A_123, %parallel_loop3A_845 : i32
        %parallel_loop3A_847 = arith.index_cast %parallel_loop3A_846 : i32 to index
        %parallel_loop3A_848 = arith.constant 64 : index
        %parallel_loop3A_849 = tpu.vector_load %arg9[%parallel_loop3A_847, %parallel_loop3A_848] {strides = array<i32>} : memref<80x128xf32, #tpu.memory_space<vmem>>, vector<1x16xf32>,
        %parallel_loop3A_850 = vector.shape_cast %parallel_loop3A_849 : vector<1x16xf32> to vector<16xf32>
        %parallel_loop3A_851 = arith.constant 6 : i32
        %parallel_loop3A_852 = arith.addi %parallel_loop3A_123, %parallel_loop3A_851 : i32
        %parallel_loop3A_853 = arith.index_cast %parallel_loop3A_852 : i32 to index
        %parallel_loop3A_854 = arith.constant 64 : index
        %parallel_loop3A_855 = tpu.vector_load %arg10[%parallel_loop3A_853, %parallel_loop3A_854] {strides = array<i32>} : memref<80x128xf32, #tpu.memory_space<vmem>>, vector<1x16xf32>,
        %parallel_loop3A_856 = vector.shape_cast %parallel_loop3A_855 : vector<1x16xf32> to vector<16xf32>
        %parallel_loop3A_857 = arith.mulf %parallel_loop3A_850, %parallel_loop3A_856 : vector<16xf32>
        %parallel_loop3A_858 = arith.addf %parallel_loop3A_844, %parallel_loop3A_857 : vector<16xf32>
        %parallel_loop3A_859 = arith.constant 6 : i32
        %parallel_loop3A_860 = arith.addi %parallel_loop3A_123, %parallel_loop3A_859 : i32
        %parallel_loop3A_861 = arith.index_cast %parallel_loop3A_860 : i32 to index
        %parallel_loop3A_862 = arith.constant 80 : index
        %parallel_loop3A_863 = tpu.vector_load %arg9[%parallel_loop3A_861, %parallel_loop3A_862] {strides = array<i32>} : memref<80x128xf32, #tpu.memory_space<vmem>>, vector<1x16xf32>,
        %parallel_loop3A_864 = vector.shape_cast %parallel_loop3A_863 : vector<1x16xf32> to vector<16xf32>
        %parallel_loop3A_865 = arith.constant 6 : i32
        %parallel_loop3A_866 = arith.addi %parallel_loop3A_123, %parallel_loop3A_865 : i32
        %parallel_loop3A_867 = arith.index_cast %parallel_loop3A_866 : i32 to index
        %parallel_loop3A_868 = arith.constant 80 : index
        %parallel_loop3A_869 = tpu.vector_load %arg10[%parallel_loop3A_867, %parallel_loop3A_868] {strides = array<i32>} : memref<80x128xf32, #tpu.memory_space<vmem>>, vector<1x16xf32>,
        %parallel_loop3A_870 = vector.shape_cast %parallel_loop3A_869 : vector<1x16xf32> to vector<16xf32>
        %parallel_loop3A_871 = arith.mulf %parallel_loop3A_864, %parallel_loop3A_870 : vector<16xf32>
        %parallel_loop3A_872 = arith.addf %parallel_loop3A_858, %parallel_loop3A_871 : vector<16xf32>
        %parallel_loop3A_873 = arith.constant 6 : i32
        %parallel_loop3A_874 = arith.addi %parallel_loop3A_123, %parallel_loop3A_873 : i32
        %parallel_loop3A_875 = arith.index_cast %parallel_loop3A_874 : i32 to index
        %parallel_loop3A_876 = arith.constant 96 : index
        %parallel_loop3A_877 = tpu.vector_load %arg9[%parallel_loop3A_875, %parallel_loop3A_876] {strides = array<i32>} : memref<80x128xf32, #tpu.memory_space<vmem>>, vector<1x16xf32>,
        %parallel_loop3A_878 = vector.shape_cast %parallel_loop3A_877 : vector<1x16xf32> to vector<16xf32>
        %parallel_loop3A_879 = arith.constant 6 : i32
        %parallel_loop3A_880 = arith.addi %parallel_loop3A_123, %parallel_loop3A_879 : i32
        %parallel_loop3A_881 = arith.index_cast %parallel_loop3A_880 : i32 to index
        %parallel_loop3A_882 = arith.constant 96 : index
        %parallel_loop3A_883 = tpu.vector_load %arg10[%parallel_loop3A_881, %parallel_loop3A_882] {strides = array<i32>} : memref<80x128xf32, #tpu.memory_space<vmem>>, vector<1x16xf32>,
        %parallel_loop3A_884 = vector.shape_cast %parallel_loop3A_883 : vector<1x16xf32> to vector<16xf32>
        %parallel_loop3A_885 = arith.mulf %parallel_loop3A_878, %parallel_loop3A_884 : vector<16xf32>
        %parallel_loop3A_886 = arith.addf %parallel_loop3A_872, %parallel_loop3A_885 : vector<16xf32>
        %parallel_loop3A_887 = arith.constant 6 : i32
        %parallel_loop3A_888 = arith.addi %parallel_loop3A_123, %parallel_loop3A_887 : i32
        %parallel_loop3A_889 = arith.index_cast %parallel_loop3A_888 : i32 to index
        %parallel_loop3A_890 = arith.constant 112 : index
        %parallel_loop3A_891 = tpu.vector_load %arg9[%parallel_loop3A_889, %parallel_loop3A_890] {strides = array<i32>} : memref<80x128xf32, #tpu.memory_space<vmem>>, vector<1x16xf32>,
        %parallel_loop3A_892 = vector.shape_cast %parallel_loop3A_891 : vector<1x16xf32> to vector<16xf32>
        %parallel_loop3A_893 = arith.constant 6 : i32
        %parallel_loop3A_894 = arith.addi %parallel_loop3A_123, %parallel_loop3A_893 : i32
        %parallel_loop3A_895 = arith.index_cast %parallel_loop3A_894 : i32 to index
        %parallel_loop3A_896 = arith.constant 112 : index
        %parallel_loop3A_897 = tpu.vector_load %arg10[%parallel_loop3A_895, %parallel_loop3A_896] {strides = array<i32>} : memref<80x128xf32, #tpu.memory_space<vmem>>, vector<1x16xf32>,
        %parallel_loop3A_898 = vector.shape_cast %parallel_loop3A_897 : vector<1x16xf32> to vector<16xf32>
        %parallel_loop3A_899 = arith.mulf %parallel_loop3A_892, %parallel_loop3A_898 : vector<16xf32>
        %parallel_loop3A_900 = arith.addf %parallel_loop3A_886, %parallel_loop3A_899 : vector<16xf32>
        %parallel_loop3A_901 = arith.constant 7 : i32
        %parallel_loop3A_902 = arith.addi %parallel_loop3A_123, %parallel_loop3A_901 : i32
        %parallel_loop3A_903 = arith.index_cast %parallel_loop3A_902 : i32 to index
        %parallel_loop3A_904 = arith.constant 0 : index
        %parallel_loop3A_905 = tpu.vector_load %arg9[%parallel_loop3A_903, %parallel_loop3A_904] {strides = array<i32>} : memref<80x128xf32, #tpu.memory_space<vmem>>, vector<1x16xf32>,
        %parallel_loop3A_906 = vector.shape_cast %parallel_loop3A_905 : vector<1x16xf32> to vector<16xf32>
        %parallel_loop3A_907 = arith.constant 7 : i32
        %parallel_loop3A_908 = arith.addi %parallel_loop3A_123, %parallel_loop3A_907 : i32
        %parallel_loop3A_909 = arith.index_cast %parallel_loop3A_908 : i32 to index
        %parallel_loop3A_910 = arith.constant 0 : index
        %parallel_loop3A_911 = tpu.vector_load %arg10[%parallel_loop3A_909, %parallel_loop3A_910] {strides = array<i32>} : memref<80x128xf32, #tpu.memory_space<vmem>>, vector<1x16xf32>,
        %parallel_loop3A_912 = vector.shape_cast %parallel_loop3A_911 : vector<1x16xf32> to vector<16xf32>
        %parallel_loop3A_913 = arith.mulf %parallel_loop3A_906, %parallel_loop3A_912 : vector<16xf32>
        %parallel_loop3A_914 = arith.constant 7 : i32
        %parallel_loop3A_915 = arith.addi %parallel_loop3A_123, %parallel_loop3A_914 : i32
        %parallel_loop3A_916 = arith.index_cast %parallel_loop3A_915 : i32 to index
        %parallel_loop3A_917 = arith.constant 16 : index
        %parallel_loop3A_918 = tpu.vector_load %arg9[%parallel_loop3A_916, %parallel_loop3A_917] {strides = array<i32>} : memref<80x128xf32, #tpu.memory_space<vmem>>, vector<1x16xf32>,
        %parallel_loop3A_919 = vector.shape_cast %parallel_loop3A_918 : vector<1x16xf32> to vector<16xf32>
        %parallel_loop3A_920 = arith.constant 7 : i32
        %parallel_loop3A_921 = arith.addi %parallel_loop3A_123, %parallel_loop3A_920 : i32
        %parallel_loop3A_922 = arith.index_cast %parallel_loop3A_921 : i32 to index
        %parallel_loop3A_923 = arith.constant 16 : index
        %parallel_loop3A_924 = tpu.vector_load %arg10[%parallel_loop3A_922, %parallel_loop3A_923] {strides = array<i32>} : memref<80x128xf32, #tpu.memory_space<vmem>>, vector<1x16xf32>,
        %parallel_loop3A_925 = vector.shape_cast %parallel_loop3A_924 : vector<1x16xf32> to vector<16xf32>
        %parallel_loop3A_926 = arith.mulf %parallel_loop3A_919, %parallel_loop3A_925 : vector<16xf32>
        %parallel_loop3A_927 = arith.addf %parallel_loop3A_913, %parallel_loop3A_926 : vector<16xf32>
        %parallel_loop3A_928 = arith.constant 7 : i32
        %parallel_loop3A_929 = arith.addi %parallel_loop3A_123, %parallel_loop3A_928 : i32
        %parallel_loop3A_930 = arith.index_cast %parallel_loop3A_929 : i32 to index
        %parallel_loop3A_931 = arith.constant 32 : index
        %parallel_loop3A_932 = tpu.vector_load %arg9[%parallel_loop3A_930, %parallel_loop3A_931] {strides = array<i32>} : memref<80x128xf32, #tpu.memory_space<vmem>>, vector<1x16xf32>,
        %parallel_loop3A_933 = vector.shape_cast %parallel_loop3A_932 : vector<1x16xf32> to vector<16xf32>
        %parallel_loop3A_934 = arith.constant 7 : i32
        %parallel_loop3A_935 = arith.addi %parallel_loop3A_123, %parallel_loop3A_934 : i32
        %parallel_loop3A_936 = arith.index_cast %parallel_loop3A_935 : i32 to index
        %parallel_loop3A_937 = arith.constant 32 : index
        %parallel_loop3A_938 = tpu.vector_load %arg10[%parallel_loop3A_936, %parallel_loop3A_937] {strides = array<i32>} : memref<80x128xf32, #tpu.memory_space<vmem>>, vector<1x16xf32>,
        %parallel_loop3A_939 = vector.shape_cast %parallel_loop3A_938 : vector<1x16xf32> to vector<16xf32>
        %parallel_loop3A_940 = arith.mulf %parallel_loop3A_933, %parallel_loop3A_939 : vector<16xf32>
        %parallel_loop3A_941 = arith.addf %parallel_loop3A_927, %parallel_loop3A_940 : vector<16xf32>
        %parallel_loop3A_942 = arith.constant 7 : i32
        %parallel_loop3A_943 = arith.addi %parallel_loop3A_123, %parallel_loop3A_942 : i32
        %parallel_loop3A_944 = arith.index_cast %parallel_loop3A_943 : i32 to index
        %parallel_loop3A_945 = arith.constant 48 : index
        %parallel_loop3A_946 = tpu.vector_load %arg9[%parallel_loop3A_944, %parallel_loop3A_945] {strides = array<i32>} : memref<80x128xf32, #tpu.memory_space<vmem>>, vector<1x16xf32>,
        %parallel_loop3A_947 = vector.shape_cast %parallel_loop3A_946 : vector<1x16xf32> to vector<16xf32>
        %parallel_loop3A_948 = arith.constant 7 : i32
        %parallel_loop3A_949 = arith.addi %parallel_loop3A_123, %parallel_loop3A_948 : i32
        %parallel_loop3A_950 = arith.index_cast %parallel_loop3A_949 : i32 to index
        %parallel_loop3A_951 = arith.constant 48 : index
        %parallel_loop3A_952 = tpu.vector_load %arg10[%parallel_loop3A_950, %parallel_loop3A_951] {strides = array<i32>} : memref<80x128xf32, #tpu.memory_space<vmem>>, vector<1x16xf32>,
        %parallel_loop3A_953 = vector.shape_cast %parallel_loop3A_952 : vector<1x16xf32> to vector<16xf32>
        %parallel_loop3A_954 = arith.mulf %parallel_loop3A_947, %parallel_loop3A_953 : vector<16xf32>
        %parallel_loop3A_955 = arith.addf %parallel_loop3A_941, %parallel_loop3A_954 : vector<16xf32>
        %parallel_loop3A_956 = arith.constant 7 : i32
        %parallel_loop3A_957 = arith.addi %parallel_loop3A_123, %parallel_loop3A_956 : i32
        %parallel_loop3A_958 = arith.index_cast %parallel_loop3A_957 : i32 to index
        %parallel_loop3A_959 = arith.constant 64 : index
        %parallel_loop3A_960 = tpu.vector_load %arg9[%parallel_loop3A_958, %parallel_loop3A_959] {strides = array<i32>} : memref<80x128xf32, #tpu.memory_space<vmem>>, vector<1x16xf32>,
        %parallel_loop3A_961 = vector.shape_cast %parallel_loop3A_960 : vector<1x16xf32> to vector<16xf32>
        %parallel_loop3A_962 = arith.constant 7 : i32
        %parallel_loop3A_963 = arith.addi %parallel_loop3A_123, %parallel_loop3A_962 : i32
        %parallel_loop3A_964 = arith.index_cast %parallel_loop3A_963 : i32 to index
        %parallel_loop3A_965 = arith.constant 64 : index
        %parallel_loop3A_966 = tpu.vector_load %arg10[%parallel_loop3A_964, %parallel_loop3A_965] {strides = array<i32>} : memref<80x128xf32, #tpu.memory_space<vmem>>, vector<1x16xf32>,
        %parallel_loop3A_967 = vector.shape_cast %parallel_loop3A_966 : vector<1x16xf32> to vector<16xf32>
        %parallel_loop3A_968 = arith.mulf %parallel_loop3A_961, %parallel_loop3A_967 : vector<16xf32>
        %parallel_loop3A_969 = arith.addf %parallel_loop3A_955, %parallel_loop3A_968 : vector<16xf32>
        %parallel_loop3A_970 = arith.constant 7 : i32
        %parallel_loop3A_971 = arith.addi %parallel_loop3A_123, %parallel_loop3A_970 : i32
        %parallel_loop3A_972 = arith.index_cast %parallel_loop3A_971 : i32 to index
        %parallel_loop3A_973 = arith.constant 80 : index
        %parallel_loop3A_974 = tpu.vector_load %arg9[%parallel_loop3A_972, %parallel_loop3A_973] {strides = array<i32>} : memref<80x128xf32, #tpu.memory_space<vmem>>, vector<1x16xf32>,
        %parallel_loop3A_975 = vector.shape_cast %parallel_loop3A_974 : vector<1x16xf32> to vector<16xf32>
        %parallel_loop3A_976 = arith.constant 7 : i32
        %parallel_loop3A_977 = arith.addi %parallel_loop3A_123, %parallel_loop3A_976 : i32
        %parallel_loop3A_978 = arith.index_cast %parallel_loop3A_977 : i32 to index
        %parallel_loop3A_979 = arith.constant 80 : index
        %parallel_loop3A_980 = tpu.vector_load %arg10[%parallel_loop3A_978, %parallel_loop3A_979] {strides = array<i32>} : memref<80x128xf32, #tpu.memory_space<vmem>>, vector<1x16xf32>,
        %parallel_loop3A_981 = vector.shape_cast %parallel_loop3A_980 : vector<1x16xf32> to vector<16xf32>
        %parallel_loop3A_982 = arith.mulf %parallel_loop3A_975, %parallel_loop3A_981 : vector<16xf32>
        %parallel_loop3A_983 = arith.addf %parallel_loop3A_969, %parallel_loop3A_982 : vector<16xf32>
        %parallel_loop3A_984 = arith.constant 7 : i32
        %parallel_loop3A_985 = arith.addi %parallel_loop3A_123, %parallel_loop3A_984 : i32
        %parallel_loop3A_986 = arith.index_cast %parallel_loop3A_985 : i32 to index
        %parallel_loop3A_987 = arith.constant 96 : index
        %parallel_loop3A_988 = tpu.vector_load %arg9[%parallel_loop3A_986, %parallel_loop3A_987] {strides = array<i32>} : memref<80x128xf32, #tpu.memory_space<vmem>>, vector<1x16xf32>,
        %parallel_loop3A_989 = vector.shape_cast %parallel_loop3A_988 : vector<1x16xf32> to vector<16xf32>
        %parallel_loop3A_990 = arith.constant 7 : i32
        %parallel_loop3A_991 = arith.addi %parallel_loop3A_123, %parallel_loop3A_990 : i32
        %parallel_loop3A_992 = arith.index_cast %parallel_loop3A_991 : i32 to index
        %parallel_loop3A_993 = arith.constant 96 : index
        %parallel_loop3A_994 = tpu.vector_load %arg10[%parallel_loop3A_992, %parallel_loop3A_993] {strides = array<i32>} : memref<80x128xf32, #tpu.memory_space<vmem>>, vector<1x16xf32>,
        %parallel_loop3A_995 = vector.shape_cast %parallel_loop3A_994 : vector<1x16xf32> to vector<16xf32>
        %parallel_loop3A_996 = arith.mulf %parallel_loop3A_989, %parallel_loop3A_995 : vector<16xf32>
        %parallel_loop3A_997 = arith.addf %parallel_loop3A_983, %parallel_loop3A_996 : vector<16xf32>
        %parallel_loop3A_998 = arith.constant 7 : i32
        %parallel_loop3A_999 = arith.addi %parallel_loop3A_123, %parallel_loop3A_998 : i32
        %parallel_loop3A_1000 = arith.index_cast %parallel_loop3A_999 : i32 to index
        %parallel_loop3A_1001 = arith.constant 112 : index
        %parallel_loop3A_1002 = tpu.vector_load %arg9[%parallel_loop3A_1000, %parallel_loop3A_1001] {strides = array<i32>} : memref<80x128xf32, #tpu.memory_space<vmem>>, vector<1x16xf32>,
        %parallel_loop3A_1003 = vector.shape_cast %parallel_loop3A_1002 : vector<1x16xf32> to vector<16xf32>
        %parallel_loop3A_1004 = arith.constant 7 : i32
        %parallel_loop3A_1005 = arith.addi %parallel_loop3A_123, %parallel_loop3A_1004 : i32
        %parallel_loop3A_1006 = arith.index_cast %parallel_loop3A_1005 : i32 to index
        %parallel_loop3A_1007 = arith.constant 112 : index
        %parallel_loop3A_1008 = tpu.vector_load %arg10[%parallel_loop3A_1006, %parallel_loop3A_1007] {strides = array<i32>} : memref<80x128xf32, #tpu.memory_space<vmem>>, vector<1x16xf32>,
        %parallel_loop3A_1009 = vector.shape_cast %parallel_loop3A_1008 : vector<1x16xf32> to vector<16xf32>
        %parallel_loop3A_1010 = arith.mulf %parallel_loop3A_1003, %parallel_loop3A_1009 : vector<16xf32>
        %parallel_loop3A_1011 = arith.addf %parallel_loop3A_997, %parallel_loop3A_1010 : vector<16xf32>
        %parallel_loop3A_1012 = arith.constant 8 : i32
        %parallel_loop3A_1013 = arith.addi %parallel_loop3A_123, %parallel_loop3A_1012 : i32
        %parallel_loop3A_1014 = arith.index_cast %parallel_loop3A_1013 : i32 to index
        %parallel_loop3A_1015 = arith.constant 0 : index
        %parallel_loop3A_1016 = tpu.vector_load %arg9[%parallel_loop3A_1014, %parallel_loop3A_1015] {strides = array<i32>} : memref<80x128xf32, #tpu.memory_space<vmem>>, vector<1x16xf32>,
        %parallel_loop3A_1017 = vector.shape_cast %parallel_loop3A_1016 : vector<1x16xf32> to vector<16xf32>
        %parallel_loop3A_1018 = arith.constant 8 : i32
        %parallel_loop3A_1019 = arith.addi %parallel_loop3A_123, %parallel_loop3A_1018 : i32
        %parallel_loop3A_1020 = arith.index_cast %parallel_loop3A_1019 : i32 to index
        %parallel_loop3A_1021 = arith.constant 0 : index
        %parallel_loop3A_1022 = tpu.vector_load %arg10[%parallel_loop3A_1020, %parallel_loop3A_1021] {strides = array<i32>} : memref<80x128xf32, #tpu.memory_space<vmem>>, vector<1x16xf32>,
        %parallel_loop3A_1023 = vector.shape_cast %parallel_loop3A_1022 : vector<1x16xf32> to vector<16xf32>
        %parallel_loop3A_1024 = arith.mulf %parallel_loop3A_1017, %parallel_loop3A_1023 : vector<16xf32>
        %parallel_loop3A_1025 = arith.constant 8 : i32
        %parallel_loop3A_1026 = arith.addi %parallel_loop3A_123, %parallel_loop3A_1025 : i32
        %parallel_loop3A_1027 = arith.index_cast %parallel_loop3A_1026 : i32 to index
        %parallel_loop3A_1028 = arith.constant 16 : index
        %parallel_loop3A_1029 = tpu.vector_load %arg9[%parallel_loop3A_1027, %parallel_loop3A_1028] {strides = array<i32>} : memref<80x128xf32, #tpu.memory_space<vmem>>, vector<1x16xf32>,
        %parallel_loop3A_1030 = vector.shape_cast %parallel_loop3A_1029 : vector<1x16xf32> to vector<16xf32>
        %parallel_loop3A_1031 = arith.constant 8 : i32
        %parallel_loop3A_1032 = arith.addi %parallel_loop3A_123, %parallel_loop3A_1031 : i32
        %parallel_loop3A_1033 = arith.index_cast %parallel_loop3A_1032 : i32 to index
        %parallel_loop3A_1034 = arith.constant 16 : index
        %parallel_loop3A_1035 = tpu.vector_load %arg10[%parallel_loop3A_1033, %parallel_loop3A_1034] {strides = array<i32>} : memref<80x128xf32, #tpu.memory_space<vmem>>, vector<1x16xf32>,
        %parallel_loop3A_1036 = vector.shape_cast %parallel_loop3A_1035 : vector<1x16xf32> to vector<16xf32>
        %parallel_loop3A_1037 = arith.mulf %parallel_loop3A_1030, %parallel_loop3A_1036 : vector<16xf32>
        %parallel_loop3A_1038 = arith.addf %parallel_loop3A_1024, %parallel_loop3A_1037 : vector<16xf32>
        %parallel_loop3A_1039 = arith.constant 8 : i32
        %parallel_loop3A_1040 = arith.addi %parallel_loop3A_123, %parallel_loop3A_1039 : i32
        %parallel_loop3A_1041 = arith.index_cast %parallel_loop3A_1040 : i32 to index
        %parallel_loop3A_1042 = arith.constant 32 : index
        %parallel_loop3A_1043 = tpu.vector_load %arg9[%parallel_loop3A_1041, %parallel_loop3A_1042] {strides = array<i32>} : memref<80x128xf32, #tpu.memory_space<vmem>>, vector<1x16xf32>,
        %parallel_loop3A_1044 = vector.shape_cast %parallel_loop3A_1043 : vector<1x16xf32> to vector<16xf32>
        %parallel_loop3A_1045 = arith.constant 8 : i32
        %parallel_loop3A_1046 = arith.addi %parallel_loop3A_123, %parallel_loop3A_1045 : i32
        %parallel_loop3A_1047 = arith.index_cast %parallel_loop3A_1046 : i32 to index
        %parallel_loop3A_1048 = arith.constant 32 : index
        %parallel_loop3A_1049 = tpu.vector_load %arg10[%parallel_loop3A_1047, %parallel_loop3A_1048] {strides = array<i32>} : memref<80x128xf32, #tpu.memory_space<vmem>>, vector<1x16xf32>,
        %parallel_loop3A_1050 = vector.shape_cast %parallel_loop3A_1049 : vector<1x16xf32> to vector<16xf32>
        %parallel_loop3A_1051 = arith.mulf %parallel_loop3A_1044, %parallel_loop3A_1050 : vector<16xf32>
        %parallel_loop3A_1052 = arith.addf %parallel_loop3A_1038, %parallel_loop3A_1051 : vector<16xf32>
        %parallel_loop3A_1053 = arith.constant 8 : i32
        %parallel_loop3A_1054 = arith.addi %parallel_loop3A_123, %parallel_loop3A_1053 : i32
        %parallel_loop3A_1055 = arith.index_cast %parallel_loop3A_1054 : i32 to index
        %parallel_loop3A_1056 = arith.constant 48 : index
        %parallel_loop3A_1057 = tpu.vector_load %arg9[%parallel_loop3A_1055, %parallel_loop3A_1056] {strides = array<i32>} : memref<80x128xf32, #tpu.memory_space<vmem>>, vector<1x16xf32>,
        %parallel_loop3A_1058 = vector.shape_cast %parallel_loop3A_1057 : vector<1x16xf32> to vector<16xf32>
        %parallel_loop3A_1059 = arith.constant 8 : i32
        %parallel_loop3A_1060 = arith.addi %parallel_loop3A_123, %parallel_loop3A_1059 : i32
        %parallel_loop3A_1061 = arith.index_cast %parallel_loop3A_1060 : i32 to index
        %parallel_loop3A_1062 = arith.constant 48 : index
        %parallel_loop3A_1063 = tpu.vector_load %arg10[%parallel_loop3A_1061, %parallel_loop3A_1062] {strides = array<i32>} : memref<80x128xf32, #tpu.memory_space<vmem>>, vector<1x16xf32>,
        %parallel_loop3A_1064 = vector.shape_cast %parallel_loop3A_1063 : vector<1x16xf32> to vector<16xf32>
        %parallel_loop3A_1065 = arith.mulf %parallel_loop3A_1058, %parallel_loop3A_1064 : vector<16xf32>
        %parallel_loop3A_1066 = arith.addf %parallel_loop3A_1052, %parallel_loop3A_1065 : vector<16xf32>
        %parallel_loop3A_1067 = arith.constant 8 : i32
        %parallel_loop3A_1068 = arith.addi %parallel_loop3A_123, %parallel_loop3A_1067 : i32
        %parallel_loop3A_1069 = arith.index_cast %parallel_loop3A_1068 : i32 to index
        %parallel_loop3A_1070 = arith.constant 64 : index
        %parallel_loop3A_1071 = tpu.vector_load %arg9[%parallel_loop3A_1069, %parallel_loop3A_1070] {strides = array<i32>} : memref<80x128xf32, #tpu.memory_space<vmem>>, vector<1x16xf32>,
        %parallel_loop3A_1072 = vector.shape_cast %parallel_loop3A_1071 : vector<1x16xf32> to vector<16xf32>
        %parallel_loop3A_1073 = arith.constant 8 : i32
        %parallel_loop3A_1074 = arith.addi %parallel_loop3A_123, %parallel_loop3A_1073 : i32
        %parallel_loop3A_1075 = arith.index_cast %parallel_loop3A_1074 : i32 to index
        %parallel_loop3A_1076 = arith.constant 64 : index
        %parallel_loop3A_1077 = tpu.vector_load %arg10[%parallel_loop3A_1075, %parallel_loop3A_1076] {strides = array<i32>} : memref<80x128xf32, #tpu.memory_space<vmem>>, vector<1x16xf32>,
        %parallel_loop3A_1078 = vector.shape_cast %parallel_loop3A_1077 : vector<1x16xf32> to vector<16xf32>
        %parallel_loop3A_1079 = arith.mulf %parallel_loop3A_1072, %parallel_loop3A_1078 : vector<16xf32>
        %parallel_loop3A_1080 = arith.addf %parallel_loop3A_1066, %parallel_loop3A_1079 : vector<16xf32>
        %parallel_loop3A_1081 = arith.constant 8 : i32
        %parallel_loop3A_1082 = arith.addi %parallel_loop3A_123, %parallel_loop3A_1081 : i32
        %parallel_loop3A_1083 = arith.index_cast %parallel_loop3A_1082 : i32 to index
        %parallel_loop3A_1084 = arith.constant 80 : index
        %parallel_loop3A_1085 = tpu.vector_load %arg9[%parallel_loop3A_1083, %parallel_loop3A_1084] {strides = array<i32>} : memref<80x128xf32, #tpu.memory_space<vmem>>, vector<1x16xf32>,
        %parallel_loop3A_1086 = vector.shape_cast %parallel_loop3A_1085 : vector<1x16xf32> to vector<16xf32>
        %parallel_loop3A_1087 = arith.constant 8 : i32
        %parallel_loop3A_1088 = arith.addi %parallel_loop3A_123, %parallel_loop3A_1087 : i32
        %parallel_loop3A_1089 = arith.index_cast %parallel_loop3A_1088 : i32 to index
        %parallel_loop3A_1090 = arith.constant 80 : index
        %parallel_loop3A_1091 = tpu.vector_load %arg10[%parallel_loop3A_1089, %parallel_loop3A_1090] {strides = array<i32>} : memref<80x128xf32, #tpu.memory_space<vmem>>, vector<1x16xf32>,
        %parallel_loop3A_1092 = vector.shape_cast %parallel_loop3A_1091 : vector<1x16xf32> to vector<16xf32>
        %parallel_loop3A_1093 = arith.mulf %parallel_loop3A_1086, %parallel_loop3A_1092 : vector<16xf32>
        %parallel_loop3A_1094 = arith.addf %parallel_loop3A_1080, %parallel_loop3A_1093 : vector<16xf32>
        %parallel_loop3A_1095 = arith.constant 8 : i32
        %parallel_loop3A_1096 = arith.addi %parallel_loop3A_123, %parallel_loop3A_1095 : i32
        %parallel_loop3A_1097 = arith.index_cast %parallel_loop3A_1096 : i32 to index
        %parallel_loop3A_1098 = arith.constant 96 : index
        %parallel_loop3A_1099 = tpu.vector_load %arg9[%parallel_loop3A_1097, %parallel_loop3A_1098] {strides = array<i32>} : memref<80x128xf32, #tpu.memory_space<vmem>>, vector<1x16xf32>,
        %parallel_loop3A_1100 = vector.shape_cast %parallel_loop3A_1099 : vector<1x16xf32> to vector<16xf32>
        %parallel_loop3A_1101 = arith.constant 8 : i32
        %parallel_loop3A_1102 = arith.addi %parallel_loop3A_123, %parallel_loop3A_1101 : i32
        %parallel_loop3A_1103 = arith.index_cast %parallel_loop3A_1102 : i32 to index
        %parallel_loop3A_1104 = arith.constant 96 : index
        %parallel_loop3A_1105 = tpu.vector_load %arg10[%parallel_loop3A_1103, %parallel_loop3A_1104] {strides = array<i32>} : memref<80x128xf32, #tpu.memory_space<vmem>>, vector<1x16xf32>,
        %parallel_loop3A_1106 = vector.shape_cast %parallel_loop3A_1105 : vector<1x16xf32> to vector<16xf32>
        %parallel_loop3A_1107 = arith.mulf %parallel_loop3A_1100, %parallel_loop3A_1106 : vector<16xf32>
        %parallel_loop3A_1108 = arith.addf %parallel_loop3A_1094, %parallel_loop3A_1107 : vector<16xf32>
        %parallel_loop3A_1109 = arith.constant 8 : i32
        %parallel_loop3A_1110 = arith.addi %parallel_loop3A_123, %parallel_loop3A_1109 : i32
        %parallel_loop3A_1111 = arith.index_cast %parallel_loop3A_1110 : i32 to index
        %parallel_loop3A_1112 = arith.constant 112 : index
        %parallel_loop3A_1113 = tpu.vector_load %arg9[%parallel_loop3A_1111, %parallel_loop3A_1112] {strides = array<i32>} : memref<80x128xf32, #tpu.memory_space<vmem>>, vector<1x16xf32>,
        %parallel_loop3A_1114 = vector.shape_cast %parallel_loop3A_1113 : vector<1x16xf32> to vector<16xf32>
        %parallel_loop3A_1115 = arith.constant 8 : i32
        %parallel_loop3A_1116 = arith.addi %parallel_loop3A_123, %parallel_loop3A_1115 : i32
        %parallel_loop3A_1117 = arith.index_cast %parallel_loop3A_1116 : i32 to index
        %parallel_loop3A_1118 = arith.constant 112 : index
        %parallel_loop3A_1119 = tpu.vector_load %arg10[%parallel_loop3A_1117, %parallel_loop3A_1118] {strides = array<i32>} : memref<80x128xf32, #tpu.memory_space<vmem>>, vector<1x16xf32>,
        %parallel_loop3A_1120 = vector.shape_cast %parallel_loop3A_1119 : vector<1x16xf32> to vector<16xf32>
        %parallel_loop3A_1121 = arith.mulf %parallel_loop3A_1114, %parallel_loop3A_1120 : vector<16xf32>
        %parallel_loop3A_1122 = arith.addf %parallel_loop3A_1108, %parallel_loop3A_1121 : vector<16xf32>
        %parallel_loop3A_1123 = arith.constant 9 : i32
        %parallel_loop3A_1124 = arith.addi %parallel_loop3A_123, %parallel_loop3A_1123 : i32
        %parallel_loop3A_1125 = arith.index_cast %parallel_loop3A_1124 : i32 to index
        %parallel_loop3A_1126 = arith.constant 0 : index
        %parallel_loop3A_1127 = tpu.vector_load %arg9[%parallel_loop3A_1125, %parallel_loop3A_1126] {strides = array<i32>} : memref<80x128xf32, #tpu.memory_space<vmem>>, vector<1x16xf32>,
        %parallel_loop3A_1128 = vector.shape_cast %parallel_loop3A_1127 : vector<1x16xf32> to vector<16xf32>
        %parallel_loop3A_1129 = arith.constant 9 : i32
        %parallel_loop3A_1130 = arith.addi %parallel_loop3A_123, %parallel_loop3A_1129 : i32
        %parallel_loop3A_1131 = arith.index_cast %parallel_loop3A_1130 : i32 to index
        %parallel_loop3A_1132 = arith.constant 0 : index
        %parallel_loop3A_1133 = tpu.vector_load %arg10[%parallel_loop3A_1131, %parallel_loop3A_1132] {strides = array<i32>} : memref<80x128xf32, #tpu.memory_space<vmem>>, vector<1x16xf32>,
        %parallel_loop3A_1134 = vector.shape_cast %parallel_loop3A_1133 : vector<1x16xf32> to vector<16xf32>
        %parallel_loop3A_1135 = arith.mulf %parallel_loop3A_1128, %parallel_loop3A_1134 : vector<16xf32>
        %parallel_loop3A_1136 = arith.constant 9 : i32
        %parallel_loop3A_1137 = arith.addi %parallel_loop3A_123, %parallel_loop3A_1136 : i32
        %parallel_loop3A_1138 = arith.index_cast %parallel_loop3A_1137 : i32 to index
        %parallel_loop3A_1139 = arith.constant 16 : index
        %parallel_loop3A_1140 = tpu.vector_load %arg9[%parallel_loop3A_1138, %parallel_loop3A_1139] {strides = array<i32>} : memref<80x128xf32, #tpu.memory_space<vmem>>, vector<1x16xf32>,
        %parallel_loop3A_1141 = vector.shape_cast %parallel_loop3A_1140 : vector<1x16xf32> to vector<16xf32>
        %parallel_loop3A_1142 = arith.constant 9 : i32
        %parallel_loop3A_1143 = arith.addi %parallel_loop3A_123, %parallel_loop3A_1142 : i32
        %parallel_loop3A_1144 = arith.index_cast %parallel_loop3A_1143 : i32 to index
        %parallel_loop3A_1145 = arith.constant 16 : index
        %parallel_loop3A_1146 = tpu.vector_load %arg10[%parallel_loop3A_1144, %parallel_loop3A_1145] {strides = array<i32>} : memref<80x128xf32, #tpu.memory_space<vmem>>, vector<1x16xf32>,
        %parallel_loop3A_1147 = vector.shape_cast %parallel_loop3A_1146 : vector<1x16xf32> to vector<16xf32>
        %parallel_loop3A_1148 = arith.mulf %parallel_loop3A_1141, %parallel_loop3A_1147 : vector<16xf32>
        %parallel_loop3A_1149 = arith.addf %parallel_loop3A_1135, %parallel_loop3A_1148 : vector<16xf32>
        %parallel_loop3A_1150 = arith.constant 9 : i32
        %parallel_loop3A_1151 = arith.addi %parallel_loop3A_123, %parallel_loop3A_1150 : i32
        %parallel_loop3A_1152 = arith.index_cast %parallel_loop3A_1151 : i32 to index
        %parallel_loop3A_1153 = arith.constant 32 : index
        %parallel_loop3A_1154 = tpu.vector_load %arg9[%parallel_loop3A_1152, %parallel_loop3A_1153] {strides = array<i32>} : memref<80x128xf32, #tpu.memory_space<vmem>>, vector<1x16xf32>,
        %parallel_loop3A_1155 = vector.shape_cast %parallel_loop3A_1154 : vector<1x16xf32> to vector<16xf32>
        %parallel_loop3A_1156 = arith.constant 9 : i32
        %parallel_loop3A_1157 = arith.addi %parallel_loop3A_123, %parallel_loop3A_1156 : i32
        %parallel_loop3A_1158 = arith.index_cast %parallel_loop3A_1157 : i32 to index
        %parallel_loop3A_1159 = arith.constant 32 : index
        %parallel_loop3A_1160 = tpu.vector_load %arg10[%parallel_loop3A_1158, %parallel_loop3A_1159] {strides = array<i32>} : memref<80x128xf32, #tpu.memory_space<vmem>>, vector<1x16xf32>,
        %parallel_loop3A_1161 = vector.shape_cast %parallel_loop3A_1160 : vector<1x16xf32> to vector<16xf32>
        %parallel_loop3A_1162 = arith.mulf %parallel_loop3A_1155, %parallel_loop3A_1161 : vector<16xf32>
        %parallel_loop3A_1163 = arith.addf %parallel_loop3A_1149, %parallel_loop3A_1162 : vector<16xf32>
        %parallel_loop3A_1164 = arith.constant 9 : i32
        %parallel_loop3A_1165 = arith.addi %parallel_loop3A_123, %parallel_loop3A_1164 : i32
        %parallel_loop3A_1166 = arith.index_cast %parallel_loop3A_1165 : i32 to index
        %parallel_loop3A_1167 = arith.constant 48 : index
        %parallel_loop3A_1168 = tpu.vector_load %arg9[%parallel_loop3A_1166, %parallel_loop3A_1167] {strides = array<i32>} : memref<80x128xf32, #tpu.memory_space<vmem>>, vector<1x16xf32>,
        %parallel_loop3A_1169 = vector.shape_cast %parallel_loop3A_1168 : vector<1x16xf32> to vector<16xf32>
        %parallel_loop3A_1170 = arith.constant 9 : i32
        %parallel_loop3A_1171 = arith.addi %parallel_loop3A_123, %parallel_loop3A_1170 : i32
        %parallel_loop3A_1172 = arith.index_cast %parallel_loop3A_1171 : i32 to index
        %parallel_loop3A_1173 = arith.constant 48 : index
        %parallel_loop3A_1174 = tpu.vector_load %arg10[%parallel_loop3A_1172, %parallel_loop3A_1173] {strides = array<i32>} : memref<80x128xf32, #tpu.memory_space<vmem>>, vector<1x16xf32>,
        %parallel_loop3A_1175 = vector.shape_cast %parallel_loop3A_1174 : vector<1x16xf32> to vector<16xf32>
        %parallel_loop3A_1176 = arith.mulf %parallel_loop3A_1169, %parallel_loop3A_1175 : vector<16xf32>
        %parallel_loop3A_1177 = arith.addf %parallel_loop3A_1163, %parallel_loop3A_1176 : vector<16xf32>
        %parallel_loop3A_1178 = arith.constant 9 : i32
        %parallel_loop3A_1179 = arith.addi %parallel_loop3A_123, %parallel_loop3A_1178 : i32
        %parallel_loop3A_1180 = arith.index_cast %parallel_loop3A_1179 : i32 to index
        %parallel_loop3A_1181 = arith.constant 64 : index
        %parallel_loop3A_1182 = tpu.vector_load %arg9[%parallel_loop3A_1180, %parallel_loop3A_1181] {strides = array<i32>} : memref<80x128xf32, #tpu.memory_space<vmem>>, vector<1x16xf32>,
        %parallel_loop3A_1183 = vector.shape_cast %parallel_loop3A_1182 : vector<1x16xf32> to vector<16xf32>
        %parallel_loop3A_1184 = arith.constant 9 : i32
        %parallel_loop3A_1185 = arith.addi %parallel_loop3A_123, %parallel_loop3A_1184 : i32
        %parallel_loop3A_1186 = arith.index_cast %parallel_loop3A_1185 : i32 to index
        %parallel_loop3A_1187 = arith.constant 64 : index
        %parallel_loop3A_1188 = tpu.vector_load %arg10[%parallel_loop3A_1186, %parallel_loop3A_1187] {strides = array<i32>} : memref<80x128xf32, #tpu.memory_space<vmem>>, vector<1x16xf32>,
        %parallel_loop3A_1189 = vector.shape_cast %parallel_loop3A_1188 : vector<1x16xf32> to vector<16xf32>
        %parallel_loop3A_1190 = arith.mulf %parallel_loop3A_1183, %parallel_loop3A_1189 : vector<16xf32>
        %parallel_loop3A_1191 = arith.addf %parallel_loop3A_1177, %parallel_loop3A_1190 : vector<16xf32>
        %parallel_loop3A_1192 = arith.constant 9 : i32
        %parallel_loop3A_1193 = arith.addi %parallel_loop3A_123, %parallel_loop3A_1192 : i32
        %parallel_loop3A_1194 = arith.index_cast %parallel_loop3A_1193 : i32 to index
        %parallel_loop3A_1195 = arith.constant 80 : index
        %parallel_loop3A_1196 = tpu.vector_load %arg9[%parallel_loop3A_1194, %parallel_loop3A_1195] {strides = array<i32>} : memref<80x128xf32, #tpu.memory_space<vmem>>, vector<1x16xf32>,
        %parallel_loop3A_1197 = vector.shape_cast %parallel_loop3A_1196 : vector<1x16xf32> to vector<16xf32>
        %parallel_loop3A_1198 = arith.constant 9 : i32
        %parallel_loop3A_1199 = arith.addi %parallel_loop3A_123, %parallel_loop3A_1198 : i32
        %parallel_loop3A_1200 = arith.index_cast %parallel_loop3A_1199 : i32 to index
        %parallel_loop3A_1201 = arith.constant 80 : index
        %parallel_loop3A_1202 = tpu.vector_load %arg10[%parallel_loop3A_1200, %parallel_loop3A_1201] {strides = array<i32>} : memref<80x128xf32, #tpu.memory_space<vmem>>, vector<1x16xf32>,
        %parallel_loop3A_1203 = vector.shape_cast %parallel_loop3A_1202 : vector<1x16xf32> to vector<16xf32>
        %parallel_loop3A_1204 = arith.mulf %parallel_loop3A_1197, %parallel_loop3A_1203 : vector<16xf32>
        %parallel_loop3A_1205 = arith.addf %parallel_loop3A_1191, %parallel_loop3A_1204 : vector<16xf32>
        %parallel_loop3A_1206 = arith.constant 9 : i32
        %parallel_loop3A_1207 = arith.addi %parallel_loop3A_123, %parallel_loop3A_1206 : i32
        %parallel_loop3A_1208 = arith.index_cast %parallel_loop3A_1207 : i32 to index
        %parallel_loop3A_1209 = arith.constant 96 : index
        %parallel_loop3A_1210 = tpu.vector_load %arg9[%parallel_loop3A_1208, %parallel_loop3A_1209] {strides = array<i32>} : memref<80x128xf32, #tpu.memory_space<vmem>>, vector<1x16xf32>,
        %parallel_loop3A_1211 = vector.shape_cast %parallel_loop3A_1210 : vector<1x16xf32> to vector<16xf32>
        %parallel_loop3A_1212 = arith.constant 9 : i32
        %parallel_loop3A_1213 = arith.addi %parallel_loop3A_123, %parallel_loop3A_1212 : i32
        %parallel_loop3A_1214 = arith.index_cast %parallel_loop3A_1213 : i32 to index
        %parallel_loop3A_1215 = arith.constant 96 : index
        %parallel_loop3A_1216 = tpu.vector_load %arg10[%parallel_loop3A_1214, %parallel_loop3A_1215] {strides = array<i32>} : memref<80x128xf32, #tpu.memory_space<vmem>>, vector<1x16xf32>,
        %parallel_loop3A_1217 = vector.shape_cast %parallel_loop3A_1216 : vector<1x16xf32> to vector<16xf32>
        %parallel_loop3A_1218 = arith.mulf %parallel_loop3A_1211, %parallel_loop3A_1217 : vector<16xf32>
        %parallel_loop3A_1219 = arith.addf %parallel_loop3A_1205, %parallel_loop3A_1218 : vector<16xf32>
        %parallel_loop3A_1220 = arith.constant 9 : i32
        %parallel_loop3A_1221 = arith.addi %parallel_loop3A_123, %parallel_loop3A_1220 : i32
        %parallel_loop3A_1222 = arith.index_cast %parallel_loop3A_1221 : i32 to index
        %parallel_loop3A_1223 = arith.constant 112 : index
        %parallel_loop3A_1224 = tpu.vector_load %arg9[%parallel_loop3A_1222, %parallel_loop3A_1223] {strides = array<i32>} : memref<80x128xf32, #tpu.memory_space<vmem>>, vector<1x16xf32>,
        %parallel_loop3A_1225 = vector.shape_cast %parallel_loop3A_1224 : vector<1x16xf32> to vector<16xf32>
        %parallel_loop3A_1226 = arith.constant 9 : i32
        %parallel_loop3A_1227 = arith.addi %parallel_loop3A_123, %parallel_loop3A_1226 : i32
        %parallel_loop3A_1228 = arith.index_cast %parallel_loop3A_1227 : i32 to index
        %parallel_loop3A_1229 = arith.constant 112 : index
        %parallel_loop3A_1230 = tpu.vector_load %arg10[%parallel_loop3A_1228, %parallel_loop3A_1229] {strides = array<i32>} : memref<80x128xf32, #tpu.memory_space<vmem>>, vector<1x16xf32>,
        %parallel_loop3A_1231 = vector.shape_cast %parallel_loop3A_1230 : vector<1x16xf32> to vector<16xf32>
        %parallel_loop3A_1232 = arith.mulf %parallel_loop3A_1225, %parallel_loop3A_1231 : vector<16xf32>
        %parallel_loop3A_1233 = arith.addf %parallel_loop3A_1219, %parallel_loop3A_1232 : vector<16xf32>
        %parallel_loop3A_1234 = arith.constant 10 : i32
        %parallel_loop3A_1235 = arith.addi %parallel_loop3A_123, %parallel_loop3A_1234 : i32
        %parallel_loop3A_1236 = arith.index_cast %parallel_loop3A_1235 : i32 to index
        %parallel_loop3A_1237 = arith.constant 0 : index
        %parallel_loop3A_1238 = tpu.vector_load %arg9[%parallel_loop3A_1236, %parallel_loop3A_1237] {strides = array<i32>} : memref<80x128xf32, #tpu.memory_space<vmem>>, vector<1x16xf32>,
        %parallel_loop3A_1239 = vector.shape_cast %parallel_loop3A_1238 : vector<1x16xf32> to vector<16xf32>
        %parallel_loop3A_1240 = arith.constant 10 : i32
        %parallel_loop3A_1241 = arith.addi %parallel_loop3A_123, %parallel_loop3A_1240 : i32
        %parallel_loop3A_1242 = arith.index_cast %parallel_loop3A_1241 : i32 to index
        %parallel_loop3A_1243 = arith.constant 0 : index
        %parallel_loop3A_1244 = tpu.vector_load %arg10[%parallel_loop3A_1242, %parallel_loop3A_1243] {strides = array<i32>} : memref<80x128xf32, #tpu.memory_space<vmem>>, vector<1x16xf32>,
        %parallel_loop3A_1245 = vector.shape_cast %parallel_loop3A_1244 : vector<1x16xf32> to vector<16xf32>
        %parallel_loop3A_1246 = arith.mulf %parallel_loop3A_1239, %parallel_loop3A_1245 : vector<16xf32>
        %parallel_loop3A_1247 = arith.constant 10 : i32
        %parallel_loop3A_1248 = arith.addi %parallel_loop3A_123, %parallel_loop3A_1247 : i32
        %parallel_loop3A_1249 = arith.index_cast %parallel_loop3A_1248 : i32 to index
        %parallel_loop3A_1250 = arith.constant 16 : index
        %parallel_loop3A_1251 = tpu.vector_load %arg9[%parallel_loop3A_1249, %parallel_loop3A_1250] {strides = array<i32>} : memref<80x128xf32, #tpu.memory_space<vmem>>, vector<1x16xf32>,
        %parallel_loop3A_1252 = vector.shape_cast %parallel_loop3A_1251 : vector<1x16xf32> to vector<16xf32>
        %parallel_loop3A_1253 = arith.constant 10 : i32
        %parallel_loop3A_1254 = arith.addi %parallel_loop3A_123, %parallel_loop3A_1253 : i32
        %parallel_loop3A_1255 = arith.index_cast %parallel_loop3A_1254 : i32 to index
        %parallel_loop3A_1256 = arith.constant 16 : index
        %parallel_loop3A_1257 = tpu.vector_load %arg10[%parallel_loop3A_1255, %parallel_loop3A_1256] {strides = array<i32>} : memref<80x128xf32, #tpu.memory_space<vmem>>, vector<1x16xf32>,
        %parallel_loop3A_1258 = vector.shape_cast %parallel_loop3A_1257 : vector<1x16xf32> to vector<16xf32>
        %parallel_loop3A_1259 = arith.mulf %parallel_loop3A_1252, %parallel_loop3A_1258 : vector<16xf32>
        %parallel_loop3A_1260 = arith.addf %parallel_loop3A_1246, %parallel_loop3A_1259 : vector<16xf32>
        %parallel_loop3A_1261 = arith.constant 10 : i32
        %parallel_loop3A_1262 = arith.addi %parallel_loop3A_123, %parallel_loop3A_1261 : i32
        %parallel_loop3A_1263 = arith.index_cast %parallel_loop3A_1262 : i32 to index
        %parallel_loop3A_1264 = arith.constant 32 : index
        %parallel_loop3A_1265 = tpu.vector_load %arg9[%parallel_loop3A_1263, %parallel_loop3A_1264] {strides = array<i32>} : memref<80x128xf32, #tpu.memory_space<vmem>>, vector<1x16xf32>,
        %parallel_loop3A_1266 = vector.shape_cast %parallel_loop3A_1265 : vector<1x16xf32> to vector<16xf32>
        %parallel_loop3A_1267 = arith.constant 10 : i32
        %parallel_loop3A_1268 = arith.addi %parallel_loop3A_123, %parallel_loop3A_1267 : i32
        %parallel_loop3A_1269 = arith.index_cast %parallel_loop3A_1268 : i32 to index
        %parallel_loop3A_1270 = arith.constant 32 : index
        %parallel_loop3A_1271 = tpu.vector_load %arg10[%parallel_loop3A_1269, %parallel_loop3A_1270] {strides = array<i32>} : memref<80x128xf32, #tpu.memory_space<vmem>>, vector<1x16xf32>,
        %parallel_loop3A_1272 = vector.shape_cast %parallel_loop3A_1271 : vector<1x16xf32> to vector<16xf32>
        %parallel_loop3A_1273 = arith.mulf %parallel_loop3A_1266, %parallel_loop3A_1272 : vector<16xf32>
        %parallel_loop3A_1274 = arith.addf %parallel_loop3A_1260, %parallel_loop3A_1273 : vector<16xf32>
        %parallel_loop3A_1275 = arith.constant 10 : i32
        %parallel_loop3A_1276 = arith.addi %parallel_loop3A_123, %parallel_loop3A_1275 : i32
        %parallel_loop3A_1277 = arith.index_cast %parallel_loop3A_1276 : i32 to index
        %parallel_loop3A_1278 = arith.constant 48 : index
        %parallel_loop3A_1279 = tpu.vector_load %arg9[%parallel_loop3A_1277, %parallel_loop3A_1278] {strides = array<i32>} : memref<80x128xf32, #tpu.memory_space<vmem>>, vector<1x16xf32>,
        %parallel_loop3A_1280 = vector.shape_cast %parallel_loop3A_1279 : vector<1x16xf32> to vector<16xf32>
        %parallel_loop3A_1281 = arith.constant 10 : i32
        %parallel_loop3A_1282 = arith.addi %parallel_loop3A_123, %parallel_loop3A_1281 : i32
        %parallel_loop3A_1283 = arith.index_cast %parallel_loop3A_1282 : i32 to index
        %parallel_loop3A_1284 = arith.constant 48 : index
        %parallel_loop3A_1285 = tpu.vector_load %arg10[%parallel_loop3A_1283, %parallel_loop3A_1284] {strides = array<i32>} : memref<80x128xf32, #tpu.memory_space<vmem>>, vector<1x16xf32>,
        %parallel_loop3A_1286 = vector.shape_cast %parallel_loop3A_1285 : vector<1x16xf32> to vector<16xf32>
        %parallel_loop3A_1287 = arith.mulf %parallel_loop3A_1280, %parallel_loop3A_1286 : vector<16xf32>
        %parallel_loop3A_1288 = arith.addf %parallel_loop3A_1274, %parallel_loop3A_1287 : vector<16xf32>
        %parallel_loop3A_1289 = arith.constant 10 : i32
        %parallel_loop3A_1290 = arith.addi %parallel_loop3A_123, %parallel_loop3A_1289 : i32
        %parallel_loop3A_1291 = arith.index_cast %parallel_loop3A_1290 : i32 to index
        %parallel_loop3A_1292 = arith.constant 64 : index
        %parallel_loop3A_1293 = tpu.vector_load %arg9[%parallel_loop3A_1291, %parallel_loop3A_1292] {strides = array<i32>} : memref<80x128xf32, #tpu.memory_space<vmem>>, vector<1x16xf32>,
        %parallel_loop3A_1294 = vector.shape_cast %parallel_loop3A_1293 : vector<1x16xf32> to vector<16xf32>
        %parallel_loop3A_1295 = arith.constant 10 : i32
        %parallel_loop3A_1296 = arith.addi %parallel_loop3A_123, %parallel_loop3A_1295 : i32
        %parallel_loop3A_1297 = arith.index_cast %parallel_loop3A_1296 : i32 to index
        %parallel_loop3A_1298 = arith.constant 64 : index
        %parallel_loop3A_1299 = tpu.vector_load %arg10[%parallel_loop3A_1297, %parallel_loop3A_1298] {strides = array<i32>} : memref<80x128xf32, #tpu.memory_space<vmem>>, vector<1x16xf32>,
        %parallel_loop3A_1300 = vector.shape_cast %parallel_loop3A_1299 : vector<1x16xf32> to vector<16xf32>
        %parallel_loop3A_1301 = arith.mulf %parallel_loop3A_1294, %parallel_loop3A_1300 : vector<16xf32>
        %parallel_loop3A_1302 = arith.addf %parallel_loop3A_1288, %parallel_loop3A_1301 : vector<16xf32>
        %parallel_loop3A_1303 = arith.constant 10 : i32
        %parallel_loop3A_1304 = arith.addi %parallel_loop3A_123, %parallel_loop3A_1303 : i32
        %parallel_loop3A_1305 = arith.index_cast %parallel_loop3A_1304 : i32 to index
        %parallel_loop3A_1306 = arith.constant 80 : index
        %parallel_loop3A_1307 = tpu.vector_load %arg9[%parallel_loop3A_1305, %parallel_loop3A_1306] {strides = array<i32>} : memref<80x128xf32, #tpu.memory_space<vmem>>, vector<1x16xf32>,
        %parallel_loop3A_1308 = vector.shape_cast %parallel_loop3A_1307 : vector<1x16xf32> to vector<16xf32>
        %parallel_loop3A_1309 = arith.constant 10 : i32
        %parallel_loop3A_1310 = arith.addi %parallel_loop3A_123, %parallel_loop3A_1309 : i32
        %parallel_loop3A_1311 = arith.index_cast %parallel_loop3A_1310 : i32 to index
        %parallel_loop3A_1312 = arith.constant 80 : index
        %parallel_loop3A_1313 = tpu.vector_load %arg10[%parallel_loop3A_1311, %parallel_loop3A_1312] {strides = array<i32>} : memref<80x128xf32, #tpu.memory_space<vmem>>, vector<1x16xf32>,
        %parallel_loop3A_1314 = vector.shape_cast %parallel_loop3A_1313 : vector<1x16xf32> to vector<16xf32>
        %parallel_loop3A_1315 = arith.mulf %parallel_loop3A_1308, %parallel_loop3A_1314 : vector<16xf32>
        %parallel_loop3A_1316 = arith.addf %parallel_loop3A_1302, %parallel_loop3A_1315 : vector<16xf32>
        %parallel_loop3A_1317 = arith.constant 10 : i32
        %parallel_loop3A_1318 = arith.addi %parallel_loop3A_123, %parallel_loop3A_1317 : i32
        %parallel_loop3A_1319 = arith.index_cast %parallel_loop3A_1318 : i32 to index
        %parallel_loop3A_1320 = arith.constant 96 : index
        %parallel_loop3A_1321 = tpu.vector_load %arg9[%parallel_loop3A_1319, %parallel_loop3A_1320] {strides = array<i32>} : memref<80x128xf32, #tpu.memory_space<vmem>>, vector<1x16xf32>,
        %parallel_loop3A_1322 = vector.shape_cast %parallel_loop3A_1321 : vector<1x16xf32> to vector<16xf32>
        %parallel_loop3A_1323 = arith.constant 10 : i32
        %parallel_loop3A_1324 = arith.addi %parallel_loop3A_123, %parallel_loop3A_1323 : i32
        %parallel_loop3A_1325 = arith.index_cast %parallel_loop3A_1324 : i32 to index
        %parallel_loop3A_1326 = arith.constant 96 : index
        %parallel_loop3A_1327 = tpu.vector_load %arg10[%parallel_loop3A_1325, %parallel_loop3A_1326] {strides = array<i32>} : memref<80x128xf32, #tpu.memory_space<vmem>>, vector<1x16xf32>,
        %parallel_loop3A_1328 = vector.shape_cast %parallel_loop3A_1327 : vector<1x16xf32> to vector<16xf32>
        %parallel_loop3A_1329 = arith.mulf %parallel_loop3A_1322, %parallel_loop3A_1328 : vector<16xf32>
        %parallel_loop3A_1330 = arith.addf %parallel_loop3A_1316, %parallel_loop3A_1329 : vector<16xf32>
        %parallel_loop3A_1331 = arith.constant 10 : i32
        %parallel_loop3A_1332 = arith.addi %parallel_loop3A_123, %parallel_loop3A_1331 : i32
        %parallel_loop3A_1333 = arith.index_cast %parallel_loop3A_1332 : i32 to index
        %parallel_loop3A_1334 = arith.constant 112 : index
        %parallel_loop3A_1335 = tpu.vector_load %arg9[%parallel_loop3A_1333, %parallel_loop3A_1334] {strides = array<i32>} : memref<80x128xf32, #tpu.memory_space<vmem>>, vector<1x16xf32>,
        %parallel_loop3A_1336 = vector.shape_cast %parallel_loop3A_1335 : vector<1x16xf32> to vector<16xf32>
        %parallel_loop3A_1337 = arith.constant 10 : i32
        %parallel_loop3A_1338 = arith.addi %parallel_loop3A_123, %parallel_loop3A_1337 : i32
        %parallel_loop3A_1339 = arith.index_cast %parallel_loop3A_1338 : i32 to index
        %parallel_loop3A_1340 = arith.constant 112 : index
        %parallel_loop3A_1341 = tpu.vector_load %arg10[%parallel_loop3A_1339, %parallel_loop3A_1340] {strides = array<i32>} : memref<80x128xf32, #tpu.memory_space<vmem>>, vector<1x16xf32>,
        %parallel_loop3A_1342 = vector.shape_cast %parallel_loop3A_1341 : vector<1x16xf32> to vector<16xf32>
        %parallel_loop3A_1343 = arith.mulf %parallel_loop3A_1336, %parallel_loop3A_1342 : vector<16xf32>
        %parallel_loop3A_1344 = arith.addf %parallel_loop3A_1330, %parallel_loop3A_1343 : vector<16xf32>
        %parallel_loop3A_1345 = arith.constant 11 : i32
        %parallel_loop3A_1346 = arith.addi %parallel_loop3A_123, %parallel_loop3A_1345 : i32
        %parallel_loop3A_1347 = arith.index_cast %parallel_loop3A_1346 : i32 to index
        %parallel_loop3A_1348 = arith.constant 0 : index
        %parallel_loop3A_1349 = tpu.vector_load %arg9[%parallel_loop3A_1347, %parallel_loop3A_1348] {strides = array<i32>} : memref<80x128xf32, #tpu.memory_space<vmem>>, vector<1x16xf32>,
        %parallel_loop3A_1350 = vector.shape_cast %parallel_loop3A_1349 : vector<1x16xf32> to vector<16xf32>
        %parallel_loop3A_1351 = arith.constant 11 : i32
        %parallel_loop3A_1352 = arith.addi %parallel_loop3A_123, %parallel_loop3A_1351 : i32
        %parallel_loop3A_1353 = arith.index_cast %parallel_loop3A_1352 : i32 to index
        %parallel_loop3A_1354 = arith.constant 0 : index
        %parallel_loop3A_1355 = tpu.vector_load %arg10[%parallel_loop3A_1353, %parallel_loop3A_1354] {strides = array<i32>} : memref<80x128xf32, #tpu.memory_space<vmem>>, vector<1x16xf32>,
        %parallel_loop3A_1356 = vector.shape_cast %parallel_loop3A_1355 : vector<1x16xf32> to vector<16xf32>
        %parallel_loop3A_1357 = arith.mulf %parallel_loop3A_1350, %parallel_loop3A_1356 : vector<16xf32>
        %parallel_loop3A_1358 = arith.constant 11 : i32
        %parallel_loop3A_1359 = arith.addi %parallel_loop3A_123, %parallel_loop3A_1358 : i32
        %parallel_loop3A_1360 = arith.index_cast %parallel_loop3A_1359 : i32 to index
        %parallel_loop3A_1361 = arith.constant 16 : index
        %parallel_loop3A_1362 = tpu.vector_load %arg9[%parallel_loop3A_1360, %parallel_loop3A_1361] {strides = array<i32>} : memref<80x128xf32, #tpu.memory_space<vmem>>, vector<1x16xf32>,
        %parallel_loop3A_1363 = vector.shape_cast %parallel_loop3A_1362 : vector<1x16xf32> to vector<16xf32>
        %parallel_loop3A_1364 = arith.constant 11 : i32
        %parallel_loop3A_1365 = arith.addi %parallel_loop3A_123, %parallel_loop3A_1364 : i32
        %parallel_loop3A_1366 = arith.index_cast %parallel_loop3A_1365 : i32 to index
        %parallel_loop3A_1367 = arith.constant 16 : index
        %parallel_loop3A_1368 = tpu.vector_load %arg10[%parallel_loop3A_1366, %parallel_loop3A_1367] {strides = array<i32>} : memref<80x128xf32, #tpu.memory_space<vmem>>, vector<1x16xf32>,
        %parallel_loop3A_1369 = vector.shape_cast %parallel_loop3A_1368 : vector<1x16xf32> to vector<16xf32>
        %parallel_loop3A_1370 = arith.mulf %parallel_loop3A_1363, %parallel_loop3A_1369 : vector<16xf32>
        %parallel_loop3A_1371 = arith.addf %parallel_loop3A_1357, %parallel_loop3A_1370 : vector<16xf32>
        %parallel_loop3A_1372 = arith.constant 11 : i32
        %parallel_loop3A_1373 = arith.addi %parallel_loop3A_123, %parallel_loop3A_1372 : i32
        %parallel_loop3A_1374 = arith.index_cast %parallel_loop3A_1373 : i32 to index
        %parallel_loop3A_1375 = arith.constant 32 : index
        %parallel_loop3A_1376 = tpu.vector_load %arg9[%parallel_loop3A_1374, %parallel_loop3A_1375] {strides = array<i32>} : memref<80x128xf32, #tpu.memory_space<vmem>>, vector<1x16xf32>,
        %parallel_loop3A_1377 = vector.shape_cast %parallel_loop3A_1376 : vector<1x16xf32> to vector<16xf32>
        %parallel_loop3A_1378 = arith.constant 11 : i32
        %parallel_loop3A_1379 = arith.addi %parallel_loop3A_123, %parallel_loop3A_1378 : i32
        %parallel_loop3A_1380 = arith.index_cast %parallel_loop3A_1379 : i32 to index
        %parallel_loop3A_1381 = arith.constant 32 : index
        %parallel_loop3A_1382 = tpu.vector_load %arg10[%parallel_loop3A_1380, %parallel_loop3A_1381] {strides = array<i32>} : memref<80x128xf32, #tpu.memory_space<vmem>>, vector<1x16xf32>,
        %parallel_loop3A_1383 = vector.shape_cast %parallel_loop3A_1382 : vector<1x16xf32> to vector<16xf32>
        %parallel_loop3A_1384 = arith.mulf %parallel_loop3A_1377, %parallel_loop3A_1383 : vector<16xf32>
        %parallel_loop3A_1385 = arith.addf %parallel_loop3A_1371, %parallel_loop3A_1384 : vector<16xf32>
        %parallel_loop3A_1386 = arith.constant 11 : i32
        %parallel_loop3A_1387 = arith.addi %parallel_loop3A_123, %parallel_loop3A_1386 : i32
        %parallel_loop3A_1388 = arith.index_cast %parallel_loop3A_1387 : i32 to index
        %parallel_loop3A_1389 = arith.constant 48 : index
        %parallel_loop3A_1390 = tpu.vector_load %arg9[%parallel_loop3A_1388, %parallel_loop3A_1389] {strides = array<i32>} : memref<80x128xf32, #tpu.memory_space<vmem>>, vector<1x16xf32>,
        %parallel_loop3A_1391 = vector.shape_cast %parallel_loop3A_1390 : vector<1x16xf32> to vector<16xf32>
        %parallel_loop3A_1392 = arith.constant 11 : i32
        %parallel_loop3A_1393 = arith.addi %parallel_loop3A_123, %parallel_loop3A_1392 : i32
        %parallel_loop3A_1394 = arith.index_cast %parallel_loop3A_1393 : i32 to index
        %parallel_loop3A_1395 = arith.constant 48 : index
        %parallel_loop3A_1396 = tpu.vector_load %arg10[%parallel_loop3A_1394, %parallel_loop3A_1395] {strides = array<i32>} : memref<80x128xf32, #tpu.memory_space<vmem>>, vector<1x16xf32>,
        %parallel_loop3A_1397 = vector.shape_cast %parallel_loop3A_1396 : vector<1x16xf32> to vector<16xf32>
        %parallel_loop3A_1398 = arith.mulf %parallel_loop3A_1391, %parallel_loop3A_1397 : vector<16xf32>
        %parallel_loop3A_1399 = arith.addf %parallel_loop3A_1385, %parallel_loop3A_1398 : vector<16xf32>
        %parallel_loop3A_1400 = arith.constant 11 : i32
        %parallel_loop3A_1401 = arith.addi %parallel_loop3A_123, %parallel_loop3A_1400 : i32
        %parallel_loop3A_1402 = arith.index_cast %parallel_loop3A_1401 : i32 to index
        %parallel_loop3A_1403 = arith.constant 64 : index
        %parallel_loop3A_1404 = tpu.vector_load %arg9[%parallel_loop3A_1402, %parallel_loop3A_1403] {strides = array<i32>} : memref<80x128xf32, #tpu.memory_space<vmem>>, vector<1x16xf32>,
        %parallel_loop3A_1405 = vector.shape_cast %parallel_loop3A_1404 : vector<1x16xf32> to vector<16xf32>
        %parallel_loop3A_1406 = arith.constant 11 : i32
        %parallel_loop3A_1407 = arith.addi %parallel_loop3A_123, %parallel_loop3A_1406 : i32
        %parallel_loop3A_1408 = arith.index_cast %parallel_loop3A_1407 : i32 to index
        %parallel_loop3A_1409 = arith.constant 64 : index
        %parallel_loop3A_1410 = tpu.vector_load %arg10[%parallel_loop3A_1408, %parallel_loop3A_1409] {strides = array<i32>} : memref<80x128xf32, #tpu.memory_space<vmem>>, vector<1x16xf32>,
        %parallel_loop3A_1411 = vector.shape_cast %parallel_loop3A_1410 : vector<1x16xf32> to vector<16xf32>
        %parallel_loop3A_1412 = arith.mulf %parallel_loop3A_1405, %parallel_loop3A_1411 : vector<16xf32>
        %parallel_loop3A_1413 = arith.addf %parallel_loop3A_1399, %parallel_loop3A_1412 : vector<16xf32>
        %parallel_loop3A_1414 = arith.constant 11 : i32
        %parallel_loop3A_1415 = arith.addi %parallel_loop3A_123, %parallel_loop3A_1414 : i32
        %parallel_loop3A_1416 = arith.index_cast %parallel_loop3A_1415 : i32 to index
        %parallel_loop3A_1417 = arith.constant 80 : index
        %parallel_loop3A_1418 = tpu.vector_load %arg9[%parallel_loop3A_1416, %parallel_loop3A_1417] {strides = array<i32>} : memref<80x128xf32, #tpu.memory_space<vmem>>, vector<1x16xf32>,
        %parallel_loop3A_1419 = vector.shape_cast %parallel_loop3A_1418 : vector<1x16xf32> to vector<16xf32>
        %parallel_loop3A_1420 = arith.constant 11 : i32
        %parallel_loop3A_1421 = arith.addi %parallel_loop3A_123, %parallel_loop3A_1420 : i32
        %parallel_loop3A_1422 = arith.index_cast %parallel_loop3A_1421 : i32 to index
        %parallel_loop3A_1423 = arith.constant 80 : index
        %parallel_loop3A_1424 = tpu.vector_load %arg10[%parallel_loop3A_1422, %parallel_loop3A_1423] {strides = array<i32>} : memref<80x128xf32, #tpu.memory_space<vmem>>, vector<1x16xf32>,
        %parallel_loop3A_1425 = vector.shape_cast %parallel_loop3A_1424 : vector<1x16xf32> to vector<16xf32>
        %parallel_loop3A_1426 = arith.mulf %parallel_loop3A_1419, %parallel_loop3A_1425 : vector<16xf32>
        %parallel_loop3A_1427 = arith.addf %parallel_loop3A_1413, %parallel_loop3A_1426 : vector<16xf32>
        %parallel_loop3A_1428 = arith.constant 11 : i32
        %parallel_loop3A_1429 = arith.addi %parallel_loop3A_123, %parallel_loop3A_1428 : i32
        %parallel_loop3A_1430 = arith.index_cast %parallel_loop3A_1429 : i32 to index
        %parallel_loop3A_1431 = arith.constant 96 : index
        %parallel_loop3A_1432 = tpu.vector_load %arg9[%parallel_loop3A_1430, %parallel_loop3A_1431] {strides = array<i32>} : memref<80x128xf32, #tpu.memory_space<vmem>>, vector<1x16xf32>,
        %parallel_loop3A_1433 = vector.shape_cast %parallel_loop3A_1432 : vector<1x16xf32> to vector<16xf32>
        %parallel_loop3A_1434 = arith.constant 11 : i32
        %parallel_loop3A_1435 = arith.addi %parallel_loop3A_123, %parallel_loop3A_1434 : i32
        %parallel_loop3A_1436 = arith.index_cast %parallel_loop3A_1435 : i32 to index
        %parallel_loop3A_1437 = arith.constant 96 : index
        %parallel_loop3A_1438 = tpu.vector_load %arg10[%parallel_loop3A_1436, %parallel_loop3A_1437] {strides = array<i32>} : memref<80x128xf32, #tpu.memory_space<vmem>>, vector<1x16xf32>,
        %parallel_loop3A_1439 = vector.shape_cast %parallel_loop3A_1438 : vector<1x16xf32> to vector<16xf32>
        %parallel_loop3A_1440 = arith.mulf %parallel_loop3A_1433, %parallel_loop3A_1439 : vector<16xf32>
        %parallel_loop3A_1441 = arith.addf %parallel_loop3A_1427, %parallel_loop3A_1440 : vector<16xf32>
        %parallel_loop3A_1442 = arith.constant 11 : i32
        %parallel_loop3A_1443 = arith.addi %parallel_loop3A_123, %parallel_loop3A_1442 : i32
        %parallel_loop3A_1444 = arith.index_cast %parallel_loop3A_1443 : i32 to index
        %parallel_loop3A_1445 = arith.constant 112 : index
        %parallel_loop3A_1446 = tpu.vector_load %arg9[%parallel_loop3A_1444, %parallel_loop3A_1445] {strides = array<i32>} : memref<80x128xf32, #tpu.memory_space<vmem>>, vector<1x16xf32>,
        %parallel_loop3A_1447 = vector.shape_cast %parallel_loop3A_1446 : vector<1x16xf32> to vector<16xf32>
        %parallel_loop3A_1448 = arith.constant 11 : i32
        %parallel_loop3A_1449 = arith.addi %parallel_loop3A_123, %parallel_loop3A_1448 : i32
        %parallel_loop3A_1450 = arith.index_cast %parallel_loop3A_1449 : i32 to index
        %parallel_loop3A_1451 = arith.constant 112 : index
        %parallel_loop3A_1452 = tpu.vector_load %arg10[%parallel_loop3A_1450, %parallel_loop3A_1451] {strides = array<i32>} : memref<80x128xf32, #tpu.memory_space<vmem>>, vector<1x16xf32>,
        %parallel_loop3A_1453 = vector.shape_cast %parallel_loop3A_1452 : vector<1x16xf32> to vector<16xf32>
        %parallel_loop3A_1454 = arith.mulf %parallel_loop3A_1447, %parallel_loop3A_1453 : vector<16xf32>
        %parallel_loop3A_1455 = arith.addf %parallel_loop3A_1441, %parallel_loop3A_1454 : vector<16xf32>
        %parallel_loop3A_1456 = arith.constant 12 : i32
        %parallel_loop3A_1457 = arith.addi %parallel_loop3A_123, %parallel_loop3A_1456 : i32
        %parallel_loop3A_1458 = arith.index_cast %parallel_loop3A_1457 : i32 to index
        %parallel_loop3A_1459 = arith.constant 0 : index
        %parallel_loop3A_1460 = tpu.vector_load %arg9[%parallel_loop3A_1458, %parallel_loop3A_1459] {strides = array<i32>} : memref<80x128xf32, #tpu.memory_space<vmem>>, vector<1x16xf32>,
        %parallel_loop3A_1461 = vector.shape_cast %parallel_loop3A_1460 : vector<1x16xf32> to vector<16xf32>
        %parallel_loop3A_1462 = arith.constant 12 : i32
        %parallel_loop3A_1463 = arith.addi %parallel_loop3A_123, %parallel_loop3A_1462 : i32
        %parallel_loop3A_1464 = arith.index_cast %parallel_loop3A_1463 : i32 to index
        %parallel_loop3A_1465 = arith.constant 0 : index
        %parallel_loop3A_1466 = tpu.vector_load %arg10[%parallel_loop3A_1464, %parallel_loop3A_1465] {strides = array<i32>} : memref<80x128xf32, #tpu.memory_space<vmem>>, vector<1x16xf32>,
        %parallel_loop3A_1467 = vector.shape_cast %parallel_loop3A_1466 : vector<1x16xf32> to vector<16xf32>
        %parallel_loop3A_1468 = arith.mulf %parallel_loop3A_1461, %parallel_loop3A_1467 : vector<16xf32>
        %parallel_loop3A_1469 = arith.constant 12 : i32
        %parallel_loop3A_1470 = arith.addi %parallel_loop3A_123, %parallel_loop3A_1469 : i32
        %parallel_loop3A_1471 = arith.index_cast %parallel_loop3A_1470 : i32 to index
        %parallel_loop3A_1472 = arith.constant 16 : index
        %parallel_loop3A_1473 = tpu.vector_load %arg9[%parallel_loop3A_1471, %parallel_loop3A_1472] {strides = array<i32>} : memref<80x128xf32, #tpu.memory_space<vmem>>, vector<1x16xf32>,
        %parallel_loop3A_1474 = vector.shape_cast %parallel_loop3A_1473 : vector<1x16xf32> to vector<16xf32>
        %parallel_loop3A_1475 = arith.constant 12 : i32
        %parallel_loop3A_1476 = arith.addi %parallel_loop3A_123, %parallel_loop3A_1475 : i32
        %parallel_loop3A_1477 = arith.index_cast %parallel_loop3A_1476 : i32 to index
        %parallel_loop3A_1478 = arith.constant 16 : index
        %parallel_loop3A_1479 = tpu.vector_load %arg10[%parallel_loop3A_1477, %parallel_loop3A_1478] {strides = array<i32>} : memref<80x128xf32, #tpu.memory_space<vmem>>, vector<1x16xf32>,
        %parallel_loop3A_1480 = vector.shape_cast %parallel_loop3A_1479 : vector<1x16xf32> to vector<16xf32>
        %parallel_loop3A_1481 = arith.mulf %parallel_loop3A_1474, %parallel_loop3A_1480 : vector<16xf32>
        %parallel_loop3A_1482 = arith.addf %parallel_loop3A_1468, %parallel_loop3A_1481 : vector<16xf32>
        %parallel_loop3A_1483 = arith.constant 12 : i32
        %parallel_loop3A_1484 = arith.addi %parallel_loop3A_123, %parallel_loop3A_1483 : i32
        %parallel_loop3A_1485 = arith.index_cast %parallel_loop3A_1484 : i32 to index
        %parallel_loop3A_1486 = arith.constant 32 : index
        %parallel_loop3A_1487 = tpu.vector_load %arg9[%parallel_loop3A_1485, %parallel_loop3A_1486] {strides = array<i32>} : memref<80x128xf32, #tpu.memory_space<vmem>>, vector<1x16xf32>,
        %parallel_loop3A_1488 = vector.shape_cast %parallel_loop3A_1487 : vector<1x16xf32> to vector<16xf32>
        %parallel_loop3A_1489 = arith.constant 12 : i32
        %parallel_loop3A_1490 = arith.addi %parallel_loop3A_123, %parallel_loop3A_1489 : i32
        %parallel_loop3A_1491 = arith.index_cast %parallel_loop3A_1490 : i32 to index
        %parallel_loop3A_1492 = arith.constant 32 : index
        %parallel_loop3A_1493 = tpu.vector_load %arg10[%parallel_loop3A_1491, %parallel_loop3A_1492] {strides = array<i32>} : memref<80x128xf32, #tpu.memory_space<vmem>>, vector<1x16xf32>,
        %parallel_loop3A_1494 = vector.shape_cast %parallel_loop3A_1493 : vector<1x16xf32> to vector<16xf32>
        %parallel_loop3A_1495 = arith.mulf %parallel_loop3A_1488, %parallel_loop3A_1494 : vector<16xf32>
        %parallel_loop3A_1496 = arith.addf %parallel_loop3A_1482, %parallel_loop3A_1495 : vector<16xf32>
        %parallel_loop3A_1497 = arith.constant 12 : i32
        %parallel_loop3A_1498 = arith.addi %parallel_loop3A_123, %parallel_loop3A_1497 : i32
        %parallel_loop3A_1499 = arith.index_cast %parallel_loop3A_1498 : i32 to index
        %parallel_loop3A_1500 = arith.constant 48 : index
        %parallel_loop3A_1501 = tpu.vector_load %arg9[%parallel_loop3A_1499, %parallel_loop3A_1500] {strides = array<i32>} : memref<80x128xf32, #tpu.memory_space<vmem>>, vector<1x16xf32>,
        %parallel_loop3A_1502 = vector.shape_cast %parallel_loop3A_1501 : vector<1x16xf32> to vector<16xf32>
        %parallel_loop3A_1503 = arith.constant 12 : i32
        %parallel_loop3A_1504 = arith.addi %parallel_loop3A_123, %parallel_loop3A_1503 : i32
        %parallel_loop3A_1505 = arith.index_cast %parallel_loop3A_1504 : i32 to index
        %parallel_loop3A_1506 = arith.constant 48 : index
        %parallel_loop3A_1507 = tpu.vector_load %arg10[%parallel_loop3A_1505, %parallel_loop3A_1506] {strides = array<i32>} : memref<80x128xf32, #tpu.memory_space<vmem>>, vector<1x16xf32>,
        %parallel_loop3A_1508 = vector.shape_cast %parallel_loop3A_1507 : vector<1x16xf32> to vector<16xf32>
        %parallel_loop3A_1509 = arith.mulf %parallel_loop3A_1502, %parallel_loop3A_1508 : vector<16xf32>
        %parallel_loop3A_1510 = arith.addf %parallel_loop3A_1496, %parallel_loop3A_1509 : vector<16xf32>
        %parallel_loop3A_1511 = arith.constant 12 : i32
        %parallel_loop3A_1512 = arith.addi %parallel_loop3A_123, %parallel_loop3A_1511 : i32
        %parallel_loop3A_1513 = arith.index_cast %parallel_loop3A_1512 : i32 to index
        %parallel_loop3A_1514 = arith.constant 64 : index
        %parallel_loop3A_1515 = tpu.vector_load %arg9[%parallel_loop3A_1513, %parallel_loop3A_1514] {strides = array<i32>} : memref<80x128xf32, #tpu.memory_space<vmem>>, vector<1x16xf32>,
        %parallel_loop3A_1516 = vector.shape_cast %parallel_loop3A_1515 : vector<1x16xf32> to vector<16xf32>
        %parallel_loop3A_1517 = arith.constant 12 : i32
        %parallel_loop3A_1518 = arith.addi %parallel_loop3A_123, %parallel_loop3A_1517 : i32
        %parallel_loop3A_1519 = arith.index_cast %parallel_loop3A_1518 : i32 to index
        %parallel_loop3A_1520 = arith.constant 64 : index
        %parallel_loop3A_1521 = tpu.vector_load %arg10[%parallel_loop3A_1519, %parallel_loop3A_1520] {strides = array<i32>} : memref<80x128xf32, #tpu.memory_space<vmem>>, vector<1x16xf32>,
        %parallel_loop3A_1522 = vector.shape_cast %parallel_loop3A_1521 : vector<1x16xf32> to vector<16xf32>
        %parallel_loop3A_1523 = arith.mulf %parallel_loop3A_1516, %parallel_loop3A_1522 : vector<16xf32>
        %parallel_loop3A_1524 = arith.addf %parallel_loop3A_1510, %parallel_loop3A_1523 : vector<16xf32>
        %parallel_loop3A_1525 = arith.constant 12 : i32
        %parallel_loop3A_1526 = arith.addi %parallel_loop3A_123, %parallel_loop3A_1525 : i32
        %parallel_loop3A_1527 = arith.index_cast %parallel_loop3A_1526 : i32 to index
        %parallel_loop3A_1528 = arith.constant 80 : index
        %parallel_loop3A_1529 = tpu.vector_load %arg9[%parallel_loop3A_1527, %parallel_loop3A_1528] {strides = array<i32>} : memref<80x128xf32, #tpu.memory_space<vmem>>, vector<1x16xf32>,
        %parallel_loop3A_1530 = vector.shape_cast %parallel_loop3A_1529 : vector<1x16xf32> to vector<16xf32>
        %parallel_loop3A_1531 = arith.constant 12 : i32
        %parallel_loop3A_1532 = arith.addi %parallel_loop3A_123, %parallel_loop3A_1531 : i32
        %parallel_loop3A_1533 = arith.index_cast %parallel_loop3A_1532 : i32 to index
        %parallel_loop3A_1534 = arith.constant 80 : index
        %parallel_loop3A_1535 = tpu.vector_load %arg10[%parallel_loop3A_1533, %parallel_loop3A_1534] {strides = array<i32>} : memref<80x128xf32, #tpu.memory_space<vmem>>, vector<1x16xf32>,
        %parallel_loop3A_1536 = vector.shape_cast %parallel_loop3A_1535 : vector<1x16xf32> to vector<16xf32>
        %parallel_loop3A_1537 = arith.mulf %parallel_loop3A_1530, %parallel_loop3A_1536 : vector<16xf32>
        %parallel_loop3A_1538 = arith.addf %parallel_loop3A_1524, %parallel_loop3A_1537 : vector<16xf32>
        %parallel_loop3A_1539 = arith.constant 12 : i32
        %parallel_loop3A_1540 = arith.addi %parallel_loop3A_123, %parallel_loop3A_1539 : i32
        %parallel_loop3A_1541 = arith.index_cast %parallel_loop3A_1540 : i32 to index
        %parallel_loop3A_1542 = arith.constant 96 : index
        %parallel_loop3A_1543 = tpu.vector_load %arg9[%parallel_loop3A_1541, %parallel_loop3A_1542] {strides = array<i32>} : memref<80x128xf32, #tpu.memory_space<vmem>>, vector<1x16xf32>,
        %parallel_loop3A_1544 = vector.shape_cast %parallel_loop3A_1543 : vector<1x16xf32> to vector<16xf32>
        %parallel_loop3A_1545 = arith.constant 12 : i32
        %parallel_loop3A_1546 = arith.addi %parallel_loop3A_123, %parallel_loop3A_1545 : i32
        %parallel_loop3A_1547 = arith.index_cast %parallel_loop3A_1546 : i32 to index
        %parallel_loop3A_1548 = arith.constant 96 : index
        %parallel_loop3A_1549 = tpu.vector_load %arg10[%parallel_loop3A_1547, %parallel_loop3A_1548] {strides = array<i32>} : memref<80x128xf32, #tpu.memory_space<vmem>>, vector<1x16xf32>,
        %parallel_loop3A_1550 = vector.shape_cast %parallel_loop3A_1549 : vector<1x16xf32> to vector<16xf32>
        %parallel_loop3A_1551 = arith.mulf %parallel_loop3A_1544, %parallel_loop3A_1550 : vector<16xf32>
        %parallel_loop3A_1552 = arith.addf %parallel_loop3A_1538, %parallel_loop3A_1551 : vector<16xf32>
        %parallel_loop3A_1553 = arith.constant 12 : i32
        %parallel_loop3A_1554 = arith.addi %parallel_loop3A_123, %parallel_loop3A_1553 : i32
        %parallel_loop3A_1555 = arith.index_cast %parallel_loop3A_1554 : i32 to index
        %parallel_loop3A_1556 = arith.constant 112 : index
        %parallel_loop3A_1557 = tpu.vector_load %arg9[%parallel_loop3A_1555, %parallel_loop3A_1556] {strides = array<i32>} : memref<80x128xf32, #tpu.memory_space<vmem>>, vector<1x16xf32>,
        %parallel_loop3A_1558 = vector.shape_cast %parallel_loop3A_1557 : vector<1x16xf32> to vector<16xf32>
        %parallel_loop3A_1559 = arith.constant 12 : i32
        %parallel_loop3A_1560 = arith.addi %parallel_loop3A_123, %parallel_loop3A_1559 : i32
        %parallel_loop3A_1561 = arith.index_cast %parallel_loop3A_1560 : i32 to index
        %parallel_loop3A_1562 = arith.constant 112 : index
        %parallel_loop3A_1563 = tpu.vector_load %arg10[%parallel_loop3A_1561, %parallel_loop3A_1562] {strides = array<i32>} : memref<80x128xf32, #tpu.memory_space<vmem>>, vector<1x16xf32>,
        %parallel_loop3A_1564 = vector.shape_cast %parallel_loop3A_1563 : vector<1x16xf32> to vector<16xf32>
        %parallel_loop3A_1565 = arith.mulf %parallel_loop3A_1558, %parallel_loop3A_1564 : vector<16xf32>
        %parallel_loop3A_1566 = arith.addf %parallel_loop3A_1552, %parallel_loop3A_1565 : vector<16xf32>
        %parallel_loop3A_1567 = arith.constant 13 : i32
        %parallel_loop3A_1568 = arith.addi %parallel_loop3A_123, %parallel_loop3A_1567 : i32
        %parallel_loop3A_1569 = arith.index_cast %parallel_loop3A_1568 : i32 to index
        %parallel_loop3A_1570 = arith.constant 0 : index
        %parallel_loop3A_1571 = tpu.vector_load %arg9[%parallel_loop3A_1569, %parallel_loop3A_1570] {strides = array<i32>} : memref<80x128xf32, #tpu.memory_space<vmem>>, vector<1x16xf32>,
        %parallel_loop3A_1572 = vector.shape_cast %parallel_loop3A_1571 : vector<1x16xf32> to vector<16xf32>
        %parallel_loop3A_1573 = arith.constant 13 : i32
        %parallel_loop3A_1574 = arith.addi %parallel_loop3A_123, %parallel_loop3A_1573 : i32
        %parallel_loop3A_1575 = arith.index_cast %parallel_loop3A_1574 : i32 to index
        %parallel_loop3A_1576 = arith.constant 0 : index
        %parallel_loop3A_1577 = tpu.vector_load %arg10[%parallel_loop3A_1575, %parallel_loop3A_1576] {strides = array<i32>} : memref<80x128xf32, #tpu.memory_space<vmem>>, vector<1x16xf32>,
        %parallel_loop3A_1578 = vector.shape_cast %parallel_loop3A_1577 : vector<1x16xf32> to vector<16xf32>
        %parallel_loop3A_1579 = arith.mulf %parallel_loop3A_1572, %parallel_loop3A_1578 : vector<16xf32>
        %parallel_loop3A_1580 = arith.constant 13 : i32
        %parallel_loop3A_1581 = arith.addi %parallel_loop3A_123, %parallel_loop3A_1580 : i32
        %parallel_loop3A_1582 = arith.index_cast %parallel_loop3A_1581 : i32 to index
        %parallel_loop3A_1583 = arith.constant 16 : index
        %parallel_loop3A_1584 = tpu.vector_load %arg9[%parallel_loop3A_1582, %parallel_loop3A_1583] {strides = array<i32>} : memref<80x128xf32, #tpu.memory_space<vmem>>, vector<1x16xf32>,
        %parallel_loop3A_1585 = vector.shape_cast %parallel_loop3A_1584 : vector<1x16xf32> to vector<16xf32>
        %parallel_loop3A_1586 = arith.constant 13 : i32
        %parallel_loop3A_1587 = arith.addi %parallel_loop3A_123, %parallel_loop3A_1586 : i32
        %parallel_loop3A_1588 = arith.index_cast %parallel_loop3A_1587 : i32 to index
        %parallel_loop3A_1589 = arith.constant 16 : index
        %parallel_loop3A_1590 = tpu.vector_load %arg10[%parallel_loop3A_1588, %parallel_loop3A_1589] {strides = array<i32>} : memref<80x128xf32, #tpu.memory_space<vmem>>, vector<1x16xf32>,
        %parallel_loop3A_1591 = vector.shape_cast %parallel_loop3A_1590 : vector<1x16xf32> to vector<16xf32>
        %parallel_loop3A_1592 = arith.mulf %parallel_loop3A_1585, %parallel_loop3A_1591 : vector<16xf32>
        %parallel_loop3A_1593 = arith.addf %parallel_loop3A_1579, %parallel_loop3A_1592 : vector<16xf32>
        %parallel_loop3A_1594 = arith.constant 13 : i32
        %parallel_loop3A_1595 = arith.addi %parallel_loop3A_123, %parallel_loop3A_1594 : i32
        %parallel_loop3A_1596 = arith.index_cast %parallel_loop3A_1595 : i32 to index
        %parallel_loop3A_1597 = arith.constant 32 : index
        %parallel_loop3A_1598 = tpu.vector_load %arg9[%parallel_loop3A_1596, %parallel_loop3A_1597] {strides = array<i32>} : memref<80x128xf32, #tpu.memory_space<vmem>>, vector<1x16xf32>,
        %parallel_loop3A_1599 = vector.shape_cast %parallel_loop3A_1598 : vector<1x16xf32> to vector<16xf32>
        %parallel_loop3A_1600 = arith.constant 13 : i32
        %parallel_loop3A_1601 = arith.addi %parallel_loop3A_123, %parallel_loop3A_1600 : i32
        %parallel_loop3A_1602 = arith.index_cast %parallel_loop3A_1601 : i32 to index
        %parallel_loop3A_1603 = arith.constant 32 : index
        %parallel_loop3A_1604 = tpu.vector_load %arg10[%parallel_loop3A_1602, %parallel_loop3A_1603] {strides = array<i32>} : memref<80x128xf32, #tpu.memory_space<vmem>>, vector<1x16xf32>,
        %parallel_loop3A_1605 = vector.shape_cast %parallel_loop3A_1604 : vector<1x16xf32> to vector<16xf32>
        %parallel_loop3A_1606 = arith.mulf %parallel_loop3A_1599, %parallel_loop3A_1605 : vector<16xf32>
        %parallel_loop3A_1607 = arith.addf %parallel_loop3A_1593, %parallel_loop3A_1606 : vector<16xf32>
        %parallel_loop3A_1608 = arith.constant 13 : i32
        %parallel_loop3A_1609 = arith.addi %parallel_loop3A_123, %parallel_loop3A_1608 : i32
        %parallel_loop3A_1610 = arith.index_cast %parallel_loop3A_1609 : i32 to index
        %parallel_loop3A_1611 = arith.constant 48 : index
        %parallel_loop3A_1612 = tpu.vector_load %arg9[%parallel_loop3A_1610, %parallel_loop3A_1611] {strides = array<i32>} : memref<80x128xf32, #tpu.memory_space<vmem>>, vector<1x16xf32>,
        %parallel_loop3A_1613 = vector.shape_cast %parallel_loop3A_1612 : vector<1x16xf32> to vector<16xf32>
        %parallel_loop3A_1614 = arith.constant 13 : i32
        %parallel_loop3A_1615 = arith.addi %parallel_loop3A_123, %parallel_loop3A_1614 : i32
        %parallel_loop3A_1616 = arith.index_cast %parallel_loop3A_1615 : i32 to index
        %parallel_loop3A_1617 = arith.constant 48 : index
        %parallel_loop3A_1618 = tpu.vector_load %arg10[%parallel_loop3A_1616, %parallel_loop3A_1617] {strides = array<i32>} : memref<80x128xf32, #tpu.memory_space<vmem>>, vector<1x16xf32>,
        %parallel_loop3A_1619 = vector.shape_cast %parallel_loop3A_1618 : vector<1x16xf32> to vector<16xf32>
        %parallel_loop3A_1620 = arith.mulf %parallel_loop3A_1613, %parallel_loop3A_1619 : vector<16xf32>
        %parallel_loop3A_1621 = arith.addf %parallel_loop3A_1607, %parallel_loop3A_1620 : vector<16xf32>
        %parallel_loop3A_1622 = arith.constant 13 : i32
        %parallel_loop3A_1623 = arith.addi %parallel_loop3A_123, %parallel_loop3A_1622 : i32
        %parallel_loop3A_1624 = arith.index_cast %parallel_loop3A_1623 : i32 to index
        %parallel_loop3A_1625 = arith.constant 64 : index
        %parallel_loop3A_1626 = tpu.vector_load %arg9[%parallel_loop3A_1624, %parallel_loop3A_1625] {strides = array<i32>} : memref<80x128xf32, #tpu.memory_space<vmem>>, vector<1x16xf32>,
        %parallel_loop3A_1627 = vector.shape_cast %parallel_loop3A_1626 : vector<1x16xf32> to vector<16xf32>
        %parallel_loop3A_1628 = arith.constant 13 : i32
        %parallel_loop3A_1629 = arith.addi %parallel_loop3A_123, %parallel_loop3A_1628 : i32
        %parallel_loop3A_1630 = arith.index_cast %parallel_loop3A_1629 : i32 to index
        %parallel_loop3A_1631 = arith.constant 64 : index
        %parallel_loop3A_1632 = tpu.vector_load %arg10[%parallel_loop3A_1630, %parallel_loop3A_1631] {strides = array<i32>} : memref<80x128xf32, #tpu.memory_space<vmem>>, vector<1x16xf32>,
        %parallel_loop3A_1633 = vector.shape_cast %parallel_loop3A_1632 : vector<1x16xf32> to vector<16xf32>
        %parallel_loop3A_1634 = arith.mulf %parallel_loop3A_1627, %parallel_loop3A_1633 : vector<16xf32>
        %parallel_loop3A_1635 = arith.addf %parallel_loop3A_1621, %parallel_loop3A_1634 : vector<16xf32>
        %parallel_loop3A_1636 = arith.constant 13 : i32
        %parallel_loop3A_1637 = arith.addi %parallel_loop3A_123, %parallel_loop3A_1636 : i32
        %parallel_loop3A_1638 = arith.index_cast %parallel_loop3A_1637 : i32 to index
        %parallel_loop3A_1639 = arith.constant 80 : index
        %parallel_loop3A_1640 = tpu.vector_load %arg9[%parallel_loop3A_1638, %parallel_loop3A_1639] {strides = array<i32>} : memref<80x128xf32, #tpu.memory_space<vmem>>, vector<1x16xf32>,
        %parallel_loop3A_1641 = vector.shape_cast %parallel_loop3A_1640 : vector<1x16xf32> to vector<16xf32>
        %parallel_loop3A_1642 = arith.constant 13 : i32
        %parallel_loop3A_1643 = arith.addi %parallel_loop3A_123, %parallel_loop3A_1642 : i32
        %parallel_loop3A_1644 = arith.index_cast %parallel_loop3A_1643 : i32 to index
        %parallel_loop3A_1645 = arith.constant 80 : index
        %parallel_loop3A_1646 = tpu.vector_load %arg10[%parallel_loop3A_1644, %parallel_loop3A_1645] {strides = array<i32>} : memref<80x128xf32, #tpu.memory_space<vmem>>, vector<1x16xf32>,
        %parallel_loop3A_1647 = vector.shape_cast %parallel_loop3A_1646 : vector<1x16xf32> to vector<16xf32>
        %parallel_loop3A_1648 = arith.mulf %parallel_loop3A_1641, %parallel_loop3A_1647 : vector<16xf32>
        %parallel_loop3A_1649 = arith.addf %parallel_loop3A_1635, %parallel_loop3A_1648 : vector<16xf32>
        %parallel_loop3A_1650 = arith.constant 13 : i32
        %parallel_loop3A_1651 = arith.addi %parallel_loop3A_123, %parallel_loop3A_1650 : i32
        %parallel_loop3A_1652 = arith.index_cast %parallel_loop3A_1651 : i32 to index
        %parallel_loop3A_1653 = arith.constant 96 : index
        %parallel_loop3A_1654 = tpu.vector_load %arg9[%parallel_loop3A_1652, %parallel_loop3A_1653] {strides = array<i32>} : memref<80x128xf32, #tpu.memory_space<vmem>>, vector<1x16xf32>,
        %parallel_loop3A_1655 = vector.shape_cast %parallel_loop3A_1654 : vector<1x16xf32> to vector<16xf32>
        %parallel_loop3A_1656 = arith.constant 13 : i32
        %parallel_loop3A_1657 = arith.addi %parallel_loop3A_123, %parallel_loop3A_1656 : i32
        %parallel_loop3A_1658 = arith.index_cast %parallel_loop3A_1657 : i32 to index
        %parallel_loop3A_1659 = arith.constant 96 : index
        %parallel_loop3A_1660 = tpu.vector_load %arg10[%parallel_loop3A_1658, %parallel_loop3A_1659] {strides = array<i32>} : memref<80x128xf32, #tpu.memory_space<vmem>>, vector<1x16xf32>,
        %parallel_loop3A_1661 = vector.shape_cast %parallel_loop3A_1660 : vector<1x16xf32> to vector<16xf32>
        %parallel_loop3A_1662 = arith.mulf %parallel_loop3A_1655, %parallel_loop3A_1661 : vector<16xf32>
        %parallel_loop3A_1663 = arith.addf %parallel_loop3A_1649, %parallel_loop3A_1662 : vector<16xf32>
        %parallel_loop3A_1664 = arith.constant 13 : i32
        %parallel_loop3A_1665 = arith.addi %parallel_loop3A_123, %parallel_loop3A_1664 : i32
        %parallel_loop3A_1666 = arith.index_cast %parallel_loop3A_1665 : i32 to index
        %parallel_loop3A_1667 = arith.constant 112 : index
        %parallel_loop3A_1668 = tpu.vector_load %arg9[%parallel_loop3A_1666, %parallel_loop3A_1667] {strides = array<i32>} : memref<80x128xf32, #tpu.memory_space<vmem>>, vector<1x16xf32>,
        %parallel_loop3A_1669 = vector.shape_cast %parallel_loop3A_1668 : vector<1x16xf32> to vector<16xf32>
        %parallel_loop3A_1670 = arith.constant 13 : i32
        %parallel_loop3A_1671 = arith.addi %parallel_loop3A_123, %parallel_loop3A_1670 : i32
        %parallel_loop3A_1672 = arith.index_cast %parallel_loop3A_1671 : i32 to index
        %parallel_loop3A_1673 = arith.constant 112 : index
        %parallel_loop3A_1674 = tpu.vector_load %arg10[%parallel_loop3A_1672, %parallel_loop3A_1673] {strides = array<i32>} : memref<80x128xf32, #tpu.memory_space<vmem>>, vector<1x16xf32>,
        %parallel_loop3A_1675 = vector.shape_cast %parallel_loop3A_1674 : vector<1x16xf32> to vector<16xf32>
        %parallel_loop3A_1676 = arith.mulf %parallel_loop3A_1669, %parallel_loop3A_1675 : vector<16xf32>
        %parallel_loop3A_1677 = arith.addf %parallel_loop3A_1663, %parallel_loop3A_1676 : vector<16xf32>
        %parallel_loop3A_1678 = arith.constant 14 : i32
        %parallel_loop3A_1679 = arith.addi %parallel_loop3A_123, %parallel_loop3A_1678 : i32
        %parallel_loop3A_1680 = arith.index_cast %parallel_loop3A_1679 : i32 to index
        %parallel_loop3A_1681 = arith.constant 0 : index
        %parallel_loop3A_1682 = tpu.vector_load %arg9[%parallel_loop3A_1680, %parallel_loop3A_1681] {strides = array<i32>} : memref<80x128xf32, #tpu.memory_space<vmem>>, vector<1x16xf32>,
        %parallel_loop3A_1683 = vector.shape_cast %parallel_loop3A_1682 : vector<1x16xf32> to vector<16xf32>
        %parallel_loop3A_1684 = arith.constant 14 : i32
        %parallel_loop3A_1685 = arith.addi %parallel_loop3A_123, %parallel_loop3A_1684 : i32
        %parallel_loop3A_1686 = arith.index_cast %parallel_loop3A_1685 : i32 to index
        %parallel_loop3A_1687 = arith.constant 0 : index
        %parallel_loop3A_1688 = tpu.vector_load %arg10[%parallel_loop3A_1686, %parallel_loop3A_1687] {strides = array<i32>} : memref<80x128xf32, #tpu.memory_space<vmem>>, vector<1x16xf32>,
        %parallel_loop3A_1689 = vector.shape_cast %parallel_loop3A_1688 : vector<1x16xf32> to vector<16xf32>
        %parallel_loop3A_1690 = arith.mulf %parallel_loop3A_1683, %parallel_loop3A_1689 : vector<16xf32>
        %parallel_loop3A_1691 = arith.constant 14 : i32
        %parallel_loop3A_1692 = arith.addi %parallel_loop3A_123, %parallel_loop3A_1691 : i32
        %parallel_loop3A_1693 = arith.index_cast %parallel_loop3A_1692 : i32 to index
        %parallel_loop3A_1694 = arith.constant 16 : index
        %parallel_loop3A_1695 = tpu.vector_load %arg9[%parallel_loop3A_1693, %parallel_loop3A_1694] {strides = array<i32>} : memref<80x128xf32, #tpu.memory_space<vmem>>, vector<1x16xf32>,
        %parallel_loop3A_1696 = vector.shape_cast %parallel_loop3A_1695 : vector<1x16xf32> to vector<16xf32>
        %parallel_loop3A_1697 = arith.constant 14 : i32
        %parallel_loop3A_1698 = arith.addi %parallel_loop3A_123, %parallel_loop3A_1697 : i32
        %parallel_loop3A_1699 = arith.index_cast %parallel_loop3A_1698 : i32 to index
        %parallel_loop3A_1700 = arith.constant 16 : index
        %parallel_loop3A_1701 = tpu.vector_load %arg10[%parallel_loop3A_1699, %parallel_loop3A_1700] {strides = array<i32>} : memref<80x128xf32, #tpu.memory_space<vmem>>, vector<1x16xf32>,
        %parallel_loop3A_1702 = vector.shape_cast %parallel_loop3A_1701 : vector<1x16xf32> to vector<16xf32>
        %parallel_loop3A_1703 = arith.mulf %parallel_loop3A_1696, %parallel_loop3A_1702 : vector<16xf32>
        %parallel_loop3A_1704 = arith.addf %parallel_loop3A_1690, %parallel_loop3A_1703 : vector<16xf32>
        %parallel_loop3A_1705 = arith.constant 14 : i32
        %parallel_loop3A_1706 = arith.addi %parallel_loop3A_123, %parallel_loop3A_1705 : i32
        %parallel_loop3A_1707 = arith.index_cast %parallel_loop3A_1706 : i32 to index
        %parallel_loop3A_1708 = arith.constant 32 : index
        %parallel_loop3A_1709 = tpu.vector_load %arg9[%parallel_loop3A_1707, %parallel_loop3A_1708] {strides = array<i32>} : memref<80x128xf32, #tpu.memory_space<vmem>>, vector<1x16xf32>,
        %parallel_loop3A_1710 = vector.shape_cast %parallel_loop3A_1709 : vector<1x16xf32> to vector<16xf32>
        %parallel_loop3A_1711 = arith.constant 14 : i32
        %parallel_loop3A_1712 = arith.addi %parallel_loop3A_123, %parallel_loop3A_1711 : i32
        %parallel_loop3A_1713 = arith.index_cast %parallel_loop3A_1712 : i32 to index
        %parallel_loop3A_1714 = arith.constant 32 : index
        %parallel_loop3A_1715 = tpu.vector_load %arg10[%parallel_loop3A_1713, %parallel_loop3A_1714] {strides = array<i32>} : memref<80x128xf32, #tpu.memory_space<vmem>>, vector<1x16xf32>,
        %parallel_loop3A_1716 = vector.shape_cast %parallel_loop3A_1715 : vector<1x16xf32> to vector<16xf32>
        %parallel_loop3A_1717 = arith.mulf %parallel_loop3A_1710, %parallel_loop3A_1716 : vector<16xf32>
        %parallel_loop3A_1718 = arith.addf %parallel_loop3A_1704, %parallel_loop3A_1717 : vector<16xf32>
        %parallel_loop3A_1719 = arith.constant 14 : i32
        %parallel_loop3A_1720 = arith.addi %parallel_loop3A_123, %parallel_loop3A_1719 : i32
        %parallel_loop3A_1721 = arith.index_cast %parallel_loop3A_1720 : i32 to index
        %parallel_loop3A_1722 = arith.constant 48 : index
        %parallel_loop3A_1723 = tpu.vector_load %arg9[%parallel_loop3A_1721, %parallel_loop3A_1722] {strides = array<i32>} : memref<80x128xf32, #tpu.memory_space<vmem>>, vector<1x16xf32>,
        %parallel_loop3A_1724 = vector.shape_cast %parallel_loop3A_1723 : vector<1x16xf32> to vector<16xf32>
        %parallel_loop3A_1725 = arith.constant 14 : i32
        %parallel_loop3A_1726 = arith.addi %parallel_loop3A_123, %parallel_loop3A_1725 : i32
        %parallel_loop3A_1727 = arith.index_cast %parallel_loop3A_1726 : i32 to index
        %parallel_loop3A_1728 = arith.constant 48 : index
        %parallel_loop3A_1729 = tpu.vector_load %arg10[%parallel_loop3A_1727, %parallel_loop3A_1728] {strides = array<i32>} : memref<80x128xf32, #tpu.memory_space<vmem>>, vector<1x16xf32>,
        %parallel_loop3A_1730 = vector.shape_cast %parallel_loop3A_1729 : vector<1x16xf32> to vector<16xf32>
        %parallel_loop3A_1731 = arith.mulf %parallel_loop3A_1724, %parallel_loop3A_1730 : vector<16xf32>
        %parallel_loop3A_1732 = arith.addf %parallel_loop3A_1718, %parallel_loop3A_1731 : vector<16xf32>
        %parallel_loop3A_1733 = arith.constant 14 : i32
        %parallel_loop3A_1734 = arith.addi %parallel_loop3A_123, %parallel_loop3A_1733 : i32
        %parallel_loop3A_1735 = arith.index_cast %parallel_loop3A_1734 : i32 to index
        %parallel_loop3A_1736 = arith.constant 64 : index
        %parallel_loop3A_1737 = tpu.vector_load %arg9[%parallel_loop3A_1735, %parallel_loop3A_1736] {strides = array<i32>} : memref<80x128xf32, #tpu.memory_space<vmem>>, vector<1x16xf32>,
        %parallel_loop3A_1738 = vector.shape_cast %parallel_loop3A_1737 : vector<1x16xf32> to vector<16xf32>
        %parallel_loop3A_1739 = arith.constant 14 : i32
        %parallel_loop3A_1740 = arith.addi %parallel_loop3A_123, %parallel_loop3A_1739 : i32
        %parallel_loop3A_1741 = arith.index_cast %parallel_loop3A_1740 : i32 to index
        %parallel_loop3A_1742 = arith.constant 64 : index
        %parallel_loop3A_1743 = tpu.vector_load %arg10[%parallel_loop3A_1741, %parallel_loop3A_1742] {strides = array<i32>} : memref<80x128xf32, #tpu.memory_space<vmem>>, vector<1x16xf32>,
        %parallel_loop3A_1744 = vector.shape_cast %parallel_loop3A_1743 : vector<1x16xf32> to vector<16xf32>
        %parallel_loop3A_1745 = arith.mulf %parallel_loop3A_1738, %parallel_loop3A_1744 : vector<16xf32>
        %parallel_loop3A_1746 = arith.addf %parallel_loop3A_1732, %parallel_loop3A_1745 : vector<16xf32>
        %parallel_loop3A_1747 = arith.constant 14 : i32
        %parallel_loop3A_1748 = arith.addi %parallel_loop3A_123, %parallel_loop3A_1747 : i32
        %parallel_loop3A_1749 = arith.index_cast %parallel_loop3A_1748 : i32 to index
        %parallel_loop3A_1750 = arith.constant 80 : index
        %parallel_loop3A_1751 = tpu.vector_load %arg9[%parallel_loop3A_1749, %parallel_loop3A_1750] {strides = array<i32>} : memref<80x128xf32, #tpu.memory_space<vmem>>, vector<1x16xf32>,
        %parallel_loop3A_1752 = vector.shape_cast %parallel_loop3A_1751 : vector<1x16xf32> to vector<16xf32>
        %parallel_loop3A_1753 = arith.constant 14 : i32
        %parallel_loop3A_1754 = arith.addi %parallel_loop3A_123, %parallel_loop3A_1753 : i32
        %parallel_loop3A_1755 = arith.index_cast %parallel_loop3A_1754 : i32 to index
        %parallel_loop3A_1756 = arith.constant 80 : index
        %parallel_loop3A_1757 = tpu.vector_load %arg10[%parallel_loop3A_1755, %parallel_loop3A_1756] {strides = array<i32>} : memref<80x128xf32, #tpu.memory_space<vmem>>, vector<1x16xf32>,
        %parallel_loop3A_1758 = vector.shape_cast %parallel_loop3A_1757 : vector<1x16xf32> to vector<16xf32>
        %parallel_loop3A_1759 = arith.mulf %parallel_loop3A_1752, %parallel_loop3A_1758 : vector<16xf32>
        %parallel_loop3A_1760 = arith.addf %parallel_loop3A_1746, %parallel_loop3A_1759 : vector<16xf32>
        %parallel_loop3A_1761 = arith.constant 14 : i32
        %parallel_loop3A_1762 = arith.addi %parallel_loop3A_123, %parallel_loop3A_1761 : i32
        %parallel_loop3A_1763 = arith.index_cast %parallel_loop3A_1762 : i32 to index
        %parallel_loop3A_1764 = arith.constant 96 : index
        %parallel_loop3A_1765 = tpu.vector_load %arg9[%parallel_loop3A_1763, %parallel_loop3A_1764] {strides = array<i32>} : memref<80x128xf32, #tpu.memory_space<vmem>>, vector<1x16xf32>,
        %parallel_loop3A_1766 = vector.shape_cast %parallel_loop3A_1765 : vector<1x16xf32> to vector<16xf32>
        %parallel_loop3A_1767 = arith.constant 14 : i32
        %parallel_loop3A_1768 = arith.addi %parallel_loop3A_123, %parallel_loop3A_1767 : i32
        %parallel_loop3A_1769 = arith.index_cast %parallel_loop3A_1768 : i32 to index
        %parallel_loop3A_1770 = arith.constant 96 : index
        %parallel_loop3A_1771 = tpu.vector_load %arg10[%parallel_loop3A_1769, %parallel_loop3A_1770] {strides = array<i32>} : memref<80x128xf32, #tpu.memory_space<vmem>>, vector<1x16xf32>,
        %parallel_loop3A_1772 = vector.shape_cast %parallel_loop3A_1771 : vector<1x16xf32> to vector<16xf32>
        %parallel_loop3A_1773 = arith.mulf %parallel_loop3A_1766, %parallel_loop3A_1772 : vector<16xf32>
        %parallel_loop3A_1774 = arith.addf %parallel_loop3A_1760, %parallel_loop3A_1773 : vector<16xf32>
        %parallel_loop3A_1775 = arith.constant 14 : i32
        %parallel_loop3A_1776 = arith.addi %parallel_loop3A_123, %parallel_loop3A_1775 : i32
        %parallel_loop3A_1777 = arith.index_cast %parallel_loop3A_1776 : i32 to index
        %parallel_loop3A_1778 = arith.constant 112 : index
        %parallel_loop3A_1779 = tpu.vector_load %arg9[%parallel_loop3A_1777, %parallel_loop3A_1778] {strides = array<i32>} : memref<80x128xf32, #tpu.memory_space<vmem>>, vector<1x16xf32>,
        %parallel_loop3A_1780 = vector.shape_cast %parallel_loop3A_1779 : vector<1x16xf32> to vector<16xf32>
        %parallel_loop3A_1781 = arith.constant 14 : i32
        %parallel_loop3A_1782 = arith.addi %parallel_loop3A_123, %parallel_loop3A_1781 : i32
        %parallel_loop3A_1783 = arith.index_cast %parallel_loop3A_1782 : i32 to index
        %parallel_loop3A_1784 = arith.constant 112 : index
        %parallel_loop3A_1785 = tpu.vector_load %arg10[%parallel_loop3A_1783, %parallel_loop3A_1784] {strides = array<i32>} : memref<80x128xf32, #tpu.memory_space<vmem>>, vector<1x16xf32>,
        %parallel_loop3A_1786 = vector.shape_cast %parallel_loop3A_1785 : vector<1x16xf32> to vector<16xf32>
        %parallel_loop3A_1787 = arith.mulf %parallel_loop3A_1780, %parallel_loop3A_1786 : vector<16xf32>
        %parallel_loop3A_1788 = arith.addf %parallel_loop3A_1774, %parallel_loop3A_1787 : vector<16xf32>
        %parallel_loop3A_1789 = arith.constant 15 : i32
        %parallel_loop3A_1790 = arith.addi %parallel_loop3A_123, %parallel_loop3A_1789 : i32
        %parallel_loop3A_1791 = arith.index_cast %parallel_loop3A_1790 : i32 to index
        %parallel_loop3A_1792 = arith.constant 0 : index
        %parallel_loop3A_1793 = tpu.vector_load %arg9[%parallel_loop3A_1791, %parallel_loop3A_1792] {strides = array<i32>} : memref<80x128xf32, #tpu.memory_space<vmem>>, vector<1x16xf32>,
        %parallel_loop3A_1794 = vector.shape_cast %parallel_loop3A_1793 : vector<1x16xf32> to vector<16xf32>
        %parallel_loop3A_1795 = arith.constant 15 : i32
        %parallel_loop3A_1796 = arith.addi %parallel_loop3A_123, %parallel_loop3A_1795 : i32
        %parallel_loop3A_1797 = arith.index_cast %parallel_loop3A_1796 : i32 to index
        %parallel_loop3A_1798 = arith.constant 0 : index
        %parallel_loop3A_1799 = tpu.vector_load %arg10[%parallel_loop3A_1797, %parallel_loop3A_1798] {strides = array<i32>} : memref<80x128xf32, #tpu.memory_space<vmem>>, vector<1x16xf32>,
        %parallel_loop3A_1800 = vector.shape_cast %parallel_loop3A_1799 : vector<1x16xf32> to vector<16xf32>
        %parallel_loop3A_1801 = arith.mulf %parallel_loop3A_1794, %parallel_loop3A_1800 : vector<16xf32>
        %parallel_loop3A_1802 = arith.constant 15 : i32
        %parallel_loop3A_1803 = arith.addi %parallel_loop3A_123, %parallel_loop3A_1802 : i32
        %parallel_loop3A_1804 = arith.index_cast %parallel_loop3A_1803 : i32 to index
        %parallel_loop3A_1805 = arith.constant 16 : index
        %parallel_loop3A_1806 = tpu.vector_load %arg9[%parallel_loop3A_1804, %parallel_loop3A_1805] {strides = array<i32>} : memref<80x128xf32, #tpu.memory_space<vmem>>, vector<1x16xf32>,
        %parallel_loop3A_1807 = vector.shape_cast %parallel_loop3A_1806 : vector<1x16xf32> to vector<16xf32>
        %parallel_loop3A_1808 = arith.constant 15 : i32
        %parallel_loop3A_1809 = arith.addi %parallel_loop3A_123, %parallel_loop3A_1808 : i32
        %parallel_loop3A_1810 = arith.index_cast %parallel_loop3A_1809 : i32 to index
        %parallel_loop3A_1811 = arith.constant 16 : index
        %parallel_loop3A_1812 = tpu.vector_load %arg10[%parallel_loop3A_1810, %parallel_loop3A_1811] {strides = array<i32>} : memref<80x128xf32, #tpu.memory_space<vmem>>, vector<1x16xf32>,
        %parallel_loop3A_1813 = vector.shape_cast %parallel_loop3A_1812 : vector<1x16xf32> to vector<16xf32>
        %parallel_loop3A_1814 = arith.mulf %parallel_loop3A_1807, %parallel_loop3A_1813 : vector<16xf32>
        %parallel_loop3A_1815 = arith.addf %parallel_loop3A_1801, %parallel_loop3A_1814 : vector<16xf32>
        %parallel_loop3A_1816 = arith.constant 15 : i32
        %parallel_loop3A_1817 = arith.addi %parallel_loop3A_123, %parallel_loop3A_1816 : i32
        %parallel_loop3A_1818 = arith.index_cast %parallel_loop3A_1817 : i32 to index
        %parallel_loop3A_1819 = arith.constant 32 : index
        %parallel_loop3A_1820 = tpu.vector_load %arg9[%parallel_loop3A_1818, %parallel_loop3A_1819] {strides = array<i32>} : memref<80x128xf32, #tpu.memory_space<vmem>>, vector<1x16xf32>,
        %parallel_loop3A_1821 = vector.shape_cast %parallel_loop3A_1820 : vector<1x16xf32> to vector<16xf32>
        %parallel_loop3A_1822 = arith.constant 15 : i32
        %parallel_loop3A_1823 = arith.addi %parallel_loop3A_123, %parallel_loop3A_1822 : i32
        %parallel_loop3A_1824 = arith.index_cast %parallel_loop3A_1823 : i32 to index
        %parallel_loop3A_1825 = arith.constant 32 : index
        %parallel_loop3A_1826 = tpu.vector_load %arg10[%parallel_loop3A_1824, %parallel_loop3A_1825] {strides = array<i32>} : memref<80x128xf32, #tpu.memory_space<vmem>>, vector<1x16xf32>,
        %parallel_loop3A_1827 = vector.shape_cast %parallel_loop3A_1826 : vector<1x16xf32> to vector<16xf32>
        %parallel_loop3A_1828 = arith.mulf %parallel_loop3A_1821, %parallel_loop3A_1827 : vector<16xf32>
        %parallel_loop3A_1829 = arith.addf %parallel_loop3A_1815, %parallel_loop3A_1828 : vector<16xf32>
        %parallel_loop3A_1830 = arith.constant 15 : i32
        %parallel_loop3A_1831 = arith.addi %parallel_loop3A_123, %parallel_loop3A_1830 : i32
        %parallel_loop3A_1832 = arith.index_cast %parallel_loop3A_1831 : i32 to index
        %parallel_loop3A_1833 = arith.constant 48 : index
        %parallel_loop3A_1834 = tpu.vector_load %arg9[%parallel_loop3A_1832, %parallel_loop3A_1833] {strides = array<i32>} : memref<80x128xf32, #tpu.memory_space<vmem>>, vector<1x16xf32>,
        %parallel_loop3A_1835 = vector.shape_cast %parallel_loop3A_1834 : vector<1x16xf32> to vector<16xf32>
        %parallel_loop3A_1836 = arith.constant 15 : i32
        %parallel_loop3A_1837 = arith.addi %parallel_loop3A_123, %parallel_loop3A_1836 : i32
        %parallel_loop3A_1838 = arith.index_cast %parallel_loop3A_1837 : i32 to index
        %parallel_loop3A_1839 = arith.constant 48 : index
        %parallel_loop3A_1840 = tpu.vector_load %arg10[%parallel_loop3A_1838, %parallel_loop3A_1839] {strides = array<i32>} : memref<80x128xf32, #tpu.memory_space<vmem>>, vector<1x16xf32>,
        %parallel_loop3A_1841 = vector.shape_cast %parallel_loop3A_1840 : vector<1x16xf32> to vector<16xf32>
        %parallel_loop3A_1842 = arith.mulf %parallel_loop3A_1835, %parallel_loop3A_1841 : vector<16xf32>
        %parallel_loop3A_1843 = arith.addf %parallel_loop3A_1829, %parallel_loop3A_1842 : vector<16xf32>
        %parallel_loop3A_1844 = arith.constant 15 : i32
        %parallel_loop3A_1845 = arith.addi %parallel_loop3A_123, %parallel_loop3A_1844 : i32
        %parallel_loop3A_1846 = arith.index_cast %parallel_loop3A_1845 : i32 to index
        %parallel_loop3A_1847 = arith.constant 64 : index
        %parallel_loop3A_1848 = tpu.vector_load %arg9[%parallel_loop3A_1846, %parallel_loop3A_1847] {strides = array<i32>} : memref<80x128xf32, #tpu.memory_space<vmem>>, vector<1x16xf32>,
        %parallel_loop3A_1849 = vector.shape_cast %parallel_loop3A_1848 : vector<1x16xf32> to vector<16xf32>
        %parallel_loop3A_1850 = arith.constant 15 : i32
        %parallel_loop3A_1851 = arith.addi %parallel_loop3A_123, %parallel_loop3A_1850 : i32
        %parallel_loop3A_1852 = arith.index_cast %parallel_loop3A_1851 : i32 to index
        %parallel_loop3A_1853 = arith.constant 64 : index
        %parallel_loop3A_1854 = tpu.vector_load %arg10[%parallel_loop3A_1852, %parallel_loop3A_1853] {strides = array<i32>} : memref<80x128xf32, #tpu.memory_space<vmem>>, vector<1x16xf32>,
        %parallel_loop3A_1855 = vector.shape_cast %parallel_loop3A_1854 : vector<1x16xf32> to vector<16xf32>
        %parallel_loop3A_1856 = arith.mulf %parallel_loop3A_1849, %parallel_loop3A_1855 : vector<16xf32>
        %parallel_loop3A_1857 = arith.addf %parallel_loop3A_1843, %parallel_loop3A_1856 : vector<16xf32>
        %parallel_loop3A_1858 = arith.constant 15 : i32
        %parallel_loop3A_1859 = arith.addi %parallel_loop3A_123, %parallel_loop3A_1858 : i32
        %parallel_loop3A_1860 = arith.index_cast %parallel_loop3A_1859 : i32 to index
        %parallel_loop3A_1861 = arith.constant 80 : index
        %parallel_loop3A_1862 = tpu.vector_load %arg9[%parallel_loop3A_1860, %parallel_loop3A_1861] {strides = array<i32>} : memref<80x128xf32, #tpu.memory_space<vmem>>, vector<1x16xf32>,
        %parallel_loop3A_1863 = vector.shape_cast %parallel_loop3A_1862 : vector<1x16xf32> to vector<16xf32>
        %parallel_loop3A_1864 = arith.constant 15 : i32
        %parallel_loop3A_1865 = arith.addi %parallel_loop3A_123, %parallel_loop3A_1864 : i32
        %parallel_loop3A_1866 = arith.index_cast %parallel_loop3A_1865 : i32 to index
        %parallel_loop3A_1867 = arith.constant 80 : index
        %parallel_loop3A_1868 = tpu.vector_load %arg10[%parallel_loop3A_1866, %parallel_loop3A_1867] {strides = array<i32>} : memref<80x128xf32, #tpu.memory_space<vmem>>, vector<1x16xf32>,
        %parallel_loop3A_1869 = vector.shape_cast %parallel_loop3A_1868 : vector<1x16xf32> to vector<16xf32>
        %parallel_loop3A_1870 = arith.mulf %parallel_loop3A_1863, %parallel_loop3A_1869 : vector<16xf32>
        %parallel_loop3A_1871 = arith.addf %parallel_loop3A_1857, %parallel_loop3A_1870 : vector<16xf32>
        %parallel_loop3A_1872 = arith.constant 15 : i32
        %parallel_loop3A_1873 = arith.addi %parallel_loop3A_123, %parallel_loop3A_1872 : i32
        %parallel_loop3A_1874 = arith.index_cast %parallel_loop3A_1873 : i32 to index
        %parallel_loop3A_1875 = arith.constant 96 : index
        %parallel_loop3A_1876 = tpu.vector_load %arg9[%parallel_loop3A_1874, %parallel_loop3A_1875] {strides = array<i32>} : memref<80x128xf32, #tpu.memory_space<vmem>>, vector<1x16xf32>,
        %parallel_loop3A_1877 = vector.shape_cast %parallel_loop3A_1876 : vector<1x16xf32> to vector<16xf32>
        %parallel_loop3A_1878 = arith.constant 15 : i32
        %parallel_loop3A_1879 = arith.addi %parallel_loop3A_123, %parallel_loop3A_1878 : i32
        %parallel_loop3A_1880 = arith.index_cast %parallel_loop3A_1879 : i32 to index
        %parallel_loop3A_1881 = arith.constant 96 : index
        %parallel_loop3A_1882 = tpu.vector_load %arg10[%parallel_loop3A_1880, %parallel_loop3A_1881] {strides = array<i32>} : memref<80x128xf32, #tpu.memory_space<vmem>>, vector<1x16xf32>,
        %parallel_loop3A_1883 = vector.shape_cast %parallel_loop3A_1882 : vector<1x16xf32> to vector<16xf32>
        %parallel_loop3A_1884 = arith.mulf %parallel_loop3A_1877, %parallel_loop3A_1883 : vector<16xf32>
        %parallel_loop3A_1885 = arith.addf %parallel_loop3A_1871, %parallel_loop3A_1884 : vector<16xf32>
        %parallel_loop3A_1886 = arith.constant 15 : i32
        %parallel_loop3A_1887 = arith.addi %parallel_loop3A_123, %parallel_loop3A_1886 : i32
        %parallel_loop3A_1888 = arith.index_cast %parallel_loop3A_1887 : i32 to index
        %parallel_loop3A_1889 = arith.constant 112 : index
        %parallel_loop3A_1890 = tpu.vector_load %arg9[%parallel_loop3A_1888, %parallel_loop3A_1889] {strides = array<i32>} : memref<80x128xf32, #tpu.memory_space<vmem>>, vector<1x16xf32>,
        %parallel_loop3A_1891 = vector.shape_cast %parallel_loop3A_1890 : vector<1x16xf32> to vector<16xf32>
        %parallel_loop3A_1892 = arith.constant 15 : i32
        %parallel_loop3A_1893 = arith.addi %parallel_loop3A_123, %parallel_loop3A_1892 : i32
        %parallel_loop3A_1894 = arith.index_cast %parallel_loop3A_1893 : i32 to index
        %parallel_loop3A_1895 = arith.constant 112 : index
        %parallel_loop3A_1896 = tpu.vector_load %arg10[%parallel_loop3A_1894, %parallel_loop3A_1895] {strides = array<i32>} : memref<80x128xf32, #tpu.memory_space<vmem>>, vector<1x16xf32>,
        %parallel_loop3A_1897 = vector.shape_cast %parallel_loop3A_1896 : vector<1x16xf32> to vector<16xf32>
        %parallel_loop3A_1898 = arith.mulf %parallel_loop3A_1891, %parallel_loop3A_1897 : vector<16xf32>
        %parallel_loop3A_1899 = arith.addf %parallel_loop3A_1885, %parallel_loop3A_1898 : vector<16xf32>
        %parallel_loop3A_1900 = arith.constant 8 : i32
        %parallel_loop3A_1901 = vector.broadcast %parallel_loop3A_1900 : i32 to vector<16xi32>
        %parallel_loop3A_1902 = arith.andi %iota3A, %parallel_loop3A_1901 : vector<16xi32>
        %parallel_loop3A_1903 = arith.constant 0 : i32
        %parallel_loop3A_1904 = vector.broadcast %parallel_loop3A_1903 : i32 to vector<16xi32>
        %parallel_loop3A_1905 = arith.cmpi eq, %parallel_loop3A_1902, %parallel_loop3A_1904 : vector<16xi32>
        %parallel_loop3A_1906 = arith.constant 8 : i32
        %parallel_loop3A_1907 = vector.broadcast %parallel_loop3A_1906 : i32 to vector<16xi32>
        %parallel_loop3A_1908 = arith.xori %iota3A, %parallel_loop3A_1907 : vector<16xi32>
        %parallel_loop3A_1909 = vector.shape_cast %parallel_loop3A_1908 : vector<16xi32> to vector<16x1xi32>
        %parallel_loop3A_1910 = vector.shape_cast %parallel_loop3A_1909 : vector<16x1xi32> to vector<16xi32>
        %parallel_loop3A_1911 = tpu.dynamic_gather %parallel_loop3A_234[%parallel_loop3A_1910] in [0] : vector<16xf32>, vector<16xi32> -> vector<16xf32>
        %parallel_loop3A_1912 = arith.constant 8 : i32
        %parallel_loop3A_1913 = vector.broadcast %parallel_loop3A_1912 : i32 to vector<16xi32>
        %parallel_loop3A_1914 = arith.xori %iota3A, %parallel_loop3A_1913 : vector<16xi32>
        %parallel_loop3A_1915 = vector.shape_cast %parallel_loop3A_1914 : vector<16xi32> to vector<16x1xi32>
        %parallel_loop3A_1916 = vector.shape_cast %parallel_loop3A_1915 : vector<16x1xi32> to vector<16xi32>
        %parallel_loop3A_1917 = tpu.dynamic_gather %parallel_loop3A_1122[%parallel_loop3A_1916] in [0] : vector<16xf32>, vector<16xi32> -> vector<16xf32>
        %parallel_loop3A_1918 = arith.select %parallel_loop3A_1905, %parallel_loop3A_234, %parallel_loop3A_1917 : vector<16xi1>, vector<16xf32>
        %parallel_loop3A_1919 = arith.select %parallel_loop3A_1905, %parallel_loop3A_1911, %parallel_loop3A_1122 : vector<16xi1>, vector<16xf32>
        %parallel_loop3A_1920 = arith.addf %parallel_loop3A_1918, %parallel_loop3A_1919 : vector<16xf32>
        %parallel_loop3A_1921 = arith.constant 8 : i32
        %parallel_loop3A_1922 = vector.broadcast %parallel_loop3A_1921 : i32 to vector<16xi32>
        %parallel_loop3A_1923 = arith.andi %iota3A, %parallel_loop3A_1922 : vector<16xi32>
        %parallel_loop3A_1924 = arith.constant 0 : i32
        %parallel_loop3A_1925 = vector.broadcast %parallel_loop3A_1924 : i32 to vector<16xi32>
        %parallel_loop3A_1926 = arith.cmpi eq, %parallel_loop3A_1923, %parallel_loop3A_1925 : vector<16xi32>
        %parallel_loop3A_1927 = arith.constant 8 : i32
        %parallel_loop3A_1928 = vector.broadcast %parallel_loop3A_1927 : i32 to vector<16xi32>
        %parallel_loop3A_1929 = arith.xori %iota3A, %parallel_loop3A_1928 : vector<16xi32>
        %parallel_loop3A_1930 = vector.shape_cast %parallel_loop3A_1929 : vector<16xi32> to vector<16x1xi32>
        %parallel_loop3A_1931 = vector.shape_cast %parallel_loop3A_1930 : vector<16x1xi32> to vector<16xi32>
        %parallel_loop3A_1932 = tpu.dynamic_gather %parallel_loop3A_678[%parallel_loop3A_1931] in [0] : vector<16xf32>, vector<16xi32> -> vector<16xf32>
        %parallel_loop3A_1933 = arith.constant 8 : i32
        %parallel_loop3A_1934 = vector.broadcast %parallel_loop3A_1933 : i32 to vector<16xi32>
        %parallel_loop3A_1935 = arith.xori %iota3A, %parallel_loop3A_1934 : vector<16xi32>
        %parallel_loop3A_1936 = vector.shape_cast %parallel_loop3A_1935 : vector<16xi32> to vector<16x1xi32>
        %parallel_loop3A_1937 = vector.shape_cast %parallel_loop3A_1936 : vector<16x1xi32> to vector<16xi32>
        %parallel_loop3A_1938 = tpu.dynamic_gather %parallel_loop3A_1566[%parallel_loop3A_1937] in [0] : vector<16xf32>, vector<16xi32> -> vector<16xf32>
        %parallel_loop3A_1939 = arith.select %parallel_loop3A_1926, %parallel_loop3A_678, %parallel_loop3A_1938 : vector<16xi1>, vector<16xf32>
        %parallel_loop3A_1940 = arith.select %parallel_loop3A_1926, %parallel_loop3A_1932, %parallel_loop3A_1566 : vector<16xi1>, vector<16xf32>
        %parallel_loop3A_1941 = arith.addf %parallel_loop3A_1939, %parallel_loop3A_1940 : vector<16xf32>
        %parallel_loop3A_1942 = arith.constant 8 : i32
        %parallel_loop3A_1943 = vector.broadcast %parallel_loop3A_1942 : i32 to vector<16xi32>
        %parallel_loop3A_1944 = arith.andi %iota3A, %parallel_loop3A_1943 : vector<16xi32>
        %parallel_loop3A_1945 = arith.constant 0 : i32
        %parallel_loop3A_1946 = vector.broadcast %parallel_loop3A_1945 : i32 to vector<16xi32>
        %parallel_loop3A_1947 = arith.cmpi eq, %parallel_loop3A_1944, %parallel_loop3A_1946 : vector<16xi32>
        %parallel_loop3A_1948 = arith.constant 8 : i32
        %parallel_loop3A_1949 = vector.broadcast %parallel_loop3A_1948 : i32 to vector<16xi32>
        %parallel_loop3A_1950 = arith.xori %iota3A, %parallel_loop3A_1949 : vector<16xi32>
        %parallel_loop3A_1951 = vector.shape_cast %parallel_loop3A_1950 : vector<16xi32> to vector<16x1xi32>
        %parallel_loop3A_1952 = vector.shape_cast %parallel_loop3A_1951 : vector<16x1xi32> to vector<16xi32>
        %parallel_loop3A_1953 = tpu.dynamic_gather %parallel_loop3A_456[%parallel_loop3A_1952] in [0] : vector<16xf32>, vector<16xi32> -> vector<16xf32>
        %parallel_loop3A_1954 = arith.constant 8 : i32
        %parallel_loop3A_1955 = vector.broadcast %parallel_loop3A_1954 : i32 to vector<16xi32>
        %parallel_loop3A_1956 = arith.xori %iota3A, %parallel_loop3A_1955 : vector<16xi32>
        %parallel_loop3A_1957 = vector.shape_cast %parallel_loop3A_1956 : vector<16xi32> to vector<16x1xi32>
        %parallel_loop3A_1958 = vector.shape_cast %parallel_loop3A_1957 : vector<16x1xi32> to vector<16xi32>
        %parallel_loop3A_1959 = tpu.dynamic_gather %parallel_loop3A_1344[%parallel_loop3A_1958] in [0] : vector<16xf32>, vector<16xi32> -> vector<16xf32>
        %parallel_loop3A_1960 = arith.select %parallel_loop3A_1947, %parallel_loop3A_456, %parallel_loop3A_1959 : vector<16xi1>, vector<16xf32>
        %parallel_loop3A_1961 = arith.select %parallel_loop3A_1947, %parallel_loop3A_1953, %parallel_loop3A_1344 : vector<16xi1>, vector<16xf32>
        %parallel_loop3A_1962 = arith.addf %parallel_loop3A_1960, %parallel_loop3A_1961 : vector<16xf32>
        %parallel_loop3A_1963 = arith.constant 8 : i32
        %parallel_loop3A_1964 = vector.broadcast %parallel_loop3A_1963 : i32 to vector<16xi32>
        %parallel_loop3A_1965 = arith.andi %iota3A, %parallel_loop3A_1964 : vector<16xi32>
        %parallel_loop3A_1966 = arith.constant 0 : i32
        %parallel_loop3A_1967 = vector.broadcast %parallel_loop3A_1966 : i32 to vector<16xi32>
        %parallel_loop3A_1968 = arith.cmpi eq, %parallel_loop3A_1965, %parallel_loop3A_1967 : vector<16xi32>
        %parallel_loop3A_1969 = arith.constant 8 : i32
        %parallel_loop3A_1970 = vector.broadcast %parallel_loop3A_1969 : i32 to vector<16xi32>
        %parallel_loop3A_1971 = arith.xori %iota3A, %parallel_loop3A_1970 : vector<16xi32>
        %parallel_loop3A_1972 = vector.shape_cast %parallel_loop3A_1971 : vector<16xi32> to vector<16x1xi32>
        %parallel_loop3A_1973 = vector.shape_cast %parallel_loop3A_1972 : vector<16x1xi32> to vector<16xi32>
        %parallel_loop3A_1974 = tpu.dynamic_gather %parallel_loop3A_900[%parallel_loop3A_1973] in [0] : vector<16xf32>, vector<16xi32> -> vector<16xf32>
        %parallel_loop3A_1975 = arith.constant 8 : i32
        %parallel_loop3A_1976 = vector.broadcast %parallel_loop3A_1975 : i32 to vector<16xi32>
        %parallel_loop3A_1977 = arith.xori %iota3A, %parallel_loop3A_1976 : vector<16xi32>
        %parallel_loop3A_1978 = vector.shape_cast %parallel_loop3A_1977 : vector<16xi32> to vector<16x1xi32>
        %parallel_loop3A_1979 = vector.shape_cast %parallel_loop3A_1978 : vector<16x1xi32> to vector<16xi32>
        %parallel_loop3A_1980 = tpu.dynamic_gather %parallel_loop3A_1788[%parallel_loop3A_1979] in [0] : vector<16xf32>, vector<16xi32> -> vector<16xf32>
        %parallel_loop3A_1981 = arith.select %parallel_loop3A_1968, %parallel_loop3A_900, %parallel_loop3A_1980 : vector<16xi1>, vector<16xf32>
        %parallel_loop3A_1982 = arith.select %parallel_loop3A_1968, %parallel_loop3A_1974, %parallel_loop3A_1788 : vector<16xi1>, vector<16xf32>
        %parallel_loop3A_1983 = arith.addf %parallel_loop3A_1981, %parallel_loop3A_1982 : vector<16xf32>
        %parallel_loop3A_1984 = arith.constant 8 : i32
        %parallel_loop3A_1985 = vector.broadcast %parallel_loop3A_1984 : i32 to vector<16xi32>
        %parallel_loop3A_1986 = arith.andi %iota3A, %parallel_loop3A_1985 : vector<16xi32>
        %parallel_loop3A_1987 = arith.constant 0 : i32
        %parallel_loop3A_1988 = vector.broadcast %parallel_loop3A_1987 : i32 to vector<16xi32>
        %parallel_loop3A_1989 = arith.cmpi eq, %parallel_loop3A_1986, %parallel_loop3A_1988 : vector<16xi32>
        %parallel_loop3A_1990 = arith.constant 8 : i32
        %parallel_loop3A_1991 = vector.broadcast %parallel_loop3A_1990 : i32 to vector<16xi32>
        %parallel_loop3A_1992 = arith.xori %iota3A, %parallel_loop3A_1991 : vector<16xi32>
        %parallel_loop3A_1993 = vector.shape_cast %parallel_loop3A_1992 : vector<16xi32> to vector<16x1xi32>
        %parallel_loop3A_1994 = vector.shape_cast %parallel_loop3A_1993 : vector<16x1xi32> to vector<16xi32>
        %parallel_loop3A_1995 = tpu.dynamic_gather %parallel_loop3A_345[%parallel_loop3A_1994] in [0] : vector<16xf32>, vector<16xi32> -> vector<16xf32>
        %parallel_loop3A_1996 = arith.constant 8 : i32
        %parallel_loop3A_1997 = vector.broadcast %parallel_loop3A_1996 : i32 to vector<16xi32>
        %parallel_loop3A_1998 = arith.xori %iota3A, %parallel_loop3A_1997 : vector<16xi32>
        %parallel_loop3A_1999 = vector.shape_cast %parallel_loop3A_1998 : vector<16xi32> to vector<16x1xi32>
        %parallel_loop3A_2000 = vector.shape_cast %parallel_loop3A_1999 : vector<16x1xi32> to vector<16xi32>
        %parallel_loop3A_2001 = tpu.dynamic_gather %parallel_loop3A_1233[%parallel_loop3A_2000] in [0] : vector<16xf32>, vector<16xi32> -> vector<16xf32>
        %parallel_loop3A_2002 = arith.select %parallel_loop3A_1989, %parallel_loop3A_345, %parallel_loop3A_2001 : vector<16xi1>, vector<16xf32>
        %parallel_loop3A_2003 = arith.select %parallel_loop3A_1989, %parallel_loop3A_1995, %parallel_loop3A_1233 : vector<16xi1>, vector<16xf32>
        %parallel_loop3A_2004 = arith.addf %parallel_loop3A_2002, %parallel_loop3A_2003 : vector<16xf32>
        %parallel_loop3A_2005 = arith.constant 8 : i32
        %parallel_loop3A_2006 = vector.broadcast %parallel_loop3A_2005 : i32 to vector<16xi32>
        %parallel_loop3A_2007 = arith.andi %iota3A, %parallel_loop3A_2006 : vector<16xi32>
        %parallel_loop3A_2008 = arith.constant 0 : i32
        %parallel_loop3A_2009 = vector.broadcast %parallel_loop3A_2008 : i32 to vector<16xi32>
        %parallel_loop3A_2010 = arith.cmpi eq, %parallel_loop3A_2007, %parallel_loop3A_2009 : vector<16xi32>
        %parallel_loop3A_2011 = arith.constant 8 : i32
        %parallel_loop3A_2012 = vector.broadcast %parallel_loop3A_2011 : i32 to vector<16xi32>
        %parallel_loop3A_2013 = arith.xori %iota3A, %parallel_loop3A_2012 : vector<16xi32>
        %parallel_loop3A_2014 = vector.shape_cast %parallel_loop3A_2013 : vector<16xi32> to vector<16x1xi32>
        %parallel_loop3A_2015 = vector.shape_cast %parallel_loop3A_2014 : vector<16x1xi32> to vector<16xi32>
        %parallel_loop3A_2016 = tpu.dynamic_gather %parallel_loop3A_789[%parallel_loop3A_2015] in [0] : vector<16xf32>, vector<16xi32> -> vector<16xf32>
        %parallel_loop3A_2017 = arith.constant 8 : i32
        %parallel_loop3A_2018 = vector.broadcast %parallel_loop3A_2017 : i32 to vector<16xi32>
        %parallel_loop3A_2019 = arith.xori %iota3A, %parallel_loop3A_2018 : vector<16xi32>
        %parallel_loop3A_2020 = vector.shape_cast %parallel_loop3A_2019 : vector<16xi32> to vector<16x1xi32>
        %parallel_loop3A_2021 = vector.shape_cast %parallel_loop3A_2020 : vector<16x1xi32> to vector<16xi32>
        %parallel_loop3A_2022 = tpu.dynamic_gather %parallel_loop3A_1677[%parallel_loop3A_2021] in [0] : vector<16xf32>, vector<16xi32> -> vector<16xf32>
        %parallel_loop3A_2023 = arith.select %parallel_loop3A_2010, %parallel_loop3A_789, %parallel_loop3A_2022 : vector<16xi1>, vector<16xf32>
        %parallel_loop3A_2024 = arith.select %parallel_loop3A_2010, %parallel_loop3A_2016, %parallel_loop3A_1677 : vector<16xi1>, vector<16xf32>
        %parallel_loop3A_2025 = arith.addf %parallel_loop3A_2023, %parallel_loop3A_2024 : vector<16xf32>
        %parallel_loop3A_2026 = arith.constant 8 : i32
        %parallel_loop3A_2027 = vector.broadcast %parallel_loop3A_2026 : i32 to vector<16xi32>
        %parallel_loop3A_2028 = arith.andi %iota3A, %parallel_loop3A_2027 : vector<16xi32>
        %parallel_loop3A_2029 = arith.constant 0 : i32
        %parallel_loop3A_2030 = vector.broadcast %parallel_loop3A_2029 : i32 to vector<16xi32>
        %parallel_loop3A_2031 = arith.cmpi eq, %parallel_loop3A_2028, %parallel_loop3A_2030 : vector<16xi32>
        %parallel_loop3A_2032 = arith.constant 8 : i32
        %parallel_loop3A_2033 = vector.broadcast %parallel_loop3A_2032 : i32 to vector<16xi32>
        %parallel_loop3A_2034 = arith.xori %iota3A, %parallel_loop3A_2033 : vector<16xi32>
        %parallel_loop3A_2035 = vector.shape_cast %parallel_loop3A_2034 : vector<16xi32> to vector<16x1xi32>
        %parallel_loop3A_2036 = vector.shape_cast %parallel_loop3A_2035 : vector<16x1xi32> to vector<16xi32>
        %parallel_loop3A_2037 = tpu.dynamic_gather %parallel_loop3A_567[%parallel_loop3A_2036] in [0] : vector<16xf32>, vector<16xi32> -> vector<16xf32>
        %parallel_loop3A_2038 = arith.constant 8 : i32
        %parallel_loop3A_2039 = vector.broadcast %parallel_loop3A_2038 : i32 to vector<16xi32>
        %parallel_loop3A_2040 = arith.xori %iota3A, %parallel_loop3A_2039 : vector<16xi32>
        %parallel_loop3A_2041 = vector.shape_cast %parallel_loop3A_2040 : vector<16xi32> to vector<16x1xi32>
        %parallel_loop3A_2042 = vector.shape_cast %parallel_loop3A_2041 : vector<16x1xi32> to vector<16xi32>
        %parallel_loop3A_2043 = tpu.dynamic_gather %parallel_loop3A_1455[%parallel_loop3A_2042] in [0] : vector<16xf32>, vector<16xi32> -> vector<16xf32>
        %parallel_loop3A_2044 = arith.select %parallel_loop3A_2031, %parallel_loop3A_567, %parallel_loop3A_2043 : vector<16xi1>, vector<16xf32>
        %parallel_loop3A_2045 = arith.select %parallel_loop3A_2031, %parallel_loop3A_2037, %parallel_loop3A_1455 : vector<16xi1>, vector<16xf32>
        %parallel_loop3A_2046 = arith.addf %parallel_loop3A_2044, %parallel_loop3A_2045 : vector<16xf32>
        %parallel_loop3A_2047 = arith.constant 8 : i32
        %parallel_loop3A_2048 = vector.broadcast %parallel_loop3A_2047 : i32 to vector<16xi32>
        %parallel_loop3A_2049 = arith.andi %iota3A, %parallel_loop3A_2048 : vector<16xi32>
        %parallel_loop3A_2050 = arith.constant 0 : i32
        %parallel_loop3A_2051 = vector.broadcast %parallel_loop3A_2050 : i32 to vector<16xi32>
        %parallel_loop3A_2052 = arith.cmpi eq, %parallel_loop3A_2049, %parallel_loop3A_2051 : vector<16xi32>
        %parallel_loop3A_2053 = arith.constant 8 : i32
        %parallel_loop3A_2054 = vector.broadcast %parallel_loop3A_2053 : i32 to vector<16xi32>
        %parallel_loop3A_2055 = arith.xori %iota3A, %parallel_loop3A_2054 : vector<16xi32>
        %parallel_loop3A_2056 = vector.shape_cast %parallel_loop3A_2055 : vector<16xi32> to vector<16x1xi32>
        %parallel_loop3A_2057 = vector.shape_cast %parallel_loop3A_2056 : vector<16x1xi32> to vector<16xi32>
        %parallel_loop3A_2058 = tpu.dynamic_gather %parallel_loop3A_1011[%parallel_loop3A_2057] in [0] : vector<16xf32>, vector<16xi32> -> vector<16xf32>
        %parallel_loop3A_2059 = arith.constant 8 : i32
        %parallel_loop3A_2060 = vector.broadcast %parallel_loop3A_2059 : i32 to vector<16xi32>
        %parallel_loop3A_2061 = arith.xori %iota3A, %parallel_loop3A_2060 : vector<16xi32>
        %parallel_loop3A_2062 = vector.shape_cast %parallel_loop3A_2061 : vector<16xi32> to vector<16x1xi32>
        %parallel_loop3A_2063 = vector.shape_cast %parallel_loop3A_2062 : vector<16x1xi32> to vector<16xi32>
        %parallel_loop3A_2064 = tpu.dynamic_gather %parallel_loop3A_1899[%parallel_loop3A_2063] in [0] : vector<16xf32>, vector<16xi32> -> vector<16xf32>
        %parallel_loop3A_2065 = arith.select %parallel_loop3A_2052, %parallel_loop3A_1011, %parallel_loop3A_2064 : vector<16xi1>, vector<16xf32>
        %parallel_loop3A_2066 = arith.select %parallel_loop3A_2052, %parallel_loop3A_2058, %parallel_loop3A_1899 : vector<16xi1>, vector<16xf32>
        %parallel_loop3A_2067 = arith.addf %parallel_loop3A_2065, %parallel_loop3A_2066 : vector<16xf32>
        %parallel_loop3A_2068 = arith.constant 4 : i32
        %parallel_loop3A_2069 = vector.broadcast %parallel_loop3A_2068 : i32 to vector<16xi32>
        %parallel_loop3A_2070 = arith.andi %iota3A, %parallel_loop3A_2069 : vector<16xi32>
        %parallel_loop3A_2071 = arith.constant 0 : i32
        %parallel_loop3A_2072 = vector.broadcast %parallel_loop3A_2071 : i32 to vector<16xi32>
        %parallel_loop3A_2073 = arith.cmpi eq, %parallel_loop3A_2070, %parallel_loop3A_2072 : vector<16xi32>
        %parallel_loop3A_2074 = arith.constant 4 : i32
        %parallel_loop3A_2075 = vector.broadcast %parallel_loop3A_2074 : i32 to vector<16xi32>
        %parallel_loop3A_2076 = arith.xori %iota3A, %parallel_loop3A_2075 : vector<16xi32>
        %parallel_loop3A_2077 = vector.shape_cast %parallel_loop3A_2076 : vector<16xi32> to vector<16x1xi32>
        %parallel_loop3A_2078 = vector.shape_cast %parallel_loop3A_2077 : vector<16x1xi32> to vector<16xi32>
        %parallel_loop3A_2079 = tpu.dynamic_gather %parallel_loop3A_1920[%parallel_loop3A_2078] in [0] : vector<16xf32>, vector<16xi32> -> vector<16xf32>
        %parallel_loop3A_2080 = arith.constant 4 : i32
        %parallel_loop3A_2081 = vector.broadcast %parallel_loop3A_2080 : i32 to vector<16xi32>
        %parallel_loop3A_2082 = arith.xori %iota3A, %parallel_loop3A_2081 : vector<16xi32>
        %parallel_loop3A_2083 = vector.shape_cast %parallel_loop3A_2082 : vector<16xi32> to vector<16x1xi32>
        %parallel_loop3A_2084 = vector.shape_cast %parallel_loop3A_2083 : vector<16x1xi32> to vector<16xi32>
        %parallel_loop3A_2085 = tpu.dynamic_gather %parallel_loop3A_1941[%parallel_loop3A_2084] in [0] : vector<16xf32>, vector<16xi32> -> vector<16xf32>
        %parallel_loop3A_2086 = arith.select %parallel_loop3A_2073, %parallel_loop3A_1920, %parallel_loop3A_2085 : vector<16xi1>, vector<16xf32>
        %parallel_loop3A_2087 = arith.select %parallel_loop3A_2073, %parallel_loop3A_2079, %parallel_loop3A_1941 : vector<16xi1>, vector<16xf32>
        %parallel_loop3A_2088 = arith.addf %parallel_loop3A_2086, %parallel_loop3A_2087 : vector<16xf32>
        %parallel_loop3A_2089 = arith.constant 4 : i32
        %parallel_loop3A_2090 = vector.broadcast %parallel_loop3A_2089 : i32 to vector<16xi32>
        %parallel_loop3A_2091 = arith.andi %iota3A, %parallel_loop3A_2090 : vector<16xi32>
        %parallel_loop3A_2092 = arith.constant 0 : i32
        %parallel_loop3A_2093 = vector.broadcast %parallel_loop3A_2092 : i32 to vector<16xi32>
        %parallel_loop3A_2094 = arith.cmpi eq, %parallel_loop3A_2091, %parallel_loop3A_2093 : vector<16xi32>
        %parallel_loop3A_2095 = arith.constant 4 : i32
        %parallel_loop3A_2096 = vector.broadcast %parallel_loop3A_2095 : i32 to vector<16xi32>
        %parallel_loop3A_2097 = arith.xori %iota3A, %parallel_loop3A_2096 : vector<16xi32>
        %parallel_loop3A_2098 = vector.shape_cast %parallel_loop3A_2097 : vector<16xi32> to vector<16x1xi32>
        %parallel_loop3A_2099 = vector.shape_cast %parallel_loop3A_2098 : vector<16x1xi32> to vector<16xi32>
        %parallel_loop3A_2100 = tpu.dynamic_gather %parallel_loop3A_1962[%parallel_loop3A_2099] in [0] : vector<16xf32>, vector<16xi32> -> vector<16xf32>
        %parallel_loop3A_2101 = arith.constant 4 : i32
        %parallel_loop3A_2102 = vector.broadcast %parallel_loop3A_2101 : i32 to vector<16xi32>
        %parallel_loop3A_2103 = arith.xori %iota3A, %parallel_loop3A_2102 : vector<16xi32>
        %parallel_loop3A_2104 = vector.shape_cast %parallel_loop3A_2103 : vector<16xi32> to vector<16x1xi32>
        %parallel_loop3A_2105 = vector.shape_cast %parallel_loop3A_2104 : vector<16x1xi32> to vector<16xi32>
        %parallel_loop3A_2106 = tpu.dynamic_gather %parallel_loop3A_1983[%parallel_loop3A_2105] in [0] : vector<16xf32>, vector<16xi32> -> vector<16xf32>
        %parallel_loop3A_2107 = arith.select %parallel_loop3A_2094, %parallel_loop3A_1962, %parallel_loop3A_2106 : vector<16xi1>, vector<16xf32>
        %parallel_loop3A_2108 = arith.select %parallel_loop3A_2094, %parallel_loop3A_2100, %parallel_loop3A_1983 : vector<16xi1>, vector<16xf32>
        %parallel_loop3A_2109 = arith.addf %parallel_loop3A_2107, %parallel_loop3A_2108 : vector<16xf32>
        %parallel_loop3A_2110 = arith.constant 4 : i32
        %parallel_loop3A_2111 = vector.broadcast %parallel_loop3A_2110 : i32 to vector<16xi32>
        %parallel_loop3A_2112 = arith.andi %iota3A, %parallel_loop3A_2111 : vector<16xi32>
        %parallel_loop3A_2113 = arith.constant 0 : i32
        %parallel_loop3A_2114 = vector.broadcast %parallel_loop3A_2113 : i32 to vector<16xi32>
        %parallel_loop3A_2115 = arith.cmpi eq, %parallel_loop3A_2112, %parallel_loop3A_2114 : vector<16xi32>
        %parallel_loop3A_2116 = arith.constant 4 : i32
        %parallel_loop3A_2117 = vector.broadcast %parallel_loop3A_2116 : i32 to vector<16xi32>
        %parallel_loop3A_2118 = arith.xori %iota3A, %parallel_loop3A_2117 : vector<16xi32>
        %parallel_loop3A_2119 = vector.shape_cast %parallel_loop3A_2118 : vector<16xi32> to vector<16x1xi32>
        %parallel_loop3A_2120 = vector.shape_cast %parallel_loop3A_2119 : vector<16x1xi32> to vector<16xi32>
        %parallel_loop3A_2121 = tpu.dynamic_gather %parallel_loop3A_2004[%parallel_loop3A_2120] in [0] : vector<16xf32>, vector<16xi32> -> vector<16xf32>
        %parallel_loop3A_2122 = arith.constant 4 : i32
        %parallel_loop3A_2123 = vector.broadcast %parallel_loop3A_2122 : i32 to vector<16xi32>
        %parallel_loop3A_2124 = arith.xori %iota3A, %parallel_loop3A_2123 : vector<16xi32>
        %parallel_loop3A_2125 = vector.shape_cast %parallel_loop3A_2124 : vector<16xi32> to vector<16x1xi32>
        %parallel_loop3A_2126 = vector.shape_cast %parallel_loop3A_2125 : vector<16x1xi32> to vector<16xi32>
        %parallel_loop3A_2127 = tpu.dynamic_gather %parallel_loop3A_2025[%parallel_loop3A_2126] in [0] : vector<16xf32>, vector<16xi32> -> vector<16xf32>
        %parallel_loop3A_2128 = arith.select %parallel_loop3A_2115, %parallel_loop3A_2004, %parallel_loop3A_2127 : vector<16xi1>, vector<16xf32>
        %parallel_loop3A_2129 = arith.select %parallel_loop3A_2115, %parallel_loop3A_2121, %parallel_loop3A_2025 : vector<16xi1>, vector<16xf32>
        %parallel_loop3A_2130 = arith.addf %parallel_loop3A_2128, %parallel_loop3A_2129 : vector<16xf32>
        %parallel_loop3A_2131 = arith.constant 4 : i32
        %parallel_loop3A_2132 = vector.broadcast %parallel_loop3A_2131 : i32 to vector<16xi32>
        %parallel_loop3A_2133 = arith.andi %iota3A, %parallel_loop3A_2132 : vector<16xi32>
        %parallel_loop3A_2134 = arith.constant 0 : i32
        %parallel_loop3A_2135 = vector.broadcast %parallel_loop3A_2134 : i32 to vector<16xi32>
        %parallel_loop3A_2136 = arith.cmpi eq, %parallel_loop3A_2133, %parallel_loop3A_2135 : vector<16xi32>
        %parallel_loop3A_2137 = arith.constant 4 : i32
        %parallel_loop3A_2138 = vector.broadcast %parallel_loop3A_2137 : i32 to vector<16xi32>
        %parallel_loop3A_2139 = arith.xori %iota3A, %parallel_loop3A_2138 : vector<16xi32>
        %parallel_loop3A_2140 = vector.shape_cast %parallel_loop3A_2139 : vector<16xi32> to vector<16x1xi32>
        %parallel_loop3A_2141 = vector.shape_cast %parallel_loop3A_2140 : vector<16x1xi32> to vector<16xi32>
        %parallel_loop3A_2142 = tpu.dynamic_gather %parallel_loop3A_2046[%parallel_loop3A_2141] in [0] : vector<16xf32>, vector<16xi32> -> vector<16xf32>
        %parallel_loop3A_2143 = arith.constant 4 : i32
        %parallel_loop3A_2144 = vector.broadcast %parallel_loop3A_2143 : i32 to vector<16xi32>
        %parallel_loop3A_2145 = arith.xori %iota3A, %parallel_loop3A_2144 : vector<16xi32>
        %parallel_loop3A_2146 = vector.shape_cast %parallel_loop3A_2145 : vector<16xi32> to vector<16x1xi32>
        %parallel_loop3A_2147 = vector.shape_cast %parallel_loop3A_2146 : vector<16x1xi32> to vector<16xi32>
        %parallel_loop3A_2148 = tpu.dynamic_gather %parallel_loop3A_2067[%parallel_loop3A_2147] in [0] : vector<16xf32>, vector<16xi32> -> vector<16xf32>
        %parallel_loop3A_2149 = arith.select %parallel_loop3A_2136, %parallel_loop3A_2046, %parallel_loop3A_2148 : vector<16xi1>, vector<16xf32>
        %parallel_loop3A_2150 = arith.select %parallel_loop3A_2136, %parallel_loop3A_2142, %parallel_loop3A_2067 : vector<16xi1>, vector<16xf32>
        %parallel_loop3A_2151 = arith.addf %parallel_loop3A_2149, %parallel_loop3A_2150 : vector<16xf32>
        %parallel_loop3A_2152 = arith.constant 2 : i32
        %parallel_loop3A_2153 = vector.broadcast %parallel_loop3A_2152 : i32 to vector<16xi32>
        %parallel_loop3A_2154 = arith.andi %iota3A, %parallel_loop3A_2153 : vector<16xi32>
        %parallel_loop3A_2155 = arith.constant 0 : i32
        %parallel_loop3A_2156 = vector.broadcast %parallel_loop3A_2155 : i32 to vector<16xi32>
        %parallel_loop3A_2157 = arith.cmpi eq, %parallel_loop3A_2154, %parallel_loop3A_2156 : vector<16xi32>
        %parallel_loop3A_2158 = arith.constant 2 : i32
        %parallel_loop3A_2159 = vector.broadcast %parallel_loop3A_2158 : i32 to vector<16xi32>
        %parallel_loop3A_2160 = arith.xori %iota3A, %parallel_loop3A_2159 : vector<16xi32>
        %parallel_loop3A_2161 = vector.shape_cast %parallel_loop3A_2160 : vector<16xi32> to vector<16x1xi32>
        %parallel_loop3A_2162 = vector.shape_cast %parallel_loop3A_2161 : vector<16x1xi32> to vector<16xi32>
        %parallel_loop3A_2163 = tpu.dynamic_gather %parallel_loop3A_2088[%parallel_loop3A_2162] in [0] : vector<16xf32>, vector<16xi32> -> vector<16xf32>
        %parallel_loop3A_2164 = arith.constant 2 : i32
        %parallel_loop3A_2165 = vector.broadcast %parallel_loop3A_2164 : i32 to vector<16xi32>
        %parallel_loop3A_2166 = arith.xori %iota3A, %parallel_loop3A_2165 : vector<16xi32>
        %parallel_loop3A_2167 = vector.shape_cast %parallel_loop3A_2166 : vector<16xi32> to vector<16x1xi32>
        %parallel_loop3A_2168 = vector.shape_cast %parallel_loop3A_2167 : vector<16x1xi32> to vector<16xi32>
        %parallel_loop3A_2169 = tpu.dynamic_gather %parallel_loop3A_2109[%parallel_loop3A_2168] in [0] : vector<16xf32>, vector<16xi32> -> vector<16xf32>
        %parallel_loop3A_2170 = arith.select %parallel_loop3A_2157, %parallel_loop3A_2088, %parallel_loop3A_2169 : vector<16xi1>, vector<16xf32>
        %parallel_loop3A_2171 = arith.select %parallel_loop3A_2157, %parallel_loop3A_2163, %parallel_loop3A_2109 : vector<16xi1>, vector<16xf32>
        %parallel_loop3A_2172 = arith.addf %parallel_loop3A_2170, %parallel_loop3A_2171 : vector<16xf32>
        %parallel_loop3A_2173 = arith.constant 2 : i32
        %parallel_loop3A_2174 = vector.broadcast %parallel_loop3A_2173 : i32 to vector<16xi32>
        %parallel_loop3A_2175 = arith.andi %iota3A, %parallel_loop3A_2174 : vector<16xi32>
        %parallel_loop3A_2176 = arith.constant 0 : i32
        %parallel_loop3A_2177 = vector.broadcast %parallel_loop3A_2176 : i32 to vector<16xi32>
        %parallel_loop3A_2178 = arith.cmpi eq, %parallel_loop3A_2175, %parallel_loop3A_2177 : vector<16xi32>
        %parallel_loop3A_2179 = arith.constant 2 : i32
        %parallel_loop3A_2180 = vector.broadcast %parallel_loop3A_2179 : i32 to vector<16xi32>
        %parallel_loop3A_2181 = arith.xori %iota3A, %parallel_loop3A_2180 : vector<16xi32>
        %parallel_loop3A_2182 = vector.shape_cast %parallel_loop3A_2181 : vector<16xi32> to vector<16x1xi32>
        %parallel_loop3A_2183 = vector.shape_cast %parallel_loop3A_2182 : vector<16x1xi32> to vector<16xi32>
        %parallel_loop3A_2184 = tpu.dynamic_gather %parallel_loop3A_2130[%parallel_loop3A_2183] in [0] : vector<16xf32>, vector<16xi32> -> vector<16xf32>
        %parallel_loop3A_2185 = arith.constant 2 : i32
        %parallel_loop3A_2186 = vector.broadcast %parallel_loop3A_2185 : i32 to vector<16xi32>
        %parallel_loop3A_2187 = arith.xori %iota3A, %parallel_loop3A_2186 : vector<16xi32>
        %parallel_loop3A_2188 = vector.shape_cast %parallel_loop3A_2187 : vector<16xi32> to vector<16x1xi32>
        %parallel_loop3A_2189 = vector.shape_cast %parallel_loop3A_2188 : vector<16x1xi32> to vector<16xi32>
        %parallel_loop3A_2190 = tpu.dynamic_gather %parallel_loop3A_2151[%parallel_loop3A_2189] in [0] : vector<16xf32>, vector<16xi32> -> vector<16xf32>
        %parallel_loop3A_2191 = arith.select %parallel_loop3A_2178, %parallel_loop3A_2130, %parallel_loop3A_2190 : vector<16xi1>, vector<16xf32>
        %parallel_loop3A_2192 = arith.select %parallel_loop3A_2178, %parallel_loop3A_2184, %parallel_loop3A_2151 : vector<16xi1>, vector<16xf32>
        %parallel_loop3A_2193 = arith.addf %parallel_loop3A_2191, %parallel_loop3A_2192 : vector<16xf32>
        %parallel_loop3A_2194 = arith.constant 1 : i32
        %parallel_loop3A_2195 = vector.broadcast %parallel_loop3A_2194 : i32 to vector<16xi32>
        %parallel_loop3A_2196 = arith.andi %iota3A, %parallel_loop3A_2195 : vector<16xi32>
        %parallel_loop3A_2197 = arith.constant 0 : i32
        %parallel_loop3A_2198 = vector.broadcast %parallel_loop3A_2197 : i32 to vector<16xi32>
        %parallel_loop3A_2199 = arith.cmpi eq, %parallel_loop3A_2196, %parallel_loop3A_2198 : vector<16xi32>
        %parallel_loop3A_2200 = arith.constant 1 : i32
        %parallel_loop3A_2201 = vector.broadcast %parallel_loop3A_2200 : i32 to vector<16xi32>
        %parallel_loop3A_2202 = arith.xori %iota3A, %parallel_loop3A_2201 : vector<16xi32>
        %parallel_loop3A_2203 = vector.shape_cast %parallel_loop3A_2202 : vector<16xi32> to vector<16x1xi32>
        %parallel_loop3A_2204 = vector.shape_cast %parallel_loop3A_2203 : vector<16x1xi32> to vector<16xi32>
        %parallel_loop3A_2205 = tpu.dynamic_gather %parallel_loop3A_2172[%parallel_loop3A_2204] in [0] : vector<16xf32>, vector<16xi32> -> vector<16xf32>
        %parallel_loop3A_2206 = arith.constant 1 : i32
        %parallel_loop3A_2207 = vector.broadcast %parallel_loop3A_2206 : i32 to vector<16xi32>
        %parallel_loop3A_2208 = arith.xori %iota3A, %parallel_loop3A_2207 : vector<16xi32>
        %parallel_loop3A_2209 = vector.shape_cast %parallel_loop3A_2208 : vector<16xi32> to vector<16x1xi32>
        %parallel_loop3A_2210 = vector.shape_cast %parallel_loop3A_2209 : vector<16x1xi32> to vector<16xi32>
        %parallel_loop3A_2211 = tpu.dynamic_gather %parallel_loop3A_2193[%parallel_loop3A_2210] in [0] : vector<16xf32>, vector<16xi32> -> vector<16xf32>
        %parallel_loop3A_2212 = arith.select %parallel_loop3A_2199, %parallel_loop3A_2172, %parallel_loop3A_2211 : vector<16xi1>, vector<16xf32>
        %parallel_loop3A_2213 = arith.select %parallel_loop3A_2199, %parallel_loop3A_2205, %parallel_loop3A_2193 : vector<16xi1>, vector<16xf32>
        %parallel_loop3A_2214 = arith.addf %parallel_loop3A_2212, %parallel_loop3A_2213 : vector<16xf32>
        %parallel_loop3A_2215 = arith.addi %mul3A_69, %parallel_loop3A_123 : i32
        %parallel_loop3A_2216 = arith.index_cast %parallel_loop3A_2215 : i32 to index
        %parallel_loop3A_2217 = tpu.vector_load %arg8[%parallel_loop3A_2216] {strides = array<i32>} : memref<10000xf32, #tpu.memory_space<vmem>>, vector<16xf32>,
        %parallel_loop3A_2218 = vector.shape_cast %parallel_loop3A_2217 : vector<16xf32> to vector<16xf32>
        %parallel_loop3A_2219 = vector.shape_cast %parallel_loop3A_2214 : vector<16xf32> to vector<16xf32>
        tpu.vector_store %arg8[%parallel_loop3A_2216], %parallel_loop3A_2219 {strides = array<i32>} : memref<10000xf32, #tpu.memory_space<vmem>>, vector<16xf32>,
      } {sc.loop_unroll_factor = 1 : i64, sc.parallel_access}
      %add3A_72 = arith.constant 0 : i32
      %add3A_73 = arith.addi %mul3A_53, %add3A_72 : i32
      %add3A_74 = arith.constant 2 : i32
      %add3A_75 = arith.addi %add3A_73, %add3A_74 : i32
      %min3A_76 = arith.constant 124 : i32
      %min3A_77 = arith.minsi %add3A_75, %min3A_76 : i32
      %mul3A_78 = arith.constant 80 : i32
      %mul3A_79 = arith.muli %min3A_77, %mul3A_78 : i32
      %dma_start3A_80 = tpu.memref_slice %arg6[%mul3A_79] : memref<10000xi32, #tpu.memory_space<vmem>> -> memref<80xi32, #tpu.memory_space<vmem>>
      %dma_start3A_81 = arith.constant 0 : i32
      %dma_start3A_82 = arith.constant 0 : i32
      %dma_start3A_83 = tpu.memref_slice %arg2[%dma_start3A_81, %dma_start3A_82] : memref<10000x128xf32, #tpu.memory_space<hbm>> -> memref<10000x128xf32, #tpu.memory_space<hbm>>
      tpu.enqueue_indirect_dma source(%dma_start3A_83 : memref<10000x128xf32, #tpu.memory_space<hbm>>) target(%arg9 : memref<80x128xf32, #tpu.memory_space<vmem>>) offsets(%dma_start3A_80 : memref<80xi32, #tpu.memory_space<vmem>>) semaphore(%arg13 : memref<!tpu.dma_semaphore, #tpu.memory_space<semaphore_mem>>)
      %dma_start3A_84 = tpu.memref_slice %arg7[%mul3A_79] : memref<10000xi32, #tpu.memory_space<vmem>> -> memref<80xi32, #tpu.memory_space<vmem>>
      %dma_start3A_85 = arith.constant 0 : i32
      %dma_start3A_86 = arith.constant 0 : i32
      %dma_start3A_87 = tpu.memref_slice %arg2[%dma_start3A_85, %dma_start3A_86] : memref<10000x128xf32, #tpu.memory_space<hbm>> -> memref<10000x128xf32, #tpu.memory_space<hbm>>
      tpu.enqueue_indirect_dma source(%dma_start3A_87 : memref<10000x128xf32, #tpu.memory_space<hbm>>) target(%arg10 : memref<80x128xf32, #tpu.memory_space<vmem>>) offsets(%dma_start3A_84 : memref<80xi32, #tpu.memory_space<vmem>>) semaphore(%arg14 : memref<!tpu.dma_semaphore, #tpu.memory_space<semaphore_mem>>)
      %dma_wait3A_88 = arith.constant 0 : i32
      %dma_wait3A_89 = tpu.memref_slice %arg6[%dma_wait3A_88] : memref<10000xi32, #tpu.memory_space<vmem>> -> memref<80xi32, #tpu.memory_space<vmem>>
      %dma_wait3A_90 = arith.constant 0 : i32
      %dma_wait3A_91 = arith.constant 0 : i32
      %dma_wait3A_92 = tpu.memref_slice %arg2[%dma_wait3A_90, %dma_wait3A_91] : memref<10000x128xf32, #tpu.memory_space<hbm>> -> memref<10000x128xf32, #tpu.memory_space<hbm>>
      tpu.wait_indirect_dma semaphore(%arg15 : memref<!tpu.dma_semaphore, #tpu.memory_space<semaphore_mem>>) src(%dma_wait3A_92 : memref<10000x128xf32, #tpu.memory_space<hbm>>) dst(%arg11 : memref<80x128xf32, #tpu.memory_space<vmem>>)
      %dma_wait3A_93 = arith.constant 0 : i32
      %dma_wait3A_94 = tpu.memref_slice %arg7[%dma_wait3A_93] : memref<10000xi32, #tpu.memory_space<vmem>> -> memref<80xi32, #tpu.memory_space<vmem>>
      %dma_wait3A_95 = arith.constant 0 : i32
      %dma_wait3A_96 = arith.constant 0 : i32
      %dma_wait3A_97 = tpu.memref_slice %arg2[%dma_wait3A_95, %dma_wait3A_96] : memref<10000x128xf32, #tpu.memory_space<hbm>> -> memref<10000x128xf32, #tpu.memory_space<hbm>>
      tpu.wait_indirect_dma semaphore(%arg16 : memref<!tpu.dma_semaphore, #tpu.memory_space<semaphore_mem>>) src(%dma_wait3A_97 : memref<10000x128xf32, #tpu.memory_space<hbm>>) dst(%arg12 : memref<80x128xf32, #tpu.memory_space<vmem>>)
      %add3A_98 = arith.constant 1 : i32
      %add3A_99 = arith.addi %mul3A_53, %add3A_98 : i32
      %min3A_100 = arith.constant 124 : i32
      %min3A_101 = arith.minsi %add3A_99, %min3A_100 : i32
      %mul3A_102 = arith.constant 80 : i32
      %mul3A_103 = arith.muli %min3A_101, %mul3A_102 : i32
      %parallel_loop3A_104 = arith.constant 0 : i32
      %parallel_loop3A_105 = arith.constant 80 : i32
      %parallel_loop3A_106 = arith.constant 16 : i32
      scf.for %parallel_loop3A_123 = %parallel_loop3A_104 to %parallel_loop3A_105 step %parallel_loop3A_106  : i32 {
        %parallel_loop3A_124 = arith.constant 0 : i32
        %parallel_loop3A_125 = arith.addi %parallel_loop3A_123, %parallel_loop3A_124 : i32
        %parallel_loop3A_126 = arith.index_cast %parallel_loop3A_125 : i32 to index
        %parallel_loop3A_127 = arith.constant 0 : index
        %parallel_loop3A_128 = tpu.vector_load %arg11[%parallel_loop3A_126, %parallel_loop3A_127] {strides = array<i32>} : memref<80x128xf32, #tpu.memory_space<vmem>>, vector<1x16xf32>,
        %parallel_loop3A_129 = vector.shape_cast %parallel_loop3A_128 : vector<1x16xf32> to vector<16xf32>
        %parallel_loop3A_130 = arith.constant 0 : i32
        %parallel_loop3A_131 = arith.addi %parallel_loop3A_123, %parallel_loop3A_130 : i32
        %parallel_loop3A_132 = arith.index_cast %parallel_loop3A_131 : i32 to index
        %parallel_loop3A_133 = arith.constant 0 : index
        %parallel_loop3A_134 = tpu.vector_load %arg12[%parallel_loop3A_132, %parallel_loop3A_133] {strides = array<i32>} : memref<80x128xf32, #tpu.memory_space<vmem>>, vector<1x16xf32>,
        %parallel_loop3A_135 = vector.shape_cast %parallel_loop3A_134 : vector<1x16xf32> to vector<16xf32>
        %parallel_loop3A_136 = arith.mulf %parallel_loop3A_129, %parallel_loop3A_135 : vector<16xf32>
        %parallel_loop3A_137 = arith.constant 0 : i32
        %parallel_loop3A_138 = arith.addi %parallel_loop3A_123, %parallel_loop3A_137 : i32
        %parallel_loop3A_139 = arith.index_cast %parallel_loop3A_138 : i32 to index
        %parallel_loop3A_140 = arith.constant 16 : index
        %parallel_loop3A_141 = tpu.vector_load %arg11[%parallel_loop3A_139, %parallel_loop3A_140] {strides = array<i32>} : memref<80x128xf32, #tpu.memory_space<vmem>>, vector<1x16xf32>,
        %parallel_loop3A_142 = vector.shape_cast %parallel_loop3A_141 : vector<1x16xf32> to vector<16xf32>
        %parallel_loop3A_143 = arith.constant 0 : i32
        %parallel_loop3A_144 = arith.addi %parallel_loop3A_123, %parallel_loop3A_143 : i32
        %parallel_loop3A_145 = arith.index_cast %parallel_loop3A_144 : i32 to index
        %parallel_loop3A_146 = arith.constant 16 : index
        %parallel_loop3A_147 = tpu.vector_load %arg12[%parallel_loop3A_145, %parallel_loop3A_146] {strides = array<i32>} : memref<80x128xf32, #tpu.memory_space<vmem>>, vector<1x16xf32>,
        %parallel_loop3A_148 = vector.shape_cast %parallel_loop3A_147 : vector<1x16xf32> to vector<16xf32>
        %parallel_loop3A_149 = arith.mulf %parallel_loop3A_142, %parallel_loop3A_148 : vector<16xf32>
        %parallel_loop3A_150 = arith.addf %parallel_loop3A_136, %parallel_loop3A_149 : vector<16xf32>
        %parallel_loop3A_151 = arith.constant 0 : i32
        %parallel_loop3A_152 = arith.addi %parallel_loop3A_123, %parallel_loop3A_151 : i32
        %parallel_loop3A_153 = arith.index_cast %parallel_loop3A_152 : i32 to index
        %parallel_loop3A_154 = arith.constant 32 : index
        %parallel_loop3A_155 = tpu.vector_load %arg11[%parallel_loop3A_153, %parallel_loop3A_154] {strides = array<i32>} : memref<80x128xf32, #tpu.memory_space<vmem>>, vector<1x16xf32>,
        %parallel_loop3A_156 = vector.shape_cast %parallel_loop3A_155 : vector<1x16xf32> to vector<16xf32>
        %parallel_loop3A_157 = arith.constant 0 : i32
        %parallel_loop3A_158 = arith.addi %parallel_loop3A_123, %parallel_loop3A_157 : i32
        %parallel_loop3A_159 = arith.index_cast %parallel_loop3A_158 : i32 to index
        %parallel_loop3A_160 = arith.constant 32 : index
        %parallel_loop3A_161 = tpu.vector_load %arg12[%parallel_loop3A_159, %parallel_loop3A_160] {strides = array<i32>} : memref<80x128xf32, #tpu.memory_space<vmem>>, vector<1x16xf32>,
        %parallel_loop3A_162 = vector.shape_cast %parallel_loop3A_161 : vector<1x16xf32> to vector<16xf32>
        %parallel_loop3A_163 = arith.mulf %parallel_loop3A_156, %parallel_loop3A_162 : vector<16xf32>
        %parallel_loop3A_164 = arith.addf %parallel_loop3A_150, %parallel_loop3A_163 : vector<16xf32>
        %parallel_loop3A_165 = arith.constant 0 : i32
        %parallel_loop3A_166 = arith.addi %parallel_loop3A_123, %parallel_loop3A_165 : i32
        %parallel_loop3A_167 = arith.index_cast %parallel_loop3A_166 : i32 to index
        %parallel_loop3A_168 = arith.constant 48 : index
        %parallel_loop3A_169 = tpu.vector_load %arg11[%parallel_loop3A_167, %parallel_loop3A_168] {strides = array<i32>} : memref<80x128xf32, #tpu.memory_space<vmem>>, vector<1x16xf32>,
        %parallel_loop3A_170 = vector.shape_cast %parallel_loop3A_169 : vector<1x16xf32> to vector<16xf32>
        %parallel_loop3A_171 = arith.constant 0 : i32
        %parallel_loop3A_172 = arith.addi %parallel_loop3A_123, %parallel_loop3A_171 : i32
        %parallel_loop3A_173 = arith.index_cast %parallel_loop3A_172 : i32 to index
        %parallel_loop3A_174 = arith.constant 48 : index
        %parallel_loop3A_175 = tpu.vector_load %arg12[%parallel_loop3A_173, %parallel_loop3A_174] {strides = array<i32>} : memref<80x128xf32, #tpu.memory_space<vmem>>, vector<1x16xf32>,
        %parallel_loop3A_176 = vector.shape_cast %parallel_loop3A_175 : vector<1x16xf32> to vector<16xf32>
        %parallel_loop3A_177 = arith.mulf %parallel_loop3A_170, %parallel_loop3A_176 : vector<16xf32>
        %parallel_loop3A_178 = arith.addf %parallel_loop3A_164, %parallel_loop3A_177 : vector<16xf32>
        %parallel_loop3A_179 = arith.constant 0 : i32
        %parallel_loop3A_180 = arith.addi %parallel_loop3A_123, %parallel_loop3A_179 : i32
        %parallel_loop3A_181 = arith.index_cast %parallel_loop3A_180 : i32 to index
        %parallel_loop3A_182 = arith.constant 64 : index
        %parallel_loop3A_183 = tpu.vector_load %arg11[%parallel_loop3A_181, %parallel_loop3A_182] {strides = array<i32>} : memref<80x128xf32, #tpu.memory_space<vmem>>, vector<1x16xf32>,
        %parallel_loop3A_184 = vector.shape_cast %parallel_loop3A_183 : vector<1x16xf32> to vector<16xf32>
        %parallel_loop3A_185 = arith.constant 0 : i32
        %parallel_loop3A_186 = arith.addi %parallel_loop3A_123, %parallel_loop3A_185 : i32
        %parallel_loop3A_187 = arith.index_cast %parallel_loop3A_186 : i32 to index
        %parallel_loop3A_188 = arith.constant 64 : index
        %parallel_loop3A_189 = tpu.vector_load %arg12[%parallel_loop3A_187, %parallel_loop3A_188] {strides = array<i32>} : memref<80x128xf32, #tpu.memory_space<vmem>>, vector<1x16xf32>,
        %parallel_loop3A_190 = vector.shape_cast %parallel_loop3A_189 : vector<1x16xf32> to vector<16xf32>
        %parallel_loop3A_191 = arith.mulf %parallel_loop3A_184, %parallel_loop3A_190 : vector<16xf32>
        %parallel_loop3A_192 = arith.addf %parallel_loop3A_178, %parallel_loop3A_191 : vector<16xf32>
        %parallel_loop3A_193 = arith.constant 0 : i32
        %parallel_loop3A_194 = arith.addi %parallel_loop3A_123, %parallel_loop3A_193 : i32
        %parallel_loop3A_195 = arith.index_cast %parallel_loop3A_194 : i32 to index
        %parallel_loop3A_196 = arith.constant 80 : index
        %parallel_loop3A_197 = tpu.vector_load %arg11[%parallel_loop3A_195, %parallel_loop3A_196] {strides = array<i32>} : memref<80x128xf32, #tpu.memory_space<vmem>>, vector<1x16xf32>,
        %parallel_loop3A_198 = vector.shape_cast %parallel_loop3A_197 : vector<1x16xf32> to vector<16xf32>
        %parallel_loop3A_199 = arith.constant 0 : i32
        %parallel_loop3A_200 = arith.addi %parallel_loop3A_123, %parallel_loop3A_199 : i32
        %parallel_loop3A_201 = arith.index_cast %parallel_loop3A_200 : i32 to index
        %parallel_loop3A_202 = arith.constant 80 : index
        %parallel_loop3A_203 = tpu.vector_load %arg12[%parallel_loop3A_201, %parallel_loop3A_202] {strides = array<i32>} : memref<80x128xf32, #tpu.memory_space<vmem>>, vector<1x16xf32>,
        %parallel_loop3A_204 = vector.shape_cast %parallel_loop3A_203 : vector<1x16xf32> to vector<16xf32>
        %parallel_loop3A_205 = arith.mulf %parallel_loop3A_198, %parallel_loop3A_204 : vector<16xf32>
        %parallel_loop3A_206 = arith.addf %parallel_loop3A_192, %parallel_loop3A_205 : vector<16xf32>
        %parallel_loop3A_207 = arith.constant 0 : i32
        %parallel_loop3A_208 = arith.addi %parallel_loop3A_123, %parallel_loop3A_207 : i32
        %parallel_loop3A_209 = arith.index_cast %parallel_loop3A_208 : i32 to index
        %parallel_loop3A_210 = arith.constant 96 : index
        %parallel_loop3A_211 = tpu.vector_load %arg11[%parallel_loop3A_209, %parallel_loop3A_210] {strides = array<i32>} : memref<80x128xf32, #tpu.memory_space<vmem>>, vector<1x16xf32>,
        %parallel_loop3A_212 = vector.shape_cast %parallel_loop3A_211 : vector<1x16xf32> to vector<16xf32>
        %parallel_loop3A_213 = arith.constant 0 : i32
        %parallel_loop3A_214 = arith.addi %parallel_loop3A_123, %parallel_loop3A_213 : i32
        %parallel_loop3A_215 = arith.index_cast %parallel_loop3A_214 : i32 to index
        %parallel_loop3A_216 = arith.constant 96 : index
        %parallel_loop3A_217 = tpu.vector_load %arg12[%parallel_loop3A_215, %parallel_loop3A_216] {strides = array<i32>} : memref<80x128xf32, #tpu.memory_space<vmem>>, vector<1x16xf32>,
        %parallel_loop3A_218 = vector.shape_cast %parallel_loop3A_217 : vector<1x16xf32> to vector<16xf32>
        %parallel_loop3A_219 = arith.mulf %parallel_loop3A_212, %parallel_loop3A_218 : vector<16xf32>
        %parallel_loop3A_220 = arith.addf %parallel_loop3A_206, %parallel_loop3A_219 : vector<16xf32>
        %parallel_loop3A_221 = arith.constant 0 : i32
        %parallel_loop3A_222 = arith.addi %parallel_loop3A_123, %parallel_loop3A_221 : i32
        %parallel_loop3A_223 = arith.index_cast %parallel_loop3A_222 : i32 to index
        %parallel_loop3A_224 = arith.constant 112 : index
        %parallel_loop3A_225 = tpu.vector_load %arg11[%parallel_loop3A_223, %parallel_loop3A_224] {strides = array<i32>} : memref<80x128xf32, #tpu.memory_space<vmem>>, vector<1x16xf32>,
        %parallel_loop3A_226 = vector.shape_cast %parallel_loop3A_225 : vector<1x16xf32> to vector<16xf32>
        %parallel_loop3A_227 = arith.constant 0 : i32
        %parallel_loop3A_228 = arith.addi %parallel_loop3A_123, %parallel_loop3A_227 : i32
        %parallel_loop3A_229 = arith.index_cast %parallel_loop3A_228 : i32 to index
        %parallel_loop3A_230 = arith.constant 112 : index
        %parallel_loop3A_231 = tpu.vector_load %arg12[%parallel_loop3A_229, %parallel_loop3A_230] {strides = array<i32>} : memref<80x128xf32, #tpu.memory_space<vmem>>, vector<1x16xf32>,
        %parallel_loop3A_232 = vector.shape_cast %parallel_loop3A_231 : vector<1x16xf32> to vector<16xf32>
        %parallel_loop3A_233 = arith.mulf %parallel_loop3A_226, %parallel_loop3A_232 : vector<16xf32>
        %parallel_loop3A_234 = arith.addf %parallel_loop3A_220, %parallel_loop3A_233 : vector<16xf32>
        %parallel_loop3A_235 = arith.constant 1 : i32
        %parallel_loop3A_236 = arith.addi %parallel_loop3A_123, %parallel_loop3A_235 : i32
        %parallel_loop3A_237 = arith.index_cast %parallel_loop3A_236 : i32 to index
        %parallel_loop3A_238 = arith.constant 0 : index
        %parallel_loop3A_239 = tpu.vector_load %arg11[%parallel_loop3A_237, %parallel_loop3A_238] {strides = array<i32>} : memref<80x128xf32, #tpu.memory_space<vmem>>, vector<1x16xf32>,
        %parallel_loop3A_240 = vector.shape_cast %parallel_loop3A_239 : vector<1x16xf32> to vector<16xf32>
        %parallel_loop3A_241 = arith.constant 1 : i32
        %parallel_loop3A_242 = arith.addi %parallel_loop3A_123, %parallel_loop3A_241 : i32
        %parallel_loop3A_243 = arith.index_cast %parallel_loop3A_242 : i32 to index
        %parallel_loop3A_244 = arith.constant 0 : index
        %parallel_loop3A_245 = tpu.vector_load %arg12[%parallel_loop3A_243, %parallel_loop3A_244] {strides = array<i32>} : memref<80x128xf32, #tpu.memory_space<vmem>>, vector<1x16xf32>,
        %parallel_loop3A_246 = vector.shape_cast %parallel_loop3A_245 : vector<1x16xf32> to vector<16xf32>
        %parallel_loop3A_247 = arith.mulf %parallel_loop3A_240, %parallel_loop3A_246 : vector<16xf32>
        %parallel_loop3A_248 = arith.constant 1 : i32
        %parallel_loop3A_249 = arith.addi %parallel_loop3A_123, %parallel_loop3A_248 : i32
        %parallel_loop3A_250 = arith.index_cast %parallel_loop3A_249 : i32 to index
        %parallel_loop3A_251 = arith.constant 16 : index
        %parallel_loop3A_252 = tpu.vector_load %arg11[%parallel_loop3A_250, %parallel_loop3A_251] {strides = array<i32>} : memref<80x128xf32, #tpu.memory_space<vmem>>, vector<1x16xf32>,
        %parallel_loop3A_253 = vector.shape_cast %parallel_loop3A_252 : vector<1x16xf32> to vector<16xf32>
        %parallel_loop3A_254 = arith.constant 1 : i32
        %parallel_loop3A_255 = arith.addi %parallel_loop3A_123, %parallel_loop3A_254 : i32
        %parallel_loop3A_256 = arith.index_cast %parallel_loop3A_255 : i32 to index
        %parallel_loop3A_257 = arith.constant 16 : index
        %parallel_loop3A_258 = tpu.vector_load %arg12[%parallel_loop3A_256, %parallel_loop3A_257] {strides = array<i32>} : memref<80x128xf32, #tpu.memory_space<vmem>>, vector<1x16xf32>,
        %parallel_loop3A_259 = vector.shape_cast %parallel_loop3A_258 : vector<1x16xf32> to vector<16xf32>
        %parallel_loop3A_260 = arith.mulf %parallel_loop3A_253, %parallel_loop3A_259 : vector<16xf32>
        %parallel_loop3A_261 = arith.addf %parallel_loop3A_247, %parallel_loop3A_260 : vector<16xf32>
        %parallel_loop3A_262 = arith.constant 1 : i32
        %parallel_loop3A_263 = arith.addi %parallel_loop3A_123, %parallel_loop3A_262 : i32
        %parallel_loop3A_264 = arith.index_cast %parallel_loop3A_263 : i32 to index
        %parallel_loop3A_265 = arith.constant 32 : index
        %parallel_loop3A_266 = tpu.vector_load %arg11[%parallel_loop3A_264, %parallel_loop3A_265] {strides = array<i32>} : memref<80x128xf32, #tpu.memory_space<vmem>>, vector<1x16xf32>,
        %parallel_loop3A_267 = vector.shape_cast %parallel_loop3A_266 : vector<1x16xf32> to vector<16xf32>
        %parallel_loop3A_268 = arith.constant 1 : i32
        %parallel_loop3A_269 = arith.addi %parallel_loop3A_123, %parallel_loop3A_268 : i32
        %parallel_loop3A_270 = arith.index_cast %parallel_loop3A_269 : i32 to index
        %parallel_loop3A_271 = arith.constant 32 : index
        %parallel_loop3A_272 = tpu.vector_load %arg12[%parallel_loop3A_270, %parallel_loop3A_271] {strides = array<i32>} : memref<80x128xf32, #tpu.memory_space<vmem>>, vector<1x16xf32>,
        %parallel_loop3A_273 = vector.shape_cast %parallel_loop3A_272 : vector<1x16xf32> to vector<16xf32>
        %parallel_loop3A_274 = arith.mulf %parallel_loop3A_267, %parallel_loop3A_273 : vector<16xf32>
        %parallel_loop3A_275 = arith.addf %parallel_loop3A_261, %parallel_loop3A_274 : vector<16xf32>
        %parallel_loop3A_276 = arith.constant 1 : i32
        %parallel_loop3A_277 = arith.addi %parallel_loop3A_123, %parallel_loop3A_276 : i32
        %parallel_loop3A_278 = arith.index_cast %parallel_loop3A_277 : i32 to index
        %parallel_loop3A_279 = arith.constant 48 : index
        %parallel_loop3A_280 = tpu.vector_load %arg11[%parallel_loop3A_278, %parallel_loop3A_279] {strides = array<i32>} : memref<80x128xf32, #tpu.memory_space<vmem>>, vector<1x16xf32>,
        %parallel_loop3A_281 = vector.shape_cast %parallel_loop3A_280 : vector<1x16xf32> to vector<16xf32>
        %parallel_loop3A_282 = arith.constant 1 : i32
        %parallel_loop3A_283 = arith.addi %parallel_loop3A_123, %parallel_loop3A_282 : i32
        %parallel_loop3A_284 = arith.index_cast %parallel_loop3A_283 : i32 to index
        %parallel_loop3A_285 = arith.constant 48 : index
        %parallel_loop3A_286 = tpu.vector_load %arg12[%parallel_loop3A_284, %parallel_loop3A_285] {strides = array<i32>} : memref<80x128xf32, #tpu.memory_space<vmem>>, vector<1x16xf32>,
        %parallel_loop3A_287 = vector.shape_cast %parallel_loop3A_286 : vector<1x16xf32> to vector<16xf32>
        %parallel_loop3A_288 = arith.mulf %parallel_loop3A_281, %parallel_loop3A_287 : vector<16xf32>
        %parallel_loop3A_289 = arith.addf %parallel_loop3A_275, %parallel_loop3A_288 : vector<16xf32>
        %parallel_loop3A_290 = arith.constant 1 : i32
        %parallel_loop3A_291 = arith.addi %parallel_loop3A_123, %parallel_loop3A_290 : i32
        %parallel_loop3A_292 = arith.index_cast %parallel_loop3A_291 : i32 to index
        %parallel_loop3A_293 = arith.constant 64 : index
        %parallel_loop3A_294 = tpu.vector_load %arg11[%parallel_loop3A_292, %parallel_loop3A_293] {strides = array<i32>} : memref<80x128xf32, #tpu.memory_space<vmem>>, vector<1x16xf32>,
        %parallel_loop3A_295 = vector.shape_cast %parallel_loop3A_294 : vector<1x16xf32> to vector<16xf32>
        %parallel_loop3A_296 = arith.constant 1 : i32
        %parallel_loop3A_297 = arith.addi %parallel_loop3A_123, %parallel_loop3A_296 : i32
        %parallel_loop3A_298 = arith.index_cast %parallel_loop3A_297 : i32 to index
        %parallel_loop3A_299 = arith.constant 64 : index
        %parallel_loop3A_300 = tpu.vector_load %arg12[%parallel_loop3A_298, %parallel_loop3A_299] {strides = array<i32>} : memref<80x128xf32, #tpu.memory_space<vmem>>, vector<1x16xf32>,
        %parallel_loop3A_301 = vector.shape_cast %parallel_loop3A_300 : vector<1x16xf32> to vector<16xf32>
        %parallel_loop3A_302 = arith.mulf %parallel_loop3A_295, %parallel_loop3A_301 : vector<16xf32>
        %parallel_loop3A_303 = arith.addf %parallel_loop3A_289, %parallel_loop3A_302 : vector<16xf32>
        %parallel_loop3A_304 = arith.constant 1 : i32
        %parallel_loop3A_305 = arith.addi %parallel_loop3A_123, %parallel_loop3A_304 : i32
        %parallel_loop3A_306 = arith.index_cast %parallel_loop3A_305 : i32 to index
        %parallel_loop3A_307 = arith.constant 80 : index
        %parallel_loop3A_308 = tpu.vector_load %arg11[%parallel_loop3A_306, %parallel_loop3A_307] {strides = array<i32>} : memref<80x128xf32, #tpu.memory_space<vmem>>, vector<1x16xf32>,
        %parallel_loop3A_309 = vector.shape_cast %parallel_loop3A_308 : vector<1x16xf32> to vector<16xf32>
        %parallel_loop3A_310 = arith.constant 1 : i32
        %parallel_loop3A_311 = arith.addi %parallel_loop3A_123, %parallel_loop3A_310 : i32
        %parallel_loop3A_312 = arith.index_cast %parallel_loop3A_311 : i32 to index
        %parallel_loop3A_313 = arith.constant 80 : index
        %parallel_loop3A_314 = tpu.vector_load %arg12[%parallel_loop3A_312, %parallel_loop3A_313] {strides = array<i32>} : memref<80x128xf32, #tpu.memory_space<vmem>>, vector<1x16xf32>,
        %parallel_loop3A_315 = vector.shape_cast %parallel_loop3A_314 : vector<1x16xf32> to vector<16xf32>
        %parallel_loop3A_316 = arith.mulf %parallel_loop3A_309, %parallel_loop3A_315 : vector<16xf32>
        %parallel_loop3A_317 = arith.addf %parallel_loop3A_303, %parallel_loop3A_316 : vector<16xf32>
        %parallel_loop3A_318 = arith.constant 1 : i32
        %parallel_loop3A_319 = arith.addi %parallel_loop3A_123, %parallel_loop3A_318 : i32
        %parallel_loop3A_320 = arith.index_cast %parallel_loop3A_319 : i32 to index
        %parallel_loop3A_321 = arith.constant 96 : index
        %parallel_loop3A_322 = tpu.vector_load %arg11[%parallel_loop3A_320, %parallel_loop3A_321] {strides = array<i32>} : memref<80x128xf32, #tpu.memory_space<vmem>>, vector<1x16xf32>,
        %parallel_loop3A_323 = vector.shape_cast %parallel_loop3A_322 : vector<1x16xf32> to vector<16xf32>
        %parallel_loop3A_324 = arith.constant 1 : i32
        %parallel_loop3A_325 = arith.addi %parallel_loop3A_123, %parallel_loop3A_324 : i32
        %parallel_loop3A_326 = arith.index_cast %parallel_loop3A_325 : i32 to index
        %parallel_loop3A_327 = arith.constant 96 : index
        %parallel_loop3A_328 = tpu.vector_load %arg12[%parallel_loop3A_326, %parallel_loop3A_327] {strides = array<i32>} : memref<80x128xf32, #tpu.memory_space<vmem>>, vector<1x16xf32>,
        %parallel_loop3A_329 = vector.shape_cast %parallel_loop3A_328 : vector<1x16xf32> to vector<16xf32>
        %parallel_loop3A_330 = arith.mulf %parallel_loop3A_323, %parallel_loop3A_329 : vector<16xf32>
        %parallel_loop3A_331 = arith.addf %parallel_loop3A_317, %parallel_loop3A_330 : vector<16xf32>
        %parallel_loop3A_332 = arith.constant 1 : i32
        %parallel_loop3A_333 = arith.addi %parallel_loop3A_123, %parallel_loop3A_332 : i32
        %parallel_loop3A_334 = arith.index_cast %parallel_loop3A_333 : i32 to index
        %parallel_loop3A_335 = arith.constant 112 : index
        %parallel_loop3A_336 = tpu.vector_load %arg11[%parallel_loop3A_334, %parallel_loop3A_335] {strides = array<i32>} : memref<80x128xf32, #tpu.memory_space<vmem>>, vector<1x16xf32>,
        %parallel_loop3A_337 = vector.shape_cast %parallel_loop3A_336 : vector<1x16xf32> to vector<16xf32>
        %parallel_loop3A_338 = arith.constant 1 : i32
        %parallel_loop3A_339 = arith.addi %parallel_loop3A_123, %parallel_loop3A_338 : i32
        %parallel_loop3A_340 = arith.index_cast %parallel_loop3A_339 : i32 to index
        %parallel_loop3A_341 = arith.constant 112 : index
        %parallel_loop3A_342 = tpu.vector_load %arg12[%parallel_loop3A_340, %parallel_loop3A_341] {strides = array<i32>} : memref<80x128xf32, #tpu.memory_space<vmem>>, vector<1x16xf32>,
        %parallel_loop3A_343 = vector.shape_cast %parallel_loop3A_342 : vector<1x16xf32> to vector<16xf32>
        %parallel_loop3A_344 = arith.mulf %parallel_loop3A_337, %parallel_loop3A_343 : vector<16xf32>
        %parallel_loop3A_345 = arith.addf %parallel_loop3A_331, %parallel_loop3A_344 : vector<16xf32>
        %parallel_loop3A_346 = arith.constant 2 : i32
        %parallel_loop3A_347 = arith.addi %parallel_loop3A_123, %parallel_loop3A_346 : i32
        %parallel_loop3A_348 = arith.index_cast %parallel_loop3A_347 : i32 to index
        %parallel_loop3A_349 = arith.constant 0 : index
        %parallel_loop3A_350 = tpu.vector_load %arg11[%parallel_loop3A_348, %parallel_loop3A_349] {strides = array<i32>} : memref<80x128xf32, #tpu.memory_space<vmem>>, vector<1x16xf32>,
        %parallel_loop3A_351 = vector.shape_cast %parallel_loop3A_350 : vector<1x16xf32> to vector<16xf32>
        %parallel_loop3A_352 = arith.constant 2 : i32
        %parallel_loop3A_353 = arith.addi %parallel_loop3A_123, %parallel_loop3A_352 : i32
        %parallel_loop3A_354 = arith.index_cast %parallel_loop3A_353 : i32 to index
        %parallel_loop3A_355 = arith.constant 0 : index
        %parallel_loop3A_356 = tpu.vector_load %arg12[%parallel_loop3A_354, %parallel_loop3A_355] {strides = array<i32>} : memref<80x128xf32, #tpu.memory_space<vmem>>, vector<1x16xf32>,
        %parallel_loop3A_357 = vector.shape_cast %parallel_loop3A_356 : vector<1x16xf32> to vector<16xf32>
        %parallel_loop3A_358 = arith.mulf %parallel_loop3A_351, %parallel_loop3A_357 : vector<16xf32>
        %parallel_loop3A_359 = arith.constant 2 : i32
        %parallel_loop3A_360 = arith.addi %parallel_loop3A_123, %parallel_loop3A_359 : i32
        %parallel_loop3A_361 = arith.index_cast %parallel_loop3A_360 : i32 to index
        %parallel_loop3A_362 = arith.constant 16 : index
        %parallel_loop3A_363 = tpu.vector_load %arg11[%parallel_loop3A_361, %parallel_loop3A_362] {strides = array<i32>} : memref<80x128xf32, #tpu.memory_space<vmem>>, vector<1x16xf32>,
        %parallel_loop3A_364 = vector.shape_cast %parallel_loop3A_363 : vector<1x16xf32> to vector<16xf32>
        %parallel_loop3A_365 = arith.constant 2 : i32
        %parallel_loop3A_366 = arith.addi %parallel_loop3A_123, %parallel_loop3A_365 : i32
        %parallel_loop3A_367 = arith.index_cast %parallel_loop3A_366 : i32 to index
        %parallel_loop3A_368 = arith.constant 16 : index
        %parallel_loop3A_369 = tpu.vector_load %arg12[%parallel_loop3A_367, %parallel_loop3A_368] {strides = array<i32>} : memref<80x128xf32, #tpu.memory_space<vmem>>, vector<1x16xf32>,
        %parallel_loop3A_370 = vector.shape_cast %parallel_loop3A_369 : vector<1x16xf32> to vector<16xf32>
        %parallel_loop3A_371 = arith.mulf %parallel_loop3A_364, %parallel_loop3A_370 : vector<16xf32>
        %parallel_loop3A_372 = arith.addf %parallel_loop3A_358, %parallel_loop3A_371 : vector<16xf32>
        %parallel_loop3A_373 = arith.constant 2 : i32
        %parallel_loop3A_374 = arith.addi %parallel_loop3A_123, %parallel_loop3A_373 : i32
        %parallel_loop3A_375 = arith.index_cast %parallel_loop3A_374 : i32 to index
        %parallel_loop3A_376 = arith.constant 32 : index
        %parallel_loop3A_377 = tpu.vector_load %arg11[%parallel_loop3A_375, %parallel_loop3A_376] {strides = array<i32>} : memref<80x128xf32, #tpu.memory_space<vmem>>, vector<1x16xf32>,
        %parallel_loop3A_378 = vector.shape_cast %parallel_loop3A_377 : vector<1x16xf32> to vector<16xf32>
        %parallel_loop3A_379 = arith.constant 2 : i32
        %parallel_loop3A_380 = arith.addi %parallel_loop3A_123, %parallel_loop3A_379 : i32
        %parallel_loop3A_381 = arith.index_cast %parallel_loop3A_380 : i32 to index
        %parallel_loop3A_382 = arith.constant 32 : index
        %parallel_loop3A_383 = tpu.vector_load %arg12[%parallel_loop3A_381, %parallel_loop3A_382] {strides = array<i32>} : memref<80x128xf32, #tpu.memory_space<vmem>>, vector<1x16xf32>,
        %parallel_loop3A_384 = vector.shape_cast %parallel_loop3A_383 : vector<1x16xf32> to vector<16xf32>
        %parallel_loop3A_385 = arith.mulf %parallel_loop3A_378, %parallel_loop3A_384 : vector<16xf32>
        %parallel_loop3A_386 = arith.addf %parallel_loop3A_372, %parallel_loop3A_385 : vector<16xf32>
        %parallel_loop3A_387 = arith.constant 2 : i32
        %parallel_loop3A_388 = arith.addi %parallel_loop3A_123, %parallel_loop3A_387 : i32
        %parallel_loop3A_389 = arith.index_cast %parallel_loop3A_388 : i32 to index
        %parallel_loop3A_390 = arith.constant 48 : index
        %parallel_loop3A_391 = tpu.vector_load %arg11[%parallel_loop3A_389, %parallel_loop3A_390] {strides = array<i32>} : memref<80x128xf32, #tpu.memory_space<vmem>>, vector<1x16xf32>,
        %parallel_loop3A_392 = vector.shape_cast %parallel_loop3A_391 : vector<1x16xf32> to vector<16xf32>
        %parallel_loop3A_393 = arith.constant 2 : i32
        %parallel_loop3A_394 = arith.addi %parallel_loop3A_123, %parallel_loop3A_393 : i32
        %parallel_loop3A_395 = arith.index_cast %parallel_loop3A_394 : i32 to index
        %parallel_loop3A_396 = arith.constant 48 : index
        %parallel_loop3A_397 = tpu.vector_load %arg12[%parallel_loop3A_395, %parallel_loop3A_396] {strides = array<i32>} : memref<80x128xf32, #tpu.memory_space<vmem>>, vector<1x16xf32>,
        %parallel_loop3A_398 = vector.shape_cast %parallel_loop3A_397 : vector<1x16xf32> to vector<16xf32>
        %parallel_loop3A_399 = arith.mulf %parallel_loop3A_392, %parallel_loop3A_398 : vector<16xf32>
        %parallel_loop3A_400 = arith.addf %parallel_loop3A_386, %parallel_loop3A_399 : vector<16xf32>
        %parallel_loop3A_401 = arith.constant 2 : i32
        %parallel_loop3A_402 = arith.addi %parallel_loop3A_123, %parallel_loop3A_401 : i32
        %parallel_loop3A_403 = arith.index_cast %parallel_loop3A_402 : i32 to index
        %parallel_loop3A_404 = arith.constant 64 : index
        %parallel_loop3A_405 = tpu.vector_load %arg11[%parallel_loop3A_403, %parallel_loop3A_404] {strides = array<i32>} : memref<80x128xf32, #tpu.memory_space<vmem>>, vector<1x16xf32>,
        %parallel_loop3A_406 = vector.shape_cast %parallel_loop3A_405 : vector<1x16xf32> to vector<16xf32>
        %parallel_loop3A_407 = arith.constant 2 : i32
        %parallel_loop3A_408 = arith.addi %parallel_loop3A_123, %parallel_loop3A_407 : i32
        %parallel_loop3A_409 = arith.index_cast %parallel_loop3A_408 : i32 to index
        %parallel_loop3A_410 = arith.constant 64 : index
        %parallel_loop3A_411 = tpu.vector_load %arg12[%parallel_loop3A_409, %parallel_loop3A_410] {strides = array<i32>} : memref<80x128xf32, #tpu.memory_space<vmem>>, vector<1x16xf32>,
        %parallel_loop3A_412 = vector.shape_cast %parallel_loop3A_411 : vector<1x16xf32> to vector<16xf32>
        %parallel_loop3A_413 = arith.mulf %parallel_loop3A_406, %parallel_loop3A_412 : vector<16xf32>
        %parallel_loop3A_414 = arith.addf %parallel_loop3A_400, %parallel_loop3A_413 : vector<16xf32>
        %parallel_loop3A_415 = arith.constant 2 : i32
        %parallel_loop3A_416 = arith.addi %parallel_loop3A_123, %parallel_loop3A_415 : i32
        %parallel_loop3A_417 = arith.index_cast %parallel_loop3A_416 : i32 to index
        %parallel_loop3A_418 = arith.constant 80 : index
        %parallel_loop3A_419 = tpu.vector_load %arg11[%parallel_loop3A_417, %parallel_loop3A_418] {strides = array<i32>} : memref<80x128xf32, #tpu.memory_space<vmem>>, vector<1x16xf32>,
        %parallel_loop3A_420 = vector.shape_cast %parallel_loop3A_419 : vector<1x16xf32> to vector<16xf32>
        %parallel_loop3A_421 = arith.constant 2 : i32
        %parallel_loop3A_422 = arith.addi %parallel_loop3A_123, %parallel_loop3A_421 : i32
        %parallel_loop3A_423 = arith.index_cast %parallel_loop3A_422 : i32 to index
        %parallel_loop3A_424 = arith.constant 80 : index
        %parallel_loop3A_425 = tpu.vector_load %arg12[%parallel_loop3A_423, %parallel_loop3A_424] {strides = array<i32>} : memref<80x128xf32, #tpu.memory_space<vmem>>, vector<1x16xf32>,
        %parallel_loop3A_426 = vector.shape_cast %parallel_loop3A_425 : vector<1x16xf32> to vector<16xf32>
        %parallel_loop3A_427 = arith.mulf %parallel_loop3A_420, %parallel_loop3A_426 : vector<16xf32>
        %parallel_loop3A_428 = arith.addf %parallel_loop3A_414, %parallel_loop3A_427 : vector<16xf32>
        %parallel_loop3A_429 = arith.constant 2 : i32
        %parallel_loop3A_430 = arith.addi %parallel_loop3A_123, %parallel_loop3A_429 : i32
        %parallel_loop3A_431 = arith.index_cast %parallel_loop3A_430 : i32 to index
        %parallel_loop3A_432 = arith.constant 96 : index
        %parallel_loop3A_433 = tpu.vector_load %arg11[%parallel_loop3A_431, %parallel_loop3A_432] {strides = array<i32>} : memref<80x128xf32, #tpu.memory_space<vmem>>, vector<1x16xf32>,
        %parallel_loop3A_434 = vector.shape_cast %parallel_loop3A_433 : vector<1x16xf32> to vector<16xf32>
        %parallel_loop3A_435 = arith.constant 2 : i32
        %parallel_loop3A_436 = arith.addi %parallel_loop3A_123, %parallel_loop3A_435 : i32
        %parallel_loop3A_437 = arith.index_cast %parallel_loop3A_436 : i32 to index
        %parallel_loop3A_438 = arith.constant 96 : index
        %parallel_loop3A_439 = tpu.vector_load %arg12[%parallel_loop3A_437, %parallel_loop3A_438] {strides = array<i32>} : memref<80x128xf32, #tpu.memory_space<vmem>>, vector<1x16xf32>,
        %parallel_loop3A_440 = vector.shape_cast %parallel_loop3A_439 : vector<1x16xf32> to vector<16xf32>
        %parallel_loop3A_441 = arith.mulf %parallel_loop3A_434, %parallel_loop3A_440 : vector<16xf32>
        %parallel_loop3A_442 = arith.addf %parallel_loop3A_428, %parallel_loop3A_441 : vector<16xf32>
        %parallel_loop3A_443 = arith.constant 2 : i32
        %parallel_loop3A_444 = arith.addi %parallel_loop3A_123, %parallel_loop3A_443 : i32
        %parallel_loop3A_445 = arith.index_cast %parallel_loop3A_444 : i32 to index
        %parallel_loop3A_446 = arith.constant 112 : index
        %parallel_loop3A_447 = tpu.vector_load %arg11[%parallel_loop3A_445, %parallel_loop3A_446] {strides = array<i32>} : memref<80x128xf32, #tpu.memory_space<vmem>>, vector<1x16xf32>,
        %parallel_loop3A_448 = vector.shape_cast %parallel_loop3A_447 : vector<1x16xf32> to vector<16xf32>
        %parallel_loop3A_449 = arith.constant 2 : i32
        %parallel_loop3A_450 = arith.addi %parallel_loop3A_123, %parallel_loop3A_449 : i32
        %parallel_loop3A_451 = arith.index_cast %parallel_loop3A_450 : i32 to index
        %parallel_loop3A_452 = arith.constant 112 : index
        %parallel_loop3A_453 = tpu.vector_load %arg12[%parallel_loop3A_451, %parallel_loop3A_452] {strides = array<i32>} : memref<80x128xf32, #tpu.memory_space<vmem>>, vector<1x16xf32>,
        %parallel_loop3A_454 = vector.shape_cast %parallel_loop3A_453 : vector<1x16xf32> to vector<16xf32>
        %parallel_loop3A_455 = arith.mulf %parallel_loop3A_448, %parallel_loop3A_454 : vector<16xf32>
        %parallel_loop3A_456 = arith.addf %parallel_loop3A_442, %parallel_loop3A_455 : vector<16xf32>
        %parallel_loop3A_457 = arith.constant 3 : i32
        %parallel_loop3A_458 = arith.addi %parallel_loop3A_123, %parallel_loop3A_457 : i32
        %parallel_loop3A_459 = arith.index_cast %parallel_loop3A_458 : i32 to index
        %parallel_loop3A_460 = arith.constant 0 : index
        %parallel_loop3A_461 = tpu.vector_load %arg11[%parallel_loop3A_459, %parallel_loop3A_460] {strides = array<i32>} : memref<80x128xf32, #tpu.memory_space<vmem>>, vector<1x16xf32>,
        %parallel_loop3A_462 = vector.shape_cast %parallel_loop3A_461 : vector<1x16xf32> to vector<16xf32>
        %parallel_loop3A_463 = arith.constant 3 : i32
        %parallel_loop3A_464 = arith.addi %parallel_loop3A_123, %parallel_loop3A_463 : i32
        %parallel_loop3A_465 = arith.index_cast %parallel_loop3A_464 : i32 to index
        %parallel_loop3A_466 = arith.constant 0 : index
        %parallel_loop3A_467 = tpu.vector_load %arg12[%parallel_loop3A_465, %parallel_loop3A_466] {strides = array<i32>} : memref<80x128xf32, #tpu.memory_space<vmem>>, vector<1x16xf32>,
        %parallel_loop3A_468 = vector.shape_cast %parallel_loop3A_467 : vector<1x16xf32> to vector<16xf32>
        %parallel_loop3A_469 = arith.mulf %parallel_loop3A_462, %parallel_loop3A_468 : vector<16xf32>
        %parallel_loop3A_470 = arith.constant 3 : i32
        %parallel_loop3A_471 = arith.addi %parallel_loop3A_123, %parallel_loop3A_470 : i32
        %parallel_loop3A_472 = arith.index_cast %parallel_loop3A_471 : i32 to index
        %parallel_loop3A_473 = arith.constant 16 : index
        %parallel_loop3A_474 = tpu.vector_load %arg11[%parallel_loop3A_472, %parallel_loop3A_473] {strides = array<i32>} : memref<80x128xf32, #tpu.memory_space<vmem>>, vector<1x16xf32>,
        %parallel_loop3A_475 = vector.shape_cast %parallel_loop3A_474 : vector<1x16xf32> to vector<16xf32>
        %parallel_loop3A_476 = arith.constant 3 : i32
        %parallel_loop3A_477 = arith.addi %parallel_loop3A_123, %parallel_loop3A_476 : i32
        %parallel_loop3A_478 = arith.index_cast %parallel_loop3A_477 : i32 to index
        %parallel_loop3A_479 = arith.constant 16 : index
        %parallel_loop3A_480 = tpu.vector_load %arg12[%parallel_loop3A_478, %parallel_loop3A_479] {strides = array<i32>} : memref<80x128xf32, #tpu.memory_space<vmem>>, vector<1x16xf32>,
        %parallel_loop3A_481 = vector.shape_cast %parallel_loop3A_480 : vector<1x16xf32> to vector<16xf32>
        %parallel_loop3A_482 = arith.mulf %parallel_loop3A_475, %parallel_loop3A_481 : vector<16xf32>
        %parallel_loop3A_483 = arith.addf %parallel_loop3A_469, %parallel_loop3A_482 : vector<16xf32>
        %parallel_loop3A_484 = arith.constant 3 : i32
        %parallel_loop3A_485 = arith.addi %parallel_loop3A_123, %parallel_loop3A_484 : i32
        %parallel_loop3A_486 = arith.index_cast %parallel_loop3A_485 : i32 to index
        %parallel_loop3A_487 = arith.constant 32 : index
        %parallel_loop3A_488 = tpu.vector_load %arg11[%parallel_loop3A_486, %parallel_loop3A_487] {strides = array<i32>} : memref<80x128xf32, #tpu.memory_space<vmem>>, vector<1x16xf32>,
        %parallel_loop3A_489 = vector.shape_cast %parallel_loop3A_488 : vector<1x16xf32> to vector<16xf32>
        %parallel_loop3A_490 = arith.constant 3 : i32
        %parallel_loop3A_491 = arith.addi %parallel_loop3A_123, %parallel_loop3A_490 : i32
        %parallel_loop3A_492 = arith.index_cast %parallel_loop3A_491 : i32 to index
        %parallel_loop3A_493 = arith.constant 32 : index
        %parallel_loop3A_494 = tpu.vector_load %arg12[%parallel_loop3A_492, %parallel_loop3A_493] {strides = array<i32>} : memref<80x128xf32, #tpu.memory_space<vmem>>, vector<1x16xf32>,
        %parallel_loop3A_495 = vector.shape_cast %parallel_loop3A_494 : vector<1x16xf32> to vector<16xf32>
        %parallel_loop3A_496 = arith.mulf %parallel_loop3A_489, %parallel_loop3A_495 : vector<16xf32>
        %parallel_loop3A_497 = arith.addf %parallel_loop3A_483, %parallel_loop3A_496 : vector<16xf32>
        %parallel_loop3A_498 = arith.constant 3 : i32
        %parallel_loop3A_499 = arith.addi %parallel_loop3A_123, %parallel_loop3A_498 : i32
        %parallel_loop3A_500 = arith.index_cast %parallel_loop3A_499 : i32 to index
        %parallel_loop3A_501 = arith.constant 48 : index
        %parallel_loop3A_502 = tpu.vector_load %arg11[%parallel_loop3A_500, %parallel_loop3A_501] {strides = array<i32>} : memref<80x128xf32, #tpu.memory_space<vmem>>, vector<1x16xf32>,
        %parallel_loop3A_503 = vector.shape_cast %parallel_loop3A_502 : vector<1x16xf32> to vector<16xf32>
        %parallel_loop3A_504 = arith.constant 3 : i32
        %parallel_loop3A_505 = arith.addi %parallel_loop3A_123, %parallel_loop3A_504 : i32
        %parallel_loop3A_506 = arith.index_cast %parallel_loop3A_505 : i32 to index
        %parallel_loop3A_507 = arith.constant 48 : index
        %parallel_loop3A_508 = tpu.vector_load %arg12[%parallel_loop3A_506, %parallel_loop3A_507] {strides = array<i32>} : memref<80x128xf32, #tpu.memory_space<vmem>>, vector<1x16xf32>,
        %parallel_loop3A_509 = vector.shape_cast %parallel_loop3A_508 : vector<1x16xf32> to vector<16xf32>
        %parallel_loop3A_510 = arith.mulf %parallel_loop3A_503, %parallel_loop3A_509 : vector<16xf32>
        %parallel_loop3A_511 = arith.addf %parallel_loop3A_497, %parallel_loop3A_510 : vector<16xf32>
        %parallel_loop3A_512 = arith.constant 3 : i32
        %parallel_loop3A_513 = arith.addi %parallel_loop3A_123, %parallel_loop3A_512 : i32
        %parallel_loop3A_514 = arith.index_cast %parallel_loop3A_513 : i32 to index
        %parallel_loop3A_515 = arith.constant 64 : index
        %parallel_loop3A_516 = tpu.vector_load %arg11[%parallel_loop3A_514, %parallel_loop3A_515] {strides = array<i32>} : memref<80x128xf32, #tpu.memory_space<vmem>>, vector<1x16xf32>,
        %parallel_loop3A_517 = vector.shape_cast %parallel_loop3A_516 : vector<1x16xf32> to vector<16xf32>
        %parallel_loop3A_518 = arith.constant 3 : i32
        %parallel_loop3A_519 = arith.addi %parallel_loop3A_123, %parallel_loop3A_518 : i32
        %parallel_loop3A_520 = arith.index_cast %parallel_loop3A_519 : i32 to index
        %parallel_loop3A_521 = arith.constant 64 : index
        %parallel_loop3A_522 = tpu.vector_load %arg12[%parallel_loop3A_520, %parallel_loop3A_521] {strides = array<i32>} : memref<80x128xf32, #tpu.memory_space<vmem>>, vector<1x16xf32>,
        %parallel_loop3A_523 = vector.shape_cast %parallel_loop3A_522 : vector<1x16xf32> to vector<16xf32>
        %parallel_loop3A_524 = arith.mulf %parallel_loop3A_517, %parallel_loop3A_523 : vector<16xf32>
        %parallel_loop3A_525 = arith.addf %parallel_loop3A_511, %parallel_loop3A_524 : vector<16xf32>
        %parallel_loop3A_526 = arith.constant 3 : i32
        %parallel_loop3A_527 = arith.addi %parallel_loop3A_123, %parallel_loop3A_526 : i32
        %parallel_loop3A_528 = arith.index_cast %parallel_loop3A_527 : i32 to index
        %parallel_loop3A_529 = arith.constant 80 : index
        %parallel_loop3A_530 = tpu.vector_load %arg11[%parallel_loop3A_528, %parallel_loop3A_529] {strides = array<i32>} : memref<80x128xf32, #tpu.memory_space<vmem>>, vector<1x16xf32>,
        %parallel_loop3A_531 = vector.shape_cast %parallel_loop3A_530 : vector<1x16xf32> to vector<16xf32>
        %parallel_loop3A_532 = arith.constant 3 : i32
        %parallel_loop3A_533 = arith.addi %parallel_loop3A_123, %parallel_loop3A_532 : i32
        %parallel_loop3A_534 = arith.index_cast %parallel_loop3A_533 : i32 to index
        %parallel_loop3A_535 = arith.constant 80 : index
        %parallel_loop3A_536 = tpu.vector_load %arg12[%parallel_loop3A_534, %parallel_loop3A_535] {strides = array<i32>} : memref<80x128xf32, #tpu.memory_space<vmem>>, vector<1x16xf32>,
        %parallel_loop3A_537 = vector.shape_cast %parallel_loop3A_536 : vector<1x16xf32> to vector<16xf32>
        %parallel_loop3A_538 = arith.mulf %parallel_loop3A_531, %parallel_loop3A_537 : vector<16xf32>
        %parallel_loop3A_539 = arith.addf %parallel_loop3A_525, %parallel_loop3A_538 : vector<16xf32>
        %parallel_loop3A_540 = arith.constant 3 : i32
        %parallel_loop3A_541 = arith.addi %parallel_loop3A_123, %parallel_loop3A_540 : i32
        %parallel_loop3A_542 = arith.index_cast %parallel_loop3A_541 : i32 to index
        %parallel_loop3A_543 = arith.constant 96 : index
        %parallel_loop3A_544 = tpu.vector_load %arg11[%parallel_loop3A_542, %parallel_loop3A_543] {strides = array<i32>} : memref<80x128xf32, #tpu.memory_space<vmem>>, vector<1x16xf32>,
        %parallel_loop3A_545 = vector.shape_cast %parallel_loop3A_544 : vector<1x16xf32> to vector<16xf32>
        %parallel_loop3A_546 = arith.constant 3 : i32
        %parallel_loop3A_547 = arith.addi %parallel_loop3A_123, %parallel_loop3A_546 : i32
        %parallel_loop3A_548 = arith.index_cast %parallel_loop3A_547 : i32 to index
        %parallel_loop3A_549 = arith.constant 96 : index
        %parallel_loop3A_550 = tpu.vector_load %arg12[%parallel_loop3A_548, %parallel_loop3A_549] {strides = array<i32>} : memref<80x128xf32, #tpu.memory_space<vmem>>, vector<1x16xf32>,
        %parallel_loop3A_551 = vector.shape_cast %parallel_loop3A_550 : vector<1x16xf32> to vector<16xf32>
        %parallel_loop3A_552 = arith.mulf %parallel_loop3A_545, %parallel_loop3A_551 : vector<16xf32>
        %parallel_loop3A_553 = arith.addf %parallel_loop3A_539, %parallel_loop3A_552 : vector<16xf32>
        %parallel_loop3A_554 = arith.constant 3 : i32
        %parallel_loop3A_555 = arith.addi %parallel_loop3A_123, %parallel_loop3A_554 : i32
        %parallel_loop3A_556 = arith.index_cast %parallel_loop3A_555 : i32 to index
        %parallel_loop3A_557 = arith.constant 112 : index
        %parallel_loop3A_558 = tpu.vector_load %arg11[%parallel_loop3A_556, %parallel_loop3A_557] {strides = array<i32>} : memref<80x128xf32, #tpu.memory_space<vmem>>, vector<1x16xf32>,
        %parallel_loop3A_559 = vector.shape_cast %parallel_loop3A_558 : vector<1x16xf32> to vector<16xf32>
        %parallel_loop3A_560 = arith.constant 3 : i32
        %parallel_loop3A_561 = arith.addi %parallel_loop3A_123, %parallel_loop3A_560 : i32
        %parallel_loop3A_562 = arith.index_cast %parallel_loop3A_561 : i32 to index
        %parallel_loop3A_563 = arith.constant 112 : index
        %parallel_loop3A_564 = tpu.vector_load %arg12[%parallel_loop3A_562, %parallel_loop3A_563] {strides = array<i32>} : memref<80x128xf32, #tpu.memory_space<vmem>>, vector<1x16xf32>,
        %parallel_loop3A_565 = vector.shape_cast %parallel_loop3A_564 : vector<1x16xf32> to vector<16xf32>
        %parallel_loop3A_566 = arith.mulf %parallel_loop3A_559, %parallel_loop3A_565 : vector<16xf32>
        %parallel_loop3A_567 = arith.addf %parallel_loop3A_553, %parallel_loop3A_566 : vector<16xf32>
        %parallel_loop3A_568 = arith.constant 4 : i32
        %parallel_loop3A_569 = arith.addi %parallel_loop3A_123, %parallel_loop3A_568 : i32
        %parallel_loop3A_570 = arith.index_cast %parallel_loop3A_569 : i32 to index
        %parallel_loop3A_571 = arith.constant 0 : index
        %parallel_loop3A_572 = tpu.vector_load %arg11[%parallel_loop3A_570, %parallel_loop3A_571] {strides = array<i32>} : memref<80x128xf32, #tpu.memory_space<vmem>>, vector<1x16xf32>,
        %parallel_loop3A_573 = vector.shape_cast %parallel_loop3A_572 : vector<1x16xf32> to vector<16xf32>
        %parallel_loop3A_574 = arith.constant 4 : i32
        %parallel_loop3A_575 = arith.addi %parallel_loop3A_123, %parallel_loop3A_574 : i32
        %parallel_loop3A_576 = arith.index_cast %parallel_loop3A_575 : i32 to index
        %parallel_loop3A_577 = arith.constant 0 : index
        %parallel_loop3A_578 = tpu.vector_load %arg12[%parallel_loop3A_576, %parallel_loop3A_577] {strides = array<i32>} : memref<80x128xf32, #tpu.memory_space<vmem>>, vector<1x16xf32>,
        %parallel_loop3A_579 = vector.shape_cast %parallel_loop3A_578 : vector<1x16xf32> to vector<16xf32>
        %parallel_loop3A_580 = arith.mulf %parallel_loop3A_573, %parallel_loop3A_579 : vector<16xf32>
        %parallel_loop3A_581 = arith.constant 4 : i32
        %parallel_loop3A_582 = arith.addi %parallel_loop3A_123, %parallel_loop3A_581 : i32
        %parallel_loop3A_583 = arith.index_cast %parallel_loop3A_582 : i32 to index
        %parallel_loop3A_584 = arith.constant 16 : index
        %parallel_loop3A_585 = tpu.vector_load %arg11[%parallel_loop3A_583, %parallel_loop3A_584] {strides = array<i32>} : memref<80x128xf32, #tpu.memory_space<vmem>>, vector<1x16xf32>,
        %parallel_loop3A_586 = vector.shape_cast %parallel_loop3A_585 : vector<1x16xf32> to vector<16xf32>
        %parallel_loop3A_587 = arith.constant 4 : i32
        %parallel_loop3A_588 = arith.addi %parallel_loop3A_123, %parallel_loop3A_587 : i32
        %parallel_loop3A_589 = arith.index_cast %parallel_loop3A_588 : i32 to index
        %parallel_loop3A_590 = arith.constant 16 : index
        %parallel_loop3A_591 = tpu.vector_load %arg12[%parallel_loop3A_589, %parallel_loop3A_590] {strides = array<i32>} : memref<80x128xf32, #tpu.memory_space<vmem>>, vector<1x16xf32>,
        %parallel_loop3A_592 = vector.shape_cast %parallel_loop3A_591 : vector<1x16xf32> to vector<16xf32>
        %parallel_loop3A_593 = arith.mulf %parallel_loop3A_586, %parallel_loop3A_592 : vector<16xf32>
        %parallel_loop3A_594 = arith.addf %parallel_loop3A_580, %parallel_loop3A_593 : vector<16xf32>
        %parallel_loop3A_595 = arith.constant 4 : i32
        %parallel_loop3A_596 = arith.addi %parallel_loop3A_123, %parallel_loop3A_595 : i32
        %parallel_loop3A_597 = arith.index_cast %parallel_loop3A_596 : i32 to index
        %parallel_loop3A_598 = arith.constant 32 : index
        %parallel_loop3A_599 = tpu.vector_load %arg11[%parallel_loop3A_597, %parallel_loop3A_598] {strides = array<i32>} : memref<80x128xf32, #tpu.memory_space<vmem>>, vector<1x16xf32>,
        %parallel_loop3A_600 = vector.shape_cast %parallel_loop3A_599 : vector<1x16xf32> to vector<16xf32>
        %parallel_loop3A_601 = arith.constant 4 : i32
        %parallel_loop3A_602 = arith.addi %parallel_loop3A_123, %parallel_loop3A_601 : i32
        %parallel_loop3A_603 = arith.index_cast %parallel_loop3A_602 : i32 to index
        %parallel_loop3A_604 = arith.constant 32 : index
        %parallel_loop3A_605 = tpu.vector_load %arg12[%parallel_loop3A_603, %parallel_loop3A_604] {strides = array<i32>} : memref<80x128xf32, #tpu.memory_space<vmem>>, vector<1x16xf32>,
        %parallel_loop3A_606 = vector.shape_cast %parallel_loop3A_605 : vector<1x16xf32> to vector<16xf32>
        %parallel_loop3A_607 = arith.mulf %parallel_loop3A_600, %parallel_loop3A_606 : vector<16xf32>
        %parallel_loop3A_608 = arith.addf %parallel_loop3A_594, %parallel_loop3A_607 : vector<16xf32>
        %parallel_loop3A_609 = arith.constant 4 : i32
        %parallel_loop3A_610 = arith.addi %parallel_loop3A_123, %parallel_loop3A_609 : i32
        %parallel_loop3A_611 = arith.index_cast %parallel_loop3A_610 : i32 to index
        %parallel_loop3A_612 = arith.constant 48 : index
        %parallel_loop3A_613 = tpu.vector_load %arg11[%parallel_loop3A_611, %parallel_loop3A_612] {strides = array<i32>} : memref<80x128xf32, #tpu.memory_space<vmem>>, vector<1x16xf32>,
        %parallel_loop3A_614 = vector.shape_cast %parallel_loop3A_613 : vector<1x16xf32> to vector<16xf32>
        %parallel_loop3A_615 = arith.constant 4 : i32
        %parallel_loop3A_616 = arith.addi %parallel_loop3A_123, %parallel_loop3A_615 : i32
        %parallel_loop3A_617 = arith.index_cast %parallel_loop3A_616 : i32 to index
        %parallel_loop3A_618 = arith.constant 48 : index
        %parallel_loop3A_619 = tpu.vector_load %arg12[%parallel_loop3A_617, %parallel_loop3A_618] {strides = array<i32>} : memref<80x128xf32, #tpu.memory_space<vmem>>, vector<1x16xf32>,
        %parallel_loop3A_620 = vector.shape_cast %parallel_loop3A_619 : vector<1x16xf32> to vector<16xf32>
        %parallel_loop3A_621 = arith.mulf %parallel_loop3A_614, %parallel_loop3A_620 : vector<16xf32>
        %parallel_loop3A_622 = arith.addf %parallel_loop3A_608, %parallel_loop3A_621 : vector<16xf32>
        %parallel_loop3A_623 = arith.constant 4 : i32
        %parallel_loop3A_624 = arith.addi %parallel_loop3A_123, %parallel_loop3A_623 : i32
        %parallel_loop3A_625 = arith.index_cast %parallel_loop3A_624 : i32 to index
        %parallel_loop3A_626 = arith.constant 64 : index
        %parallel_loop3A_627 = tpu.vector_load %arg11[%parallel_loop3A_625, %parallel_loop3A_626] {strides = array<i32>} : memref<80x128xf32, #tpu.memory_space<vmem>>, vector<1x16xf32>,
        %parallel_loop3A_628 = vector.shape_cast %parallel_loop3A_627 : vector<1x16xf32> to vector<16xf32>
        %parallel_loop3A_629 = arith.constant 4 : i32
        %parallel_loop3A_630 = arith.addi %parallel_loop3A_123, %parallel_loop3A_629 : i32
        %parallel_loop3A_631 = arith.index_cast %parallel_loop3A_630 : i32 to index
        %parallel_loop3A_632 = arith.constant 64 : index
        %parallel_loop3A_633 = tpu.vector_load %arg12[%parallel_loop3A_631, %parallel_loop3A_632] {strides = array<i32>} : memref<80x128xf32, #tpu.memory_space<vmem>>, vector<1x16xf32>,
        %parallel_loop3A_634 = vector.shape_cast %parallel_loop3A_633 : vector<1x16xf32> to vector<16xf32>
        %parallel_loop3A_635 = arith.mulf %parallel_loop3A_628, %parallel_loop3A_634 : vector<16xf32>
        %parallel_loop3A_636 = arith.addf %parallel_loop3A_622, %parallel_loop3A_635 : vector<16xf32>
        %parallel_loop3A_637 = arith.constant 4 : i32
        %parallel_loop3A_638 = arith.addi %parallel_loop3A_123, %parallel_loop3A_637 : i32
        %parallel_loop3A_639 = arith.index_cast %parallel_loop3A_638 : i32 to index
        %parallel_loop3A_640 = arith.constant 80 : index
        %parallel_loop3A_641 = tpu.vector_load %arg11[%parallel_loop3A_639, %parallel_loop3A_640] {strides = array<i32>} : memref<80x128xf32, #tpu.memory_space<vmem>>, vector<1x16xf32>,
        %parallel_loop3A_642 = vector.shape_cast %parallel_loop3A_641 : vector<1x16xf32> to vector<16xf32>
        %parallel_loop3A_643 = arith.constant 4 : i32
        %parallel_loop3A_644 = arith.addi %parallel_loop3A_123, %parallel_loop3A_643 : i32
        %parallel_loop3A_645 = arith.index_cast %parallel_loop3A_644 : i32 to index
        %parallel_loop3A_646 = arith.constant 80 : index
        %parallel_loop3A_647 = tpu.vector_load %arg12[%parallel_loop3A_645, %parallel_loop3A_646] {strides = array<i32>} : memref<80x128xf32, #tpu.memory_space<vmem>>, vector<1x16xf32>,
        %parallel_loop3A_648 = vector.shape_cast %parallel_loop3A_647 : vector<1x16xf32> to vector<16xf32>
        %parallel_loop3A_649 = arith.mulf %parallel_loop3A_642, %parallel_loop3A_648 : vector<16xf32>
        %parallel_loop3A_650 = arith.addf %parallel_loop3A_636, %parallel_loop3A_649 : vector<16xf32>
        %parallel_loop3A_651 = arith.constant 4 : i32
        %parallel_loop3A_652 = arith.addi %parallel_loop3A_123, %parallel_loop3A_651 : i32
        %parallel_loop3A_653 = arith.index_cast %parallel_loop3A_652 : i32 to index
        %parallel_loop3A_654 = arith.constant 96 : index
        %parallel_loop3A_655 = tpu.vector_load %arg11[%parallel_loop3A_653, %parallel_loop3A_654] {strides = array<i32>} : memref<80x128xf32, #tpu.memory_space<vmem>>, vector<1x16xf32>,
        %parallel_loop3A_656 = vector.shape_cast %parallel_loop3A_655 : vector<1x16xf32> to vector<16xf32>
        %parallel_loop3A_657 = arith.constant 4 : i32
        %parallel_loop3A_658 = arith.addi %parallel_loop3A_123, %parallel_loop3A_657 : i32
        %parallel_loop3A_659 = arith.index_cast %parallel_loop3A_658 : i32 to index
        %parallel_loop3A_660 = arith.constant 96 : index
        %parallel_loop3A_661 = tpu.vector_load %arg12[%parallel_loop3A_659, %parallel_loop3A_660] {strides = array<i32>} : memref<80x128xf32, #tpu.memory_space<vmem>>, vector<1x16xf32>,
        %parallel_loop3A_662 = vector.shape_cast %parallel_loop3A_661 : vector<1x16xf32> to vector<16xf32>
        %parallel_loop3A_663 = arith.mulf %parallel_loop3A_656, %parallel_loop3A_662 : vector<16xf32>
        %parallel_loop3A_664 = arith.addf %parallel_loop3A_650, %parallel_loop3A_663 : vector<16xf32>
        %parallel_loop3A_665 = arith.constant 4 : i32
        %parallel_loop3A_666 = arith.addi %parallel_loop3A_123, %parallel_loop3A_665 : i32
        %parallel_loop3A_667 = arith.index_cast %parallel_loop3A_666 : i32 to index
        %parallel_loop3A_668 = arith.constant 112 : index
        %parallel_loop3A_669 = tpu.vector_load %arg11[%parallel_loop3A_667, %parallel_loop3A_668] {strides = array<i32>} : memref<80x128xf32, #tpu.memory_space<vmem>>, vector<1x16xf32>,
        %parallel_loop3A_670 = vector.shape_cast %parallel_loop3A_669 : vector<1x16xf32> to vector<16xf32>
        %parallel_loop3A_671 = arith.constant 4 : i32
        %parallel_loop3A_672 = arith.addi %parallel_loop3A_123, %parallel_loop3A_671 : i32
        %parallel_loop3A_673 = arith.index_cast %parallel_loop3A_672 : i32 to index
        %parallel_loop3A_674 = arith.constant 112 : index
        %parallel_loop3A_675 = tpu.vector_load %arg12[%parallel_loop3A_673, %parallel_loop3A_674] {strides = array<i32>} : memref<80x128xf32, #tpu.memory_space<vmem>>, vector<1x16xf32>,
        %parallel_loop3A_676 = vector.shape_cast %parallel_loop3A_675 : vector<1x16xf32> to vector<16xf32>
        %parallel_loop3A_677 = arith.mulf %parallel_loop3A_670, %parallel_loop3A_676 : vector<16xf32>
        %parallel_loop3A_678 = arith.addf %parallel_loop3A_664, %parallel_loop3A_677 : vector<16xf32>
        %parallel_loop3A_679 = arith.constant 5 : i32
        %parallel_loop3A_680 = arith.addi %parallel_loop3A_123, %parallel_loop3A_679 : i32
        %parallel_loop3A_681 = arith.index_cast %parallel_loop3A_680 : i32 to index
        %parallel_loop3A_682 = arith.constant 0 : index
        %parallel_loop3A_683 = tpu.vector_load %arg11[%parallel_loop3A_681, %parallel_loop3A_682] {strides = array<i32>} : memref<80x128xf32, #tpu.memory_space<vmem>>, vector<1x16xf32>,
        %parallel_loop3A_684 = vector.shape_cast %parallel_loop3A_683 : vector<1x16xf32> to vector<16xf32>
        %parallel_loop3A_685 = arith.constant 5 : i32
        %parallel_loop3A_686 = arith.addi %parallel_loop3A_123, %parallel_loop3A_685 : i32
        %parallel_loop3A_687 = arith.index_cast %parallel_loop3A_686 : i32 to index
        %parallel_loop3A_688 = arith.constant 0 : index
        %parallel_loop3A_689 = tpu.vector_load %arg12[%parallel_loop3A_687, %parallel_loop3A_688] {strides = array<i32>} : memref<80x128xf32, #tpu.memory_space<vmem>>, vector<1x16xf32>,
        %parallel_loop3A_690 = vector.shape_cast %parallel_loop3A_689 : vector<1x16xf32> to vector<16xf32>
        %parallel_loop3A_691 = arith.mulf %parallel_loop3A_684, %parallel_loop3A_690 : vector<16xf32>
        %parallel_loop3A_692 = arith.constant 5 : i32
        %parallel_loop3A_693 = arith.addi %parallel_loop3A_123, %parallel_loop3A_692 : i32
        %parallel_loop3A_694 = arith.index_cast %parallel_loop3A_693 : i32 to index
        %parallel_loop3A_695 = arith.constant 16 : index
        %parallel_loop3A_696 = tpu.vector_load %arg11[%parallel_loop3A_694, %parallel_loop3A_695] {strides = array<i32>} : memref<80x128xf32, #tpu.memory_space<vmem>>, vector<1x16xf32>,
        %parallel_loop3A_697 = vector.shape_cast %parallel_loop3A_696 : vector<1x16xf32> to vector<16xf32>
        %parallel_loop3A_698 = arith.constant 5 : i32
        %parallel_loop3A_699 = arith.addi %parallel_loop3A_123, %parallel_loop3A_698 : i32
        %parallel_loop3A_700 = arith.index_cast %parallel_loop3A_699 : i32 to index
        %parallel_loop3A_701 = arith.constant 16 : index
        %parallel_loop3A_702 = tpu.vector_load %arg12[%parallel_loop3A_700, %parallel_loop3A_701] {strides = array<i32>} : memref<80x128xf32, #tpu.memory_space<vmem>>, vector<1x16xf32>,
        %parallel_loop3A_703 = vector.shape_cast %parallel_loop3A_702 : vector<1x16xf32> to vector<16xf32>
        %parallel_loop3A_704 = arith.mulf %parallel_loop3A_697, %parallel_loop3A_703 : vector<16xf32>
        %parallel_loop3A_705 = arith.addf %parallel_loop3A_691, %parallel_loop3A_704 : vector<16xf32>
        %parallel_loop3A_706 = arith.constant 5 : i32
        %parallel_loop3A_707 = arith.addi %parallel_loop3A_123, %parallel_loop3A_706 : i32
        %parallel_loop3A_708 = arith.index_cast %parallel_loop3A_707 : i32 to index
        %parallel_loop3A_709 = arith.constant 32 : index
        %parallel_loop3A_710 = tpu.vector_load %arg11[%parallel_loop3A_708, %parallel_loop3A_709] {strides = array<i32>} : memref<80x128xf32, #tpu.memory_space<vmem>>, vector<1x16xf32>,
        %parallel_loop3A_711 = vector.shape_cast %parallel_loop3A_710 : vector<1x16xf32> to vector<16xf32>
        %parallel_loop3A_712 = arith.constant 5 : i32
        %parallel_loop3A_713 = arith.addi %parallel_loop3A_123, %parallel_loop3A_712 : i32
        %parallel_loop3A_714 = arith.index_cast %parallel_loop3A_713 : i32 to index
        %parallel_loop3A_715 = arith.constant 32 : index
        %parallel_loop3A_716 = tpu.vector_load %arg12[%parallel_loop3A_714, %parallel_loop3A_715] {strides = array<i32>} : memref<80x128xf32, #tpu.memory_space<vmem>>, vector<1x16xf32>,
        %parallel_loop3A_717 = vector.shape_cast %parallel_loop3A_716 : vector<1x16xf32> to vector<16xf32>
        %parallel_loop3A_718 = arith.mulf %parallel_loop3A_711, %parallel_loop3A_717 : vector<16xf32>
        %parallel_loop3A_719 = arith.addf %parallel_loop3A_705, %parallel_loop3A_718 : vector<16xf32>
        %parallel_loop3A_720 = arith.constant 5 : i32
        %parallel_loop3A_721 = arith.addi %parallel_loop3A_123, %parallel_loop3A_720 : i32
        %parallel_loop3A_722 = arith.index_cast %parallel_loop3A_721 : i32 to index
        %parallel_loop3A_723 = arith.constant 48 : index
        %parallel_loop3A_724 = tpu.vector_load %arg11[%parallel_loop3A_722, %parallel_loop3A_723] {strides = array<i32>} : memref<80x128xf32, #tpu.memory_space<vmem>>, vector<1x16xf32>,
        %parallel_loop3A_725 = vector.shape_cast %parallel_loop3A_724 : vector<1x16xf32> to vector<16xf32>
        %parallel_loop3A_726 = arith.constant 5 : i32
        %parallel_loop3A_727 = arith.addi %parallel_loop3A_123, %parallel_loop3A_726 : i32
        %parallel_loop3A_728 = arith.index_cast %parallel_loop3A_727 : i32 to index
        %parallel_loop3A_729 = arith.constant 48 : index
        %parallel_loop3A_730 = tpu.vector_load %arg12[%parallel_loop3A_728, %parallel_loop3A_729] {strides = array<i32>} : memref<80x128xf32, #tpu.memory_space<vmem>>, vector<1x16xf32>,
        %parallel_loop3A_731 = vector.shape_cast %parallel_loop3A_730 : vector<1x16xf32> to vector<16xf32>
        %parallel_loop3A_732 = arith.mulf %parallel_loop3A_725, %parallel_loop3A_731 : vector<16xf32>
        %parallel_loop3A_733 = arith.addf %parallel_loop3A_719, %parallel_loop3A_732 : vector<16xf32>
        %parallel_loop3A_734 = arith.constant 5 : i32
        %parallel_loop3A_735 = arith.addi %parallel_loop3A_123, %parallel_loop3A_734 : i32
        %parallel_loop3A_736 = arith.index_cast %parallel_loop3A_735 : i32 to index
        %parallel_loop3A_737 = arith.constant 64 : index
        %parallel_loop3A_738 = tpu.vector_load %arg11[%parallel_loop3A_736, %parallel_loop3A_737] {strides = array<i32>} : memref<80x128xf32, #tpu.memory_space<vmem>>, vector<1x16xf32>,
        %parallel_loop3A_739 = vector.shape_cast %parallel_loop3A_738 : vector<1x16xf32> to vector<16xf32>
        %parallel_loop3A_740 = arith.constant 5 : i32
        %parallel_loop3A_741 = arith.addi %parallel_loop3A_123, %parallel_loop3A_740 : i32
        %parallel_loop3A_742 = arith.index_cast %parallel_loop3A_741 : i32 to index
        %parallel_loop3A_743 = arith.constant 64 : index
        %parallel_loop3A_744 = tpu.vector_load %arg12[%parallel_loop3A_742, %parallel_loop3A_743] {strides = array<i32>} : memref<80x128xf32, #tpu.memory_space<vmem>>, vector<1x16xf32>,
        %parallel_loop3A_745 = vector.shape_cast %parallel_loop3A_744 : vector<1x16xf32> to vector<16xf32>
        %parallel_loop3A_746 = arith.mulf %parallel_loop3A_739, %parallel_loop3A_745 : vector<16xf32>
        %parallel_loop3A_747 = arith.addf %parallel_loop3A_733, %parallel_loop3A_746 : vector<16xf32>
        %parallel_loop3A_748 = arith.constant 5 : i32
        %parallel_loop3A_749 = arith.addi %parallel_loop3A_123, %parallel_loop3A_748 : i32
        %parallel_loop3A_750 = arith.index_cast %parallel_loop3A_749 : i32 to index
        %parallel_loop3A_751 = arith.constant 80 : index
        %parallel_loop3A_752 = tpu.vector_load %arg11[%parallel_loop3A_750, %parallel_loop3A_751] {strides = array<i32>} : memref<80x128xf32, #tpu.memory_space<vmem>>, vector<1x16xf32>,
        %parallel_loop3A_753 = vector.shape_cast %parallel_loop3A_752 : vector<1x16xf32> to vector<16xf32>
        %parallel_loop3A_754 = arith.constant 5 : i32
        %parallel_loop3A_755 = arith.addi %parallel_loop3A_123, %parallel_loop3A_754 : i32
        %parallel_loop3A_756 = arith.index_cast %parallel_loop3A_755 : i32 to index
        %parallel_loop3A_757 = arith.constant 80 : index
        %parallel_loop3A_758 = tpu.vector_load %arg12[%parallel_loop3A_756, %parallel_loop3A_757] {strides = array<i32>} : memref<80x128xf32, #tpu.memory_space<vmem>>, vector<1x16xf32>,
        %parallel_loop3A_759 = vector.shape_cast %parallel_loop3A_758 : vector<1x16xf32> to vector<16xf32>
        %parallel_loop3A_760 = arith.mulf %parallel_loop3A_753, %parallel_loop3A_759 : vector<16xf32>
        %parallel_loop3A_761 = arith.addf %parallel_loop3A_747, %parallel_loop3A_760 : vector<16xf32>
        %parallel_loop3A_762 = arith.constant 5 : i32
        %parallel_loop3A_763 = arith.addi %parallel_loop3A_123, %parallel_loop3A_762 : i32
        %parallel_loop3A_764 = arith.index_cast %parallel_loop3A_763 : i32 to index
        %parallel_loop3A_765 = arith.constant 96 : index
        %parallel_loop3A_766 = tpu.vector_load %arg11[%parallel_loop3A_764, %parallel_loop3A_765] {strides = array<i32>} : memref<80x128xf32, #tpu.memory_space<vmem>>, vector<1x16xf32>,
        %parallel_loop3A_767 = vector.shape_cast %parallel_loop3A_766 : vector<1x16xf32> to vector<16xf32>
        %parallel_loop3A_768 = arith.constant 5 : i32
        %parallel_loop3A_769 = arith.addi %parallel_loop3A_123, %parallel_loop3A_768 : i32
        %parallel_loop3A_770 = arith.index_cast %parallel_loop3A_769 : i32 to index
        %parallel_loop3A_771 = arith.constant 96 : index
        %parallel_loop3A_772 = tpu.vector_load %arg12[%parallel_loop3A_770, %parallel_loop3A_771] {strides = array<i32>} : memref<80x128xf32, #tpu.memory_space<vmem>>, vector<1x16xf32>,
        %parallel_loop3A_773 = vector.shape_cast %parallel_loop3A_772 : vector<1x16xf32> to vector<16xf32>
        %parallel_loop3A_774 = arith.mulf %parallel_loop3A_767, %parallel_loop3A_773 : vector<16xf32>
        %parallel_loop3A_775 = arith.addf %parallel_loop3A_761, %parallel_loop3A_774 : vector<16xf32>
        %parallel_loop3A_776 = arith.constant 5 : i32
        %parallel_loop3A_777 = arith.addi %parallel_loop3A_123, %parallel_loop3A_776 : i32
        %parallel_loop3A_778 = arith.index_cast %parallel_loop3A_777 : i32 to index
        %parallel_loop3A_779 = arith.constant 112 : index
        %parallel_loop3A_780 = tpu.vector_load %arg11[%parallel_loop3A_778, %parallel_loop3A_779] {strides = array<i32>} : memref<80x128xf32, #tpu.memory_space<vmem>>, vector<1x16xf32>,
        %parallel_loop3A_781 = vector.shape_cast %parallel_loop3A_780 : vector<1x16xf32> to vector<16xf32>
        %parallel_loop3A_782 = arith.constant 5 : i32
        %parallel_loop3A_783 = arith.addi %parallel_loop3A_123, %parallel_loop3A_782 : i32
        %parallel_loop3A_784 = arith.index_cast %parallel_loop3A_783 : i32 to index
        %parallel_loop3A_785 = arith.constant 112 : index
        %parallel_loop3A_786 = tpu.vector_load %arg12[%parallel_loop3A_784, %parallel_loop3A_785] {strides = array<i32>} : memref<80x128xf32, #tpu.memory_space<vmem>>, vector<1x16xf32>,
        %parallel_loop3A_787 = vector.shape_cast %parallel_loop3A_786 : vector<1x16xf32> to vector<16xf32>
        %parallel_loop3A_788 = arith.mulf %parallel_loop3A_781, %parallel_loop3A_787 : vector<16xf32>
        %parallel_loop3A_789 = arith.addf %parallel_loop3A_775, %parallel_loop3A_788 : vector<16xf32>
        %parallel_loop3A_790 = arith.constant 6 : i32
        %parallel_loop3A_791 = arith.addi %parallel_loop3A_123, %parallel_loop3A_790 : i32
        %parallel_loop3A_792 = arith.index_cast %parallel_loop3A_791 : i32 to index
        %parallel_loop3A_793 = arith.constant 0 : index
        %parallel_loop3A_794 = tpu.vector_load %arg11[%parallel_loop3A_792, %parallel_loop3A_793] {strides = array<i32>} : memref<80x128xf32, #tpu.memory_space<vmem>>, vector<1x16xf32>,
        %parallel_loop3A_795 = vector.shape_cast %parallel_loop3A_794 : vector<1x16xf32> to vector<16xf32>
        %parallel_loop3A_796 = arith.constant 6 : i32
        %parallel_loop3A_797 = arith.addi %parallel_loop3A_123, %parallel_loop3A_796 : i32
        %parallel_loop3A_798 = arith.index_cast %parallel_loop3A_797 : i32 to index
        %parallel_loop3A_799 = arith.constant 0 : index
        %parallel_loop3A_800 = tpu.vector_load %arg12[%parallel_loop3A_798, %parallel_loop3A_799] {strides = array<i32>} : memref<80x128xf32, #tpu.memory_space<vmem>>, vector<1x16xf32>,
        %parallel_loop3A_801 = vector.shape_cast %parallel_loop3A_800 : vector<1x16xf32> to vector<16xf32>
        %parallel_loop3A_802 = arith.mulf %parallel_loop3A_795, %parallel_loop3A_801 : vector<16xf32>
        %parallel_loop3A_803 = arith.constant 6 : i32
        %parallel_loop3A_804 = arith.addi %parallel_loop3A_123, %parallel_loop3A_803 : i32
        %parallel_loop3A_805 = arith.index_cast %parallel_loop3A_804 : i32 to index
        %parallel_loop3A_806 = arith.constant 16 : index
        %parallel_loop3A_807 = tpu.vector_load %arg11[%parallel_loop3A_805, %parallel_loop3A_806] {strides = array<i32>} : memref<80x128xf32, #tpu.memory_space<vmem>>, vector<1x16xf32>,
        %parallel_loop3A_808 = vector.shape_cast %parallel_loop3A_807 : vector<1x16xf32> to vector<16xf32>
        %parallel_loop3A_809 = arith.constant 6 : i32
        %parallel_loop3A_810 = arith.addi %parallel_loop3A_123, %parallel_loop3A_809 : i32
        %parallel_loop3A_811 = arith.index_cast %parallel_loop3A_810 : i32 to index
        %parallel_loop3A_812 = arith.constant 16 : index
        %parallel_loop3A_813 = tpu.vector_load %arg12[%parallel_loop3A_811, %parallel_loop3A_812] {strides = array<i32>} : memref<80x128xf32, #tpu.memory_space<vmem>>, vector<1x16xf32>,
        %parallel_loop3A_814 = vector.shape_cast %parallel_loop3A_813 : vector<1x16xf32> to vector<16xf32>
        %parallel_loop3A_815 = arith.mulf %parallel_loop3A_808, %parallel_loop3A_814 : vector<16xf32>
        %parallel_loop3A_816 = arith.addf %parallel_loop3A_802, %parallel_loop3A_815 : vector<16xf32>
        %parallel_loop3A_817 = arith.constant 6 : i32
        %parallel_loop3A_818 = arith.addi %parallel_loop3A_123, %parallel_loop3A_817 : i32
        %parallel_loop3A_819 = arith.index_cast %parallel_loop3A_818 : i32 to index
        %parallel_loop3A_820 = arith.constant 32 : index
        %parallel_loop3A_821 = tpu.vector_load %arg11[%parallel_loop3A_819, %parallel_loop3A_820] {strides = array<i32>} : memref<80x128xf32, #tpu.memory_space<vmem>>, vector<1x16xf32>,
        %parallel_loop3A_822 = vector.shape_cast %parallel_loop3A_821 : vector<1x16xf32> to vector<16xf32>
        %parallel_loop3A_823 = arith.constant 6 : i32
        %parallel_loop3A_824 = arith.addi %parallel_loop3A_123, %parallel_loop3A_823 : i32
        %parallel_loop3A_825 = arith.index_cast %parallel_loop3A_824 : i32 to index
        %parallel_loop3A_826 = arith.constant 32 : index
        %parallel_loop3A_827 = tpu.vector_load %arg12[%parallel_loop3A_825, %parallel_loop3A_826] {strides = array<i32>} : memref<80x128xf32, #tpu.memory_space<vmem>>, vector<1x16xf32>,
        %parallel_loop3A_828 = vector.shape_cast %parallel_loop3A_827 : vector<1x16xf32> to vector<16xf32>
        %parallel_loop3A_829 = arith.mulf %parallel_loop3A_822, %parallel_loop3A_828 : vector<16xf32>
        %parallel_loop3A_830 = arith.addf %parallel_loop3A_816, %parallel_loop3A_829 : vector<16xf32>
        %parallel_loop3A_831 = arith.constant 6 : i32
        %parallel_loop3A_832 = arith.addi %parallel_loop3A_123, %parallel_loop3A_831 : i32
        %parallel_loop3A_833 = arith.index_cast %parallel_loop3A_832 : i32 to index
        %parallel_loop3A_834 = arith.constant 48 : index
        %parallel_loop3A_835 = tpu.vector_load %arg11[%parallel_loop3A_833, %parallel_loop3A_834] {strides = array<i32>} : memref<80x128xf32, #tpu.memory_space<vmem>>, vector<1x16xf32>,
        %parallel_loop3A_836 = vector.shape_cast %parallel_loop3A_835 : vector<1x16xf32> to vector<16xf32>
        %parallel_loop3A_837 = arith.constant 6 : i32
        %parallel_loop3A_838 = arith.addi %parallel_loop3A_123, %parallel_loop3A_837 : i32
        %parallel_loop3A_839 = arith.index_cast %parallel_loop3A_838 : i32 to index
        %parallel_loop3A_840 = arith.constant 48 : index
        %parallel_loop3A_841 = tpu.vector_load %arg12[%parallel_loop3A_839, %parallel_loop3A_840] {strides = array<i32>} : memref<80x128xf32, #tpu.memory_space<vmem>>, vector<1x16xf32>,
        %parallel_loop3A_842 = vector.shape_cast %parallel_loop3A_841 : vector<1x16xf32> to vector<16xf32>
        %parallel_loop3A_843 = arith.mulf %parallel_loop3A_836, %parallel_loop3A_842 : vector<16xf32>
        %parallel_loop3A_844 = arith.addf %parallel_loop3A_830, %parallel_loop3A_843 : vector<16xf32>
        %parallel_loop3A_845 = arith.constant 6 : i32
        %parallel_loop3A_846 = arith.addi %parallel_loop3A_123, %parallel_loop3A_845 : i32
        %parallel_loop3A_847 = arith.index_cast %parallel_loop3A_846 : i32 to index
        %parallel_loop3A_848 = arith.constant 64 : index
        %parallel_loop3A_849 = tpu.vector_load %arg11[%parallel_loop3A_847, %parallel_loop3A_848] {strides = array<i32>} : memref<80x128xf32, #tpu.memory_space<vmem>>, vector<1x16xf32>,
        %parallel_loop3A_850 = vector.shape_cast %parallel_loop3A_849 : vector<1x16xf32> to vector<16xf32>
        %parallel_loop3A_851 = arith.constant 6 : i32
        %parallel_loop3A_852 = arith.addi %parallel_loop3A_123, %parallel_loop3A_851 : i32
        %parallel_loop3A_853 = arith.index_cast %parallel_loop3A_852 : i32 to index
        %parallel_loop3A_854 = arith.constant 64 : index
        %parallel_loop3A_855 = tpu.vector_load %arg12[%parallel_loop3A_853, %parallel_loop3A_854] {strides = array<i32>} : memref<80x128xf32, #tpu.memory_space<vmem>>, vector<1x16xf32>,
        %parallel_loop3A_856 = vector.shape_cast %parallel_loop3A_855 : vector<1x16xf32> to vector<16xf32>
        %parallel_loop3A_857 = arith.mulf %parallel_loop3A_850, %parallel_loop3A_856 : vector<16xf32>
        %parallel_loop3A_858 = arith.addf %parallel_loop3A_844, %parallel_loop3A_857 : vector<16xf32>
        %parallel_loop3A_859 = arith.constant 6 : i32
        %parallel_loop3A_860 = arith.addi %parallel_loop3A_123, %parallel_loop3A_859 : i32
        %parallel_loop3A_861 = arith.index_cast %parallel_loop3A_860 : i32 to index
        %parallel_loop3A_862 = arith.constant 80 : index
        %parallel_loop3A_863 = tpu.vector_load %arg11[%parallel_loop3A_861, %parallel_loop3A_862] {strides = array<i32>} : memref<80x128xf32, #tpu.memory_space<vmem>>, vector<1x16xf32>,
        %parallel_loop3A_864 = vector.shape_cast %parallel_loop3A_863 : vector<1x16xf32> to vector<16xf32>
        %parallel_loop3A_865 = arith.constant 6 : i32
        %parallel_loop3A_866 = arith.addi %parallel_loop3A_123, %parallel_loop3A_865 : i32
        %parallel_loop3A_867 = arith.index_cast %parallel_loop3A_866 : i32 to index
        %parallel_loop3A_868 = arith.constant 80 : index
        %parallel_loop3A_869 = tpu.vector_load %arg12[%parallel_loop3A_867, %parallel_loop3A_868] {strides = array<i32>} : memref<80x128xf32, #tpu.memory_space<vmem>>, vector<1x16xf32>,
        %parallel_loop3A_870 = vector.shape_cast %parallel_loop3A_869 : vector<1x16xf32> to vector<16xf32>
        %parallel_loop3A_871 = arith.mulf %parallel_loop3A_864, %parallel_loop3A_870 : vector<16xf32>
        %parallel_loop3A_872 = arith.addf %parallel_loop3A_858, %parallel_loop3A_871 : vector<16xf32>
        %parallel_loop3A_873 = arith.constant 6 : i32
        %parallel_loop3A_874 = arith.addi %parallel_loop3A_123, %parallel_loop3A_873 : i32
        %parallel_loop3A_875 = arith.index_cast %parallel_loop3A_874 : i32 to index
        %parallel_loop3A_876 = arith.constant 96 : index
        %parallel_loop3A_877 = tpu.vector_load %arg11[%parallel_loop3A_875, %parallel_loop3A_876] {strides = array<i32>} : memref<80x128xf32, #tpu.memory_space<vmem>>, vector<1x16xf32>,
        %parallel_loop3A_878 = vector.shape_cast %parallel_loop3A_877 : vector<1x16xf32> to vector<16xf32>
        %parallel_loop3A_879 = arith.constant 6 : i32
        %parallel_loop3A_880 = arith.addi %parallel_loop3A_123, %parallel_loop3A_879 : i32
        %parallel_loop3A_881 = arith.index_cast %parallel_loop3A_880 : i32 to index
        %parallel_loop3A_882 = arith.constant 96 : index
        %parallel_loop3A_883 = tpu.vector_load %arg12[%parallel_loop3A_881, %parallel_loop3A_882] {strides = array<i32>} : memref<80x128xf32, #tpu.memory_space<vmem>>, vector<1x16xf32>,
        %parallel_loop3A_884 = vector.shape_cast %parallel_loop3A_883 : vector<1x16xf32> to vector<16xf32>
        %parallel_loop3A_885 = arith.mulf %parallel_loop3A_878, %parallel_loop3A_884 : vector<16xf32>
        %parallel_loop3A_886 = arith.addf %parallel_loop3A_872, %parallel_loop3A_885 : vector<16xf32>
        %parallel_loop3A_887 = arith.constant 6 : i32
        %parallel_loop3A_888 = arith.addi %parallel_loop3A_123, %parallel_loop3A_887 : i32
        %parallel_loop3A_889 = arith.index_cast %parallel_loop3A_888 : i32 to index
        %parallel_loop3A_890 = arith.constant 112 : index
        %parallel_loop3A_891 = tpu.vector_load %arg11[%parallel_loop3A_889, %parallel_loop3A_890] {strides = array<i32>} : memref<80x128xf32, #tpu.memory_space<vmem>>, vector<1x16xf32>,
        %parallel_loop3A_892 = vector.shape_cast %parallel_loop3A_891 : vector<1x16xf32> to vector<16xf32>
        %parallel_loop3A_893 = arith.constant 6 : i32
        %parallel_loop3A_894 = arith.addi %parallel_loop3A_123, %parallel_loop3A_893 : i32
        %parallel_loop3A_895 = arith.index_cast %parallel_loop3A_894 : i32 to index
        %parallel_loop3A_896 = arith.constant 112 : index
        %parallel_loop3A_897 = tpu.vector_load %arg12[%parallel_loop3A_895, %parallel_loop3A_896] {strides = array<i32>} : memref<80x128xf32, #tpu.memory_space<vmem>>, vector<1x16xf32>,
        %parallel_loop3A_898 = vector.shape_cast %parallel_loop3A_897 : vector<1x16xf32> to vector<16xf32>
        %parallel_loop3A_899 = arith.mulf %parallel_loop3A_892, %parallel_loop3A_898 : vector<16xf32>
        %parallel_loop3A_900 = arith.addf %parallel_loop3A_886, %parallel_loop3A_899 : vector<16xf32>
        %parallel_loop3A_901 = arith.constant 7 : i32
        %parallel_loop3A_902 = arith.addi %parallel_loop3A_123, %parallel_loop3A_901 : i32
        %parallel_loop3A_903 = arith.index_cast %parallel_loop3A_902 : i32 to index
        %parallel_loop3A_904 = arith.constant 0 : index
        %parallel_loop3A_905 = tpu.vector_load %arg11[%parallel_loop3A_903, %parallel_loop3A_904] {strides = array<i32>} : memref<80x128xf32, #tpu.memory_space<vmem>>, vector<1x16xf32>,
        %parallel_loop3A_906 = vector.shape_cast %parallel_loop3A_905 : vector<1x16xf32> to vector<16xf32>
        %parallel_loop3A_907 = arith.constant 7 : i32
        %parallel_loop3A_908 = arith.addi %parallel_loop3A_123, %parallel_loop3A_907 : i32
        %parallel_loop3A_909 = arith.index_cast %parallel_loop3A_908 : i32 to index
        %parallel_loop3A_910 = arith.constant 0 : index
        %parallel_loop3A_911 = tpu.vector_load %arg12[%parallel_loop3A_909, %parallel_loop3A_910] {strides = array<i32>} : memref<80x128xf32, #tpu.memory_space<vmem>>, vector<1x16xf32>,
        %parallel_loop3A_912 = vector.shape_cast %parallel_loop3A_911 : vector<1x16xf32> to vector<16xf32>
        %parallel_loop3A_913 = arith.mulf %parallel_loop3A_906, %parallel_loop3A_912 : vector<16xf32>
        %parallel_loop3A_914 = arith.constant 7 : i32
        %parallel_loop3A_915 = arith.addi %parallel_loop3A_123, %parallel_loop3A_914 : i32
        %parallel_loop3A_916 = arith.index_cast %parallel_loop3A_915 : i32 to index
        %parallel_loop3A_917 = arith.constant 16 : index
        %parallel_loop3A_918 = tpu.vector_load %arg11[%parallel_loop3A_916, %parallel_loop3A_917] {strides = array<i32>} : memref<80x128xf32, #tpu.memory_space<vmem>>, vector<1x16xf32>,
        %parallel_loop3A_919 = vector.shape_cast %parallel_loop3A_918 : vector<1x16xf32> to vector<16xf32>
        %parallel_loop3A_920 = arith.constant 7 : i32
        %parallel_loop3A_921 = arith.addi %parallel_loop3A_123, %parallel_loop3A_920 : i32
        %parallel_loop3A_922 = arith.index_cast %parallel_loop3A_921 : i32 to index
        %parallel_loop3A_923 = arith.constant 16 : index
        %parallel_loop3A_924 = tpu.vector_load %arg12[%parallel_loop3A_922, %parallel_loop3A_923] {strides = array<i32>} : memref<80x128xf32, #tpu.memory_space<vmem>>, vector<1x16xf32>,
        %parallel_loop3A_925 = vector.shape_cast %parallel_loop3A_924 : vector<1x16xf32> to vector<16xf32>
        %parallel_loop3A_926 = arith.mulf %parallel_loop3A_919, %parallel_loop3A_925 : vector<16xf32>
        %parallel_loop3A_927 = arith.addf %parallel_loop3A_913, %parallel_loop3A_926 : vector<16xf32>
        %parallel_loop3A_928 = arith.constant 7 : i32
        %parallel_loop3A_929 = arith.addi %parallel_loop3A_123, %parallel_loop3A_928 : i32
        %parallel_loop3A_930 = arith.index_cast %parallel_loop3A_929 : i32 to index
        %parallel_loop3A_931 = arith.constant 32 : index
        %parallel_loop3A_932 = tpu.vector_load %arg11[%parallel_loop3A_930, %parallel_loop3A_931] {strides = array<i32>} : memref<80x128xf32, #tpu.memory_space<vmem>>, vector<1x16xf32>,
        %parallel_loop3A_933 = vector.shape_cast %parallel_loop3A_932 : vector<1x16xf32> to vector<16xf32>
        %parallel_loop3A_934 = arith.constant 7 : i32
        %parallel_loop3A_935 = arith.addi %parallel_loop3A_123, %parallel_loop3A_934 : i32
        %parallel_loop3A_936 = arith.index_cast %parallel_loop3A_935 : i32 to index
        %parallel_loop3A_937 = arith.constant 32 : index
        %parallel_loop3A_938 = tpu.vector_load %arg12[%parallel_loop3A_936, %parallel_loop3A_937] {strides = array<i32>} : memref<80x128xf32, #tpu.memory_space<vmem>>, vector<1x16xf32>,
        %parallel_loop3A_939 = vector.shape_cast %parallel_loop3A_938 : vector<1x16xf32> to vector<16xf32>
        %parallel_loop3A_940 = arith.mulf %parallel_loop3A_933, %parallel_loop3A_939 : vector<16xf32>
        %parallel_loop3A_941 = arith.addf %parallel_loop3A_927, %parallel_loop3A_940 : vector<16xf32>
        %parallel_loop3A_942 = arith.constant 7 : i32
        %parallel_loop3A_943 = arith.addi %parallel_loop3A_123, %parallel_loop3A_942 : i32
        %parallel_loop3A_944 = arith.index_cast %parallel_loop3A_943 : i32 to index
        %parallel_loop3A_945 = arith.constant 48 : index
        %parallel_loop3A_946 = tpu.vector_load %arg11[%parallel_loop3A_944, %parallel_loop3A_945] {strides = array<i32>} : memref<80x128xf32, #tpu.memory_space<vmem>>, vector<1x16xf32>,
        %parallel_loop3A_947 = vector.shape_cast %parallel_loop3A_946 : vector<1x16xf32> to vector<16xf32>
        %parallel_loop3A_948 = arith.constant 7 : i32
        %parallel_loop3A_949 = arith.addi %parallel_loop3A_123, %parallel_loop3A_948 : i32
        %parallel_loop3A_950 = arith.index_cast %parallel_loop3A_949 : i32 to index
        %parallel_loop3A_951 = arith.constant 48 : index
        %parallel_loop3A_952 = tpu.vector_load %arg12[%parallel_loop3A_950, %parallel_loop3A_951] {strides = array<i32>} : memref<80x128xf32, #tpu.memory_space<vmem>>, vector<1x16xf32>,
        %parallel_loop3A_953 = vector.shape_cast %parallel_loop3A_952 : vector<1x16xf32> to vector<16xf32>
        %parallel_loop3A_954 = arith.mulf %parallel_loop3A_947, %parallel_loop3A_953 : vector<16xf32>
        %parallel_loop3A_955 = arith.addf %parallel_loop3A_941, %parallel_loop3A_954 : vector<16xf32>
        %parallel_loop3A_956 = arith.constant 7 : i32
        %parallel_loop3A_957 = arith.addi %parallel_loop3A_123, %parallel_loop3A_956 : i32
        %parallel_loop3A_958 = arith.index_cast %parallel_loop3A_957 : i32 to index
        %parallel_loop3A_959 = arith.constant 64 : index
        %parallel_loop3A_960 = tpu.vector_load %arg11[%parallel_loop3A_958, %parallel_loop3A_959] {strides = array<i32>} : memref<80x128xf32, #tpu.memory_space<vmem>>, vector<1x16xf32>,
        %parallel_loop3A_961 = vector.shape_cast %parallel_loop3A_960 : vector<1x16xf32> to vector<16xf32>
        %parallel_loop3A_962 = arith.constant 7 : i32
        %parallel_loop3A_963 = arith.addi %parallel_loop3A_123, %parallel_loop3A_962 : i32
        %parallel_loop3A_964 = arith.index_cast %parallel_loop3A_963 : i32 to index
        %parallel_loop3A_965 = arith.constant 64 : index
        %parallel_loop3A_966 = tpu.vector_load %arg12[%parallel_loop3A_964, %parallel_loop3A_965] {strides = array<i32>} : memref<80x128xf32, #tpu.memory_space<vmem>>, vector<1x16xf32>,
        %parallel_loop3A_967 = vector.shape_cast %parallel_loop3A_966 : vector<1x16xf32> to vector<16xf32>
        %parallel_loop3A_968 = arith.mulf %parallel_loop3A_961, %parallel_loop3A_967 : vector<16xf32>
        %parallel_loop3A_969 = arith.addf %parallel_loop3A_955, %parallel_loop3A_968 : vector<16xf32>
        %parallel_loop3A_970 = arith.constant 7 : i32
        %parallel_loop3A_971 = arith.addi %parallel_loop3A_123, %parallel_loop3A_970 : i32
        %parallel_loop3A_972 = arith.index_cast %parallel_loop3A_971 : i32 to index
        %parallel_loop3A_973 = arith.constant 80 : index
        %parallel_loop3A_974 = tpu.vector_load %arg11[%parallel_loop3A_972, %parallel_loop3A_973] {strides = array<i32>} : memref<80x128xf32, #tpu.memory_space<vmem>>, vector<1x16xf32>,
        %parallel_loop3A_975 = vector.shape_cast %parallel_loop3A_974 : vector<1x16xf32> to vector<16xf32>
        %parallel_loop3A_976 = arith.constant 7 : i32
        %parallel_loop3A_977 = arith.addi %parallel_loop3A_123, %parallel_loop3A_976 : i32
        %parallel_loop3A_978 = arith.index_cast %parallel_loop3A_977 : i32 to index
        %parallel_loop3A_979 = arith.constant 80 : index
        %parallel_loop3A_980 = tpu.vector_load %arg12[%parallel_loop3A_978, %parallel_loop3A_979] {strides = array<i32>} : memref<80x128xf32, #tpu.memory_space<vmem>>, vector<1x16xf32>,
        %parallel_loop3A_981 = vector.shape_cast %parallel_loop3A_980 : vector<1x16xf32> to vector<16xf32>
        %parallel_loop3A_982 = arith.mulf %parallel_loop3A_975, %parallel_loop3A_981 : vector<16xf32>
        %parallel_loop3A_983 = arith.addf %parallel_loop3A_969, %parallel_loop3A_982 : vector<16xf32>
        %parallel_loop3A_984 = arith.constant 7 : i32
        %parallel_loop3A_985 = arith.addi %parallel_loop3A_123, %parallel_loop3A_984 : i32
        %parallel_loop3A_986 = arith.index_cast %parallel_loop3A_985 : i32 to index
        %parallel_loop3A_987 = arith.constant 96 : index
        %parallel_loop3A_988 = tpu.vector_load %arg11[%parallel_loop3A_986, %parallel_loop3A_987] {strides = array<i32>} : memref<80x128xf32, #tpu.memory_space<vmem>>, vector<1x16xf32>,
        %parallel_loop3A_989 = vector.shape_cast %parallel_loop3A_988 : vector<1x16xf32> to vector<16xf32>
        %parallel_loop3A_990 = arith.constant 7 : i32
        %parallel_loop3A_991 = arith.addi %parallel_loop3A_123, %parallel_loop3A_990 : i32
        %parallel_loop3A_992 = arith.index_cast %parallel_loop3A_991 : i32 to index
        %parallel_loop3A_993 = arith.constant 96 : index
        %parallel_loop3A_994 = tpu.vector_load %arg12[%parallel_loop3A_992, %parallel_loop3A_993] {strides = array<i32>} : memref<80x128xf32, #tpu.memory_space<vmem>>, vector<1x16xf32>,
        %parallel_loop3A_995 = vector.shape_cast %parallel_loop3A_994 : vector<1x16xf32> to vector<16xf32>
        %parallel_loop3A_996 = arith.mulf %parallel_loop3A_989, %parallel_loop3A_995 : vector<16xf32>
        %parallel_loop3A_997 = arith.addf %parallel_loop3A_983, %parallel_loop3A_996 : vector<16xf32>
        %parallel_loop3A_998 = arith.constant 7 : i32
        %parallel_loop3A_999 = arith.addi %parallel_loop3A_123, %parallel_loop3A_998 : i32
        %parallel_loop3A_1000 = arith.index_cast %parallel_loop3A_999 : i32 to index
        %parallel_loop3A_1001 = arith.constant 112 : index
        %parallel_loop3A_1002 = tpu.vector_load %arg11[%parallel_loop3A_1000, %parallel_loop3A_1001] {strides = array<i32>} : memref<80x128xf32, #tpu.memory_space<vmem>>, vector<1x16xf32>,
        %parallel_loop3A_1003 = vector.shape_cast %parallel_loop3A_1002 : vector<1x16xf32> to vector<16xf32>
        %parallel_loop3A_1004 = arith.constant 7 : i32
        %parallel_loop3A_1005 = arith.addi %parallel_loop3A_123, %parallel_loop3A_1004 : i32
        %parallel_loop3A_1006 = arith.index_cast %parallel_loop3A_1005 : i32 to index
        %parallel_loop3A_1007 = arith.constant 112 : index
        %parallel_loop3A_1008 = tpu.vector_load %arg12[%parallel_loop3A_1006, %parallel_loop3A_1007] {strides = array<i32>} : memref<80x128xf32, #tpu.memory_space<vmem>>, vector<1x16xf32>,
        %parallel_loop3A_1009 = vector.shape_cast %parallel_loop3A_1008 : vector<1x16xf32> to vector<16xf32>
        %parallel_loop3A_1010 = arith.mulf %parallel_loop3A_1003, %parallel_loop3A_1009 : vector<16xf32>
        %parallel_loop3A_1011 = arith.addf %parallel_loop3A_997, %parallel_loop3A_1010 : vector<16xf32>
        %parallel_loop3A_1012 = arith.constant 8 : i32
        %parallel_loop3A_1013 = arith.addi %parallel_loop3A_123, %parallel_loop3A_1012 : i32
        %parallel_loop3A_1014 = arith.index_cast %parallel_loop3A_1013 : i32 to index
        %parallel_loop3A_1015 = arith.constant 0 : index
        %parallel_loop3A_1016 = tpu.vector_load %arg11[%parallel_loop3A_1014, %parallel_loop3A_1015] {strides = array<i32>} : memref<80x128xf32, #tpu.memory_space<vmem>>, vector<1x16xf32>,
        %parallel_loop3A_1017 = vector.shape_cast %parallel_loop3A_1016 : vector<1x16xf32> to vector<16xf32>
        %parallel_loop3A_1018 = arith.constant 8 : i32
        %parallel_loop3A_1019 = arith.addi %parallel_loop3A_123, %parallel_loop3A_1018 : i32
        %parallel_loop3A_1020 = arith.index_cast %parallel_loop3A_1019 : i32 to index
        %parallel_loop3A_1021 = arith.constant 0 : index
        %parallel_loop3A_1022 = tpu.vector_load %arg12[%parallel_loop3A_1020, %parallel_loop3A_1021] {strides = array<i32>} : memref<80x128xf32, #tpu.memory_space<vmem>>, vector<1x16xf32>,
        %parallel_loop3A_1023 = vector.shape_cast %parallel_loop3A_1022 : vector<1x16xf32> to vector<16xf32>
        %parallel_loop3A_1024 = arith.mulf %parallel_loop3A_1017, %parallel_loop3A_1023 : vector<16xf32>
        %parallel_loop3A_1025 = arith.constant 8 : i32
        %parallel_loop3A_1026 = arith.addi %parallel_loop3A_123, %parallel_loop3A_1025 : i32
        %parallel_loop3A_1027 = arith.index_cast %parallel_loop3A_1026 : i32 to index
        %parallel_loop3A_1028 = arith.constant 16 : index
        %parallel_loop3A_1029 = tpu.vector_load %arg11[%parallel_loop3A_1027, %parallel_loop3A_1028] {strides = array<i32>} : memref<80x128xf32, #tpu.memory_space<vmem>>, vector<1x16xf32>,
        %parallel_loop3A_1030 = vector.shape_cast %parallel_loop3A_1029 : vector<1x16xf32> to vector<16xf32>
        %parallel_loop3A_1031 = arith.constant 8 : i32
        %parallel_loop3A_1032 = arith.addi %parallel_loop3A_123, %parallel_loop3A_1031 : i32
        %parallel_loop3A_1033 = arith.index_cast %parallel_loop3A_1032 : i32 to index
        %parallel_loop3A_1034 = arith.constant 16 : index
        %parallel_loop3A_1035 = tpu.vector_load %arg12[%parallel_loop3A_1033, %parallel_loop3A_1034] {strides = array<i32>} : memref<80x128xf32, #tpu.memory_space<vmem>>, vector<1x16xf32>,
        %parallel_loop3A_1036 = vector.shape_cast %parallel_loop3A_1035 : vector<1x16xf32> to vector<16xf32>
        %parallel_loop3A_1037 = arith.mulf %parallel_loop3A_1030, %parallel_loop3A_1036 : vector<16xf32>
        %parallel_loop3A_1038 = arith.addf %parallel_loop3A_1024, %parallel_loop3A_1037 : vector<16xf32>
        %parallel_loop3A_1039 = arith.constant 8 : i32
        %parallel_loop3A_1040 = arith.addi %parallel_loop3A_123, %parallel_loop3A_1039 : i32
        %parallel_loop3A_1041 = arith.index_cast %parallel_loop3A_1040 : i32 to index
        %parallel_loop3A_1042 = arith.constant 32 : index
        %parallel_loop3A_1043 = tpu.vector_load %arg11[%parallel_loop3A_1041, %parallel_loop3A_1042] {strides = array<i32>} : memref<80x128xf32, #tpu.memory_space<vmem>>, vector<1x16xf32>,
        %parallel_loop3A_1044 = vector.shape_cast %parallel_loop3A_1043 : vector<1x16xf32> to vector<16xf32>
        %parallel_loop3A_1045 = arith.constant 8 : i32
        %parallel_loop3A_1046 = arith.addi %parallel_loop3A_123, %parallel_loop3A_1045 : i32
        %parallel_loop3A_1047 = arith.index_cast %parallel_loop3A_1046 : i32 to index
        %parallel_loop3A_1048 = arith.constant 32 : index
        %parallel_loop3A_1049 = tpu.vector_load %arg12[%parallel_loop3A_1047, %parallel_loop3A_1048] {strides = array<i32>} : memref<80x128xf32, #tpu.memory_space<vmem>>, vector<1x16xf32>,
        %parallel_loop3A_1050 = vector.shape_cast %parallel_loop3A_1049 : vector<1x16xf32> to vector<16xf32>
        %parallel_loop3A_1051 = arith.mulf %parallel_loop3A_1044, %parallel_loop3A_1050 : vector<16xf32>
        %parallel_loop3A_1052 = arith.addf %parallel_loop3A_1038, %parallel_loop3A_1051 : vector<16xf32>
        %parallel_loop3A_1053 = arith.constant 8 : i32
        %parallel_loop3A_1054 = arith.addi %parallel_loop3A_123, %parallel_loop3A_1053 : i32
        %parallel_loop3A_1055 = arith.index_cast %parallel_loop3A_1054 : i32 to index
        %parallel_loop3A_1056 = arith.constant 48 : index
        %parallel_loop3A_1057 = tpu.vector_load %arg11[%parallel_loop3A_1055, %parallel_loop3A_1056] {strides = array<i32>} : memref<80x128xf32, #tpu.memory_space<vmem>>, vector<1x16xf32>,
        %parallel_loop3A_1058 = vector.shape_cast %parallel_loop3A_1057 : vector<1x16xf32> to vector<16xf32>
        %parallel_loop3A_1059 = arith.constant 8 : i32
        %parallel_loop3A_1060 = arith.addi %parallel_loop3A_123, %parallel_loop3A_1059 : i32
        %parallel_loop3A_1061 = arith.index_cast %parallel_loop3A_1060 : i32 to index
        %parallel_loop3A_1062 = arith.constant 48 : index
        %parallel_loop3A_1063 = tpu.vector_load %arg12[%parallel_loop3A_1061, %parallel_loop3A_1062] {strides = array<i32>} : memref<80x128xf32, #tpu.memory_space<vmem>>, vector<1x16xf32>,
        %parallel_loop3A_1064 = vector.shape_cast %parallel_loop3A_1063 : vector<1x16xf32> to vector<16xf32>
        %parallel_loop3A_1065 = arith.mulf %parallel_loop3A_1058, %parallel_loop3A_1064 : vector<16xf32>
        %parallel_loop3A_1066 = arith.addf %parallel_loop3A_1052, %parallel_loop3A_1065 : vector<16xf32>
        %parallel_loop3A_1067 = arith.constant 8 : i32
        %parallel_loop3A_1068 = arith.addi %parallel_loop3A_123, %parallel_loop3A_1067 : i32
        %parallel_loop3A_1069 = arith.index_cast %parallel_loop3A_1068 : i32 to index
        %parallel_loop3A_1070 = arith.constant 64 : index
        %parallel_loop3A_1071 = tpu.vector_load %arg11[%parallel_loop3A_1069, %parallel_loop3A_1070] {strides = array<i32>} : memref<80x128xf32, #tpu.memory_space<vmem>>, vector<1x16xf32>,
        %parallel_loop3A_1072 = vector.shape_cast %parallel_loop3A_1071 : vector<1x16xf32> to vector<16xf32>
        %parallel_loop3A_1073 = arith.constant 8 : i32
        %parallel_loop3A_1074 = arith.addi %parallel_loop3A_123, %parallel_loop3A_1073 : i32
        %parallel_loop3A_1075 = arith.index_cast %parallel_loop3A_1074 : i32 to index
        %parallel_loop3A_1076 = arith.constant 64 : index
        %parallel_loop3A_1077 = tpu.vector_load %arg12[%parallel_loop3A_1075, %parallel_loop3A_1076] {strides = array<i32>} : memref<80x128xf32, #tpu.memory_space<vmem>>, vector<1x16xf32>,
        %parallel_loop3A_1078 = vector.shape_cast %parallel_loop3A_1077 : vector<1x16xf32> to vector<16xf32>
        %parallel_loop3A_1079 = arith.mulf %parallel_loop3A_1072, %parallel_loop3A_1078 : vector<16xf32>
        %parallel_loop3A_1080 = arith.addf %parallel_loop3A_1066, %parallel_loop3A_1079 : vector<16xf32>
        %parallel_loop3A_1081 = arith.constant 8 : i32
        %parallel_loop3A_1082 = arith.addi %parallel_loop3A_123, %parallel_loop3A_1081 : i32
        %parallel_loop3A_1083 = arith.index_cast %parallel_loop3A_1082 : i32 to index
        %parallel_loop3A_1084 = arith.constant 80 : index
        %parallel_loop3A_1085 = tpu.vector_load %arg11[%parallel_loop3A_1083, %parallel_loop3A_1084] {strides = array<i32>} : memref<80x128xf32, #tpu.memory_space<vmem>>, vector<1x16xf32>,
        %parallel_loop3A_1086 = vector.shape_cast %parallel_loop3A_1085 : vector<1x16xf32> to vector<16xf32>
        %parallel_loop3A_1087 = arith.constant 8 : i32
        %parallel_loop3A_1088 = arith.addi %parallel_loop3A_123, %parallel_loop3A_1087 : i32
        %parallel_loop3A_1089 = arith.index_cast %parallel_loop3A_1088 : i32 to index
        %parallel_loop3A_1090 = arith.constant 80 : index
        %parallel_loop3A_1091 = tpu.vector_load %arg12[%parallel_loop3A_1089, %parallel_loop3A_1090] {strides = array<i32>} : memref<80x128xf32, #tpu.memory_space<vmem>>, vector<1x16xf32>,
        %parallel_loop3A_1092 = vector.shape_cast %parallel_loop3A_1091 : vector<1x16xf32> to vector<16xf32>
        %parallel_loop3A_1093 = arith.mulf %parallel_loop3A_1086, %parallel_loop3A_1092 : vector<16xf32>
        %parallel_loop3A_1094 = arith.addf %parallel_loop3A_1080, %parallel_loop3A_1093 : vector<16xf32>
        %parallel_loop3A_1095 = arith.constant 8 : i32
        %parallel_loop3A_1096 = arith.addi %parallel_loop3A_123, %parallel_loop3A_1095 : i32
        %parallel_loop3A_1097 = arith.index_cast %parallel_loop3A_1096 : i32 to index
        %parallel_loop3A_1098 = arith.constant 96 : index
        %parallel_loop3A_1099 = tpu.vector_load %arg11[%parallel_loop3A_1097, %parallel_loop3A_1098] {strides = array<i32>} : memref<80x128xf32, #tpu.memory_space<vmem>>, vector<1x16xf32>,
        %parallel_loop3A_1100 = vector.shape_cast %parallel_loop3A_1099 : vector<1x16xf32> to vector<16xf32>
        %parallel_loop3A_1101 = arith.constant 8 : i32
        %parallel_loop3A_1102 = arith.addi %parallel_loop3A_123, %parallel_loop3A_1101 : i32
        %parallel_loop3A_1103 = arith.index_cast %parallel_loop3A_1102 : i32 to index
        %parallel_loop3A_1104 = arith.constant 96 : index
        %parallel_loop3A_1105 = tpu.vector_load %arg12[%parallel_loop3A_1103, %parallel_loop3A_1104] {strides = array<i32>} : memref<80x128xf32, #tpu.memory_space<vmem>>, vector<1x16xf32>,
        %parallel_loop3A_1106 = vector.shape_cast %parallel_loop3A_1105 : vector<1x16xf32> to vector<16xf32>
        %parallel_loop3A_1107 = arith.mulf %parallel_loop3A_1100, %parallel_loop3A_1106 : vector<16xf32>
        %parallel_loop3A_1108 = arith.addf %parallel_loop3A_1094, %parallel_loop3A_1107 : vector<16xf32>
        %parallel_loop3A_1109 = arith.constant 8 : i32
        %parallel_loop3A_1110 = arith.addi %parallel_loop3A_123, %parallel_loop3A_1109 : i32
        %parallel_loop3A_1111 = arith.index_cast %parallel_loop3A_1110 : i32 to index
        %parallel_loop3A_1112 = arith.constant 112 : index
        %parallel_loop3A_1113 = tpu.vector_load %arg11[%parallel_loop3A_1111, %parallel_loop3A_1112] {strides = array<i32>} : memref<80x128xf32, #tpu.memory_space<vmem>>, vector<1x16xf32>,
        %parallel_loop3A_1114 = vector.shape_cast %parallel_loop3A_1113 : vector<1x16xf32> to vector<16xf32>
        %parallel_loop3A_1115 = arith.constant 8 : i32
        %parallel_loop3A_1116 = arith.addi %parallel_loop3A_123, %parallel_loop3A_1115 : i32
        %parallel_loop3A_1117 = arith.index_cast %parallel_loop3A_1116 : i32 to index
        %parallel_loop3A_1118 = arith.constant 112 : index
        %parallel_loop3A_1119 = tpu.vector_load %arg12[%parallel_loop3A_1117, %parallel_loop3A_1118] {strides = array<i32>} : memref<80x128xf32, #tpu.memory_space<vmem>>, vector<1x16xf32>,
        %parallel_loop3A_1120 = vector.shape_cast %parallel_loop3A_1119 : vector<1x16xf32> to vector<16xf32>
        %parallel_loop3A_1121 = arith.mulf %parallel_loop3A_1114, %parallel_loop3A_1120 : vector<16xf32>
        %parallel_loop3A_1122 = arith.addf %parallel_loop3A_1108, %parallel_loop3A_1121 : vector<16xf32>
        %parallel_loop3A_1123 = arith.constant 9 : i32
        %parallel_loop3A_1124 = arith.addi %parallel_loop3A_123, %parallel_loop3A_1123 : i32
        %parallel_loop3A_1125 = arith.index_cast %parallel_loop3A_1124 : i32 to index
        %parallel_loop3A_1126 = arith.constant 0 : index
        %parallel_loop3A_1127 = tpu.vector_load %arg11[%parallel_loop3A_1125, %parallel_loop3A_1126] {strides = array<i32>} : memref<80x128xf32, #tpu.memory_space<vmem>>, vector<1x16xf32>,
        %parallel_loop3A_1128 = vector.shape_cast %parallel_loop3A_1127 : vector<1x16xf32> to vector<16xf32>
        %parallel_loop3A_1129 = arith.constant 9 : i32
        %parallel_loop3A_1130 = arith.addi %parallel_loop3A_123, %parallel_loop3A_1129 : i32
        %parallel_loop3A_1131 = arith.index_cast %parallel_loop3A_1130 : i32 to index
        %parallel_loop3A_1132 = arith.constant 0 : index
        %parallel_loop3A_1133 = tpu.vector_load %arg12[%parallel_loop3A_1131, %parallel_loop3A_1132] {strides = array<i32>} : memref<80x128xf32, #tpu.memory_space<vmem>>, vector<1x16xf32>,
        %parallel_loop3A_1134 = vector.shape_cast %parallel_loop3A_1133 : vector<1x16xf32> to vector<16xf32>
        %parallel_loop3A_1135 = arith.mulf %parallel_loop3A_1128, %parallel_loop3A_1134 : vector<16xf32>
        %parallel_loop3A_1136 = arith.constant 9 : i32
        %parallel_loop3A_1137 = arith.addi %parallel_loop3A_123, %parallel_loop3A_1136 : i32
        %parallel_loop3A_1138 = arith.index_cast %parallel_loop3A_1137 : i32 to index
        %parallel_loop3A_1139 = arith.constant 16 : index
        %parallel_loop3A_1140 = tpu.vector_load %arg11[%parallel_loop3A_1138, %parallel_loop3A_1139] {strides = array<i32>} : memref<80x128xf32, #tpu.memory_space<vmem>>, vector<1x16xf32>,
        %parallel_loop3A_1141 = vector.shape_cast %parallel_loop3A_1140 : vector<1x16xf32> to vector<16xf32>
        %parallel_loop3A_1142 = arith.constant 9 : i32
        %parallel_loop3A_1143 = arith.addi %parallel_loop3A_123, %parallel_loop3A_1142 : i32
        %parallel_loop3A_1144 = arith.index_cast %parallel_loop3A_1143 : i32 to index
        %parallel_loop3A_1145 = arith.constant 16 : index
        %parallel_loop3A_1146 = tpu.vector_load %arg12[%parallel_loop3A_1144, %parallel_loop3A_1145] {strides = array<i32>} : memref<80x128xf32, #tpu.memory_space<vmem>>, vector<1x16xf32>,
        %parallel_loop3A_1147 = vector.shape_cast %parallel_loop3A_1146 : vector<1x16xf32> to vector<16xf32>
        %parallel_loop3A_1148 = arith.mulf %parallel_loop3A_1141, %parallel_loop3A_1147 : vector<16xf32>
        %parallel_loop3A_1149 = arith.addf %parallel_loop3A_1135, %parallel_loop3A_1148 : vector<16xf32>
        %parallel_loop3A_1150 = arith.constant 9 : i32
        %parallel_loop3A_1151 = arith.addi %parallel_loop3A_123, %parallel_loop3A_1150 : i32
        %parallel_loop3A_1152 = arith.index_cast %parallel_loop3A_1151 : i32 to index
        %parallel_loop3A_1153 = arith.constant 32 : index
        %parallel_loop3A_1154 = tpu.vector_load %arg11[%parallel_loop3A_1152, %parallel_loop3A_1153] {strides = array<i32>} : memref<80x128xf32, #tpu.memory_space<vmem>>, vector<1x16xf32>,
        %parallel_loop3A_1155 = vector.shape_cast %parallel_loop3A_1154 : vector<1x16xf32> to vector<16xf32>
        %parallel_loop3A_1156 = arith.constant 9 : i32
        %parallel_loop3A_1157 = arith.addi %parallel_loop3A_123, %parallel_loop3A_1156 : i32
        %parallel_loop3A_1158 = arith.index_cast %parallel_loop3A_1157 : i32 to index
        %parallel_loop3A_1159 = arith.constant 32 : index
        %parallel_loop3A_1160 = tpu.vector_load %arg12[%parallel_loop3A_1158, %parallel_loop3A_1159] {strides = array<i32>} : memref<80x128xf32, #tpu.memory_space<vmem>>, vector<1x16xf32>,
        %parallel_loop3A_1161 = vector.shape_cast %parallel_loop3A_1160 : vector<1x16xf32> to vector<16xf32>
        %parallel_loop3A_1162 = arith.mulf %parallel_loop3A_1155, %parallel_loop3A_1161 : vector<16xf32>
        %parallel_loop3A_1163 = arith.addf %parallel_loop3A_1149, %parallel_loop3A_1162 : vector<16xf32>
        %parallel_loop3A_1164 = arith.constant 9 : i32
        %parallel_loop3A_1165 = arith.addi %parallel_loop3A_123, %parallel_loop3A_1164 : i32
        %parallel_loop3A_1166 = arith.index_cast %parallel_loop3A_1165 : i32 to index
        %parallel_loop3A_1167 = arith.constant 48 : index
        %parallel_loop3A_1168 = tpu.vector_load %arg11[%parallel_loop3A_1166, %parallel_loop3A_1167] {strides = array<i32>} : memref<80x128xf32, #tpu.memory_space<vmem>>, vector<1x16xf32>,
        %parallel_loop3A_1169 = vector.shape_cast %parallel_loop3A_1168 : vector<1x16xf32> to vector<16xf32>
        %parallel_loop3A_1170 = arith.constant 9 : i32
        %parallel_loop3A_1171 = arith.addi %parallel_loop3A_123, %parallel_loop3A_1170 : i32
        %parallel_loop3A_1172 = arith.index_cast %parallel_loop3A_1171 : i32 to index
        %parallel_loop3A_1173 = arith.constant 48 : index
        %parallel_loop3A_1174 = tpu.vector_load %arg12[%parallel_loop3A_1172, %parallel_loop3A_1173] {strides = array<i32>} : memref<80x128xf32, #tpu.memory_space<vmem>>, vector<1x16xf32>,
        %parallel_loop3A_1175 = vector.shape_cast %parallel_loop3A_1174 : vector<1x16xf32> to vector<16xf32>
        %parallel_loop3A_1176 = arith.mulf %parallel_loop3A_1169, %parallel_loop3A_1175 : vector<16xf32>
        %parallel_loop3A_1177 = arith.addf %parallel_loop3A_1163, %parallel_loop3A_1176 : vector<16xf32>
        %parallel_loop3A_1178 = arith.constant 9 : i32
        %parallel_loop3A_1179 = arith.addi %parallel_loop3A_123, %parallel_loop3A_1178 : i32
        %parallel_loop3A_1180 = arith.index_cast %parallel_loop3A_1179 : i32 to index
        %parallel_loop3A_1181 = arith.constant 64 : index
        %parallel_loop3A_1182 = tpu.vector_load %arg11[%parallel_loop3A_1180, %parallel_loop3A_1181] {strides = array<i32>} : memref<80x128xf32, #tpu.memory_space<vmem>>, vector<1x16xf32>,
        %parallel_loop3A_1183 = vector.shape_cast %parallel_loop3A_1182 : vector<1x16xf32> to vector<16xf32>
        %parallel_loop3A_1184 = arith.constant 9 : i32
        %parallel_loop3A_1185 = arith.addi %parallel_loop3A_123, %parallel_loop3A_1184 : i32
        %parallel_loop3A_1186 = arith.index_cast %parallel_loop3A_1185 : i32 to index
        %parallel_loop3A_1187 = arith.constant 64 : index
        %parallel_loop3A_1188 = tpu.vector_load %arg12[%parallel_loop3A_1186, %parallel_loop3A_1187] {strides = array<i32>} : memref<80x128xf32, #tpu.memory_space<vmem>>, vector<1x16xf32>,
        %parallel_loop3A_1189 = vector.shape_cast %parallel_loop3A_1188 : vector<1x16xf32> to vector<16xf32>
        %parallel_loop3A_1190 = arith.mulf %parallel_loop3A_1183, %parallel_loop3A_1189 : vector<16xf32>
        %parallel_loop3A_1191 = arith.addf %parallel_loop3A_1177, %parallel_loop3A_1190 : vector<16xf32>
        %parallel_loop3A_1192 = arith.constant 9 : i32
        %parallel_loop3A_1193 = arith.addi %parallel_loop3A_123, %parallel_loop3A_1192 : i32
        %parallel_loop3A_1194 = arith.index_cast %parallel_loop3A_1193 : i32 to index
        %parallel_loop3A_1195 = arith.constant 80 : index
        %parallel_loop3A_1196 = tpu.vector_load %arg11[%parallel_loop3A_1194, %parallel_loop3A_1195] {strides = array<i32>} : memref<80x128xf32, #tpu.memory_space<vmem>>, vector<1x16xf32>,
        %parallel_loop3A_1197 = vector.shape_cast %parallel_loop3A_1196 : vector<1x16xf32> to vector<16xf32>
        %parallel_loop3A_1198 = arith.constant 9 : i32
        %parallel_loop3A_1199 = arith.addi %parallel_loop3A_123, %parallel_loop3A_1198 : i32
        %parallel_loop3A_1200 = arith.index_cast %parallel_loop3A_1199 : i32 to index
        %parallel_loop3A_1201 = arith.constant 80 : index
        %parallel_loop3A_1202 = tpu.vector_load %arg12[%parallel_loop3A_1200, %parallel_loop3A_1201] {strides = array<i32>} : memref<80x128xf32, #tpu.memory_space<vmem>>, vector<1x16xf32>,
        %parallel_loop3A_1203 = vector.shape_cast %parallel_loop3A_1202 : vector<1x16xf32> to vector<16xf32>
        %parallel_loop3A_1204 = arith.mulf %parallel_loop3A_1197, %parallel_loop3A_1203 : vector<16xf32>
        %parallel_loop3A_1205 = arith.addf %parallel_loop3A_1191, %parallel_loop3A_1204 : vector<16xf32>
        %parallel_loop3A_1206 = arith.constant 9 : i32
        %parallel_loop3A_1207 = arith.addi %parallel_loop3A_123, %parallel_loop3A_1206 : i32
        %parallel_loop3A_1208 = arith.index_cast %parallel_loop3A_1207 : i32 to index
        %parallel_loop3A_1209 = arith.constant 96 : index
        %parallel_loop3A_1210 = tpu.vector_load %arg11[%parallel_loop3A_1208, %parallel_loop3A_1209] {strides = array<i32>} : memref<80x128xf32, #tpu.memory_space<vmem>>, vector<1x16xf32>,
        %parallel_loop3A_1211 = vector.shape_cast %parallel_loop3A_1210 : vector<1x16xf32> to vector<16xf32>
        %parallel_loop3A_1212 = arith.constant 9 : i32
        %parallel_loop3A_1213 = arith.addi %parallel_loop3A_123, %parallel_loop3A_1212 : i32
        %parallel_loop3A_1214 = arith.index_cast %parallel_loop3A_1213 : i32 to index
        %parallel_loop3A_1215 = arith.constant 96 : index
        %parallel_loop3A_1216 = tpu.vector_load %arg12[%parallel_loop3A_1214, %parallel_loop3A_1215] {strides = array<i32>} : memref<80x128xf32, #tpu.memory_space<vmem>>, vector<1x16xf32>,
        %parallel_loop3A_1217 = vector.shape_cast %parallel_loop3A_1216 : vector<1x16xf32> to vector<16xf32>
        %parallel_loop3A_1218 = arith.mulf %parallel_loop3A_1211, %parallel_loop3A_1217 : vector<16xf32>
        %parallel_loop3A_1219 = arith.addf %parallel_loop3A_1205, %parallel_loop3A_1218 : vector<16xf32>
        %parallel_loop3A_1220 = arith.constant 9 : i32
        %parallel_loop3A_1221 = arith.addi %parallel_loop3A_123, %parallel_loop3A_1220 : i32
        %parallel_loop3A_1222 = arith.index_cast %parallel_loop3A_1221 : i32 to index
        %parallel_loop3A_1223 = arith.constant 112 : index
        %parallel_loop3A_1224 = tpu.vector_load %arg11[%parallel_loop3A_1222, %parallel_loop3A_1223] {strides = array<i32>} : memref<80x128xf32, #tpu.memory_space<vmem>>, vector<1x16xf32>,
        %parallel_loop3A_1225 = vector.shape_cast %parallel_loop3A_1224 : vector<1x16xf32> to vector<16xf32>
        %parallel_loop3A_1226 = arith.constant 9 : i32
        %parallel_loop3A_1227 = arith.addi %parallel_loop3A_123, %parallel_loop3A_1226 : i32
        %parallel_loop3A_1228 = arith.index_cast %parallel_loop3A_1227 : i32 to index
        %parallel_loop3A_1229 = arith.constant 112 : index
        %parallel_loop3A_1230 = tpu.vector_load %arg12[%parallel_loop3A_1228, %parallel_loop3A_1229] {strides = array<i32>} : memref<80x128xf32, #tpu.memory_space<vmem>>, vector<1x16xf32>,
        %parallel_loop3A_1231 = vector.shape_cast %parallel_loop3A_1230 : vector<1x16xf32> to vector<16xf32>
        %parallel_loop3A_1232 = arith.mulf %parallel_loop3A_1225, %parallel_loop3A_1231 : vector<16xf32>
        %parallel_loop3A_1233 = arith.addf %parallel_loop3A_1219, %parallel_loop3A_1232 : vector<16xf32>
        %parallel_loop3A_1234 = arith.constant 10 : i32
        %parallel_loop3A_1235 = arith.addi %parallel_loop3A_123, %parallel_loop3A_1234 : i32
        %parallel_loop3A_1236 = arith.index_cast %parallel_loop3A_1235 : i32 to index
        %parallel_loop3A_1237 = arith.constant 0 : index
        %parallel_loop3A_1238 = tpu.vector_load %arg11[%parallel_loop3A_1236, %parallel_loop3A_1237] {strides = array<i32>} : memref<80x128xf32, #tpu.memory_space<vmem>>, vector<1x16xf32>,
        %parallel_loop3A_1239 = vector.shape_cast %parallel_loop3A_1238 : vector<1x16xf32> to vector<16xf32>
        %parallel_loop3A_1240 = arith.constant 10 : i32
        %parallel_loop3A_1241 = arith.addi %parallel_loop3A_123, %parallel_loop3A_1240 : i32
        %parallel_loop3A_1242 = arith.index_cast %parallel_loop3A_1241 : i32 to index
        %parallel_loop3A_1243 = arith.constant 0 : index
        %parallel_loop3A_1244 = tpu.vector_load %arg12[%parallel_loop3A_1242, %parallel_loop3A_1243] {strides = array<i32>} : memref<80x128xf32, #tpu.memory_space<vmem>>, vector<1x16xf32>,
        %parallel_loop3A_1245 = vector.shape_cast %parallel_loop3A_1244 : vector<1x16xf32> to vector<16xf32>
        %parallel_loop3A_1246 = arith.mulf %parallel_loop3A_1239, %parallel_loop3A_1245 : vector<16xf32>
        %parallel_loop3A_1247 = arith.constant 10 : i32
        %parallel_loop3A_1248 = arith.addi %parallel_loop3A_123, %parallel_loop3A_1247 : i32
        %parallel_loop3A_1249 = arith.index_cast %parallel_loop3A_1248 : i32 to index
        %parallel_loop3A_1250 = arith.constant 16 : index
        %parallel_loop3A_1251 = tpu.vector_load %arg11[%parallel_loop3A_1249, %parallel_loop3A_1250] {strides = array<i32>} : memref<80x128xf32, #tpu.memory_space<vmem>>, vector<1x16xf32>,
        %parallel_loop3A_1252 = vector.shape_cast %parallel_loop3A_1251 : vector<1x16xf32> to vector<16xf32>
        %parallel_loop3A_1253 = arith.constant 10 : i32
        %parallel_loop3A_1254 = arith.addi %parallel_loop3A_123, %parallel_loop3A_1253 : i32
        %parallel_loop3A_1255 = arith.index_cast %parallel_loop3A_1254 : i32 to index
        %parallel_loop3A_1256 = arith.constant 16 : index
        %parallel_loop3A_1257 = tpu.vector_load %arg12[%parallel_loop3A_1255, %parallel_loop3A_1256] {strides = array<i32>} : memref<80x128xf32, #tpu.memory_space<vmem>>, vector<1x16xf32>,
        %parallel_loop3A_1258 = vector.shape_cast %parallel_loop3A_1257 : vector<1x16xf32> to vector<16xf32>
        %parallel_loop3A_1259 = arith.mulf %parallel_loop3A_1252, %parallel_loop3A_1258 : vector<16xf32>
        %parallel_loop3A_1260 = arith.addf %parallel_loop3A_1246, %parallel_loop3A_1259 : vector<16xf32>
        %parallel_loop3A_1261 = arith.constant 10 : i32
        %parallel_loop3A_1262 = arith.addi %parallel_loop3A_123, %parallel_loop3A_1261 : i32
        %parallel_loop3A_1263 = arith.index_cast %parallel_loop3A_1262 : i32 to index
        %parallel_loop3A_1264 = arith.constant 32 : index
        %parallel_loop3A_1265 = tpu.vector_load %arg11[%parallel_loop3A_1263, %parallel_loop3A_1264] {strides = array<i32>} : memref<80x128xf32, #tpu.memory_space<vmem>>, vector<1x16xf32>,
        %parallel_loop3A_1266 = vector.shape_cast %parallel_loop3A_1265 : vector<1x16xf32> to vector<16xf32>
        %parallel_loop3A_1267 = arith.constant 10 : i32
        %parallel_loop3A_1268 = arith.addi %parallel_loop3A_123, %parallel_loop3A_1267 : i32
        %parallel_loop3A_1269 = arith.index_cast %parallel_loop3A_1268 : i32 to index
        %parallel_loop3A_1270 = arith.constant 32 : index
        %parallel_loop3A_1271 = tpu.vector_load %arg12[%parallel_loop3A_1269, %parallel_loop3A_1270] {strides = array<i32>} : memref<80x128xf32, #tpu.memory_space<vmem>>, vector<1x16xf32>,
        %parallel_loop3A_1272 = vector.shape_cast %parallel_loop3A_1271 : vector<1x16xf32> to vector<16xf32>
        %parallel_loop3A_1273 = arith.mulf %parallel_loop3A_1266, %parallel_loop3A_1272 : vector<16xf32>
        %parallel_loop3A_1274 = arith.addf %parallel_loop3A_1260, %parallel_loop3A_1273 : vector<16xf32>
        %parallel_loop3A_1275 = arith.constant 10 : i32
        %parallel_loop3A_1276 = arith.addi %parallel_loop3A_123, %parallel_loop3A_1275 : i32
        %parallel_loop3A_1277 = arith.index_cast %parallel_loop3A_1276 : i32 to index
        %parallel_loop3A_1278 = arith.constant 48 : index
        %parallel_loop3A_1279 = tpu.vector_load %arg11[%parallel_loop3A_1277, %parallel_loop3A_1278] {strides = array<i32>} : memref<80x128xf32, #tpu.memory_space<vmem>>, vector<1x16xf32>,
        %parallel_loop3A_1280 = vector.shape_cast %parallel_loop3A_1279 : vector<1x16xf32> to vector<16xf32>
        %parallel_loop3A_1281 = arith.constant 10 : i32
        %parallel_loop3A_1282 = arith.addi %parallel_loop3A_123, %parallel_loop3A_1281 : i32
        %parallel_loop3A_1283 = arith.index_cast %parallel_loop3A_1282 : i32 to index
        %parallel_loop3A_1284 = arith.constant 48 : index
        %parallel_loop3A_1285 = tpu.vector_load %arg12[%parallel_loop3A_1283, %parallel_loop3A_1284] {strides = array<i32>} : memref<80x128xf32, #tpu.memory_space<vmem>>, vector<1x16xf32>,
        %parallel_loop3A_1286 = vector.shape_cast %parallel_loop3A_1285 : vector<1x16xf32> to vector<16xf32>
        %parallel_loop3A_1287 = arith.mulf %parallel_loop3A_1280, %parallel_loop3A_1286 : vector<16xf32>
        %parallel_loop3A_1288 = arith.addf %parallel_loop3A_1274, %parallel_loop3A_1287 : vector<16xf32>
        %parallel_loop3A_1289 = arith.constant 10 : i32
        %parallel_loop3A_1290 = arith.addi %parallel_loop3A_123, %parallel_loop3A_1289 : i32
        %parallel_loop3A_1291 = arith.index_cast %parallel_loop3A_1290 : i32 to index
        %parallel_loop3A_1292 = arith.constant 64 : index
        %parallel_loop3A_1293 = tpu.vector_load %arg11[%parallel_loop3A_1291, %parallel_loop3A_1292] {strides = array<i32>} : memref<80x128xf32, #tpu.memory_space<vmem>>, vector<1x16xf32>,
        %parallel_loop3A_1294 = vector.shape_cast %parallel_loop3A_1293 : vector<1x16xf32> to vector<16xf32>
        %parallel_loop3A_1295 = arith.constant 10 : i32
        %parallel_loop3A_1296 = arith.addi %parallel_loop3A_123, %parallel_loop3A_1295 : i32
        %parallel_loop3A_1297 = arith.index_cast %parallel_loop3A_1296 : i32 to index
        %parallel_loop3A_1298 = arith.constant 64 : index
        %parallel_loop3A_1299 = tpu.vector_load %arg12[%parallel_loop3A_1297, %parallel_loop3A_1298] {strides = array<i32>} : memref<80x128xf32, #tpu.memory_space<vmem>>, vector<1x16xf32>,
        %parallel_loop3A_1300 = vector.shape_cast %parallel_loop3A_1299 : vector<1x16xf32> to vector<16xf32>
        %parallel_loop3A_1301 = arith.mulf %parallel_loop3A_1294, %parallel_loop3A_1300 : vector<16xf32>
        %parallel_loop3A_1302 = arith.addf %parallel_loop3A_1288, %parallel_loop3A_1301 : vector<16xf32>
        %parallel_loop3A_1303 = arith.constant 10 : i32
        %parallel_loop3A_1304 = arith.addi %parallel_loop3A_123, %parallel_loop3A_1303 : i32
        %parallel_loop3A_1305 = arith.index_cast %parallel_loop3A_1304 : i32 to index
        %parallel_loop3A_1306 = arith.constant 80 : index
        %parallel_loop3A_1307 = tpu.vector_load %arg11[%parallel_loop3A_1305, %parallel_loop3A_1306] {strides = array<i32>} : memref<80x128xf32, #tpu.memory_space<vmem>>, vector<1x16xf32>,
        %parallel_loop3A_1308 = vector.shape_cast %parallel_loop3A_1307 : vector<1x16xf32> to vector<16xf32>
        %parallel_loop3A_1309 = arith.constant 10 : i32
        %parallel_loop3A_1310 = arith.addi %parallel_loop3A_123, %parallel_loop3A_1309 : i32
        %parallel_loop3A_1311 = arith.index_cast %parallel_loop3A_1310 : i32 to index
        %parallel_loop3A_1312 = arith.constant 80 : index
        %parallel_loop3A_1313 = tpu.vector_load %arg12[%parallel_loop3A_1311, %parallel_loop3A_1312] {strides = array<i32>} : memref<80x128xf32, #tpu.memory_space<vmem>>, vector<1x16xf32>,
        %parallel_loop3A_1314 = vector.shape_cast %parallel_loop3A_1313 : vector<1x16xf32> to vector<16xf32>
        %parallel_loop3A_1315 = arith.mulf %parallel_loop3A_1308, %parallel_loop3A_1314 : vector<16xf32>
        %parallel_loop3A_1316 = arith.addf %parallel_loop3A_1302, %parallel_loop3A_1315 : vector<16xf32>
        %parallel_loop3A_1317 = arith.constant 10 : i32
        %parallel_loop3A_1318 = arith.addi %parallel_loop3A_123, %parallel_loop3A_1317 : i32
        %parallel_loop3A_1319 = arith.index_cast %parallel_loop3A_1318 : i32 to index
        %parallel_loop3A_1320 = arith.constant 96 : index
        %parallel_loop3A_1321 = tpu.vector_load %arg11[%parallel_loop3A_1319, %parallel_loop3A_1320] {strides = array<i32>} : memref<80x128xf32, #tpu.memory_space<vmem>>, vector<1x16xf32>,
        %parallel_loop3A_1322 = vector.shape_cast %parallel_loop3A_1321 : vector<1x16xf32> to vector<16xf32>
        %parallel_loop3A_1323 = arith.constant 10 : i32
        %parallel_loop3A_1324 = arith.addi %parallel_loop3A_123, %parallel_loop3A_1323 : i32
        %parallel_loop3A_1325 = arith.index_cast %parallel_loop3A_1324 : i32 to index
        %parallel_loop3A_1326 = arith.constant 96 : index
        %parallel_loop3A_1327 = tpu.vector_load %arg12[%parallel_loop3A_1325, %parallel_loop3A_1326] {strides = array<i32>} : memref<80x128xf32, #tpu.memory_space<vmem>>, vector<1x16xf32>,
        %parallel_loop3A_1328 = vector.shape_cast %parallel_loop3A_1327 : vector<1x16xf32> to vector<16xf32>
        %parallel_loop3A_1329 = arith.mulf %parallel_loop3A_1322, %parallel_loop3A_1328 : vector<16xf32>
        %parallel_loop3A_1330 = arith.addf %parallel_loop3A_1316, %parallel_loop3A_1329 : vector<16xf32>
        %parallel_loop3A_1331 = arith.constant 10 : i32
        %parallel_loop3A_1332 = arith.addi %parallel_loop3A_123, %parallel_loop3A_1331 : i32
        %parallel_loop3A_1333 = arith.index_cast %parallel_loop3A_1332 : i32 to index
        %parallel_loop3A_1334 = arith.constant 112 : index
        %parallel_loop3A_1335 = tpu.vector_load %arg11[%parallel_loop3A_1333, %parallel_loop3A_1334] {strides = array<i32>} : memref<80x128xf32, #tpu.memory_space<vmem>>, vector<1x16xf32>,
        %parallel_loop3A_1336 = vector.shape_cast %parallel_loop3A_1335 : vector<1x16xf32> to vector<16xf32>
        %parallel_loop3A_1337 = arith.constant 10 : i32
        %parallel_loop3A_1338 = arith.addi %parallel_loop3A_123, %parallel_loop3A_1337 : i32
        %parallel_loop3A_1339 = arith.index_cast %parallel_loop3A_1338 : i32 to index
        %parallel_loop3A_1340 = arith.constant 112 : index
        %parallel_loop3A_1341 = tpu.vector_load %arg12[%parallel_loop3A_1339, %parallel_loop3A_1340] {strides = array<i32>} : memref<80x128xf32, #tpu.memory_space<vmem>>, vector<1x16xf32>,
        %parallel_loop3A_1342 = vector.shape_cast %parallel_loop3A_1341 : vector<1x16xf32> to vector<16xf32>
        %parallel_loop3A_1343 = arith.mulf %parallel_loop3A_1336, %parallel_loop3A_1342 : vector<16xf32>
        %parallel_loop3A_1344 = arith.addf %parallel_loop3A_1330, %parallel_loop3A_1343 : vector<16xf32>
        %parallel_loop3A_1345 = arith.constant 11 : i32
        %parallel_loop3A_1346 = arith.addi %parallel_loop3A_123, %parallel_loop3A_1345 : i32
        %parallel_loop3A_1347 = arith.index_cast %parallel_loop3A_1346 : i32 to index
        %parallel_loop3A_1348 = arith.constant 0 : index
        %parallel_loop3A_1349 = tpu.vector_load %arg11[%parallel_loop3A_1347, %parallel_loop3A_1348] {strides = array<i32>} : memref<80x128xf32, #tpu.memory_space<vmem>>, vector<1x16xf32>,
        %parallel_loop3A_1350 = vector.shape_cast %parallel_loop3A_1349 : vector<1x16xf32> to vector<16xf32>
        %parallel_loop3A_1351 = arith.constant 11 : i32
        %parallel_loop3A_1352 = arith.addi %parallel_loop3A_123, %parallel_loop3A_1351 : i32
        %parallel_loop3A_1353 = arith.index_cast %parallel_loop3A_1352 : i32 to index
        %parallel_loop3A_1354 = arith.constant 0 : index
        %parallel_loop3A_1355 = tpu.vector_load %arg12[%parallel_loop3A_1353, %parallel_loop3A_1354] {strides = array<i32>} : memref<80x128xf32, #tpu.memory_space<vmem>>, vector<1x16xf32>,
        %parallel_loop3A_1356 = vector.shape_cast %parallel_loop3A_1355 : vector<1x16xf32> to vector<16xf32>
        %parallel_loop3A_1357 = arith.mulf %parallel_loop3A_1350, %parallel_loop3A_1356 : vector<16xf32>
        %parallel_loop3A_1358 = arith.constant 11 : i32
        %parallel_loop3A_1359 = arith.addi %parallel_loop3A_123, %parallel_loop3A_1358 : i32
        %parallel_loop3A_1360 = arith.index_cast %parallel_loop3A_1359 : i32 to index
        %parallel_loop3A_1361 = arith.constant 16 : index
        %parallel_loop3A_1362 = tpu.vector_load %arg11[%parallel_loop3A_1360, %parallel_loop3A_1361] {strides = array<i32>} : memref<80x128xf32, #tpu.memory_space<vmem>>, vector<1x16xf32>,
        %parallel_loop3A_1363 = vector.shape_cast %parallel_loop3A_1362 : vector<1x16xf32> to vector<16xf32>
        %parallel_loop3A_1364 = arith.constant 11 : i32
        %parallel_loop3A_1365 = arith.addi %parallel_loop3A_123, %parallel_loop3A_1364 : i32
        %parallel_loop3A_1366 = arith.index_cast %parallel_loop3A_1365 : i32 to index
        %parallel_loop3A_1367 = arith.constant 16 : index
        %parallel_loop3A_1368 = tpu.vector_load %arg12[%parallel_loop3A_1366, %parallel_loop3A_1367] {strides = array<i32>} : memref<80x128xf32, #tpu.memory_space<vmem>>, vector<1x16xf32>,
        %parallel_loop3A_1369 = vector.shape_cast %parallel_loop3A_1368 : vector<1x16xf32> to vector<16xf32>
        %parallel_loop3A_1370 = arith.mulf %parallel_loop3A_1363, %parallel_loop3A_1369 : vector<16xf32>
        %parallel_loop3A_1371 = arith.addf %parallel_loop3A_1357, %parallel_loop3A_1370 : vector<16xf32>
        %parallel_loop3A_1372 = arith.constant 11 : i32
        %parallel_loop3A_1373 = arith.addi %parallel_loop3A_123, %parallel_loop3A_1372 : i32
        %parallel_loop3A_1374 = arith.index_cast %parallel_loop3A_1373 : i32 to index
        %parallel_loop3A_1375 = arith.constant 32 : index
        %parallel_loop3A_1376 = tpu.vector_load %arg11[%parallel_loop3A_1374, %parallel_loop3A_1375] {strides = array<i32>} : memref<80x128xf32, #tpu.memory_space<vmem>>, vector<1x16xf32>,
        %parallel_loop3A_1377 = vector.shape_cast %parallel_loop3A_1376 : vector<1x16xf32> to vector<16xf32>
        %parallel_loop3A_1378 = arith.constant 11 : i32
        %parallel_loop3A_1379 = arith.addi %parallel_loop3A_123, %parallel_loop3A_1378 : i32
        %parallel_loop3A_1380 = arith.index_cast %parallel_loop3A_1379 : i32 to index
        %parallel_loop3A_1381 = arith.constant 32 : index
        %parallel_loop3A_1382 = tpu.vector_load %arg12[%parallel_loop3A_1380, %parallel_loop3A_1381] {strides = array<i32>} : memref<80x128xf32, #tpu.memory_space<vmem>>, vector<1x16xf32>,
        %parallel_loop3A_1383 = vector.shape_cast %parallel_loop3A_1382 : vector<1x16xf32> to vector<16xf32>
        %parallel_loop3A_1384 = arith.mulf %parallel_loop3A_1377, %parallel_loop3A_1383 : vector<16xf32>
        %parallel_loop3A_1385 = arith.addf %parallel_loop3A_1371, %parallel_loop3A_1384 : vector<16xf32>
        %parallel_loop3A_1386 = arith.constant 11 : i32
        %parallel_loop3A_1387 = arith.addi %parallel_loop3A_123, %parallel_loop3A_1386 : i32
        %parallel_loop3A_1388 = arith.index_cast %parallel_loop3A_1387 : i32 to index
        %parallel_loop3A_1389 = arith.constant 48 : index
        %parallel_loop3A_1390 = tpu.vector_load %arg11[%parallel_loop3A_1388, %parallel_loop3A_1389] {strides = array<i32>} : memref<80x128xf32, #tpu.memory_space<vmem>>, vector<1x16xf32>,
        %parallel_loop3A_1391 = vector.shape_cast %parallel_loop3A_1390 : vector<1x16xf32> to vector<16xf32>
        %parallel_loop3A_1392 = arith.constant 11 : i32
        %parallel_loop3A_1393 = arith.addi %parallel_loop3A_123, %parallel_loop3A_1392 : i32
        %parallel_loop3A_1394 = arith.index_cast %parallel_loop3A_1393 : i32 to index
        %parallel_loop3A_1395 = arith.constant 48 : index
        %parallel_loop3A_1396 = tpu.vector_load %arg12[%parallel_loop3A_1394, %parallel_loop3A_1395] {strides = array<i32>} : memref<80x128xf32, #tpu.memory_space<vmem>>, vector<1x16xf32>,
        %parallel_loop3A_1397 = vector.shape_cast %parallel_loop3A_1396 : vector<1x16xf32> to vector<16xf32>
        %parallel_loop3A_1398 = arith.mulf %parallel_loop3A_1391, %parallel_loop3A_1397 : vector<16xf32>
        %parallel_loop3A_1399 = arith.addf %parallel_loop3A_1385, %parallel_loop3A_1398 : vector<16xf32>
        %parallel_loop3A_1400 = arith.constant 11 : i32
        %parallel_loop3A_1401 = arith.addi %parallel_loop3A_123, %parallel_loop3A_1400 : i32
        %parallel_loop3A_1402 = arith.index_cast %parallel_loop3A_1401 : i32 to index
        %parallel_loop3A_1403 = arith.constant 64 : index
        %parallel_loop3A_1404 = tpu.vector_load %arg11[%parallel_loop3A_1402, %parallel_loop3A_1403] {strides = array<i32>} : memref<80x128xf32, #tpu.memory_space<vmem>>, vector<1x16xf32>,
        %parallel_loop3A_1405 = vector.shape_cast %parallel_loop3A_1404 : vector<1x16xf32> to vector<16xf32>
        %parallel_loop3A_1406 = arith.constant 11 : i32
        %parallel_loop3A_1407 = arith.addi %parallel_loop3A_123, %parallel_loop3A_1406 : i32
        %parallel_loop3A_1408 = arith.index_cast %parallel_loop3A_1407 : i32 to index
        %parallel_loop3A_1409 = arith.constant 64 : index
        %parallel_loop3A_1410 = tpu.vector_load %arg12[%parallel_loop3A_1408, %parallel_loop3A_1409] {strides = array<i32>} : memref<80x128xf32, #tpu.memory_space<vmem>>, vector<1x16xf32>,
        %parallel_loop3A_1411 = vector.shape_cast %parallel_loop3A_1410 : vector<1x16xf32> to vector<16xf32>
        %parallel_loop3A_1412 = arith.mulf %parallel_loop3A_1405, %parallel_loop3A_1411 : vector<16xf32>
        %parallel_loop3A_1413 = arith.addf %parallel_loop3A_1399, %parallel_loop3A_1412 : vector<16xf32>
        %parallel_loop3A_1414 = arith.constant 11 : i32
        %parallel_loop3A_1415 = arith.addi %parallel_loop3A_123, %parallel_loop3A_1414 : i32
        %parallel_loop3A_1416 = arith.index_cast %parallel_loop3A_1415 : i32 to index
        %parallel_loop3A_1417 = arith.constant 80 : index
        %parallel_loop3A_1418 = tpu.vector_load %arg11[%parallel_loop3A_1416, %parallel_loop3A_1417] {strides = array<i32>} : memref<80x128xf32, #tpu.memory_space<vmem>>, vector<1x16xf32>,
        %parallel_loop3A_1419 = vector.shape_cast %parallel_loop3A_1418 : vector<1x16xf32> to vector<16xf32>
        %parallel_loop3A_1420 = arith.constant 11 : i32
        %parallel_loop3A_1421 = arith.addi %parallel_loop3A_123, %parallel_loop3A_1420 : i32
        %parallel_loop3A_1422 = arith.index_cast %parallel_loop3A_1421 : i32 to index
        %parallel_loop3A_1423 = arith.constant 80 : index
        %parallel_loop3A_1424 = tpu.vector_load %arg12[%parallel_loop3A_1422, %parallel_loop3A_1423] {strides = array<i32>} : memref<80x128xf32, #tpu.memory_space<vmem>>, vector<1x16xf32>,
        %parallel_loop3A_1425 = vector.shape_cast %parallel_loop3A_1424 : vector<1x16xf32> to vector<16xf32>
        %parallel_loop3A_1426 = arith.mulf %parallel_loop3A_1419, %parallel_loop3A_1425 : vector<16xf32>
        %parallel_loop3A_1427 = arith.addf %parallel_loop3A_1413, %parallel_loop3A_1426 : vector<16xf32>
        %parallel_loop3A_1428 = arith.constant 11 : i32
        %parallel_loop3A_1429 = arith.addi %parallel_loop3A_123, %parallel_loop3A_1428 : i32
        %parallel_loop3A_1430 = arith.index_cast %parallel_loop3A_1429 : i32 to index
        %parallel_loop3A_1431 = arith.constant 96 : index
        %parallel_loop3A_1432 = tpu.vector_load %arg11[%parallel_loop3A_1430, %parallel_loop3A_1431] {strides = array<i32>} : memref<80x128xf32, #tpu.memory_space<vmem>>, vector<1x16xf32>,
        %parallel_loop3A_1433 = vector.shape_cast %parallel_loop3A_1432 : vector<1x16xf32> to vector<16xf32>
        %parallel_loop3A_1434 = arith.constant 11 : i32
        %parallel_loop3A_1435 = arith.addi %parallel_loop3A_123, %parallel_loop3A_1434 : i32
        %parallel_loop3A_1436 = arith.index_cast %parallel_loop3A_1435 : i32 to index
        %parallel_loop3A_1437 = arith.constant 96 : index
        %parallel_loop3A_1438 = tpu.vector_load %arg12[%parallel_loop3A_1436, %parallel_loop3A_1437] {strides = array<i32>} : memref<80x128xf32, #tpu.memory_space<vmem>>, vector<1x16xf32>,
        %parallel_loop3A_1439 = vector.shape_cast %parallel_loop3A_1438 : vector<1x16xf32> to vector<16xf32>
        %parallel_loop3A_1440 = arith.mulf %parallel_loop3A_1433, %parallel_loop3A_1439 : vector<16xf32>
        %parallel_loop3A_1441 = arith.addf %parallel_loop3A_1427, %parallel_loop3A_1440 : vector<16xf32>
        %parallel_loop3A_1442 = arith.constant 11 : i32
        %parallel_loop3A_1443 = arith.addi %parallel_loop3A_123, %parallel_loop3A_1442 : i32
        %parallel_loop3A_1444 = arith.index_cast %parallel_loop3A_1443 : i32 to index
        %parallel_loop3A_1445 = arith.constant 112 : index
        %parallel_loop3A_1446 = tpu.vector_load %arg11[%parallel_loop3A_1444, %parallel_loop3A_1445] {strides = array<i32>} : memref<80x128xf32, #tpu.memory_space<vmem>>, vector<1x16xf32>,
        %parallel_loop3A_1447 = vector.shape_cast %parallel_loop3A_1446 : vector<1x16xf32> to vector<16xf32>
        %parallel_loop3A_1448 = arith.constant 11 : i32
        %parallel_loop3A_1449 = arith.addi %parallel_loop3A_123, %parallel_loop3A_1448 : i32
        %parallel_loop3A_1450 = arith.index_cast %parallel_loop3A_1449 : i32 to index
        %parallel_loop3A_1451 = arith.constant 112 : index
        %parallel_loop3A_1452 = tpu.vector_load %arg12[%parallel_loop3A_1450, %parallel_loop3A_1451] {strides = array<i32>} : memref<80x128xf32, #tpu.memory_space<vmem>>, vector<1x16xf32>,
        %parallel_loop3A_1453 = vector.shape_cast %parallel_loop3A_1452 : vector<1x16xf32> to vector<16xf32>
        %parallel_loop3A_1454 = arith.mulf %parallel_loop3A_1447, %parallel_loop3A_1453 : vector<16xf32>
        %parallel_loop3A_1455 = arith.addf %parallel_loop3A_1441, %parallel_loop3A_1454 : vector<16xf32>
        %parallel_loop3A_1456 = arith.constant 12 : i32
        %parallel_loop3A_1457 = arith.addi %parallel_loop3A_123, %parallel_loop3A_1456 : i32
        %parallel_loop3A_1458 = arith.index_cast %parallel_loop3A_1457 : i32 to index
        %parallel_loop3A_1459 = arith.constant 0 : index
        %parallel_loop3A_1460 = tpu.vector_load %arg11[%parallel_loop3A_1458, %parallel_loop3A_1459] {strides = array<i32>} : memref<80x128xf32, #tpu.memory_space<vmem>>, vector<1x16xf32>,
        %parallel_loop3A_1461 = vector.shape_cast %parallel_loop3A_1460 : vector<1x16xf32> to vector<16xf32>
        %parallel_loop3A_1462 = arith.constant 12 : i32
        %parallel_loop3A_1463 = arith.addi %parallel_loop3A_123, %parallel_loop3A_1462 : i32
        %parallel_loop3A_1464 = arith.index_cast %parallel_loop3A_1463 : i32 to index
        %parallel_loop3A_1465 = arith.constant 0 : index
        %parallel_loop3A_1466 = tpu.vector_load %arg12[%parallel_loop3A_1464, %parallel_loop3A_1465] {strides = array<i32>} : memref<80x128xf32, #tpu.memory_space<vmem>>, vector<1x16xf32>,
        %parallel_loop3A_1467 = vector.shape_cast %parallel_loop3A_1466 : vector<1x16xf32> to vector<16xf32>
        %parallel_loop3A_1468 = arith.mulf %parallel_loop3A_1461, %parallel_loop3A_1467 : vector<16xf32>
        %parallel_loop3A_1469 = arith.constant 12 : i32
        %parallel_loop3A_1470 = arith.addi %parallel_loop3A_123, %parallel_loop3A_1469 : i32
        %parallel_loop3A_1471 = arith.index_cast %parallel_loop3A_1470 : i32 to index
        %parallel_loop3A_1472 = arith.constant 16 : index
        %parallel_loop3A_1473 = tpu.vector_load %arg11[%parallel_loop3A_1471, %parallel_loop3A_1472] {strides = array<i32>} : memref<80x128xf32, #tpu.memory_space<vmem>>, vector<1x16xf32>,
        %parallel_loop3A_1474 = vector.shape_cast %parallel_loop3A_1473 : vector<1x16xf32> to vector<16xf32>
        %parallel_loop3A_1475 = arith.constant 12 : i32
        %parallel_loop3A_1476 = arith.addi %parallel_loop3A_123, %parallel_loop3A_1475 : i32
        %parallel_loop3A_1477 = arith.index_cast %parallel_loop3A_1476 : i32 to index
        %parallel_loop3A_1478 = arith.constant 16 : index
        %parallel_loop3A_1479 = tpu.vector_load %arg12[%parallel_loop3A_1477, %parallel_loop3A_1478] {strides = array<i32>} : memref<80x128xf32, #tpu.memory_space<vmem>>, vector<1x16xf32>,
        %parallel_loop3A_1480 = vector.shape_cast %parallel_loop3A_1479 : vector<1x16xf32> to vector<16xf32>
        %parallel_loop3A_1481 = arith.mulf %parallel_loop3A_1474, %parallel_loop3A_1480 : vector<16xf32>
        %parallel_loop3A_1482 = arith.addf %parallel_loop3A_1468, %parallel_loop3A_1481 : vector<16xf32>
        %parallel_loop3A_1483 = arith.constant 12 : i32
        %parallel_loop3A_1484 = arith.addi %parallel_loop3A_123, %parallel_loop3A_1483 : i32
        %parallel_loop3A_1485 = arith.index_cast %parallel_loop3A_1484 : i32 to index
        %parallel_loop3A_1486 = arith.constant 32 : index
        %parallel_loop3A_1487 = tpu.vector_load %arg11[%parallel_loop3A_1485, %parallel_loop3A_1486] {strides = array<i32>} : memref<80x128xf32, #tpu.memory_space<vmem>>, vector<1x16xf32>,
        %parallel_loop3A_1488 = vector.shape_cast %parallel_loop3A_1487 : vector<1x16xf32> to vector<16xf32>
        %parallel_loop3A_1489 = arith.constant 12 : i32
        %parallel_loop3A_1490 = arith.addi %parallel_loop3A_123, %parallel_loop3A_1489 : i32
        %parallel_loop3A_1491 = arith.index_cast %parallel_loop3A_1490 : i32 to index
        %parallel_loop3A_1492 = arith.constant 32 : index
        %parallel_loop3A_1493 = tpu.vector_load %arg12[%parallel_loop3A_1491, %parallel_loop3A_1492] {strides = array<i32>} : memref<80x128xf32, #tpu.memory_space<vmem>>, vector<1x16xf32>,
        %parallel_loop3A_1494 = vector.shape_cast %parallel_loop3A_1493 : vector<1x16xf32> to vector<16xf32>
        %parallel_loop3A_1495 = arith.mulf %parallel_loop3A_1488, %parallel_loop3A_1494 : vector<16xf32>
        %parallel_loop3A_1496 = arith.addf %parallel_loop3A_1482, %parallel_loop3A_1495 : vector<16xf32>
        %parallel_loop3A_1497 = arith.constant 12 : i32
        %parallel_loop3A_1498 = arith.addi %parallel_loop3A_123, %parallel_loop3A_1497 : i32
        %parallel_loop3A_1499 = arith.index_cast %parallel_loop3A_1498 : i32 to index
        %parallel_loop3A_1500 = arith.constant 48 : index
        %parallel_loop3A_1501 = tpu.vector_load %arg11[%parallel_loop3A_1499, %parallel_loop3A_1500] {strides = array<i32>} : memref<80x128xf32, #tpu.memory_space<vmem>>, vector<1x16xf32>,
        %parallel_loop3A_1502 = vector.shape_cast %parallel_loop3A_1501 : vector<1x16xf32> to vector<16xf32>
        %parallel_loop3A_1503 = arith.constant 12 : i32
        %parallel_loop3A_1504 = arith.addi %parallel_loop3A_123, %parallel_loop3A_1503 : i32
        %parallel_loop3A_1505 = arith.index_cast %parallel_loop3A_1504 : i32 to index
        %parallel_loop3A_1506 = arith.constant 48 : index
        %parallel_loop3A_1507 = tpu.vector_load %arg12[%parallel_loop3A_1505, %parallel_loop3A_1506] {strides = array<i32>} : memref<80x128xf32, #tpu.memory_space<vmem>>, vector<1x16xf32>,
        %parallel_loop3A_1508 = vector.shape_cast %parallel_loop3A_1507 : vector<1x16xf32> to vector<16xf32>
        %parallel_loop3A_1509 = arith.mulf %parallel_loop3A_1502, %parallel_loop3A_1508 : vector<16xf32>
        %parallel_loop3A_1510 = arith.addf %parallel_loop3A_1496, %parallel_loop3A_1509 : vector<16xf32>
        %parallel_loop3A_1511 = arith.constant 12 : i32
        %parallel_loop3A_1512 = arith.addi %parallel_loop3A_123, %parallel_loop3A_1511 : i32
        %parallel_loop3A_1513 = arith.index_cast %parallel_loop3A_1512 : i32 to index
        %parallel_loop3A_1514 = arith.constant 64 : index
        %parallel_loop3A_1515 = tpu.vector_load %arg11[%parallel_loop3A_1513, %parallel_loop3A_1514] {strides = array<i32>} : memref<80x128xf32, #tpu.memory_space<vmem>>, vector<1x16xf32>,
        %parallel_loop3A_1516 = vector.shape_cast %parallel_loop3A_1515 : vector<1x16xf32> to vector<16xf32>
        %parallel_loop3A_1517 = arith.constant 12 : i32
        %parallel_loop3A_1518 = arith.addi %parallel_loop3A_123, %parallel_loop3A_1517 : i32
        %parallel_loop3A_1519 = arith.index_cast %parallel_loop3A_1518 : i32 to index
        %parallel_loop3A_1520 = arith.constant 64 : index
        %parallel_loop3A_1521 = tpu.vector_load %arg12[%parallel_loop3A_1519, %parallel_loop3A_1520] {strides = array<i32>} : memref<80x128xf32, #tpu.memory_space<vmem>>, vector<1x16xf32>,
        %parallel_loop3A_1522 = vector.shape_cast %parallel_loop3A_1521 : vector<1x16xf32> to vector<16xf32>
        %parallel_loop3A_1523 = arith.mulf %parallel_loop3A_1516, %parallel_loop3A_1522 : vector<16xf32>
        %parallel_loop3A_1524 = arith.addf %parallel_loop3A_1510, %parallel_loop3A_1523 : vector<16xf32>
        %parallel_loop3A_1525 = arith.constant 12 : i32
        %parallel_loop3A_1526 = arith.addi %parallel_loop3A_123, %parallel_loop3A_1525 : i32
        %parallel_loop3A_1527 = arith.index_cast %parallel_loop3A_1526 : i32 to index
        %parallel_loop3A_1528 = arith.constant 80 : index
        %parallel_loop3A_1529 = tpu.vector_load %arg11[%parallel_loop3A_1527, %parallel_loop3A_1528] {strides = array<i32>} : memref<80x128xf32, #tpu.memory_space<vmem>>, vector<1x16xf32>,
        %parallel_loop3A_1530 = vector.shape_cast %parallel_loop3A_1529 : vector<1x16xf32> to vector<16xf32>
        %parallel_loop3A_1531 = arith.constant 12 : i32
        %parallel_loop3A_1532 = arith.addi %parallel_loop3A_123, %parallel_loop3A_1531 : i32
        %parallel_loop3A_1533 = arith.index_cast %parallel_loop3A_1532 : i32 to index
        %parallel_loop3A_1534 = arith.constant 80 : index
        %parallel_loop3A_1535 = tpu.vector_load %arg12[%parallel_loop3A_1533, %parallel_loop3A_1534] {strides = array<i32>} : memref<80x128xf32, #tpu.memory_space<vmem>>, vector<1x16xf32>,
        %parallel_loop3A_1536 = vector.shape_cast %parallel_loop3A_1535 : vector<1x16xf32> to vector<16xf32>
        %parallel_loop3A_1537 = arith.mulf %parallel_loop3A_1530, %parallel_loop3A_1536 : vector<16xf32>
        %parallel_loop3A_1538 = arith.addf %parallel_loop3A_1524, %parallel_loop3A_1537 : vector<16xf32>
        %parallel_loop3A_1539 = arith.constant 12 : i32
        %parallel_loop3A_1540 = arith.addi %parallel_loop3A_123, %parallel_loop3A_1539 : i32
        %parallel_loop3A_1541 = arith.index_cast %parallel_loop3A_1540 : i32 to index
        %parallel_loop3A_1542 = arith.constant 96 : index
        %parallel_loop3A_1543 = tpu.vector_load %arg11[%parallel_loop3A_1541, %parallel_loop3A_1542] {strides = array<i32>} : memref<80x128xf32, #tpu.memory_space<vmem>>, vector<1x16xf32>,
        %parallel_loop3A_1544 = vector.shape_cast %parallel_loop3A_1543 : vector<1x16xf32> to vector<16xf32>
        %parallel_loop3A_1545 = arith.constant 12 : i32
        %parallel_loop3A_1546 = arith.addi %parallel_loop3A_123, %parallel_loop3A_1545 : i32
        %parallel_loop3A_1547 = arith.index_cast %parallel_loop3A_1546 : i32 to index
        %parallel_loop3A_1548 = arith.constant 96 : index
        %parallel_loop3A_1549 = tpu.vector_load %arg12[%parallel_loop3A_1547, %parallel_loop3A_1548] {strides = array<i32>} : memref<80x128xf32, #tpu.memory_space<vmem>>, vector<1x16xf32>,
        %parallel_loop3A_1550 = vector.shape_cast %parallel_loop3A_1549 : vector<1x16xf32> to vector<16xf32>
        %parallel_loop3A_1551 = arith.mulf %parallel_loop3A_1544, %parallel_loop3A_1550 : vector<16xf32>
        %parallel_loop3A_1552 = arith.addf %parallel_loop3A_1538, %parallel_loop3A_1551 : vector<16xf32>
        %parallel_loop3A_1553 = arith.constant 12 : i32
        %parallel_loop3A_1554 = arith.addi %parallel_loop3A_123, %parallel_loop3A_1553 : i32
        %parallel_loop3A_1555 = arith.index_cast %parallel_loop3A_1554 : i32 to index
        %parallel_loop3A_1556 = arith.constant 112 : index
        %parallel_loop3A_1557 = tpu.vector_load %arg11[%parallel_loop3A_1555, %parallel_loop3A_1556] {strides = array<i32>} : memref<80x128xf32, #tpu.memory_space<vmem>>, vector<1x16xf32>,
        %parallel_loop3A_1558 = vector.shape_cast %parallel_loop3A_1557 : vector<1x16xf32> to vector<16xf32>
        %parallel_loop3A_1559 = arith.constant 12 : i32
        %parallel_loop3A_1560 = arith.addi %parallel_loop3A_123, %parallel_loop3A_1559 : i32
        %parallel_loop3A_1561 = arith.index_cast %parallel_loop3A_1560 : i32 to index
        %parallel_loop3A_1562 = arith.constant 112 : index
        %parallel_loop3A_1563 = tpu.vector_load %arg12[%parallel_loop3A_1561, %parallel_loop3A_1562] {strides = array<i32>} : memref<80x128xf32, #tpu.memory_space<vmem>>, vector<1x16xf32>,
        %parallel_loop3A_1564 = vector.shape_cast %parallel_loop3A_1563 : vector<1x16xf32> to vector<16xf32>
        %parallel_loop3A_1565 = arith.mulf %parallel_loop3A_1558, %parallel_loop3A_1564 : vector<16xf32>
        %parallel_loop3A_1566 = arith.addf %parallel_loop3A_1552, %parallel_loop3A_1565 : vector<16xf32>
        %parallel_loop3A_1567 = arith.constant 13 : i32
        %parallel_loop3A_1568 = arith.addi %parallel_loop3A_123, %parallel_loop3A_1567 : i32
        %parallel_loop3A_1569 = arith.index_cast %parallel_loop3A_1568 : i32 to index
        %parallel_loop3A_1570 = arith.constant 0 : index
        %parallel_loop3A_1571 = tpu.vector_load %arg11[%parallel_loop3A_1569, %parallel_loop3A_1570] {strides = array<i32>} : memref<80x128xf32, #tpu.memory_space<vmem>>, vector<1x16xf32>,
        %parallel_loop3A_1572 = vector.shape_cast %parallel_loop3A_1571 : vector<1x16xf32> to vector<16xf32>
        %parallel_loop3A_1573 = arith.constant 13 : i32
        %parallel_loop3A_1574 = arith.addi %parallel_loop3A_123, %parallel_loop3A_1573 : i32
        %parallel_loop3A_1575 = arith.index_cast %parallel_loop3A_1574 : i32 to index
        %parallel_loop3A_1576 = arith.constant 0 : index
        %parallel_loop3A_1577 = tpu.vector_load %arg12[%parallel_loop3A_1575, %parallel_loop3A_1576] {strides = array<i32>} : memref<80x128xf32, #tpu.memory_space<vmem>>, vector<1x16xf32>,
        %parallel_loop3A_1578 = vector.shape_cast %parallel_loop3A_1577 : vector<1x16xf32> to vector<16xf32>
        %parallel_loop3A_1579 = arith.mulf %parallel_loop3A_1572, %parallel_loop3A_1578 : vector<16xf32>
        %parallel_loop3A_1580 = arith.constant 13 : i32
        %parallel_loop3A_1581 = arith.addi %parallel_loop3A_123, %parallel_loop3A_1580 : i32
        %parallel_loop3A_1582 = arith.index_cast %parallel_loop3A_1581 : i32 to index
        %parallel_loop3A_1583 = arith.constant 16 : index
        %parallel_loop3A_1584 = tpu.vector_load %arg11[%parallel_loop3A_1582, %parallel_loop3A_1583] {strides = array<i32>} : memref<80x128xf32, #tpu.memory_space<vmem>>, vector<1x16xf32>,
        %parallel_loop3A_1585 = vector.shape_cast %parallel_loop3A_1584 : vector<1x16xf32> to vector<16xf32>
        %parallel_loop3A_1586 = arith.constant 13 : i32
        %parallel_loop3A_1587 = arith.addi %parallel_loop3A_123, %parallel_loop3A_1586 : i32
        %parallel_loop3A_1588 = arith.index_cast %parallel_loop3A_1587 : i32 to index
        %parallel_loop3A_1589 = arith.constant 16 : index
        %parallel_loop3A_1590 = tpu.vector_load %arg12[%parallel_loop3A_1588, %parallel_loop3A_1589] {strides = array<i32>} : memref<80x128xf32, #tpu.memory_space<vmem>>, vector<1x16xf32>,
        %parallel_loop3A_1591 = vector.shape_cast %parallel_loop3A_1590 : vector<1x16xf32> to vector<16xf32>
        %parallel_loop3A_1592 = arith.mulf %parallel_loop3A_1585, %parallel_loop3A_1591 : vector<16xf32>
        %parallel_loop3A_1593 = arith.addf %parallel_loop3A_1579, %parallel_loop3A_1592 : vector<16xf32>
        %parallel_loop3A_1594 = arith.constant 13 : i32
        %parallel_loop3A_1595 = arith.addi %parallel_loop3A_123, %parallel_loop3A_1594 : i32
        %parallel_loop3A_1596 = arith.index_cast %parallel_loop3A_1595 : i32 to index
        %parallel_loop3A_1597 = arith.constant 32 : index
        %parallel_loop3A_1598 = tpu.vector_load %arg11[%parallel_loop3A_1596, %parallel_loop3A_1597] {strides = array<i32>} : memref<80x128xf32, #tpu.memory_space<vmem>>, vector<1x16xf32>,
        %parallel_loop3A_1599 = vector.shape_cast %parallel_loop3A_1598 : vector<1x16xf32> to vector<16xf32>
        %parallel_loop3A_1600 = arith.constant 13 : i32
        %parallel_loop3A_1601 = arith.addi %parallel_loop3A_123, %parallel_loop3A_1600 : i32
        %parallel_loop3A_1602 = arith.index_cast %parallel_loop3A_1601 : i32 to index
        %parallel_loop3A_1603 = arith.constant 32 : index
        %parallel_loop3A_1604 = tpu.vector_load %arg12[%parallel_loop3A_1602, %parallel_loop3A_1603] {strides = array<i32>} : memref<80x128xf32, #tpu.memory_space<vmem>>, vector<1x16xf32>,
        %parallel_loop3A_1605 = vector.shape_cast %parallel_loop3A_1604 : vector<1x16xf32> to vector<16xf32>
        %parallel_loop3A_1606 = arith.mulf %parallel_loop3A_1599, %parallel_loop3A_1605 : vector<16xf32>
        %parallel_loop3A_1607 = arith.addf %parallel_loop3A_1593, %parallel_loop3A_1606 : vector<16xf32>
        %parallel_loop3A_1608 = arith.constant 13 : i32
        %parallel_loop3A_1609 = arith.addi %parallel_loop3A_123, %parallel_loop3A_1608 : i32
        %parallel_loop3A_1610 = arith.index_cast %parallel_loop3A_1609 : i32 to index
        %parallel_loop3A_1611 = arith.constant 48 : index
        %parallel_loop3A_1612 = tpu.vector_load %arg11[%parallel_loop3A_1610, %parallel_loop3A_1611] {strides = array<i32>} : memref<80x128xf32, #tpu.memory_space<vmem>>, vector<1x16xf32>,
        %parallel_loop3A_1613 = vector.shape_cast %parallel_loop3A_1612 : vector<1x16xf32> to vector<16xf32>
        %parallel_loop3A_1614 = arith.constant 13 : i32
        %parallel_loop3A_1615 = arith.addi %parallel_loop3A_123, %parallel_loop3A_1614 : i32
        %parallel_loop3A_1616 = arith.index_cast %parallel_loop3A_1615 : i32 to index
        %parallel_loop3A_1617 = arith.constant 48 : index
        %parallel_loop3A_1618 = tpu.vector_load %arg12[%parallel_loop3A_1616, %parallel_loop3A_1617] {strides = array<i32>} : memref<80x128xf32, #tpu.memory_space<vmem>>, vector<1x16xf32>,
        %parallel_loop3A_1619 = vector.shape_cast %parallel_loop3A_1618 : vector<1x16xf32> to vector<16xf32>
        %parallel_loop3A_1620 = arith.mulf %parallel_loop3A_1613, %parallel_loop3A_1619 : vector<16xf32>
        %parallel_loop3A_1621 = arith.addf %parallel_loop3A_1607, %parallel_loop3A_1620 : vector<16xf32>
        %parallel_loop3A_1622 = arith.constant 13 : i32
        %parallel_loop3A_1623 = arith.addi %parallel_loop3A_123, %parallel_loop3A_1622 : i32
        %parallel_loop3A_1624 = arith.index_cast %parallel_loop3A_1623 : i32 to index
        %parallel_loop3A_1625 = arith.constant 64 : index
        %parallel_loop3A_1626 = tpu.vector_load %arg11[%parallel_loop3A_1624, %parallel_loop3A_1625] {strides = array<i32>} : memref<80x128xf32, #tpu.memory_space<vmem>>, vector<1x16xf32>,
        %parallel_loop3A_1627 = vector.shape_cast %parallel_loop3A_1626 : vector<1x16xf32> to vector<16xf32>
        %parallel_loop3A_1628 = arith.constant 13 : i32
        %parallel_loop3A_1629 = arith.addi %parallel_loop3A_123, %parallel_loop3A_1628 : i32
        %parallel_loop3A_1630 = arith.index_cast %parallel_loop3A_1629 : i32 to index
        %parallel_loop3A_1631 = arith.constant 64 : index
        %parallel_loop3A_1632 = tpu.vector_load %arg12[%parallel_loop3A_1630, %parallel_loop3A_1631] {strides = array<i32>} : memref<80x128xf32, #tpu.memory_space<vmem>>, vector<1x16xf32>,
        %parallel_loop3A_1633 = vector.shape_cast %parallel_loop3A_1632 : vector<1x16xf32> to vector<16xf32>
        %parallel_loop3A_1634 = arith.mulf %parallel_loop3A_1627, %parallel_loop3A_1633 : vector<16xf32>
        %parallel_loop3A_1635 = arith.addf %parallel_loop3A_1621, %parallel_loop3A_1634 : vector<16xf32>
        %parallel_loop3A_1636 = arith.constant 13 : i32
        %parallel_loop3A_1637 = arith.addi %parallel_loop3A_123, %parallel_loop3A_1636 : i32
        %parallel_loop3A_1638 = arith.index_cast %parallel_loop3A_1637 : i32 to index
        %parallel_loop3A_1639 = arith.constant 80 : index
        %parallel_loop3A_1640 = tpu.vector_load %arg11[%parallel_loop3A_1638, %parallel_loop3A_1639] {strides = array<i32>} : memref<80x128xf32, #tpu.memory_space<vmem>>, vector<1x16xf32>,
        %parallel_loop3A_1641 = vector.shape_cast %parallel_loop3A_1640 : vector<1x16xf32> to vector<16xf32>
        %parallel_loop3A_1642 = arith.constant 13 : i32
        %parallel_loop3A_1643 = arith.addi %parallel_loop3A_123, %parallel_loop3A_1642 : i32
        %parallel_loop3A_1644 = arith.index_cast %parallel_loop3A_1643 : i32 to index
        %parallel_loop3A_1645 = arith.constant 80 : index
        %parallel_loop3A_1646 = tpu.vector_load %arg12[%parallel_loop3A_1644, %parallel_loop3A_1645] {strides = array<i32>} : memref<80x128xf32, #tpu.memory_space<vmem>>, vector<1x16xf32>,
        %parallel_loop3A_1647 = vector.shape_cast %parallel_loop3A_1646 : vector<1x16xf32> to vector<16xf32>
        %parallel_loop3A_1648 = arith.mulf %parallel_loop3A_1641, %parallel_loop3A_1647 : vector<16xf32>
        %parallel_loop3A_1649 = arith.addf %parallel_loop3A_1635, %parallel_loop3A_1648 : vector<16xf32>
        %parallel_loop3A_1650 = arith.constant 13 : i32
        %parallel_loop3A_1651 = arith.addi %parallel_loop3A_123, %parallel_loop3A_1650 : i32
        %parallel_loop3A_1652 = arith.index_cast %parallel_loop3A_1651 : i32 to index
        %parallel_loop3A_1653 = arith.constant 96 : index
        %parallel_loop3A_1654 = tpu.vector_load %arg11[%parallel_loop3A_1652, %parallel_loop3A_1653] {strides = array<i32>} : memref<80x128xf32, #tpu.memory_space<vmem>>, vector<1x16xf32>,
        %parallel_loop3A_1655 = vector.shape_cast %parallel_loop3A_1654 : vector<1x16xf32> to vector<16xf32>
        %parallel_loop3A_1656 = arith.constant 13 : i32
        %parallel_loop3A_1657 = arith.addi %parallel_loop3A_123, %parallel_loop3A_1656 : i32
        %parallel_loop3A_1658 = arith.index_cast %parallel_loop3A_1657 : i32 to index
        %parallel_loop3A_1659 = arith.constant 96 : index
        %parallel_loop3A_1660 = tpu.vector_load %arg12[%parallel_loop3A_1658, %parallel_loop3A_1659] {strides = array<i32>} : memref<80x128xf32, #tpu.memory_space<vmem>>, vector<1x16xf32>,
        %parallel_loop3A_1661 = vector.shape_cast %parallel_loop3A_1660 : vector<1x16xf32> to vector<16xf32>
        %parallel_loop3A_1662 = arith.mulf %parallel_loop3A_1655, %parallel_loop3A_1661 : vector<16xf32>
        %parallel_loop3A_1663 = arith.addf %parallel_loop3A_1649, %parallel_loop3A_1662 : vector<16xf32>
        %parallel_loop3A_1664 = arith.constant 13 : i32
        %parallel_loop3A_1665 = arith.addi %parallel_loop3A_123, %parallel_loop3A_1664 : i32
        %parallel_loop3A_1666 = arith.index_cast %parallel_loop3A_1665 : i32 to index
        %parallel_loop3A_1667 = arith.constant 112 : index
        %parallel_loop3A_1668 = tpu.vector_load %arg11[%parallel_loop3A_1666, %parallel_loop3A_1667] {strides = array<i32>} : memref<80x128xf32, #tpu.memory_space<vmem>>, vector<1x16xf32>,
        %parallel_loop3A_1669 = vector.shape_cast %parallel_loop3A_1668 : vector<1x16xf32> to vector<16xf32>
        %parallel_loop3A_1670 = arith.constant 13 : i32
        %parallel_loop3A_1671 = arith.addi %parallel_loop3A_123, %parallel_loop3A_1670 : i32
        %parallel_loop3A_1672 = arith.index_cast %parallel_loop3A_1671 : i32 to index
        %parallel_loop3A_1673 = arith.constant 112 : index
        %parallel_loop3A_1674 = tpu.vector_load %arg12[%parallel_loop3A_1672, %parallel_loop3A_1673] {strides = array<i32>} : memref<80x128xf32, #tpu.memory_space<vmem>>, vector<1x16xf32>,
        %parallel_loop3A_1675 = vector.shape_cast %parallel_loop3A_1674 : vector<1x16xf32> to vector<16xf32>
        %parallel_loop3A_1676 = arith.mulf %parallel_loop3A_1669, %parallel_loop3A_1675 : vector<16xf32>
        %parallel_loop3A_1677 = arith.addf %parallel_loop3A_1663, %parallel_loop3A_1676 : vector<16xf32>
        %parallel_loop3A_1678 = arith.constant 14 : i32
        %parallel_loop3A_1679 = arith.addi %parallel_loop3A_123, %parallel_loop3A_1678 : i32
        %parallel_loop3A_1680 = arith.index_cast %parallel_loop3A_1679 : i32 to index
        %parallel_loop3A_1681 = arith.constant 0 : index
        %parallel_loop3A_1682 = tpu.vector_load %arg11[%parallel_loop3A_1680, %parallel_loop3A_1681] {strides = array<i32>} : memref<80x128xf32, #tpu.memory_space<vmem>>, vector<1x16xf32>,
        %parallel_loop3A_1683 = vector.shape_cast %parallel_loop3A_1682 : vector<1x16xf32> to vector<16xf32>
        %parallel_loop3A_1684 = arith.constant 14 : i32
        %parallel_loop3A_1685 = arith.addi %parallel_loop3A_123, %parallel_loop3A_1684 : i32
        %parallel_loop3A_1686 = arith.index_cast %parallel_loop3A_1685 : i32 to index
        %parallel_loop3A_1687 = arith.constant 0 : index
        %parallel_loop3A_1688 = tpu.vector_load %arg12[%parallel_loop3A_1686, %parallel_loop3A_1687] {strides = array<i32>} : memref<80x128xf32, #tpu.memory_space<vmem>>, vector<1x16xf32>,
        %parallel_loop3A_1689 = vector.shape_cast %parallel_loop3A_1688 : vector<1x16xf32> to vector<16xf32>
        %parallel_loop3A_1690 = arith.mulf %parallel_loop3A_1683, %parallel_loop3A_1689 : vector<16xf32>
        %parallel_loop3A_1691 = arith.constant 14 : i32
        %parallel_loop3A_1692 = arith.addi %parallel_loop3A_123, %parallel_loop3A_1691 : i32
        %parallel_loop3A_1693 = arith.index_cast %parallel_loop3A_1692 : i32 to index
        %parallel_loop3A_1694 = arith.constant 16 : index
        %parallel_loop3A_1695 = tpu.vector_load %arg11[%parallel_loop3A_1693, %parallel_loop3A_1694] {strides = array<i32>} : memref<80x128xf32, #tpu.memory_space<vmem>>, vector<1x16xf32>,
        %parallel_loop3A_1696 = vector.shape_cast %parallel_loop3A_1695 : vector<1x16xf32> to vector<16xf32>
        %parallel_loop3A_1697 = arith.constant 14 : i32
        %parallel_loop3A_1698 = arith.addi %parallel_loop3A_123, %parallel_loop3A_1697 : i32
        %parallel_loop3A_1699 = arith.index_cast %parallel_loop3A_1698 : i32 to index
        %parallel_loop3A_1700 = arith.constant 16 : index
        %parallel_loop3A_1701 = tpu.vector_load %arg12[%parallel_loop3A_1699, %parallel_loop3A_1700] {strides = array<i32>} : memref<80x128xf32, #tpu.memory_space<vmem>>, vector<1x16xf32>,
        %parallel_loop3A_1702 = vector.shape_cast %parallel_loop3A_1701 : vector<1x16xf32> to vector<16xf32>
        %parallel_loop3A_1703 = arith.mulf %parallel_loop3A_1696, %parallel_loop3A_1702 : vector<16xf32>
        %parallel_loop3A_1704 = arith.addf %parallel_loop3A_1690, %parallel_loop3A_1703 : vector<16xf32>
        %parallel_loop3A_1705 = arith.constant 14 : i32
        %parallel_loop3A_1706 = arith.addi %parallel_loop3A_123, %parallel_loop3A_1705 : i32
        %parallel_loop3A_1707 = arith.index_cast %parallel_loop3A_1706 : i32 to index
        %parallel_loop3A_1708 = arith.constant 32 : index
        %parallel_loop3A_1709 = tpu.vector_load %arg11[%parallel_loop3A_1707, %parallel_loop3A_1708] {strides = array<i32>} : memref<80x128xf32, #tpu.memory_space<vmem>>, vector<1x16xf32>,
        %parallel_loop3A_1710 = vector.shape_cast %parallel_loop3A_1709 : vector<1x16xf32> to vector<16xf32>
        %parallel_loop3A_1711 = arith.constant 14 : i32
        %parallel_loop3A_1712 = arith.addi %parallel_loop3A_123, %parallel_loop3A_1711 : i32
        %parallel_loop3A_1713 = arith.index_cast %parallel_loop3A_1712 : i32 to index
        %parallel_loop3A_1714 = arith.constant 32 : index
        %parallel_loop3A_1715 = tpu.vector_load %arg12[%parallel_loop3A_1713, %parallel_loop3A_1714] {strides = array<i32>} : memref<80x128xf32, #tpu.memory_space<vmem>>, vector<1x16xf32>,
        %parallel_loop3A_1716 = vector.shape_cast %parallel_loop3A_1715 : vector<1x16xf32> to vector<16xf32>
        %parallel_loop3A_1717 = arith.mulf %parallel_loop3A_1710, %parallel_loop3A_1716 : vector<16xf32>
        %parallel_loop3A_1718 = arith.addf %parallel_loop3A_1704, %parallel_loop3A_1717 : vector<16xf32>
        %parallel_loop3A_1719 = arith.constant 14 : i32
        %parallel_loop3A_1720 = arith.addi %parallel_loop3A_123, %parallel_loop3A_1719 : i32
        %parallel_loop3A_1721 = arith.index_cast %parallel_loop3A_1720 : i32 to index
        %parallel_loop3A_1722 = arith.constant 48 : index
        %parallel_loop3A_1723 = tpu.vector_load %arg11[%parallel_loop3A_1721, %parallel_loop3A_1722] {strides = array<i32>} : memref<80x128xf32, #tpu.memory_space<vmem>>, vector<1x16xf32>,
        %parallel_loop3A_1724 = vector.shape_cast %parallel_loop3A_1723 : vector<1x16xf32> to vector<16xf32>
        %parallel_loop3A_1725 = arith.constant 14 : i32
        %parallel_loop3A_1726 = arith.addi %parallel_loop3A_123, %parallel_loop3A_1725 : i32
        %parallel_loop3A_1727 = arith.index_cast %parallel_loop3A_1726 : i32 to index
        %parallel_loop3A_1728 = arith.constant 48 : index
        %parallel_loop3A_1729 = tpu.vector_load %arg12[%parallel_loop3A_1727, %parallel_loop3A_1728] {strides = array<i32>} : memref<80x128xf32, #tpu.memory_space<vmem>>, vector<1x16xf32>,
        %parallel_loop3A_1730 = vector.shape_cast %parallel_loop3A_1729 : vector<1x16xf32> to vector<16xf32>
        %parallel_loop3A_1731 = arith.mulf %parallel_loop3A_1724, %parallel_loop3A_1730 : vector<16xf32>
        %parallel_loop3A_1732 = arith.addf %parallel_loop3A_1718, %parallel_loop3A_1731 : vector<16xf32>
        %parallel_loop3A_1733 = arith.constant 14 : i32
        %parallel_loop3A_1734 = arith.addi %parallel_loop3A_123, %parallel_loop3A_1733 : i32
        %parallel_loop3A_1735 = arith.index_cast %parallel_loop3A_1734 : i32 to index
        %parallel_loop3A_1736 = arith.constant 64 : index
        %parallel_loop3A_1737 = tpu.vector_load %arg11[%parallel_loop3A_1735, %parallel_loop3A_1736] {strides = array<i32>} : memref<80x128xf32, #tpu.memory_space<vmem>>, vector<1x16xf32>,
        %parallel_loop3A_1738 = vector.shape_cast %parallel_loop3A_1737 : vector<1x16xf32> to vector<16xf32>
        %parallel_loop3A_1739 = arith.constant 14 : i32
        %parallel_loop3A_1740 = arith.addi %parallel_loop3A_123, %parallel_loop3A_1739 : i32
        %parallel_loop3A_1741 = arith.index_cast %parallel_loop3A_1740 : i32 to index
        %parallel_loop3A_1742 = arith.constant 64 : index
        %parallel_loop3A_1743 = tpu.vector_load %arg12[%parallel_loop3A_1741, %parallel_loop3A_1742] {strides = array<i32>} : memref<80x128xf32, #tpu.memory_space<vmem>>, vector<1x16xf32>,
        %parallel_loop3A_1744 = vector.shape_cast %parallel_loop3A_1743 : vector<1x16xf32> to vector<16xf32>
        %parallel_loop3A_1745 = arith.mulf %parallel_loop3A_1738, %parallel_loop3A_1744 : vector<16xf32>
        %parallel_loop3A_1746 = arith.addf %parallel_loop3A_1732, %parallel_loop3A_1745 : vector<16xf32>
        %parallel_loop3A_1747 = arith.constant 14 : i32
        %parallel_loop3A_1748 = arith.addi %parallel_loop3A_123, %parallel_loop3A_1747 : i32
        %parallel_loop3A_1749 = arith.index_cast %parallel_loop3A_1748 : i32 to index
        %parallel_loop3A_1750 = arith.constant 80 : index
        %parallel_loop3A_1751 = tpu.vector_load %arg11[%parallel_loop3A_1749, %parallel_loop3A_1750] {strides = array<i32>} : memref<80x128xf32, #tpu.memory_space<vmem>>, vector<1x16xf32>,
        %parallel_loop3A_1752 = vector.shape_cast %parallel_loop3A_1751 : vector<1x16xf32> to vector<16xf32>
        %parallel_loop3A_1753 = arith.constant 14 : i32
        %parallel_loop3A_1754 = arith.addi %parallel_loop3A_123, %parallel_loop3A_1753 : i32
        %parallel_loop3A_1755 = arith.index_cast %parallel_loop3A_1754 : i32 to index
        %parallel_loop3A_1756 = arith.constant 80 : index
        %parallel_loop3A_1757 = tpu.vector_load %arg12[%parallel_loop3A_1755, %parallel_loop3A_1756] {strides = array<i32>} : memref<80x128xf32, #tpu.memory_space<vmem>>, vector<1x16xf32>,
        %parallel_loop3A_1758 = vector.shape_cast %parallel_loop3A_1757 : vector<1x16xf32> to vector<16xf32>
        %parallel_loop3A_1759 = arith.mulf %parallel_loop3A_1752, %parallel_loop3A_1758 : vector<16xf32>
        %parallel_loop3A_1760 = arith.addf %parallel_loop3A_1746, %parallel_loop3A_1759 : vector<16xf32>
        %parallel_loop3A_1761 = arith.constant 14 : i32
        %parallel_loop3A_1762 = arith.addi %parallel_loop3A_123, %parallel_loop3A_1761 : i32
        %parallel_loop3A_1763 = arith.index_cast %parallel_loop3A_1762 : i32 to index
        %parallel_loop3A_1764 = arith.constant 96 : index
        %parallel_loop3A_1765 = tpu.vector_load %arg11[%parallel_loop3A_1763, %parallel_loop3A_1764] {strides = array<i32>} : memref<80x128xf32, #tpu.memory_space<vmem>>, vector<1x16xf32>,
        %parallel_loop3A_1766 = vector.shape_cast %parallel_loop3A_1765 : vector<1x16xf32> to vector<16xf32>
        %parallel_loop3A_1767 = arith.constant 14 : i32
        %parallel_loop3A_1768 = arith.addi %parallel_loop3A_123, %parallel_loop3A_1767 : i32
        %parallel_loop3A_1769 = arith.index_cast %parallel_loop3A_1768 : i32 to index
        %parallel_loop3A_1770 = arith.constant 96 : index
        %parallel_loop3A_1771 = tpu.vector_load %arg12[%parallel_loop3A_1769, %parallel_loop3A_1770] {strides = array<i32>} : memref<80x128xf32, #tpu.memory_space<vmem>>, vector<1x16xf32>,
        %parallel_loop3A_1772 = vector.shape_cast %parallel_loop3A_1771 : vector<1x16xf32> to vector<16xf32>
        %parallel_loop3A_1773 = arith.mulf %parallel_loop3A_1766, %parallel_loop3A_1772 : vector<16xf32>
        %parallel_loop3A_1774 = arith.addf %parallel_loop3A_1760, %parallel_loop3A_1773 : vector<16xf32>
        %parallel_loop3A_1775 = arith.constant 14 : i32
        %parallel_loop3A_1776 = arith.addi %parallel_loop3A_123, %parallel_loop3A_1775 : i32
        %parallel_loop3A_1777 = arith.index_cast %parallel_loop3A_1776 : i32 to index
        %parallel_loop3A_1778 = arith.constant 112 : index
        %parallel_loop3A_1779 = tpu.vector_load %arg11[%parallel_loop3A_1777, %parallel_loop3A_1778] {strides = array<i32>} : memref<80x128xf32, #tpu.memory_space<vmem>>, vector<1x16xf32>,
        %parallel_loop3A_1780 = vector.shape_cast %parallel_loop3A_1779 : vector<1x16xf32> to vector<16xf32>
        %parallel_loop3A_1781 = arith.constant 14 : i32
        %parallel_loop3A_1782 = arith.addi %parallel_loop3A_123, %parallel_loop3A_1781 : i32
        %parallel_loop3A_1783 = arith.index_cast %parallel_loop3A_1782 : i32 to index
        %parallel_loop3A_1784 = arith.constant 112 : index
        %parallel_loop3A_1785 = tpu.vector_load %arg12[%parallel_loop3A_1783, %parallel_loop3A_1784] {strides = array<i32>} : memref<80x128xf32, #tpu.memory_space<vmem>>, vector<1x16xf32>,
        %parallel_loop3A_1786 = vector.shape_cast %parallel_loop3A_1785 : vector<1x16xf32> to vector<16xf32>
        %parallel_loop3A_1787 = arith.mulf %parallel_loop3A_1780, %parallel_loop3A_1786 : vector<16xf32>
        %parallel_loop3A_1788 = arith.addf %parallel_loop3A_1774, %parallel_loop3A_1787 : vector<16xf32>
        %parallel_loop3A_1789 = arith.constant 15 : i32
        %parallel_loop3A_1790 = arith.addi %parallel_loop3A_123, %parallel_loop3A_1789 : i32
        %parallel_loop3A_1791 = arith.index_cast %parallel_loop3A_1790 : i32 to index
        %parallel_loop3A_1792 = arith.constant 0 : index
        %parallel_loop3A_1793 = tpu.vector_load %arg11[%parallel_loop3A_1791, %parallel_loop3A_1792] {strides = array<i32>} : memref<80x128xf32, #tpu.memory_space<vmem>>, vector<1x16xf32>,
        %parallel_loop3A_1794 = vector.shape_cast %parallel_loop3A_1793 : vector<1x16xf32> to vector<16xf32>
        %parallel_loop3A_1795 = arith.constant 15 : i32
        %parallel_loop3A_1796 = arith.addi %parallel_loop3A_123, %parallel_loop3A_1795 : i32
        %parallel_loop3A_1797 = arith.index_cast %parallel_loop3A_1796 : i32 to index
        %parallel_loop3A_1798 = arith.constant 0 : index
        %parallel_loop3A_1799 = tpu.vector_load %arg12[%parallel_loop3A_1797, %parallel_loop3A_1798] {strides = array<i32>} : memref<80x128xf32, #tpu.memory_space<vmem>>, vector<1x16xf32>,
        %parallel_loop3A_1800 = vector.shape_cast %parallel_loop3A_1799 : vector<1x16xf32> to vector<16xf32>
        %parallel_loop3A_1801 = arith.mulf %parallel_loop3A_1794, %parallel_loop3A_1800 : vector<16xf32>
        %parallel_loop3A_1802 = arith.constant 15 : i32
        %parallel_loop3A_1803 = arith.addi %parallel_loop3A_123, %parallel_loop3A_1802 : i32
        %parallel_loop3A_1804 = arith.index_cast %parallel_loop3A_1803 : i32 to index
        %parallel_loop3A_1805 = arith.constant 16 : index
        %parallel_loop3A_1806 = tpu.vector_load %arg11[%parallel_loop3A_1804, %parallel_loop3A_1805] {strides = array<i32>} : memref<80x128xf32, #tpu.memory_space<vmem>>, vector<1x16xf32>,
        %parallel_loop3A_1807 = vector.shape_cast %parallel_loop3A_1806 : vector<1x16xf32> to vector<16xf32>
        %parallel_loop3A_1808 = arith.constant 15 : i32
        %parallel_loop3A_1809 = arith.addi %parallel_loop3A_123, %parallel_loop3A_1808 : i32
        %parallel_loop3A_1810 = arith.index_cast %parallel_loop3A_1809 : i32 to index
        %parallel_loop3A_1811 = arith.constant 16 : index
        %parallel_loop3A_1812 = tpu.vector_load %arg12[%parallel_loop3A_1810, %parallel_loop3A_1811] {strides = array<i32>} : memref<80x128xf32, #tpu.memory_space<vmem>>, vector<1x16xf32>,
        %parallel_loop3A_1813 = vector.shape_cast %parallel_loop3A_1812 : vector<1x16xf32> to vector<16xf32>
        %parallel_loop3A_1814 = arith.mulf %parallel_loop3A_1807, %parallel_loop3A_1813 : vector<16xf32>
        %parallel_loop3A_1815 = arith.addf %parallel_loop3A_1801, %parallel_loop3A_1814 : vector<16xf32>
        %parallel_loop3A_1816 = arith.constant 15 : i32
        %parallel_loop3A_1817 = arith.addi %parallel_loop3A_123, %parallel_loop3A_1816 : i32
        %parallel_loop3A_1818 = arith.index_cast %parallel_loop3A_1817 : i32 to index
        %parallel_loop3A_1819 = arith.constant 32 : index
        %parallel_loop3A_1820 = tpu.vector_load %arg11[%parallel_loop3A_1818, %parallel_loop3A_1819] {strides = array<i32>} : memref<80x128xf32, #tpu.memory_space<vmem>>, vector<1x16xf32>,
        %parallel_loop3A_1821 = vector.shape_cast %parallel_loop3A_1820 : vector<1x16xf32> to vector<16xf32>
        %parallel_loop3A_1822 = arith.constant 15 : i32
        %parallel_loop3A_1823 = arith.addi %parallel_loop3A_123, %parallel_loop3A_1822 : i32
        %parallel_loop3A_1824 = arith.index_cast %parallel_loop3A_1823 : i32 to index
        %parallel_loop3A_1825 = arith.constant 32 : index
        %parallel_loop3A_1826 = tpu.vector_load %arg12[%parallel_loop3A_1824, %parallel_loop3A_1825] {strides = array<i32>} : memref<80x128xf32, #tpu.memory_space<vmem>>, vector<1x16xf32>,
        %parallel_loop3A_1827 = vector.shape_cast %parallel_loop3A_1826 : vector<1x16xf32> to vector<16xf32>
        %parallel_loop3A_1828 = arith.mulf %parallel_loop3A_1821, %parallel_loop3A_1827 : vector<16xf32>
        %parallel_loop3A_1829 = arith.addf %parallel_loop3A_1815, %parallel_loop3A_1828 : vector<16xf32>
        %parallel_loop3A_1830 = arith.constant 15 : i32
        %parallel_loop3A_1831 = arith.addi %parallel_loop3A_123, %parallel_loop3A_1830 : i32
        %parallel_loop3A_1832 = arith.index_cast %parallel_loop3A_1831 : i32 to index
        %parallel_loop3A_1833 = arith.constant 48 : index
        %parallel_loop3A_1834 = tpu.vector_load %arg11[%parallel_loop3A_1832, %parallel_loop3A_1833] {strides = array<i32>} : memref<80x128xf32, #tpu.memory_space<vmem>>, vector<1x16xf32>,
        %parallel_loop3A_1835 = vector.shape_cast %parallel_loop3A_1834 : vector<1x16xf32> to vector<16xf32>
        %parallel_loop3A_1836 = arith.constant 15 : i32
        %parallel_loop3A_1837 = arith.addi %parallel_loop3A_123, %parallel_loop3A_1836 : i32
        %parallel_loop3A_1838 = arith.index_cast %parallel_loop3A_1837 : i32 to index
        %parallel_loop3A_1839 = arith.constant 48 : index
        %parallel_loop3A_1840 = tpu.vector_load %arg12[%parallel_loop3A_1838, %parallel_loop3A_1839] {strides = array<i32>} : memref<80x128xf32, #tpu.memory_space<vmem>>, vector<1x16xf32>,
        %parallel_loop3A_1841 = vector.shape_cast %parallel_loop3A_1840 : vector<1x16xf32> to vector<16xf32>
        %parallel_loop3A_1842 = arith.mulf %parallel_loop3A_1835, %parallel_loop3A_1841 : vector<16xf32>
        %parallel_loop3A_1843 = arith.addf %parallel_loop3A_1829, %parallel_loop3A_1842 : vector<16xf32>
        %parallel_loop3A_1844 = arith.constant 15 : i32
        %parallel_loop3A_1845 = arith.addi %parallel_loop3A_123, %parallel_loop3A_1844 : i32
        %parallel_loop3A_1846 = arith.index_cast %parallel_loop3A_1845 : i32 to index
        %parallel_loop3A_1847 = arith.constant 64 : index
        %parallel_loop3A_1848 = tpu.vector_load %arg11[%parallel_loop3A_1846, %parallel_loop3A_1847] {strides = array<i32>} : memref<80x128xf32, #tpu.memory_space<vmem>>, vector<1x16xf32>,
        %parallel_loop3A_1849 = vector.shape_cast %parallel_loop3A_1848 : vector<1x16xf32> to vector<16xf32>
        %parallel_loop3A_1850 = arith.constant 15 : i32
        %parallel_loop3A_1851 = arith.addi %parallel_loop3A_123, %parallel_loop3A_1850 : i32
        %parallel_loop3A_1852 = arith.index_cast %parallel_loop3A_1851 : i32 to index
        %parallel_loop3A_1853 = arith.constant 64 : index
        %parallel_loop3A_1854 = tpu.vector_load %arg12[%parallel_loop3A_1852, %parallel_loop3A_1853] {strides = array<i32>} : memref<80x128xf32, #tpu.memory_space<vmem>>, vector<1x16xf32>,
        %parallel_loop3A_1855 = vector.shape_cast %parallel_loop3A_1854 : vector<1x16xf32> to vector<16xf32>
        %parallel_loop3A_1856 = arith.mulf %parallel_loop3A_1849, %parallel_loop3A_1855 : vector<16xf32>
        %parallel_loop3A_1857 = arith.addf %parallel_loop3A_1843, %parallel_loop3A_1856 : vector<16xf32>
        %parallel_loop3A_1858 = arith.constant 15 : i32
        %parallel_loop3A_1859 = arith.addi %parallel_loop3A_123, %parallel_loop3A_1858 : i32
        %parallel_loop3A_1860 = arith.index_cast %parallel_loop3A_1859 : i32 to index
        %parallel_loop3A_1861 = arith.constant 80 : index
        %parallel_loop3A_1862 = tpu.vector_load %arg11[%parallel_loop3A_1860, %parallel_loop3A_1861] {strides = array<i32>} : memref<80x128xf32, #tpu.memory_space<vmem>>, vector<1x16xf32>,
        %parallel_loop3A_1863 = vector.shape_cast %parallel_loop3A_1862 : vector<1x16xf32> to vector<16xf32>
        %parallel_loop3A_1864 = arith.constant 15 : i32
        %parallel_loop3A_1865 = arith.addi %parallel_loop3A_123, %parallel_loop3A_1864 : i32
        %parallel_loop3A_1866 = arith.index_cast %parallel_loop3A_1865 : i32 to index
        %parallel_loop3A_1867 = arith.constant 80 : index
        %parallel_loop3A_1868 = tpu.vector_load %arg12[%parallel_loop3A_1866, %parallel_loop3A_1867] {strides = array<i32>} : memref<80x128xf32, #tpu.memory_space<vmem>>, vector<1x16xf32>,
        %parallel_loop3A_1869 = vector.shape_cast %parallel_loop3A_1868 : vector<1x16xf32> to vector<16xf32>
        %parallel_loop3A_1870 = arith.mulf %parallel_loop3A_1863, %parallel_loop3A_1869 : vector<16xf32>
        %parallel_loop3A_1871 = arith.addf %parallel_loop3A_1857, %parallel_loop3A_1870 : vector<16xf32>
        %parallel_loop3A_1872 = arith.constant 15 : i32
        %parallel_loop3A_1873 = arith.addi %parallel_loop3A_123, %parallel_loop3A_1872 : i32
        %parallel_loop3A_1874 = arith.index_cast %parallel_loop3A_1873 : i32 to index
        %parallel_loop3A_1875 = arith.constant 96 : index
        %parallel_loop3A_1876 = tpu.vector_load %arg11[%parallel_loop3A_1874, %parallel_loop3A_1875] {strides = array<i32>} : memref<80x128xf32, #tpu.memory_space<vmem>>, vector<1x16xf32>,
        %parallel_loop3A_1877 = vector.shape_cast %parallel_loop3A_1876 : vector<1x16xf32> to vector<16xf32>
        %parallel_loop3A_1878 = arith.constant 15 : i32
        %parallel_loop3A_1879 = arith.addi %parallel_loop3A_123, %parallel_loop3A_1878 : i32
        %parallel_loop3A_1880 = arith.index_cast %parallel_loop3A_1879 : i32 to index
        %parallel_loop3A_1881 = arith.constant 96 : index
        %parallel_loop3A_1882 = tpu.vector_load %arg12[%parallel_loop3A_1880, %parallel_loop3A_1881] {strides = array<i32>} : memref<80x128xf32, #tpu.memory_space<vmem>>, vector<1x16xf32>,
        %parallel_loop3A_1883 = vector.shape_cast %parallel_loop3A_1882 : vector<1x16xf32> to vector<16xf32>
        %parallel_loop3A_1884 = arith.mulf %parallel_loop3A_1877, %parallel_loop3A_1883 : vector<16xf32>
        %parallel_loop3A_1885 = arith.addf %parallel_loop3A_1871, %parallel_loop3A_1884 : vector<16xf32>
        %parallel_loop3A_1886 = arith.constant 15 : i32
        %parallel_loop3A_1887 = arith.addi %parallel_loop3A_123, %parallel_loop3A_1886 : i32
        %parallel_loop3A_1888 = arith.index_cast %parallel_loop3A_1887 : i32 to index
        %parallel_loop3A_1889 = arith.constant 112 : index
        %parallel_loop3A_1890 = tpu.vector_load %arg11[%parallel_loop3A_1888, %parallel_loop3A_1889] {strides = array<i32>} : memref<80x128xf32, #tpu.memory_space<vmem>>, vector<1x16xf32>,
        %parallel_loop3A_1891 = vector.shape_cast %parallel_loop3A_1890 : vector<1x16xf32> to vector<16xf32>
        %parallel_loop3A_1892 = arith.constant 15 : i32
        %parallel_loop3A_1893 = arith.addi %parallel_loop3A_123, %parallel_loop3A_1892 : i32
        %parallel_loop3A_1894 = arith.index_cast %parallel_loop3A_1893 : i32 to index
        %parallel_loop3A_1895 = arith.constant 112 : index
        %parallel_loop3A_1896 = tpu.vector_load %arg12[%parallel_loop3A_1894, %parallel_loop3A_1895] {strides = array<i32>} : memref<80x128xf32, #tpu.memory_space<vmem>>, vector<1x16xf32>,
        %parallel_loop3A_1897 = vector.shape_cast %parallel_loop3A_1896 : vector<1x16xf32> to vector<16xf32>
        %parallel_loop3A_1898 = arith.mulf %parallel_loop3A_1891, %parallel_loop3A_1897 : vector<16xf32>
        %parallel_loop3A_1899 = arith.addf %parallel_loop3A_1885, %parallel_loop3A_1898 : vector<16xf32>
        %parallel_loop3A_1900 = arith.constant 8 : i32
        %parallel_loop3A_1901 = vector.broadcast %parallel_loop3A_1900 : i32 to vector<16xi32>
        %parallel_loop3A_1902 = arith.andi %iota3A, %parallel_loop3A_1901 : vector<16xi32>
        %parallel_loop3A_1903 = arith.constant 0 : i32
        %parallel_loop3A_1904 = vector.broadcast %parallel_loop3A_1903 : i32 to vector<16xi32>
        %parallel_loop3A_1905 = arith.cmpi eq, %parallel_loop3A_1902, %parallel_loop3A_1904 : vector<16xi32>
        %parallel_loop3A_1906 = arith.constant 8 : i32
        %parallel_loop3A_1907 = vector.broadcast %parallel_loop3A_1906 : i32 to vector<16xi32>
        %parallel_loop3A_1908 = arith.xori %iota3A, %parallel_loop3A_1907 : vector<16xi32>
        %parallel_loop3A_1909 = vector.shape_cast %parallel_loop3A_1908 : vector<16xi32> to vector<16x1xi32>
        %parallel_loop3A_1910 = vector.shape_cast %parallel_loop3A_1909 : vector<16x1xi32> to vector<16xi32>
        %parallel_loop3A_1911 = tpu.dynamic_gather %parallel_loop3A_234[%parallel_loop3A_1910] in [0] : vector<16xf32>, vector<16xi32> -> vector<16xf32>
        %parallel_loop3A_1912 = arith.constant 8 : i32
        %parallel_loop3A_1913 = vector.broadcast %parallel_loop3A_1912 : i32 to vector<16xi32>
        %parallel_loop3A_1914 = arith.xori %iota3A, %parallel_loop3A_1913 : vector<16xi32>
        %parallel_loop3A_1915 = vector.shape_cast %parallel_loop3A_1914 : vector<16xi32> to vector<16x1xi32>
        %parallel_loop3A_1916 = vector.shape_cast %parallel_loop3A_1915 : vector<16x1xi32> to vector<16xi32>
        %parallel_loop3A_1917 = tpu.dynamic_gather %parallel_loop3A_1122[%parallel_loop3A_1916] in [0] : vector<16xf32>, vector<16xi32> -> vector<16xf32>
        %parallel_loop3A_1918 = arith.select %parallel_loop3A_1905, %parallel_loop3A_234, %parallel_loop3A_1917 : vector<16xi1>, vector<16xf32>
        %parallel_loop3A_1919 = arith.select %parallel_loop3A_1905, %parallel_loop3A_1911, %parallel_loop3A_1122 : vector<16xi1>, vector<16xf32>
        %parallel_loop3A_1920 = arith.addf %parallel_loop3A_1918, %parallel_loop3A_1919 : vector<16xf32>
        %parallel_loop3A_1921 = arith.constant 8 : i32
        %parallel_loop3A_1922 = vector.broadcast %parallel_loop3A_1921 : i32 to vector<16xi32>
        %parallel_loop3A_1923 = arith.andi %iota3A, %parallel_loop3A_1922 : vector<16xi32>
        %parallel_loop3A_1924 = arith.constant 0 : i32
        %parallel_loop3A_1925 = vector.broadcast %parallel_loop3A_1924 : i32 to vector<16xi32>
        %parallel_loop3A_1926 = arith.cmpi eq, %parallel_loop3A_1923, %parallel_loop3A_1925 : vector<16xi32>
        %parallel_loop3A_1927 = arith.constant 8 : i32
        %parallel_loop3A_1928 = vector.broadcast %parallel_loop3A_1927 : i32 to vector<16xi32>
        %parallel_loop3A_1929 = arith.xori %iota3A, %parallel_loop3A_1928 : vector<16xi32>
        %parallel_loop3A_1930 = vector.shape_cast %parallel_loop3A_1929 : vector<16xi32> to vector<16x1xi32>
        %parallel_loop3A_1931 = vector.shape_cast %parallel_loop3A_1930 : vector<16x1xi32> to vector<16xi32>
        %parallel_loop3A_1932 = tpu.dynamic_gather %parallel_loop3A_678[%parallel_loop3A_1931] in [0] : vector<16xf32>, vector<16xi32> -> vector<16xf32>
        %parallel_loop3A_1933 = arith.constant 8 : i32
        %parallel_loop3A_1934 = vector.broadcast %parallel_loop3A_1933 : i32 to vector<16xi32>
        %parallel_loop3A_1935 = arith.xori %iota3A, %parallel_loop3A_1934 : vector<16xi32>
        %parallel_loop3A_1936 = vector.shape_cast %parallel_loop3A_1935 : vector<16xi32> to vector<16x1xi32>
        %parallel_loop3A_1937 = vector.shape_cast %parallel_loop3A_1936 : vector<16x1xi32> to vector<16xi32>
        %parallel_loop3A_1938 = tpu.dynamic_gather %parallel_loop3A_1566[%parallel_loop3A_1937] in [0] : vector<16xf32>, vector<16xi32> -> vector<16xf32>
        %parallel_loop3A_1939 = arith.select %parallel_loop3A_1926, %parallel_loop3A_678, %parallel_loop3A_1938 : vector<16xi1>, vector<16xf32>
        %parallel_loop3A_1940 = arith.select %parallel_loop3A_1926, %parallel_loop3A_1932, %parallel_loop3A_1566 : vector<16xi1>, vector<16xf32>
        %parallel_loop3A_1941 = arith.addf %parallel_loop3A_1939, %parallel_loop3A_1940 : vector<16xf32>
        %parallel_loop3A_1942 = arith.constant 8 : i32
        %parallel_loop3A_1943 = vector.broadcast %parallel_loop3A_1942 : i32 to vector<16xi32>
        %parallel_loop3A_1944 = arith.andi %iota3A, %parallel_loop3A_1943 : vector<16xi32>
        %parallel_loop3A_1945 = arith.constant 0 : i32
        %parallel_loop3A_1946 = vector.broadcast %parallel_loop3A_1945 : i32 to vector<16xi32>
        %parallel_loop3A_1947 = arith.cmpi eq, %parallel_loop3A_1944, %parallel_loop3A_1946 : vector<16xi32>
        %parallel_loop3A_1948 = arith.constant 8 : i32
        %parallel_loop3A_1949 = vector.broadcast %parallel_loop3A_1948 : i32 to vector<16xi32>
        %parallel_loop3A_1950 = arith.xori %iota3A, %parallel_loop3A_1949 : vector<16xi32>
        %parallel_loop3A_1951 = vector.shape_cast %parallel_loop3A_1950 : vector<16xi32> to vector<16x1xi32>
        %parallel_loop3A_1952 = vector.shape_cast %parallel_loop3A_1951 : vector<16x1xi32> to vector<16xi32>
        %parallel_loop3A_1953 = tpu.dynamic_gather %parallel_loop3A_456[%parallel_loop3A_1952] in [0] : vector<16xf32>, vector<16xi32> -> vector<16xf32>
        %parallel_loop3A_1954 = arith.constant 8 : i32
        %parallel_loop3A_1955 = vector.broadcast %parallel_loop3A_1954 : i32 to vector<16xi32>
        %parallel_loop3A_1956 = arith.xori %iota3A, %parallel_loop3A_1955 : vector<16xi32>
        %parallel_loop3A_1957 = vector.shape_cast %parallel_loop3A_1956 : vector<16xi32> to vector<16x1xi32>
        %parallel_loop3A_1958 = vector.shape_cast %parallel_loop3A_1957 : vector<16x1xi32> to vector<16xi32>
        %parallel_loop3A_1959 = tpu.dynamic_gather %parallel_loop3A_1344[%parallel_loop3A_1958] in [0] : vector<16xf32>, vector<16xi32> -> vector<16xf32>
        %parallel_loop3A_1960 = arith.select %parallel_loop3A_1947, %parallel_loop3A_456, %parallel_loop3A_1959 : vector<16xi1>, vector<16xf32>
        %parallel_loop3A_1961 = arith.select %parallel_loop3A_1947, %parallel_loop3A_1953, %parallel_loop3A_1344 : vector<16xi1>, vector<16xf32>
        %parallel_loop3A_1962 = arith.addf %parallel_loop3A_1960, %parallel_loop3A_1961 : vector<16xf32>
        %parallel_loop3A_1963 = arith.constant 8 : i32
        %parallel_loop3A_1964 = vector.broadcast %parallel_loop3A_1963 : i32 to vector<16xi32>
        %parallel_loop3A_1965 = arith.andi %iota3A, %parallel_loop3A_1964 : vector<16xi32>
        %parallel_loop3A_1966 = arith.constant 0 : i32
        %parallel_loop3A_1967 = vector.broadcast %parallel_loop3A_1966 : i32 to vector<16xi32>
        %parallel_loop3A_1968 = arith.cmpi eq, %parallel_loop3A_1965, %parallel_loop3A_1967 : vector<16xi32>
        %parallel_loop3A_1969 = arith.constant 8 : i32
        %parallel_loop3A_1970 = vector.broadcast %parallel_loop3A_1969 : i32 to vector<16xi32>
        %parallel_loop3A_1971 = arith.xori %iota3A, %parallel_loop3A_1970 : vector<16xi32>
        %parallel_loop3A_1972 = vector.shape_cast %parallel_loop3A_1971 : vector<16xi32> to vector<16x1xi32>
        %parallel_loop3A_1973 = vector.shape_cast %parallel_loop3A_1972 : vector<16x1xi32> to vector<16xi32>
        %parallel_loop3A_1974 = tpu.dynamic_gather %parallel_loop3A_900[%parallel_loop3A_1973] in [0] : vector<16xf32>, vector<16xi32> -> vector<16xf32>
        %parallel_loop3A_1975 = arith.constant 8 : i32
        %parallel_loop3A_1976 = vector.broadcast %parallel_loop3A_1975 : i32 to vector<16xi32>
        %parallel_loop3A_1977 = arith.xori %iota3A, %parallel_loop3A_1976 : vector<16xi32>
        %parallel_loop3A_1978 = vector.shape_cast %parallel_loop3A_1977 : vector<16xi32> to vector<16x1xi32>
        %parallel_loop3A_1979 = vector.shape_cast %parallel_loop3A_1978 : vector<16x1xi32> to vector<16xi32>
        %parallel_loop3A_1980 = tpu.dynamic_gather %parallel_loop3A_1788[%parallel_loop3A_1979] in [0] : vector<16xf32>, vector<16xi32> -> vector<16xf32>
        %parallel_loop3A_1981 = arith.select %parallel_loop3A_1968, %parallel_loop3A_900, %parallel_loop3A_1980 : vector<16xi1>, vector<16xf32>
        %parallel_loop3A_1982 = arith.select %parallel_loop3A_1968, %parallel_loop3A_1974, %parallel_loop3A_1788 : vector<16xi1>, vector<16xf32>
        %parallel_loop3A_1983 = arith.addf %parallel_loop3A_1981, %parallel_loop3A_1982 : vector<16xf32>
        %parallel_loop3A_1984 = arith.constant 8 : i32
        %parallel_loop3A_1985 = vector.broadcast %parallel_loop3A_1984 : i32 to vector<16xi32>
        %parallel_loop3A_1986 = arith.andi %iota3A, %parallel_loop3A_1985 : vector<16xi32>
        %parallel_loop3A_1987 = arith.constant 0 : i32
        %parallel_loop3A_1988 = vector.broadcast %parallel_loop3A_1987 : i32 to vector<16xi32>
        %parallel_loop3A_1989 = arith.cmpi eq, %parallel_loop3A_1986, %parallel_loop3A_1988 : vector<16xi32>
        %parallel_loop3A_1990 = arith.constant 8 : i32
        %parallel_loop3A_1991 = vector.broadcast %parallel_loop3A_1990 : i32 to vector<16xi32>
        %parallel_loop3A_1992 = arith.xori %iota3A, %parallel_loop3A_1991 : vector<16xi32>
        %parallel_loop3A_1993 = vector.shape_cast %parallel_loop3A_1992 : vector<16xi32> to vector<16x1xi32>
        %parallel_loop3A_1994 = vector.shape_cast %parallel_loop3A_1993 : vector<16x1xi32> to vector<16xi32>
        %parallel_loop3A_1995 = tpu.dynamic_gather %parallel_loop3A_345[%parallel_loop3A_1994] in [0] : vector<16xf32>, vector<16xi32> -> vector<16xf32>
        %parallel_loop3A_1996 = arith.constant 8 : i32
        %parallel_loop3A_1997 = vector.broadcast %parallel_loop3A_1996 : i32 to vector<16xi32>
        %parallel_loop3A_1998 = arith.xori %iota3A, %parallel_loop3A_1997 : vector<16xi32>
        %parallel_loop3A_1999 = vector.shape_cast %parallel_loop3A_1998 : vector<16xi32> to vector<16x1xi32>
        %parallel_loop3A_2000 = vector.shape_cast %parallel_loop3A_1999 : vector<16x1xi32> to vector<16xi32>
        %parallel_loop3A_2001 = tpu.dynamic_gather %parallel_loop3A_1233[%parallel_loop3A_2000] in [0] : vector<16xf32>, vector<16xi32> -> vector<16xf32>
        %parallel_loop3A_2002 = arith.select %parallel_loop3A_1989, %parallel_loop3A_345, %parallel_loop3A_2001 : vector<16xi1>, vector<16xf32>
        %parallel_loop3A_2003 = arith.select %parallel_loop3A_1989, %parallel_loop3A_1995, %parallel_loop3A_1233 : vector<16xi1>, vector<16xf32>
        %parallel_loop3A_2004 = arith.addf %parallel_loop3A_2002, %parallel_loop3A_2003 : vector<16xf32>
        %parallel_loop3A_2005 = arith.constant 8 : i32
        %parallel_loop3A_2006 = vector.broadcast %parallel_loop3A_2005 : i32 to vector<16xi32>
        %parallel_loop3A_2007 = arith.andi %iota3A, %parallel_loop3A_2006 : vector<16xi32>
        %parallel_loop3A_2008 = arith.constant 0 : i32
        %parallel_loop3A_2009 = vector.broadcast %parallel_loop3A_2008 : i32 to vector<16xi32>
        %parallel_loop3A_2010 = arith.cmpi eq, %parallel_loop3A_2007, %parallel_loop3A_2009 : vector<16xi32>
        %parallel_loop3A_2011 = arith.constant 8 : i32
        %parallel_loop3A_2012 = vector.broadcast %parallel_loop3A_2011 : i32 to vector<16xi32>
        %parallel_loop3A_2013 = arith.xori %iota3A, %parallel_loop3A_2012 : vector<16xi32>
        %parallel_loop3A_2014 = vector.shape_cast %parallel_loop3A_2013 : vector<16xi32> to vector<16x1xi32>
        %parallel_loop3A_2015 = vector.shape_cast %parallel_loop3A_2014 : vector<16x1xi32> to vector<16xi32>
        %parallel_loop3A_2016 = tpu.dynamic_gather %parallel_loop3A_789[%parallel_loop3A_2015] in [0] : vector<16xf32>, vector<16xi32> -> vector<16xf32>
        %parallel_loop3A_2017 = arith.constant 8 : i32
        %parallel_loop3A_2018 = vector.broadcast %parallel_loop3A_2017 : i32 to vector<16xi32>
        %parallel_loop3A_2019 = arith.xori %iota3A, %parallel_loop3A_2018 : vector<16xi32>
        %parallel_loop3A_2020 = vector.shape_cast %parallel_loop3A_2019 : vector<16xi32> to vector<16x1xi32>
        %parallel_loop3A_2021 = vector.shape_cast %parallel_loop3A_2020 : vector<16x1xi32> to vector<16xi32>
        %parallel_loop3A_2022 = tpu.dynamic_gather %parallel_loop3A_1677[%parallel_loop3A_2021] in [0] : vector<16xf32>, vector<16xi32> -> vector<16xf32>
        %parallel_loop3A_2023 = arith.select %parallel_loop3A_2010, %parallel_loop3A_789, %parallel_loop3A_2022 : vector<16xi1>, vector<16xf32>
        %parallel_loop3A_2024 = arith.select %parallel_loop3A_2010, %parallel_loop3A_2016, %parallel_loop3A_1677 : vector<16xi1>, vector<16xf32>
        %parallel_loop3A_2025 = arith.addf %parallel_loop3A_2023, %parallel_loop3A_2024 : vector<16xf32>
        %parallel_loop3A_2026 = arith.constant 8 : i32
        %parallel_loop3A_2027 = vector.broadcast %parallel_loop3A_2026 : i32 to vector<16xi32>
        %parallel_loop3A_2028 = arith.andi %iota3A, %parallel_loop3A_2027 : vector<16xi32>
        %parallel_loop3A_2029 = arith.constant 0 : i32
        %parallel_loop3A_2030 = vector.broadcast %parallel_loop3A_2029 : i32 to vector<16xi32>
        %parallel_loop3A_2031 = arith.cmpi eq, %parallel_loop3A_2028, %parallel_loop3A_2030 : vector<16xi32>
        %parallel_loop3A_2032 = arith.constant 8 : i32
        %parallel_loop3A_2033 = vector.broadcast %parallel_loop3A_2032 : i32 to vector<16xi32>
        %parallel_loop3A_2034 = arith.xori %iota3A, %parallel_loop3A_2033 : vector<16xi32>
        %parallel_loop3A_2035 = vector.shape_cast %parallel_loop3A_2034 : vector<16xi32> to vector<16x1xi32>
        %parallel_loop3A_2036 = vector.shape_cast %parallel_loop3A_2035 : vector<16x1xi32> to vector<16xi32>
        %parallel_loop3A_2037 = tpu.dynamic_gather %parallel_loop3A_567[%parallel_loop3A_2036] in [0] : vector<16xf32>, vector<16xi32> -> vector<16xf32>
        %parallel_loop3A_2038 = arith.constant 8 : i32
        %parallel_loop3A_2039 = vector.broadcast %parallel_loop3A_2038 : i32 to vector<16xi32>
        %parallel_loop3A_2040 = arith.xori %iota3A, %parallel_loop3A_2039 : vector<16xi32>
        %parallel_loop3A_2041 = vector.shape_cast %parallel_loop3A_2040 : vector<16xi32> to vector<16x1xi32>
        %parallel_loop3A_2042 = vector.shape_cast %parallel_loop3A_2041 : vector<16x1xi32> to vector<16xi32>
        %parallel_loop3A_2043 = tpu.dynamic_gather %parallel_loop3A_1455[%parallel_loop3A_2042] in [0] : vector<16xf32>, vector<16xi32> -> vector<16xf32>
        %parallel_loop3A_2044 = arith.select %parallel_loop3A_2031, %parallel_loop3A_567, %parallel_loop3A_2043 : vector<16xi1>, vector<16xf32>
        %parallel_loop3A_2045 = arith.select %parallel_loop3A_2031, %parallel_loop3A_2037, %parallel_loop3A_1455 : vector<16xi1>, vector<16xf32>
        %parallel_loop3A_2046 = arith.addf %parallel_loop3A_2044, %parallel_loop3A_2045 : vector<16xf32>
        %parallel_loop3A_2047 = arith.constant 8 : i32
        %parallel_loop3A_2048 = vector.broadcast %parallel_loop3A_2047 : i32 to vector<16xi32>
        %parallel_loop3A_2049 = arith.andi %iota3A, %parallel_loop3A_2048 : vector<16xi32>
        %parallel_loop3A_2050 = arith.constant 0 : i32
        %parallel_loop3A_2051 = vector.broadcast %parallel_loop3A_2050 : i32 to vector<16xi32>
        %parallel_loop3A_2052 = arith.cmpi eq, %parallel_loop3A_2049, %parallel_loop3A_2051 : vector<16xi32>
        %parallel_loop3A_2053 = arith.constant 8 : i32
        %parallel_loop3A_2054 = vector.broadcast %parallel_loop3A_2053 : i32 to vector<16xi32>
        %parallel_loop3A_2055 = arith.xori %iota3A, %parallel_loop3A_2054 : vector<16xi32>
        %parallel_loop3A_2056 = vector.shape_cast %parallel_loop3A_2055 : vector<16xi32> to vector<16x1xi32>
        %parallel_loop3A_2057 = vector.shape_cast %parallel_loop3A_2056 : vector<16x1xi32> to vector<16xi32>
        %parallel_loop3A_2058 = tpu.dynamic_gather %parallel_loop3A_1011[%parallel_loop3A_2057] in [0] : vector<16xf32>, vector<16xi32> -> vector<16xf32>
        %parallel_loop3A_2059 = arith.constant 8 : i32
        %parallel_loop3A_2060 = vector.broadcast %parallel_loop3A_2059 : i32 to vector<16xi32>
        %parallel_loop3A_2061 = arith.xori %iota3A, %parallel_loop3A_2060 : vector<16xi32>
        %parallel_loop3A_2062 = vector.shape_cast %parallel_loop3A_2061 : vector<16xi32> to vector<16x1xi32>
        %parallel_loop3A_2063 = vector.shape_cast %parallel_loop3A_2062 : vector<16x1xi32> to vector<16xi32>
        %parallel_loop3A_2064 = tpu.dynamic_gather %parallel_loop3A_1899[%parallel_loop3A_2063] in [0] : vector<16xf32>, vector<16xi32> -> vector<16xf32>
        %parallel_loop3A_2065 = arith.select %parallel_loop3A_2052, %parallel_loop3A_1011, %parallel_loop3A_2064 : vector<16xi1>, vector<16xf32>
        %parallel_loop3A_2066 = arith.select %parallel_loop3A_2052, %parallel_loop3A_2058, %parallel_loop3A_1899 : vector<16xi1>, vector<16xf32>
        %parallel_loop3A_2067 = arith.addf %parallel_loop3A_2065, %parallel_loop3A_2066 : vector<16xf32>
        %parallel_loop3A_2068 = arith.constant 4 : i32
        %parallel_loop3A_2069 = vector.broadcast %parallel_loop3A_2068 : i32 to vector<16xi32>
        %parallel_loop3A_2070 = arith.andi %iota3A, %parallel_loop3A_2069 : vector<16xi32>
        %parallel_loop3A_2071 = arith.constant 0 : i32
        %parallel_loop3A_2072 = vector.broadcast %parallel_loop3A_2071 : i32 to vector<16xi32>
        %parallel_loop3A_2073 = arith.cmpi eq, %parallel_loop3A_2070, %parallel_loop3A_2072 : vector<16xi32>
        %parallel_loop3A_2074 = arith.constant 4 : i32
        %parallel_loop3A_2075 = vector.broadcast %parallel_loop3A_2074 : i32 to vector<16xi32>
        %parallel_loop3A_2076 = arith.xori %iota3A, %parallel_loop3A_2075 : vector<16xi32>
        %parallel_loop3A_2077 = vector.shape_cast %parallel_loop3A_2076 : vector<16xi32> to vector<16x1xi32>
        %parallel_loop3A_2078 = vector.shape_cast %parallel_loop3A_2077 : vector<16x1xi32> to vector<16xi32>
        %parallel_loop3A_2079 = tpu.dynamic_gather %parallel_loop3A_1920[%parallel_loop3A_2078] in [0] : vector<16xf32>, vector<16xi32> -> vector<16xf32>
        %parallel_loop3A_2080 = arith.constant 4 : i32
        %parallel_loop3A_2081 = vector.broadcast %parallel_loop3A_2080 : i32 to vector<16xi32>
        %parallel_loop3A_2082 = arith.xori %iota3A, %parallel_loop3A_2081 : vector<16xi32>
        %parallel_loop3A_2083 = vector.shape_cast %parallel_loop3A_2082 : vector<16xi32> to vector<16x1xi32>
        %parallel_loop3A_2084 = vector.shape_cast %parallel_loop3A_2083 : vector<16x1xi32> to vector<16xi32>
        %parallel_loop3A_2085 = tpu.dynamic_gather %parallel_loop3A_1941[%parallel_loop3A_2084] in [0] : vector<16xf32>, vector<16xi32> -> vector<16xf32>
        %parallel_loop3A_2086 = arith.select %parallel_loop3A_2073, %parallel_loop3A_1920, %parallel_loop3A_2085 : vector<16xi1>, vector<16xf32>
        %parallel_loop3A_2087 = arith.select %parallel_loop3A_2073, %parallel_loop3A_2079, %parallel_loop3A_1941 : vector<16xi1>, vector<16xf32>
        %parallel_loop3A_2088 = arith.addf %parallel_loop3A_2086, %parallel_loop3A_2087 : vector<16xf32>
        %parallel_loop3A_2089 = arith.constant 4 : i32
        %parallel_loop3A_2090 = vector.broadcast %parallel_loop3A_2089 : i32 to vector<16xi32>
        %parallel_loop3A_2091 = arith.andi %iota3A, %parallel_loop3A_2090 : vector<16xi32>
        %parallel_loop3A_2092 = arith.constant 0 : i32
        %parallel_loop3A_2093 = vector.broadcast %parallel_loop3A_2092 : i32 to vector<16xi32>
        %parallel_loop3A_2094 = arith.cmpi eq, %parallel_loop3A_2091, %parallel_loop3A_2093 : vector<16xi32>
        %parallel_loop3A_2095 = arith.constant 4 : i32
        %parallel_loop3A_2096 = vector.broadcast %parallel_loop3A_2095 : i32 to vector<16xi32>
        %parallel_loop3A_2097 = arith.xori %iota3A, %parallel_loop3A_2096 : vector<16xi32>
        %parallel_loop3A_2098 = vector.shape_cast %parallel_loop3A_2097 : vector<16xi32> to vector<16x1xi32>
        %parallel_loop3A_2099 = vector.shape_cast %parallel_loop3A_2098 : vector<16x1xi32> to vector<16xi32>
        %parallel_loop3A_2100 = tpu.dynamic_gather %parallel_loop3A_1962[%parallel_loop3A_2099] in [0] : vector<16xf32>, vector<16xi32> -> vector<16xf32>
        %parallel_loop3A_2101 = arith.constant 4 : i32
        %parallel_loop3A_2102 = vector.broadcast %parallel_loop3A_2101 : i32 to vector<16xi32>
        %parallel_loop3A_2103 = arith.xori %iota3A, %parallel_loop3A_2102 : vector<16xi32>
        %parallel_loop3A_2104 = vector.shape_cast %parallel_loop3A_2103 : vector<16xi32> to vector<16x1xi32>
        %parallel_loop3A_2105 = vector.shape_cast %parallel_loop3A_2104 : vector<16x1xi32> to vector<16xi32>
        %parallel_loop3A_2106 = tpu.dynamic_gather %parallel_loop3A_1983[%parallel_loop3A_2105] in [0] : vector<16xf32>, vector<16xi32> -> vector<16xf32>
        %parallel_loop3A_2107 = arith.select %parallel_loop3A_2094, %parallel_loop3A_1962, %parallel_loop3A_2106 : vector<16xi1>, vector<16xf32>
        %parallel_loop3A_2108 = arith.select %parallel_loop3A_2094, %parallel_loop3A_2100, %parallel_loop3A_1983 : vector<16xi1>, vector<16xf32>
        %parallel_loop3A_2109 = arith.addf %parallel_loop3A_2107, %parallel_loop3A_2108 : vector<16xf32>
        %parallel_loop3A_2110 = arith.constant 4 : i32
        %parallel_loop3A_2111 = vector.broadcast %parallel_loop3A_2110 : i32 to vector<16xi32>
        %parallel_loop3A_2112 = arith.andi %iota3A, %parallel_loop3A_2111 : vector<16xi32>
        %parallel_loop3A_2113 = arith.constant 0 : i32
        %parallel_loop3A_2114 = vector.broadcast %parallel_loop3A_2113 : i32 to vector<16xi32>
        %parallel_loop3A_2115 = arith.cmpi eq, %parallel_loop3A_2112, %parallel_loop3A_2114 : vector<16xi32>
        %parallel_loop3A_2116 = arith.constant 4 : i32
        %parallel_loop3A_2117 = vector.broadcast %parallel_loop3A_2116 : i32 to vector<16xi32>
        %parallel_loop3A_2118 = arith.xori %iota3A, %parallel_loop3A_2117 : vector<16xi32>
        %parallel_loop3A_2119 = vector.shape_cast %parallel_loop3A_2118 : vector<16xi32> to vector<16x1xi32>
        %parallel_loop3A_2120 = vector.shape_cast %parallel_loop3A_2119 : vector<16x1xi32> to vector<16xi32>
        %parallel_loop3A_2121 = tpu.dynamic_gather %parallel_loop3A_2004[%parallel_loop3A_2120] in [0] : vector<16xf32>, vector<16xi32> -> vector<16xf32>
        %parallel_loop3A_2122 = arith.constant 4 : i32
        %parallel_loop3A_2123 = vector.broadcast %parallel_loop3A_2122 : i32 to vector<16xi32>
        %parallel_loop3A_2124 = arith.xori %iota3A, %parallel_loop3A_2123 : vector<16xi32>
        %parallel_loop3A_2125 = vector.shape_cast %parallel_loop3A_2124 : vector<16xi32> to vector<16x1xi32>
        %parallel_loop3A_2126 = vector.shape_cast %parallel_loop3A_2125 : vector<16x1xi32> to vector<16xi32>
        %parallel_loop3A_2127 = tpu.dynamic_gather %parallel_loop3A_2025[%parallel_loop3A_2126] in [0] : vector<16xf32>, vector<16xi32> -> vector<16xf32>
        %parallel_loop3A_2128 = arith.select %parallel_loop3A_2115, %parallel_loop3A_2004, %parallel_loop3A_2127 : vector<16xi1>, vector<16xf32>
        %parallel_loop3A_2129 = arith.select %parallel_loop3A_2115, %parallel_loop3A_2121, %parallel_loop3A_2025 : vector<16xi1>, vector<16xf32>
        %parallel_loop3A_2130 = arith.addf %parallel_loop3A_2128, %parallel_loop3A_2129 : vector<16xf32>
        %parallel_loop3A_2131 = arith.constant 4 : i32
        %parallel_loop3A_2132 = vector.broadcast %parallel_loop3A_2131 : i32 to vector<16xi32>
        %parallel_loop3A_2133 = arith.andi %iota3A, %parallel_loop3A_2132 : vector<16xi32>
        %parallel_loop3A_2134 = arith.constant 0 : i32
        %parallel_loop3A_2135 = vector.broadcast %parallel_loop3A_2134 : i32 to vector<16xi32>
        %parallel_loop3A_2136 = arith.cmpi eq, %parallel_loop3A_2133, %parallel_loop3A_2135 : vector<16xi32>
        %parallel_loop3A_2137 = arith.constant 4 : i32
        %parallel_loop3A_2138 = vector.broadcast %parallel_loop3A_2137 : i32 to vector<16xi32>
        %parallel_loop3A_2139 = arith.xori %iota3A, %parallel_loop3A_2138 : vector<16xi32>
        %parallel_loop3A_2140 = vector.shape_cast %parallel_loop3A_2139 : vector<16xi32> to vector<16x1xi32>
        %parallel_loop3A_2141 = vector.shape_cast %parallel_loop3A_2140 : vector<16x1xi32> to vector<16xi32>
        %parallel_loop3A_2142 = tpu.dynamic_gather %parallel_loop3A_2046[%parallel_loop3A_2141] in [0] : vector<16xf32>, vector<16xi32> -> vector<16xf32>
        %parallel_loop3A_2143 = arith.constant 4 : i32
        %parallel_loop3A_2144 = vector.broadcast %parallel_loop3A_2143 : i32 to vector<16xi32>
        %parallel_loop3A_2145 = arith.xori %iota3A, %parallel_loop3A_2144 : vector<16xi32>
        %parallel_loop3A_2146 = vector.shape_cast %parallel_loop3A_2145 : vector<16xi32> to vector<16x1xi32>
        %parallel_loop3A_2147 = vector.shape_cast %parallel_loop3A_2146 : vector<16x1xi32> to vector<16xi32>
        %parallel_loop3A_2148 = tpu.dynamic_gather %parallel_loop3A_2067[%parallel_loop3A_2147] in [0] : vector<16xf32>, vector<16xi32> -> vector<16xf32>
        %parallel_loop3A_2149 = arith.select %parallel_loop3A_2136, %parallel_loop3A_2046, %parallel_loop3A_2148 : vector<16xi1>, vector<16xf32>
        %parallel_loop3A_2150 = arith.select %parallel_loop3A_2136, %parallel_loop3A_2142, %parallel_loop3A_2067 : vector<16xi1>, vector<16xf32>
        %parallel_loop3A_2151 = arith.addf %parallel_loop3A_2149, %parallel_loop3A_2150 : vector<16xf32>
        %parallel_loop3A_2152 = arith.constant 2 : i32
        %parallel_loop3A_2153 = vector.broadcast %parallel_loop3A_2152 : i32 to vector<16xi32>
        %parallel_loop3A_2154 = arith.andi %iota3A, %parallel_loop3A_2153 : vector<16xi32>
        %parallel_loop3A_2155 = arith.constant 0 : i32
        %parallel_loop3A_2156 = vector.broadcast %parallel_loop3A_2155 : i32 to vector<16xi32>
        %parallel_loop3A_2157 = arith.cmpi eq, %parallel_loop3A_2154, %parallel_loop3A_2156 : vector<16xi32>
        %parallel_loop3A_2158 = arith.constant 2 : i32
        %parallel_loop3A_2159 = vector.broadcast %parallel_loop3A_2158 : i32 to vector<16xi32>
        %parallel_loop3A_2160 = arith.xori %iota3A, %parallel_loop3A_2159 : vector<16xi32>
        %parallel_loop3A_2161 = vector.shape_cast %parallel_loop3A_2160 : vector<16xi32> to vector<16x1xi32>
        %parallel_loop3A_2162 = vector.shape_cast %parallel_loop3A_2161 : vector<16x1xi32> to vector<16xi32>
        %parallel_loop3A_2163 = tpu.dynamic_gather %parallel_loop3A_2088[%parallel_loop3A_2162] in [0] : vector<16xf32>, vector<16xi32> -> vector<16xf32>
        %parallel_loop3A_2164 = arith.constant 2 : i32
        %parallel_loop3A_2165 = vector.broadcast %parallel_loop3A_2164 : i32 to vector<16xi32>
        %parallel_loop3A_2166 = arith.xori %iota3A, %parallel_loop3A_2165 : vector<16xi32>
        %parallel_loop3A_2167 = vector.shape_cast %parallel_loop3A_2166 : vector<16xi32> to vector<16x1xi32>
        %parallel_loop3A_2168 = vector.shape_cast %parallel_loop3A_2167 : vector<16x1xi32> to vector<16xi32>
        %parallel_loop3A_2169 = tpu.dynamic_gather %parallel_loop3A_2109[%parallel_loop3A_2168] in [0] : vector<16xf32>, vector<16xi32> -> vector<16xf32>
        %parallel_loop3A_2170 = arith.select %parallel_loop3A_2157, %parallel_loop3A_2088, %parallel_loop3A_2169 : vector<16xi1>, vector<16xf32>
        %parallel_loop3A_2171 = arith.select %parallel_loop3A_2157, %parallel_loop3A_2163, %parallel_loop3A_2109 : vector<16xi1>, vector<16xf32>
        %parallel_loop3A_2172 = arith.addf %parallel_loop3A_2170, %parallel_loop3A_2171 : vector<16xf32>
        %parallel_loop3A_2173 = arith.constant 2 : i32
        %parallel_loop3A_2174 = vector.broadcast %parallel_loop3A_2173 : i32 to vector<16xi32>
        %parallel_loop3A_2175 = arith.andi %iota3A, %parallel_loop3A_2174 : vector<16xi32>
        %parallel_loop3A_2176 = arith.constant 0 : i32
        %parallel_loop3A_2177 = vector.broadcast %parallel_loop3A_2176 : i32 to vector<16xi32>
        %parallel_loop3A_2178 = arith.cmpi eq, %parallel_loop3A_2175, %parallel_loop3A_2177 : vector<16xi32>
        %parallel_loop3A_2179 = arith.constant 2 : i32
        %parallel_loop3A_2180 = vector.broadcast %parallel_loop3A_2179 : i32 to vector<16xi32>
        %parallel_loop3A_2181 = arith.xori %iota3A, %parallel_loop3A_2180 : vector<16xi32>
        %parallel_loop3A_2182 = vector.shape_cast %parallel_loop3A_2181 : vector<16xi32> to vector<16x1xi32>
        %parallel_loop3A_2183 = vector.shape_cast %parallel_loop3A_2182 : vector<16x1xi32> to vector<16xi32>
        %parallel_loop3A_2184 = tpu.dynamic_gather %parallel_loop3A_2130[%parallel_loop3A_2183] in [0] : vector<16xf32>, vector<16xi32> -> vector<16xf32>
        %parallel_loop3A_2185 = arith.constant 2 : i32
        %parallel_loop3A_2186 = vector.broadcast %parallel_loop3A_2185 : i32 to vector<16xi32>
        %parallel_loop3A_2187 = arith.xori %iota3A, %parallel_loop3A_2186 : vector<16xi32>
        %parallel_loop3A_2188 = vector.shape_cast %parallel_loop3A_2187 : vector<16xi32> to vector<16x1xi32>
        %parallel_loop3A_2189 = vector.shape_cast %parallel_loop3A_2188 : vector<16x1xi32> to vector<16xi32>
        %parallel_loop3A_2190 = tpu.dynamic_gather %parallel_loop3A_2151[%parallel_loop3A_2189] in [0] : vector<16xf32>, vector<16xi32> -> vector<16xf32>
        %parallel_loop3A_2191 = arith.select %parallel_loop3A_2178, %parallel_loop3A_2130, %parallel_loop3A_2190 : vector<16xi1>, vector<16xf32>
        %parallel_loop3A_2192 = arith.select %parallel_loop3A_2178, %parallel_loop3A_2184, %parallel_loop3A_2151 : vector<16xi1>, vector<16xf32>
        %parallel_loop3A_2193 = arith.addf %parallel_loop3A_2191, %parallel_loop3A_2192 : vector<16xf32>
        %parallel_loop3A_2194 = arith.constant 1 : i32
        %parallel_loop3A_2195 = vector.broadcast %parallel_loop3A_2194 : i32 to vector<16xi32>
        %parallel_loop3A_2196 = arith.andi %iota3A, %parallel_loop3A_2195 : vector<16xi32>
        %parallel_loop3A_2197 = arith.constant 0 : i32
        %parallel_loop3A_2198 = vector.broadcast %parallel_loop3A_2197 : i32 to vector<16xi32>
        %parallel_loop3A_2199 = arith.cmpi eq, %parallel_loop3A_2196, %parallel_loop3A_2198 : vector<16xi32>
        %parallel_loop3A_2200 = arith.constant 1 : i32
        %parallel_loop3A_2201 = vector.broadcast %parallel_loop3A_2200 : i32 to vector<16xi32>
        %parallel_loop3A_2202 = arith.xori %iota3A, %parallel_loop3A_2201 : vector<16xi32>
        %parallel_loop3A_2203 = vector.shape_cast %parallel_loop3A_2202 : vector<16xi32> to vector<16x1xi32>
        %parallel_loop3A_2204 = vector.shape_cast %parallel_loop3A_2203 : vector<16x1xi32> to vector<16xi32>
        %parallel_loop3A_2205 = tpu.dynamic_gather %parallel_loop3A_2172[%parallel_loop3A_2204] in [0] : vector<16xf32>, vector<16xi32> -> vector<16xf32>
        %parallel_loop3A_2206 = arith.constant 1 : i32
        %parallel_loop3A_2207 = vector.broadcast %parallel_loop3A_2206 : i32 to vector<16xi32>
        %parallel_loop3A_2208 = arith.xori %iota3A, %parallel_loop3A_2207 : vector<16xi32>
        %parallel_loop3A_2209 = vector.shape_cast %parallel_loop3A_2208 : vector<16xi32> to vector<16x1xi32>
        %parallel_loop3A_2210 = vector.shape_cast %parallel_loop3A_2209 : vector<16x1xi32> to vector<16xi32>
        %parallel_loop3A_2211 = tpu.dynamic_gather %parallel_loop3A_2193[%parallel_loop3A_2210] in [0] : vector<16xf32>, vector<16xi32> -> vector<16xf32>
        %parallel_loop3A_2212 = arith.select %parallel_loop3A_2199, %parallel_loop3A_2172, %parallel_loop3A_2211 : vector<16xi1>, vector<16xf32>
        %parallel_loop3A_2213 = arith.select %parallel_loop3A_2199, %parallel_loop3A_2205, %parallel_loop3A_2193 : vector<16xi1>, vector<16xf32>
        %parallel_loop3A_2214 = arith.addf %parallel_loop3A_2212, %parallel_loop3A_2213 : vector<16xf32>
        %parallel_loop3A_2215 = arith.addi %mul3A_103, %parallel_loop3A_123 : i32
        %parallel_loop3A_2216 = arith.index_cast %parallel_loop3A_2215 : i32 to index
        %parallel_loop3A_2217 = tpu.vector_load %arg8[%parallel_loop3A_2216] {strides = array<i32>} : memref<10000xf32, #tpu.memory_space<vmem>>, vector<16xf32>,
        %parallel_loop3A_2218 = vector.shape_cast %parallel_loop3A_2217 : vector<16xf32> to vector<16xf32>
        %parallel_loop3A_2219 = vector.shape_cast %parallel_loop3A_2214 : vector<16xf32> to vector<16xf32>
        tpu.vector_store %arg8[%parallel_loop3A_2216], %parallel_loop3A_2219 {strides = array<i32>} : memref<10000xf32, #tpu.memory_space<vmem>>, vector<16xf32>,
      } {sc.loop_unroll_factor = 1 : i64, sc.parallel_access}
      %add3A_107 = arith.constant 1 : i32
      %add3A_108 = arith.addi %mul3A_53, %add3A_107 : i32
      %add3A_109 = arith.constant 2 : i32
      %add3A_110 = arith.addi %add3A_108, %add3A_109 : i32
      %min3A_111 = arith.constant 124 : i32
      %min3A_112 = arith.minsi %add3A_110, %min3A_111 : i32
      %mul3A_113 = arith.constant 80 : i32
      %mul3A_114 = arith.muli %min3A_112, %mul3A_113 : i32
      %dma_start3A_115 = tpu.memref_slice %arg6[%mul3A_114] : memref<10000xi32, #tpu.memory_space<vmem>> -> memref<80xi32, #tpu.memory_space<vmem>>
      %dma_start3A_116 = arith.constant 0 : i32
      %dma_start3A_117 = arith.constant 0 : i32
      %dma_start3A_118 = tpu.memref_slice %arg2[%dma_start3A_116, %dma_start3A_117] : memref<10000x128xf32, #tpu.memory_space<hbm>> -> memref<10000x128xf32, #tpu.memory_space<hbm>>
      tpu.enqueue_indirect_dma source(%dma_start3A_118 : memref<10000x128xf32, #tpu.memory_space<hbm>>) target(%arg11 : memref<80x128xf32, #tpu.memory_space<vmem>>) offsets(%dma_start3A_115 : memref<80xi32, #tpu.memory_space<vmem>>) semaphore(%arg15 : memref<!tpu.dma_semaphore, #tpu.memory_space<semaphore_mem>>)
      %dma_start3A_119 = tpu.memref_slice %arg7[%mul3A_114] : memref<10000xi32, #tpu.memory_space<vmem>> -> memref<80xi32, #tpu.memory_space<vmem>>
      %dma_start3A_120 = arith.constant 0 : i32
      %dma_start3A_121 = arith.constant 0 : i32
      %dma_start3A_122 = tpu.memref_slice %arg2[%dma_start3A_120, %dma_start3A_121] : memref<10000x128xf32, #tpu.memory_space<hbm>> -> memref<10000x128xf32, #tpu.memory_space<hbm>>
      tpu.enqueue_indirect_dma source(%dma_start3A_122 : memref<10000x128xf32, #tpu.memory_space<hbm>>) target(%arg12 : memref<80x128xf32, #tpu.memory_space<vmem>>) offsets(%dma_start3A_119 : memref<80xi32, #tpu.memory_space<vmem>>) semaphore(%arg16 : memref<!tpu.dma_semaphore, #tpu.memory_space<semaphore_mem>>)
    }
    %scan3A_31 = arith.constant 63 : i32
    %dma_wait3A = arith.constant 0 : i32
    %dma_wait3A_32 = tpu.memref_slice %arg6[%dma_wait3A] : memref<10000xi32, #tpu.memory_space<vmem>> -> memref<80xi32, #tpu.memory_space<vmem>>
    %dma_wait3A_33 = arith.constant 0 : i32
    %dma_wait3A_34 = arith.constant 0 : i32
    %dma_wait3A_35 = tpu.memref_slice %arg2[%dma_wait3A_33, %dma_wait3A_34] : memref<10000x128xf32, #tpu.memory_space<hbm>> -> memref<10000x128xf32, #tpu.memory_space<hbm>>
    tpu.wait_indirect_dma semaphore(%arg13 : memref<!tpu.dma_semaphore, #tpu.memory_space<semaphore_mem>>) src(%dma_wait3A_35 : memref<10000x128xf32, #tpu.memory_space<hbm>>) dst(%arg9 : memref<80x128xf32, #tpu.memory_space<vmem>>)
    %dma_wait3A_36 = arith.constant 0 : i32
    %dma_wait3A_37 = tpu.memref_slice %arg7[%dma_wait3A_36] : memref<10000xi32, #tpu.memory_space<vmem>> -> memref<80xi32, #tpu.memory_space<vmem>>
    %dma_wait3A_38 = arith.constant 0 : i32
    %dma_wait3A_39 = arith.constant 0 : i32
    %dma_wait3A_40 = tpu.memref_slice %arg2[%dma_wait3A_38, %dma_wait3A_39] : memref<10000x128xf32, #tpu.memory_space<hbm>> -> memref<10000x128xf32, #tpu.memory_space<hbm>>
    tpu.wait_indirect_dma semaphore(%arg14 : memref<!tpu.dma_semaphore, #tpu.memory_space<semaphore_mem>>) src(%dma_wait3A_40 : memref<10000x128xf32, #tpu.memory_space<hbm>>) dst(%arg10 : memref<80x128xf32, #tpu.memory_space<vmem>>)
    %dma_wait3A_41 = arith.constant 0 : i32
    %dma_wait3A_42 = tpu.memref_slice %arg6[%dma_wait3A_41] : memref<10000xi32, #tpu.memory_space<vmem>> -> memref<80xi32, #tpu.memory_space<vmem>>
    %dma_wait3A_43 = arith.constant 0 : i32
    %dma_wait3A_44 = arith.constant 0 : i32
    %dma_wait3A_45 = tpu.memref_slice %arg2[%dma_wait3A_43, %dma_wait3A_44] : memref<10000x128xf32, #tpu.memory_space<hbm>> -> memref<10000x128xf32, #tpu.memory_space<hbm>>
    tpu.wait_indirect_dma semaphore(%arg15 : memref<!tpu.dma_semaphore, #tpu.memory_space<semaphore_mem>>) src(%dma_wait3A_45 : memref<10000x128xf32, #tpu.memory_space<hbm>>) dst(%arg11 : memref<80x128xf32, #tpu.memory_space<vmem>>)
    %dma_wait3A_46 = arith.constant 0 : i32
    %dma_wait3A_47 = tpu.memref_slice %arg7[%dma_wait3A_46] : memref<10000xi32, #tpu.memory_space<vmem>> -> memref<80xi32, #tpu.memory_space<vmem>>
    %dma_wait3A_48 = arith.constant 0 : i32
    %dma_wait3A_49 = arith.constant 0 : i32
    %dma_wait3A_50 = tpu.memref_slice %arg2[%dma_wait3A_48, %dma_wait3A_49] : memref<10000x128xf32, #tpu.memory_space<hbm>> -> memref<10000x128xf32, #tpu.memory_space<hbm>>
    tpu.wait_indirect_dma semaphore(%arg16 : memref<!tpu.dma_semaphore, #tpu.memory_space<semaphore_mem>>) src(%dma_wait3A_50 : memref<10000x128xf32, #tpu.memory_space<hbm>>) dst(%arg12 : memref<80x128xf32, #tpu.memory_space<vmem>>)
    "tpu.region"() ({
      %run_scoped3A = tpu.sem_alloc : memref<!tpu.dma_semaphore, #tpu.memory_space<semaphore_mem>>
      %dma_start3A_51 = tpu.memref_slice %arg5[%mul3A_2] : memref<320000xf32, #tpu.memory_space<hbm>> -> memref<10000xf32, #tpu.memory_space<hbm>>
      %dma_start3A_52 = tpu.memref_slice %arg5[%mul3A_2] : memref<320000xf32, #tpu.memory_space<hbm>> -> memref<10000xf32, #tpu.memory_space<hbm>>
      tpu.enqueue_dma source(%arg8 : memref<10000xf32, #tpu.memory_space<vmem>>) target(%dma_start3A_52 : memref<10000xf32, #tpu.memory_space<hbm>>) target_semaphore(%run_scoped3A : memref<!tpu.dma_semaphore, #tpu.memory_space<semaphore_mem>>)
      %dma_wait3A_53 = tpu.memref_slice %arg5[%mul3A_2] : memref<320000xf32, #tpu.memory_space<hbm>> -> memref<10000xf32, #tpu.memory_space<hbm>>
      %dma_wait3A_54 = tpu.memref_slice %arg5[%mul3A_2] : memref<320000xf32, #tpu.memory_space<hbm>> -> memref<10000xf32, #tpu.memory_space<hbm>>
      tpu.wait_dma2 semaphore(%run_scoped3A : memref<!tpu.dma_semaphore, #tpu.memory_space<semaphore_mem>>) src(%arg8 : memref<10000xf32, #tpu.memory_space<vmem>>) dst(%dma_wait3A_54 : memref<10000xf32, #tpu.memory_space<hbm>>)
      tpu.yield
    }) : () -> ()
    return
  }
}

</mosaic_0001>

<sc_bundles>
// kernel: kernel.3.cloned.1.call-start
scs
__scs_entry_jumppad:
0x0: {  	(pc) =	sbr.rel $0x88, $3  }
0x1: {  	(tag) =	ssettag $0x0;
	lr =	simm.s32 $0x1  }
0x2: {  	[smem:$0x3F9F] =	sst lr;
	_ =	strace $0xD0000000  }
0x3: {  	_ = 	snop  }
0x4: {  	_ = 	snop  }
0x5: {  	_ = 	snop  }
0x6: {  	_ = 	snop  }
0x7: {  	_ = 	snop  }
__scs_overlays_trampoline_lowered:
0x8: {  	[smem:$0x3FAE] =	sst s0  }
0x9: {  	[smem:$0x3FAF] =	sst s1  }
0xa: {  	[smem:$0x3FB0] =	sst s2  }
0xb: {  	[smem:$0x3FB1] =	sst s3  }
0xc: {  	[smem:$0x3FB2] =	sst s4  }
0xd: {  	[smem:$0x3FB3] =	sst s5  }
0xe: {  	[smem:$0x3FB4] =	sst s6  }
0xf: {  	[smem:$0x3FB5] =	sst s7  }
0x10: {  	[smem:$0x3FB6] =	sst s8  }
0x11: {  	[smem:$0x3FB7] =	sst s9;
	s0 =	simm.s32 @!p0 $0x0  }
0x12: {  	s1 =	sld [smem:$0x3F9D];
	s0 =	simm.s32 @p0 $0x1  }
0x13: {  	[smem:$0x3FB8] =	sst s0;
	s0 =	simm.s32 @!p1 $0x0  }
0x14: {  	s2 =	sld [smem:$0x3F9C];
	s0 =	simm.s32 @p1 $0x1  }
0x15: {  	[smem:$0x3FB9] =	sst s0;
	s0 =	simm.s32 @!p2 $0x0  }
0x16: {  	s3 =	sld [smem:$0x3FDB];
	s0 =	simm.s32 @p2 $0x1  }
0x17: {  	s4 =	simm.s32 $0x1BF5;
	[smem:$0x3FBB] =	sst s0  }
0x18: {  	s0 =	sld [smem:$0x3F9E];
	_ =	swait.ge [sflag:s4], $0x0  }
0x19: {  	s7 =	sld [smem:$0x3F9F]  }
0x1a: {  	s8 =	sadd.s32 $0xFFFFE003, lr  }
0x1b: {  	s9 =	sadd.s32 $0xFFFFFEF7, lr;
	s5 =	simm.s32 $0xFFFFFFFF;
	p2 =	slt.u32 s8, $0xFFFFF086  }
0x1c: {  	p1 =	slt.u32 s9, $0xF7A;
	s5 =	simm.s32 @!p2 $0x0  }
0x1d: {  	s5 =	simm.s32 @p1 $0x1;
	p0 =	seq.s32 s7, s2  }
0x1e: {  	s7 =	smul.u32 @!p0 $0xF7A, s2;
	p2 =	seq.s32 @!p0 s5, $0x0  }
0x1f: {  	s9 =	smul.u32 $0xF7A, s1;
	s8 =	simm.s32 @!p0 $0x1BF5;
	p2 =	por !p2, p0  }
0x20: {  	[sflag:s8] =	ssyncset.s32 @!p0 $0xFFFFF086;
	s6 =	sadd.s32 @!p0 s3, s7;
	s7 =	simm.s32 @!p0 $0x108  }
0x21: {  	s3 =	sadd.s32 s3, s9;
	s6 =	sadd.s32 @!p0 $0x88, s6;
	s7 =	simm.s32 @p2 $0x1082  }
0x22: {  	[simem:s7], [sflag:s8] =	dma.local @!p0 [hbm:s6], $0xF7A  }
0x23: {  	s9 =	sor.u32 $0xD0000000, s2;
	s6 =	simm.s32 $0x108;
	_ =	swait.ge @!p0 [sflag:s8], $0x0  }
0x24: {  	s3 =	sadd.s32 $0x88, s3;
	s6 =	simm.s32 @!p1 $0x1082;
	[sflag:s4] =	ssyncset.s32 $0xFFFFF086  }
0x25: {  	[simem:s6], [sflag:s4] =	dma.local [hbm:s3], $0xF7A  }
0x26: {  	[smem:$0x3F9F] =	sst s1;
	(tag) =	ssettag s2;
	_ =	strace s9  }
0x27: {  	s1 =	sld [smem:$0x3FAF]  }
0x28: {  	s2 =	sld [smem:$0x3FB0]  }
0x29: {  	s4 =	sld [smem:$0x3FB2]  }
0x2a: {  	p0 =	seq.s32 s5, $0x0;
	s5 =	sld [smem:$0x3FB3]  }
0x2b: {  	s6 =	sld [smem:$0x3FB4]  }
0x2c: {  	s7 =	sld [smem:$0x3FB5]  }
0x2d: {  	s3 =	simm.s32 $0x108;
	s8 =	sld [smem:$0x3FB6]  }
0x2e: {  	s3 =	simm.s32 @!p0 $0x1082;
	s9 =	sld [smem:$0x3FB7]  }
0x2f: {  	lr =	sadd.s32 s0, s3;
	s0 =	sld [smem:$0x3FAE]  }
0x30: {  	s3 =	sld [smem:$0x3FB1]  }
0x31: {  	[smem:$0x3FBA] =	sst s10  }
0x32: {  	s10 =	sld [smem:$0x3FB8];
	_ =	sdelay $0x3  }
0x33: {  	p0 =	seq.s32 s10, $0x1;
	s10 =	sld [smem:$0x3FBA];
	_ =	sdelay $0x3  }
0x34: {  	[smem:$0x3FBA] =	sst s10  }
0x35: {  	s10 =	sld [smem:$0x3FB9];
	_ =	sdelay $0x3  }
0x36: {  	p1 =	seq.s32 s10, $0x1;
	s10 =	sld [smem:$0x3FBA];
	_ =	sdelay $0x3  }
0x37: {  	[smem:$0x3FBA] =	sst s10  }
0x38: {  	s10 =	sld [smem:$0x3FBB]  }
0x39: {  	_ = 	snop;
	(pc) =	sbr.ind lr, $3  }
0x3a: {  	_ = 	snop  }
0x3b: {  	_ = 	snop  }
0x3c: {  	p2 =	seq.s32 s10, $0x1;
	s10 =	sld [smem:$0x3FBA]  }
0x3d: {  	_ =	shalt  }
0x3e: {  	_ =	shalt  }
0x3f: {  	_ =	shalt  }
0x40: {  	_ =	shalt  }
0x41: {  	_ =	shalt  }
0x42: {  	_ =	shalt  }
0x43: {  	_ =	shalt  }
0x44: {  	_ =	shalt  }
0x45: {  	_ =	shalt  }
0x46: {  	_ =	shalt  }
0x47: {  	_ =	shalt  }
0x48: {  	_ =	shalt  }
0x49: {  	_ =	shalt  }
0x4a: {  	_ =	shalt  }
0x4b: {  	_ =	shalt  }
0x4c: {  	_ =	shalt  }
0x4d: {  	_ =	shalt  }
0x4e: {  	_ =	shalt  }
0x4f: {  	_ =	shalt  }
0x50: {  	_ =	shalt  }
0x51: {  	_ =	shalt  }
0x52: {  	_ =	shalt  }
0x53: {  	_ =	shalt  }
0x54: {  	_ =	shalt  }
0x55: {  	_ =	shalt  }
0x56: {  	_ =	shalt  }
0x57: {  	_ =	shalt  }
0x58: {  	_ =	shalt  }
0x59: {  	_ =	shalt  }
0x5a: {  	_ =	shalt  }
0x5b: {  	_ =	shalt  }
0x5c: {  	_ =	shalt  }
0x5d: {  	_ =	shalt  }
0x5e: {  	_ =	shalt  }
0x5f: {  	_ =	shalt  }
0x60: {  	_ =	shalt  }
0x61: {  	_ =	shalt  }
0x62: {  	_ =	shalt  }
0x63: {  	_ =	shalt  }
0x64: {  	_ =	shalt  }
0x65: {  	_ =	shalt  }
0x66: {  	_ =	shalt  }
0x67: {  	_ =	shalt  }
0x68: {  	_ =	shalt  }
0x69: {  	_ =	shalt  }
0x6a: {  	_ =	shalt  }
0x6b: {  	_ =	shalt  }
0x6c: {  	_ =	shalt  }
0x6d: {  	_ =	shalt  }
0x6e: {  	_ =	shalt  }
0x6f: {  	_ =	shalt  }
0x70: {  	_ =	shalt  }
0x71: {  	_ =	shalt  }
0x72: {  	_ =	shalt  }
0x73: {  	_ =	shalt  }
0x74: {  	_ =	shalt  }
0x75: {  	_ =	shalt  }
0x76: {  	_ =	shalt  }
0x77: {  	_ =	shalt  }
0x78: {  	_ =	shalt  }
0x79: {  	_ =	shalt  }
0x7a: {  	_ =	shalt  }
0x7b: {  	_ =	shalt  }
0x7c: {  	_ =	shalt  }
0x7d: {  	_ =	shalt  }
0x7e: {  	_ =	shalt  }
0x7f: {  	_ =	shalt  }
0x80: {  	_ =	shalt  }
0x81: {  	_ =	shalt  }
0x82: {  	_ =	shalt  }
0x83: {  	_ =	shalt  }
0x84: {  	_ =	shalt  }
0x85: {  	_ =	shalt  }
0x86: {  	_ =	shalt  }
0x87: {  	_ =	shalt  }
.Lfunc_end0:
.L_simem_size_0:
called_computation_lowered:
.L_overlay_start_0:
0x88: {  	s2 =	sld [smem:$0x3FD9]  }
0x89: {  	s3 =	sld [smem:$0x3FFE];
	_ =	sdelay $0x1  }
0x8a: {  	s1 =	srdreg.scid  }
0x8b: {  	s0 =	sand.u32 $0x1, s1  }
0x8c: {  	s17 =	sshll.u32 s0, $0xA;
	s2 =	sadd.s32 s3, s2  }
0x8d: {  	s2 =	sadd.s32 s2, s17  }
0x8e: {  	[smem:$0x3FC6] =	sst s2  }
0x8f: {  	_ = 	snop  }
0x90: {  	s2 =	sld [smem:$0x3FC9]  }
0x91: {  	s18 =	sld [smem:$0x3FD0];
	(tm) =	ssettm $0x1  }
0x92: {  	s4 =	sld [smem:$0x3FFB];
	_ =	sdelay $0x3  }
0x93: {  	_ =	strace s4  }
0x94: {  	s4 =	sld [smem:$0x3FFC];
	_ =	sdelay $0x3  }
0x95: {  	_ =	strace s4  }
0x96: {  	s4 =	sld [smem:$0x3FFD];
	_ =	sdelay $0x3  }
0x97: {  	_ =	strace s4  }
0x98: {  	_ =	strace $0x8FFFFFFF  }
0x99: {  	s19 =	sld [smem:$0x3FDB];
	_ =	sdelay $0x1  }
0x9a: {  	s5 =	simm.s32 $_scs_section_size  }
0x9b: {  	s6 =	simm.s32 $_size__tile_overlayer_lowered;
	s7 =	simm.s32 $_tile_overlayer_lowered  }
0x9c: {  	s22 =	simm.s32 $0x1BFF;
	s21 =	sshll.u32 s7, $0x1;
	s4 =	sadd.s32 s5, s19  }
0x9d: {  	s8 =	simm.s32 $0x0;
	s20 =	sshll.u32 s6, $0x1;
	s6 =	sadd.s32 s21, s4  }
0x9e: {  	[timem:s8], [sflag:s22] =	dma.local [hbm:s6], s20  }
0x9f: {  	_ =	swait.ge [sflag:s22], s20  }
0xa0: {  	s5 =	ssub.s32 $0x0, s20;
	[sflag:s22] =	ssyncset.done $0x0  }
0xa1: {  	[sflag:s22] =	ssyncadd.s32 s5;
	_ =	sdelay $0x1  }
0xa2: {  	s23 =	simm.s32 $0x1B8B  }
0xa3: {  	_ =	swait.ge [sflag:s23], $0x1  }
0xa4: {  	[sflag:s23] =	ssyncset.done $0x0  }
0xa5: {  	s25 =	simm.s32 $0x1B8E;
	s24 =	sld [smem:$0x3FFE];
	[sflag:s23] =	ssyncadd.s32 $0xFFFFFFFF  }
0xa6: {  	s26 =	simm.s32 $execute0_lowered;
	[smem:$0x3FD2] =	sst s25  }
0xa7: {  	s6 =	sshll.u32 s26, $0x1;
	_ =	strace $0x80000046;
	[dreg:$0x1] =	wrdreg $0xFFFFFFFF  }
0xa8: {  	s28 =	simm.s32 $_size_execute0_lowered;
	s4 =	sadd.s32 s4, s6;
	[dreg:$0x0] =	wrdreg $0x0  }
0xa9: {  	s6 =	sshll.u32 s28, $0x1;
	[dreg:$0x2] =	wrdreg s4  }
0xaa: {  	[dreg:$0x3] =	wrdreg s6  }
0xab: {  	[dreg:$0x4] =	wrdreg $0xC0  }
0xac: {  	_ =	task [dreg:s8], $0x5FFFF  }
0xad: {  	[dreg:$0x1] =	wrdreg $0xFFFFFFFF  }
0xae: {  	[dreg:$0x0] =	wrdreg $0x60  }
0xaf: {  	[dreg:$0x2] =	wrdreg s2  }
0xb0: {  	[dreg:$0x3] =	wrdreg s24  }
0xb1: {  	[dreg:$0x4] =	wrdreg s18  }
0xb2: {  	[dreg:$0x5] =	wrdreg $0x9  }
0xb3: {  	_ =	task.clear_ibuf [dreg:s8], $0x6FFFF;
	_ =	strace $0x90000046  }
0xb4: {  	s29 =	simm.s32 $0x9;
	_ =	strace $0x80000048  }
0xb5: {  	_ =	swait.ge [sflag:s29], $0x1  }
0xb6: {  	[sflag:s29] =	ssyncadd.s32 $0xFFFFFFFF  }
0xb7: {  	_ =	strace $0x90000048  }
0xb8: {  	_ =	sfence  }
0xb9: {  	s30 =	sld [smem:$0x0];
	_ =	sdelay $0x2  }
0xba: {  	s31 =	sshll.u32 s1, $0xD;
	s1 =	sshrl.u32 s1, $0x2  }
0xbb: {  	s3 =	sand.u32 $0x4000, s31;
	s1 =	sadd.s32 s1, s30  }
0xbc: {  	s0 =	sor.u32 s3, s0;
	s1 =	sshll.u32 s1, $0x11  }
0xbd: {  	s0 =	sor.u32 s1, s0  }
0xbe: {  	s0 =	sadd.s32 $0x8F2B, s0  }
0xbf: {  	[sflag:s0] =	ssyncadd.remote.s32 $0x1  }
0xc0: {  	_ =	sfence.sel $0xFFFF  }
0xc1: {  	[dreg:$0x0] =	wrdreg $0xFFFFFFFF;
	(pc) =	sbr.abs _section_cstart, $3  }
0xc2: {  	[dreg:$0x1] =	wrdreg $0xFFFFFFFF  }
0xc3: {  	_ =	task.clear_ibuf [dreg:s8], $0x2FFFF;
	_ =	strace $0x9FFFFFFF  }
0xc4: {  	(tm) =	ssettm $0x7FFFFFFF  }
0xc5: {  	_ =	shalt  }
tec
execute0_lowered:
.L_overlay_start_1:
0x0: {  	(tag) =	ssettag $0x1  }
0x1: {  	v0 =	vimm.s32 $0x76543210  }
0x2: {  	v1 =	vimm.s32 $0xFEDCBA98;
	v2 =	vimm.s32 $0xBA98FEDC;
	v3 =	vimm.s32 $0x32107654  }
0x3: {  	v4 =	vimm.s32 $0xDCFE98BA;
	v5 =	vimm.s32 $0x54761032;
	v1 =	vunpack.c.l.s4.s8 v1  }
0x4: {  	v0 =	vunpack.c.l.s4.s8 v0;
	v2 =	vunpack.c.l.s4.s8 v2;
	v3 =	vunpack.c.l.s4.s8 v3  }
0x5: {  	vm0 =	vcmask $0x2F20;
	vm1 =	vcmask $0xF00;
	v1 =	vunpack.c.0.s8.s32 v1  }
0x6: {  	v0 =	vunpack.c.0.s8.s32 v0;
	v2 =	vunpack.c.0.s8.s32 v2;
	v3 =	vunpack.c.0.s8.s32 v3  }
0x7: {  	vm2 =	vcmask $0x1710;
	v4 =	vunpack.c.l.s4.s8 v4;
	v1 =	vand.u32 $0xF, v1  }
0x8: {  	v0 =	vcombine.low v1, v0;
	v1 =	vcombine.low v3, v2;
	v2 =	vunpack.c.l.s4.s8 v5  }
0x9: {  	s0 =	rddreg [dreg:$0x0];
	s2 =	srdreg.scid;
	vm3 =	vcmask $0x700;
	v62 =	vimm.s32 $0x67452301;
	vm4 =	vcmask $0x300  }
0xa: {  	s1 =	stileid.u32;
	s4 =	rddreg [dreg:$0x1];
	vm0 =	vmor vm1, vm0;
	v3 =	vunpack.c.0.s8.s32 v4;
	v2 =	vunpack.c.0.s8.s32 v2  }
0xb: {  	s6 =	rddreg [dreg:$0x2];
	s3 =	simm.s32 $0x0;
	s9 =	simm.s32 $0x2780;
	vm1 =	vmor vm3, vm2;
	vm2 =	vcmask $0x2720;
	vm3 =	vcmask $0xB08  }
0xc: {  	s10 =	simm.s32 $0x50;
	s11 =	simm.s32 $0x7680;
	s12 =	simm.s32 $0x9E80;
	vm3 =	vmor vm4, vm3;
	v2 =	vcombine.low v2, v3;
	v3 =	vimm.s32 $0xEFCDAB89  }
0xd: {  	s13 =	simm.s32 $0xC680;
	s14 =	simm.s32 $0x27D0;
	s15 =	simm.s32 $0xEE80;
	vm4 =	vcmask $0x1310;
	v4 =	vunpack.c.l.s4.s8 v62;
	v3 =	vunpack.c.l.s4.s8 v3  }
0xe: {  	s16 =	simm.s32 $0x1;
	s17 =	simm.s32 $0x2;
	s18 =	simm.s32 $0x3;
	vm1 =	vmor vm1, vm2;
	vm2 =	vcmask $0x3730;
	vm3 =	vmor vm3, vm4  }
0xf: {  	s19 =	simm.s32 $0x4;
	s5 =	sand.u32 $0x1, s2;
	s31 =	sshll.u32 s1, $0x1;
	vm4 =	vcmask $0x1B18;
	v4 =	vunpack.c.0.s8.s32 v4;
	v3 =	vunpack.c.0.s8.s32 v3  }
0x10: {  	s20 =	simm.s32 $0x4F00;
	s21 =	simm.s32 $0x0;
	s7 =	sor.u32 s5, s31;
	vm1 =	vmor vm1, vm2;
	vm2 =	vmor vm3, vm4;
	vm3 =	vcmask $0x2320  }
0x11: {  	[smem:$0x7FF] =	sst s3;
	s5 =	ssub.s32 $0x2, s5;
	s7 =	smul.u32 $0x4E2, s7;
	vm4 =	vcmask $0x2B28;
	vm3 =	vmor vm2, vm3;
	v3 =	vcombine.low v4, v3  }
0x12: {  	s2 =	rddreg [dreg:$0x3];
	_ =	strace $0x80000047;
	s8 =	sshrl.u32 s5, $0x1;
	vm3 =	vmor vm3, vm4;
	vm4 =	vcmask $0x3330;
	v9 =	vand.u32 $0xF, v2  }
0x13: {  	s8 =	ssub.s32 s5, s8;
	s4 =	sadd.s32 s4, s7;
	s6 =	sadd.s32 s6, s7;
	vm3 =	vmor vm3, vm4;
	vm4 =	vcmask $0x3B38;
	[tilespmem:$0x1FFE0] =	vst v9;
	v63 =	vand.u32 $0xF, v3  }
0x14: {  	s7 =	smax.u32 s8, $0x1;
	s8 =	simm.s32 $0x5;
	vm2 =	vmmov $0xff;
	s5 =	sadd.s32 $0x9E00, s4;
	v36 =	vand.u32 $0xF, v1;
	vm3 =	vmor vm3, vm4;
	[tilespmem:$0x1FFF0] =	vst v63  }
.LBB2_1:
0x15: {  	[tilespmem:s3], [sflag:$0x5] =	stream.linear.gather [hbm4b:s5+s3], $0x2710, $0x38;
	[tilespmem:$0x11680] =	vst v63  }
0x16: {  	_ =	swait.ge [sflag:s8], $0x2710  }
0x17: {  	[sflag:s8] =	ssyncset.done $0x0  }
0x18: {  	[sflag:s8] =	ssyncadd.s32 $0xFFFFD8F0  }
0x19: {  	[tilespmem:s9], [sflag:$0x5] =	stream.linear.gather [hbm4b:s4+s3], $0x2710, $0x38;
	[tilespmem:$0x11680] =	vst v63  }
0x1a: {  	_ =	swait.ge [sflag:s8], $0x2710  }
0x1b: {  	[sflag:s8] =	ssyncset.done $0x0  }
0x1c: {  	[sflag:s8] =	ssyncadd.s32 $0xFFFFD8F0  }
0x1d: {  	[tilespmem:s11], [sflag:$0x1] =	stream.indirect.gather [hbm4b:s0+s10], $0x80, s3, s10, $0xb8;
	[tilespmem:$0x11680] =	vst v63  }
0x1e: {  	_ = 	snop  }
0x1f: {  	[tilespmem:s12], [sflag:$0x2] =	stream.indirect.gather [hbm4b:s0+s10], $0x80, s9, s10, $0xb8;
	[tilespmem:$0x11680] =	vst v63  }
0x20: {  	_ = 	snop  }
0x21: {  	[tilespmem:s13], [sflag:$0x3] =	stream.indirect.gather [hbm4b:s0+s10], $0x80, s10, s10, $0xb8;
	[tilespmem:$0x11680] =	vst v63  }
0x22: {  	s22 =	simm.s32 $0x0  }
0x23: {  	[tilespmem:s15], [sflag:$0x4] =	stream.indirect.gather [hbm4b:s0+s10], $0x80, s14, s10, $0xb8;
	[tilespmem:$0x11680] =	vst v63  }
.LBB2_2:
0x24: {  	_ =	swait.ge [sflag:s16], $0x2800;
	s23 =	smul.u32 $0x280, s22  }
0x25: {  	[sflag:s16] =	ssyncset.done $0x0  }
0x26: {  	[sflag:s16] =	ssyncadd.s32 $0xFFFFD800;
	s23 =	sshra.s32 s23, $0x2  }
0x27: {  	_ =	swait.ge [sflag:s17], $0x2800;
	s24 =	sadd.s32 $0x4F00, s23  }
0x28: {  	[sflag:s17] =	ssyncset.done $0x0;
	v1 =	vmov s24  }
0x29: {  	s23 =	simm.s32 $0x0;
	[sflag:s17] =	ssyncadd.s32 $0xFFFFD800;
	[tilespmem:$0x1FFD0] =	vst v1  }
.LBB2_3:
0x2a: {  	s24 =	sshll.u32 s23, $0x7  }
0x2b: {  	v40 =	vld [tilespmem:s24+$0x7680]  }
0x2c: {  	v47 =	vld [tilespmem:s24+$0x9E80]  }
0x2d: {  	v58 =	vld [tilespmem:s24+$0x7690]  }
0x2e: {  	v14 =	vld [tilespmem:s24+$0x9E90]  }
0x2f: {  	v35 =	vld [tilespmem:s24+$0x76A0]  }
0x30: {  	v1 =	vld [tilespmem:s24+$0x76E0];
	_ =	sdelay $0x4  }
0x31: {  	[tilespmem:$0x1F830] =	vst v1;
	v1 =	vld [tilespmem:s24+$0x9EE0];
	_ =	sdelay $0x4  }
0x32: {  	[tilespmem:$0x1F840] =	vst v1;
	v1 =	vld [tilespmem:s24+$0x76F0];
	_ =	sdelay $0x4  }
0x33: {  	[tilespmem:$0x1F860] =	vst v1;
	v1 =	vld [tilespmem:s24+$0x9EF0];
	_ =	sdelay $0x4  }
0x34: {  	[tilespmem:$0x1F870] =	vst v1;
	v1 =	vld [tilespmem:s24+$0x7750];
	_ =	sdelay $0x4  }
0x35: {  	[tilespmem:$0x1F850] =	vst v1;
	v1 =	vld [tilespmem:s24+$0x7760];
	_ =	sdelay $0x4  }
0x36: {  	[tilespmem:$0x1F880] =	vst v1;
	v1 =	vld [tilespmem:s24+$0x9F60];
	_ =	sdelay $0x4  }
0x37: {  	[tilespmem:$0x1F890] =	vst v1;
	v1 =	vld [tilespmem:s24+$0x7770];
	_ =	sdelay $0x4  }
0x38: {  	[tilespmem:$0x1F8C0] =	vst v1;
	v1 =	vld [tilespmem:s24+$0x9F70];
	_ =	sdelay $0x4  }
0x39: {  	[tilespmem:$0x1F8D0] =	vst v1;
	v1 =	vld [tilespmem:s24+$0x77D0];
	_ =	sdelay $0x4  }
0x3a: {  	[tilespmem:$0x1F8A0] =	vst v1;
	v1 =	vld [tilespmem:s24+$0x9FD0];
	_ =	sdelay $0x4  }
0x3b: {  	[tilespmem:$0x1F8B0] =	vst v1;
	v1 =	vld [tilespmem:s24+$0x77E0];
	_ =	sdelay $0x4  }
0x3c: {  	[tilespmem:$0x1F8E0] =	vst v1;
	v1 =	vld [tilespmem:s24+$0x9FE0];
	_ =	sdelay $0x4  }
0x3d: {  	[tilespmem:$0x1F8F0] =	vst v1;
	v1 =	vld [tilespmem:s24+$0x77F0];
	_ =	sdelay $0x4  }
0x3e: {  	[tilespmem:$0x1F940] =	vst v1;
	v1 =	vld [tilespmem:s24+$0x9FF0];
	_ =	sdelay $0x4  }
0x3f: {  	[tilespmem:$0x1F950] =	vst v1;
	v1 =	vld [tilespmem:s24+$0x7850];
	_ =	sdelay $0x4  }
0x40: {  	[tilespmem:$0x1F900] =	vst v1;
	v1 =	vld [tilespmem:s24+$0xA050];
	_ =	sdelay $0x4  }
0x41: {  	[tilespmem:$0x1F910] =	vst v1;
	v1 =	vld [tilespmem:s24+$0x7860];
	_ =	sdelay $0x4  }
0x42: {  	[tilespmem:$0x1F920] =	vst v1;
	v1 =	vld [tilespmem:s24+$0xA060];
	_ =	sdelay $0x4  }
0x43: {  	[tilespmem:$0x1F930] =	vst v1;
	v1 =	vld [tilespmem:s24+$0x7870];
	_ =	sdelay $0x4  }
0x44: {  	[tilespmem:$0x1F980] =	vst v1;
	v1 =	vld [tilespmem:s24+$0xA070];
	_ =	sdelay $0x4  }
0x45: {  	[tilespmem:$0x1F990] =	vst v1;
	v1 =	vld [tilespmem:s24+$0x78B0];
	_ =	sdelay $0x4  }
0x46: {  	[tilespmem:$0x1F960] =	vst v1;
	v1 =	vld [tilespmem:s24+$0xA0B0];
	_ =	sdelay $0x4  }
0x47: {  	[tilespmem:$0x1F970] =	vst v1;
	v1 =	vld [tilespmem:s24+$0x78C0];
	_ =	sdelay $0x4  }
0x48: {  	[tilespmem:$0x1F9A0] =	vst v1;
	v1 =	vld [tilespmem:s24+$0xA0C0];
	_ =	sdelay $0x4  }
0x49: {  	[tilespmem:$0x1F9B0] =	vst v1;
	v1 =	vld [tilespmem:s24+$0x78D0];
	_ =	sdelay $0x4  }
0x4a: {  	[tilespmem:$0x1F9E0] =	vst v1;
	v1 =	vld [tilespmem:s24+$0xA0D0];
	_ =	sdelay $0x4  }
0x4b: {  	[tilespmem:$0x1F9F0] =	vst v1;
	v1 =	vld [tilespmem:s24+$0x78E0];
	_ =	sdelay $0x4  }
0x4c: {  	[tilespmem:$0x1FA00] =	vst v1;
	v1 =	vld [tilespmem:s24+$0xA0E0];
	_ =	sdelay $0x4  }
0x4d: {  	[tilespmem:$0x1FA10] =	vst v1;
	v1 =	vld [tilespmem:s24+$0x78F0];
	_ =	sdelay $0x4  }
0x4e: {  	[tilespmem:$0x1FA40] =	vst v1;
	v1 =	vld [tilespmem:s24+$0xA0F0];
	_ =	sdelay $0x4  }
0x4f: {  	[tilespmem:$0x1FA50] =	vst v1;
	v1 =	vld [tilespmem:s24+$0x7930];
	_ =	sdelay $0x4  }
0x50: {  	[tilespmem:$0x1F9C0] =	vst v1;
	v1 =	vld [tilespmem:s24+$0xA130];
	_ =	sdelay $0x4  }
0x51: {  	[tilespmem:$0x1F9D0] =	vst v1;
	v1 =	vld [tilespmem:s24+$0x7940];
	_ =	sdelay $0x4  }
0x52: {  	[tilespmem:$0x1FA20] =	vst v1;
	v1 =	vld [tilespmem:s24+$0xA140];
	_ =	sdelay $0x4  }
0x53: {  	[tilespmem:$0x1FA30] =	vst v1;
	v1 =	vld [tilespmem:s24+$0x7950];
	_ =	sdelay $0x4  }
0x54: {  	[tilespmem:$0x1FA60] =	vst v1;
	v1 =	vld [tilespmem:s24+$0xA150];
	_ =	sdelay $0x4  }
0x55: {  	[tilespmem:$0x1FA70] =	vst v1;
	v1 =	vld [tilespmem:s24+$0x7960];
	_ =	sdelay $0x4  }
0x56: {  	[tilespmem:$0x1FAE0] =	vst v1;
	v1 =	vld [tilespmem:s24+$0xA160];
	_ =	sdelay $0x4  }
0x57: {  	[tilespmem:$0x1FAF0] =	vst v1;
	v1 =	vld [tilespmem:s24+$0x7970];
	_ =	sdelay $0x4  }
0x58: {  	[tilespmem:$0x1FB40] =	vst v1;
	v1 =	vld [tilespmem:s24+$0xA170];
	_ =	sdelay $0x4  }
0x59: {  	[tilespmem:$0x1FB50] =	vst v1;
	v1 =	vld [tilespmem:s24+$0x7980];
	_ =	sdelay $0x4  }
0x5a: {  	[tilespmem:$0x1FA80] =	vst v1;
	v1 =	vld [tilespmem:s24+$0xA180];
	_ =	sdelay $0x4  }
0x5b: {  	[tilespmem:$0x1FA90] =	vst v1;
	v1 =	vld [tilespmem:s24+$0x7990];
	_ =	sdelay $0x4  }
0x5c: {  	[tilespmem:$0x1FAA0] =	vst v1;
	v1 =	vld [tilespmem:s24+$0xA190];
	_ =	sdelay $0x4  }
0x5d: {  	[tilespmem:$0x1FAB0] =	vst v1;
	v1 =	vld [tilespmem:s24+$0x79A0];
	_ =	sdelay $0x4  }
0x5e: {  	[tilespmem:$0x1FAC0] =	vst v1;
	v1 =	vld [tilespmem:s24+$0xA1A0];
	_ =	sdelay $0x4  }
0x5f: {  	[tilespmem:$0x1FAD0] =	vst v1;
	v1 =	vld [tilespmem:s24+$0x79B0];
	_ =	sdelay $0x4  }
0x60: {  	[tilespmem:$0x1FB00] =	vst v1;
	v1 =	vld [tilespmem:s24+$0xA1B0];
	_ =	sdelay $0x4  }
0x61: {  	[tilespmem:$0x1FB10] =	vst v1;
	v1 =	vld [tilespmem:s24+$0x79C0];
	_ =	sdelay $0x4  }
0x62: {  	[tilespmem:$0x1FB60] =	vst v1;
	v1 =	vld [tilespmem:s24+$0xA1C0];
	_ =	sdelay $0x4  }
0x63: {  	[tilespmem:$0x1FB70] =	vst v1;
	v1 =	vld [tilespmem:s24+$0x79D0];
	_ =	sdelay $0x4  }
0x64: {  	[tilespmem:$0x1FB80] =	vst v1;
	v1 =	vld [tilespmem:s24+$0xA1D0];
	_ =	sdelay $0x4  }
0x65: {  	[tilespmem:$0x1FB90] =	vst v1;
	v1 =	vld [tilespmem:s24+$0x79E0];
	_ =	sdelay $0x4  }
0x66: {  	[tilespmem:$0x1FC40] =	vst v1;
	v1 =	vld [tilespmem:s24+$0xA1E0];
	_ =	sdelay $0x4  }
0x67: {  	[tilespmem:$0x1FC50] =	vst v1;
	v1 =	vld [tilespmem:s24+$0x79F0];
	_ =	sdelay $0x4  }
0x68: {  	[tilespmem:$0x1FC60] =	vst v1;
	v1 =	vld [tilespmem:s24+$0xA1F0];
	_ =	sdelay $0x4  }
0x69: {  	[tilespmem:$0x1FC70] =	vst v1;
	v1 =	vld [tilespmem:s24+$0x7A30];
	_ =	sdelay $0x4  }
0x6a: {  	[tilespmem:$0x1FB20] =	vst v1;
	v1 =	vld [tilespmem:s24+$0xA230];
	_ =	sdelay $0x4  }
0x6b: {  	[tilespmem:$0x1FB30] =	vst v1;
	v1 =	vld [tilespmem:s24+$0x7A40];
	_ =	sdelay $0x4  }
0x6c: {  	[tilespmem:$0x1FBA0] =	vst v1;
	v1 =	vld [tilespmem:s24+$0xA240];
	_ =	sdelay $0x4  }
0x6d: {  	[tilespmem:$0x1FBB0] =	vst v1;
	v1 =	vld [tilespmem:s24+$0x7A50];
	_ =	sdelay $0x4  }
0x6e: {  	[tilespmem:$0x1FC00] =	vst v1;
	v1 =	vld [tilespmem:s24+$0xA250];
	_ =	sdelay $0x4  }
0x6f: {  	[tilespmem:$0x1FC10] =	vst v1;
	v1 =	vld [tilespmem:s24+$0x7A60];
	_ =	sdelay $0x4  }
0x70: {  	[tilespmem:$0x1FC80] =	vst v1;
	v1 =	vld [tilespmem:s24+$0xA260];
	_ =	sdelay $0x4  }
0x71: {  	[tilespmem:$0x1FC90] =	vst v1;
	v1 =	vld [tilespmem:s24+$0x7A70];
	_ =	sdelay $0x4  }
0x72: {  	[tilespmem:$0x1FD20] =	vst v1;
	v1 =	vld [tilespmem:s24+$0xA270];
	_ =	sdelay $0x4  }
0x73: {  	[tilespmem:$0x1FD30] =	vst v1;
	v1 =	vld [tilespmem:s24+$0x7A80];
	_ =	sdelay $0x4  }
0x74: {  	[tilespmem:$0x1FBC0] =	vst v1;
	v1 =	vld [tilespmem:s24+$0xA280];
	_ =	sdelay $0x4  }
0x75: {  	[tilespmem:$0x1FBD0] =	vst v1;
	v1 =	vld [tilespmem:s24+$0x7A90];
	_ =	sdelay $0x4  }
0x76: {  	[tilespmem:$0x1FBE0] =	vst v1;
	v1 =	vld [tilespmem:s24+$0xA290];
	_ =	sdelay $0x4  }
0x77: {  	[tilespmem:$0x1FBF0] =	vst v1;
	v1 =	vld [tilespmem:s24+$0x7AA0];
	_ =	sdelay $0x4  }
0x78: {  	[tilespmem:$0x1FC20] =	vst v1;
	v1 =	vld [tilespmem:s24+$0xA2A0];
	_ =	sdelay $0x4  }
0x79: {  	[tilespmem:$0x1FC30] =	vst v1;
	v1 =	vld [tilespmem:s24+$0x7AB0];
	_ =	sdelay $0x4  }
0x7a: {  	[tilespmem:$0x1FCA0] =	vst v1;
	v1 =	vld [tilespmem:s24+$0xA2B0];
	_ =	sdelay $0x4  }
0x7b: {  	[tilespmem:$0x1FCB0] =	vst v1;
	v1 =	vld [tilespmem:s24+$0x7AC0];
	_ =	sdelay $0x4  }
0x7c: {  	[tilespmem:$0x1FD00] =	vst v1;
	v1 =	vld [tilespmem:s24+$0xA2C0];
	_ =	sdelay $0x4  }
0x7d: {  	[tilespmem:$0x1FD10] =	vst v1;
	v1 =	vld [tilespmem:s24+$0x7AD0];
	_ =	sdelay $0x4  }
0x7e: {  	[tilespmem:$0x1FD60] =	vst v1;
	v1 =	vld [tilespmem:s24+$0xA2D0];
	_ =	sdelay $0x4  }
0x7f: {  	[tilespmem:$0x1FD70] =	vst v1;
	v1 =	vld [tilespmem:s24+$0x7AE0];
	_ =	sdelay $0x4  }
0x80: {  	[tilespmem:$0x1FDA0] =	vst v1;
	v1 =	vld [tilespmem:s24+$0xA2E0];
	_ =	sdelay $0x4  }
0x81: {  	[tilespmem:$0x1FDB0] =	vst v1;
	v1 =	vld [tilespmem:s24+$0x7AF0];
	_ =	sdelay $0x4  }
0x82: {  	[tilespmem:$0x1FE60] =	vst v1;
	v1 =	vld [tilespmem:s24+$0xA2F0];
	_ =	sdelay $0x4  }
0x83: {  	[tilespmem:$0x1FE70] =	vst v1;
	v1 =	vld [tilespmem:s24+$0x7B00];
	_ =	sdelay $0x4  }
0x84: {  	[tilespmem:$0x1FCC0] =	vst v1;
	v1 =	vld [tilespmem:s24+$0xA300];
	_ =	sdelay $0x4  }
0x85: {  	[tilespmem:$0x1FCD0] =	vst v1;
	v1 =	vld [tilespmem:s24+$0x7B10];
	_ =	sdelay $0x4  }
0x86: {  	[tilespmem:$0x1FCE0] =	vst v1;
	v1 =	vld [tilespmem:s24+$0xA310];
	_ =	sdelay $0x4  }
0x87: {  	[tilespmem:$0x1FCF0] =	vst v1;
	v1 =	vld [tilespmem:s24+$0x7B20];
	_ =	sdelay $0x4  }
0x88: {  	[tilespmem:$0x1FD40] =	vst v1;
	v1 =	vld [tilespmem:s24+$0xA320];
	_ =	sdelay $0x4  }
0x89: {  	[tilespmem:$0x1FD50] =	vst v1;
	v1 =	vld [tilespmem:s24+$0x7B30];
	_ =	sdelay $0x4  }
0x8a: {  	[tilespmem:$0x1FD80] =	vst v1;
	v1 =	vld [tilespmem:s24+$0xA330];
	_ =	sdelay $0x4  }
0x8b: {  	[tilespmem:$0x1FD90] =	vst v1;
	v1 =	vld [tilespmem:s24+$0x7B40];
	_ =	sdelay $0x4  }
0x8c: {  	[tilespmem:$0x1FDC0] =	vst v1;
	v1 =	vld [tilespmem:s24+$0xA340];
	_ =	sdelay $0x4  }
0x8d: {  	[tilespmem:$0x1FDD0] =	vst v1;
	v1 =	vld [tilespmem:s24+$0x7B50];
	_ =	sdelay $0x4  }
0x8e: {  	[tilespmem:$0x1FE40] =	vst v1;
	v1 =	vld [tilespmem:s24+$0xA350];
	_ =	sdelay $0x4  }
0x8f: {  	[tilespmem:$0x1FE50] =	vst v1;
	v1 =	vld [tilespmem:s24+$0x7B60];
	_ =	sdelay $0x4  }
0x90: {  	[tilespmem:$0x1FEB0] =	vst v1;
	v1 =	vld [tilespmem:s24+$0xA360];
	_ =	sdelay $0x4  }
0x91: {  	[tilespmem:$0x1FEC0] =	vst v1;
	v1 =	vld [tilespmem:s24+$0x7B70];
	_ =	sdelay $0x4  }
0x92: {  	[tilespmem:$0x1FF20] =	vst v1;
	v1 =	vld [tilespmem:s24+$0xA370];
	_ =	sdelay $0x4  }
0x93: {  	[tilespmem:$0x1FF30] =	vst v1;
	v1 =	vld [tilespmem:s24+$0x7B80];
	_ =	sdelay $0x4  }
0x94: {  	[tilespmem:$0x1FDE0] =	vst v1;
	v1 =	vld [tilespmem:s24+$0xA380];
	_ =	sdelay $0x4  }
0x95: {  	[tilespmem:$0x1FDF0] =	vst v1;
	v1 =	vld [tilespmem:s24+$0x7B90];
	_ =	sdelay $0x4  }
0x96: {  	[tilespmem:$0x1FE00] =	vst v1;
	v1 =	vld [tilespmem:s24+$0xA390];
	_ =	sdelay $0x4  }
0x97: {  	[tilespmem:$0x1FE10] =	vst v1;
	v1 =	vld [tilespmem:s24+$0x7BA0];
	_ =	sdelay $0x4  }
0x98: {  	[tilespmem:$0x1FE20] =	vst v1;
	v1 =	vld [tilespmem:s24+$0xA3A0];
	_ =	sdelay $0x4  }
0x99: {  	[tilespmem:$0x1FE30] =	vst v1;
	v1 =	vld [tilespmem:s24+$0x7BB0];
	_ =	sdelay $0x4  }
0x9a: {  	[tilespmem:$0x1FE80] =	vst v1;
	v1 =	vld [tilespmem:s24+$0xA3B0];
	_ =	sdelay $0x4  }
0x9b: {  	[tilespmem:$0x1FE90] =	vst v1;
	v1 =	vld [tilespmem:s24+$0x7BC0];
	_ =	sdelay $0x4  }
0x9c: {  	[tilespmem:$0x1FED0] =	vst v1;
	v1 =	vld [tilespmem:s24+$0xA3C0];
	_ =	sdelay $0x4  }
0x9d: {  	[tilespmem:$0x1FEE0] =	vst v1;
	v1 =	vld [tilespmem:s24+$0x7BD0];
	_ =	sdelay $0x4  }
0x9e: {  	[tilespmem:$0x1FF00] =	vst v1;
	v1 =	vld [tilespmem:s24+$0xA3D0];
	_ =	sdelay $0x4  }
0x9f: {  	[tilespmem:$0x1FF10] =	vst v1;
	v1 =	vld [tilespmem:s24+$0x7BE0];
	_ =	sdelay $0x4  }
0xa0: {  	[tilespmem:$0x1FF50] =	vst v1;
	v1 =	vld [tilespmem:s24+$0xA3E0];
	_ =	sdelay $0x4  }
0xa1: {  	[tilespmem:$0x1FF60] =	vst v1;
	v1 =	vld [tilespmem:s24+$0x7BF0];
	_ =	sdelay $0x4  }
0xa2: {  	[tilespmem:$0x1FF90] =	vst v1;
	v1 =	vld [tilespmem:s24+$0xA3F0];
	_ =	sdelay $0x4  }
0xa3: {  	[tilespmem:$0x1FFA0] =	vst v1;
	v1 =	vld [tilespmem:s24+$0x7C30];
	_ =	sdelay $0x4  }
0xa4: {  	[tilespmem:$0x1FEA0] =	vst v1;
	v1 =	vld [tilespmem:s24+$0x7C40];
	_ =	sdelay $0x2  }
0xa5: {  	v3 =	vld [tilespmem:s24+$0x7790]  }
0xa6: {  	v2 =	vld [tilespmem:s24+$0x9F90]  }
0xa7: {  	[tilespmem:$0x1FEF0] =	vst v1;
	v1 =	vld [tilespmem:s24+$0x7C50];
	_ =	sdelay $0x3  }
0xa8: {  	v2 =	vmul.f32 v2, v3;
	v3 =	vld [tilespmem:$0x1F840]  }
0xa9: {  	[tilespmem:$0x1FF40] =	vst v1;
	v1 =	vld [tilespmem:$0x1F830];
	_ =	sdelay $0x3  }
0xaa: {  	v18 =	vld [tilespmem:s24+$0x9EA0]  }
0xab: {  	v3 =	vmul.f32 v3, v1;
	v1 =	vld [tilespmem:s24+$0x7C60]  }
0xac: {  	v39 =	vld [tilespmem:s24+$0x76B0]  }
0xad: {  	v54 =	vld [tilespmem:s24+$0x9EB0]  }
0xae: {  	v53 =	vld [tilespmem:s24+$0x76C0]  }
0xaf: {  	v28 =	vld [tilespmem:s24+$0x9EC0]  }
0xb0: {  	[tilespmem:$0x1FF70] =	vst v1;
	v1 =	vld [tilespmem:s24+$0xA460]  }
0xb1: {  	v49 =	vld [tilespmem:s24+$0x76D0]  }
0xb2: {  	v16 =	vld [tilespmem:s24+$0x7700]  }
0xb3: {  	v15 =	vld [tilespmem:s24+$0x9F00]  }
0xb4: {  	v56 =	vld [tilespmem:s24+$0x9F50]  }
0xb5: {  	[tilespmem:$0x1FF80] =	vst v1;
	v1 =	vld [tilespmem:$0x1F850]  }
0xb6: {  	v45 =	vld [tilespmem:s24+$0x9ED0]  }
0xb7: {  	v13 =	vld [tilespmem:s24+$0x7710]  }
0xb8: {  	v12 =	vld [tilespmem:s24+$0x9F10]  }
0xb9: {  	v23 =	vld [tilespmem:s24+$0x7720];
	v40 =	vmul.f32 v47, v40;
	v14 =	vmul.f32 v14, v58  }
0xba: {  	v15 =	vmul.f32 v15, v16;
	v16 =	vmul.f32 v56, v1;
	v1 =	vld [tilespmem:s24+$0x7C70]  }
0xbb: {  	v20 =	vld [tilespmem:s24+$0x9F20];
	v18 =	vmul.f32 v18, v35;
	v14 =	vadd.f32 v14, v40  }
0xbc: {  	v24 =	vld [tilespmem:s24+$0x77B0]  }
0xbd: {  	v21 =	vld [tilespmem:s24+$0x9FB0];
	v14 =	vadd.f32 v18, v14;
	v18 =	vmul.f32 v54, v39  }
0xbe: {  	v48 =	vld [tilespmem:s24+$0x77C0]  }
0xbf: {  	v28 =	vmul.f32 v28, v53;
	v14 =	vadd.f32 v18, v14;
	[tilespmem:$0x1FFB0] =	vst v1;
	v1 =	vld [tilespmem:s24+$0xA470]  }
0xc0: {  	v43 =	vld [tilespmem:s24+$0x9FC0]  }
0xc1: {  	v7 =	vld [tilespmem:s24+$0x7810];
	v18 =	vadd.f32 v28, v14;
	v28 =	vmul.f32 v45, v49  }
0xc2: {  	v6 =	vld [tilespmem:s24+$0xA010]  }
0xc3: {  	v12 =	vmul.f32 v12, v13;
	v13 =	vadd.f32 v28, v18;
	v18 =	vmul.f32 v21, v24;
	v21 =	vld [tilespmem:$0x1F870]  }
0xc4: {  	[tilespmem:$0x1FFC0] =	vst v1;
	v1 =	vld [tilespmem:$0x1F860]  }
0xc5: {  	v59 =	vld [tilespmem:s24+$0x7730]  }
0xc6: {  	v29 =	vld [tilespmem:s24+$0x9F30]  }
0xc7: {  	v61 =	vld [tilespmem:s24+$0x7740]  }
0xc8: {  	v24 =	vmul.f32 v43, v48;
	v43 =	vld [tilespmem:$0x1F890]  }
0xc9: {  	v6 =	vmul.f32 v6, v7;
	v7 =	vmul.f32 v21, v1;
	v1 =	vld [tilespmem:$0x1F880]  }
0xca: {  	v51 =	vld [tilespmem:s24+$0x9F40]  }
0xcb: {  	v5 =	vld [tilespmem:s24+$0x7780]  }
0xcc: {  	v4 =	vld [tilespmem:s24+$0x9F80];
	v12 =	vadd.f32 v12, v15;
	v45 =	vmul.f32 v20, v23  }
0xcd: {  	v48 =	vld [tilespmem:$0x1F8B0]  }
0xce: {  	v49 =	vadd.f32 v45, v12;
	v45 =	vmul.f32 v43, v1;
	v1 =	vld [tilespmem:$0x1F8A0]  }
0xcf: {  	v11 =	vld [tilespmem:s24+$0x77A0]  }
0xd0: {  	v10 =	vld [tilespmem:s24+$0x9FA0]  }
0xd1: {  	v4 =	vmul.f32 v4, v5  }
0xd2: {  	v15 =	vmul.f32 v51, v61;
	v51 =	vld [tilespmem:$0x1F8D0]  }
0xd3: {  	v2 =	vadd.f32 v2, v4;
	v4 =	vmul.f32 v48, v1;
	v1 =	vld [tilespmem:$0x1F8C0];
	_ =	sdelay $0x1  }
0xd4: {  	v19 =	vld [tilespmem:s24+$0x7820];
	v59 =	vmul.f32 v29, v59;
	v14 =	vmul.f32 v10, v11  }
0xd5: {  	v17 =	vld [tilespmem:s24+$0xA020]  }
0xd6: {  	v2 =	vadd.f32 v14, v2;
	v5 =	vadd.f32 v59, v49;
	v59 =	vld [tilespmem:$0x1F8F0]  }
0xd7: {  	v56 =	vmul.f32 v51, v1;
	v1 =	vld [tilespmem:$0x1F8E0]  }
0xd8: {  	v2 =	vadd.f32 v18, v2;
	_ =	sdelay $0x1  }
0xd9: {  	v9 =	vld [tilespmem:s24+$0x7800];
	v2 =	vadd.f32 v24, v2  }
0xda: {  	v28 =	vmul.f32 v17, v19;
	v17 =	vld [tilespmem:$0x1F910]  }
0xdb: {  	v2 =	vadd.f32 v4, v2;
	v4 =	vmul.f32 v59, v1;
	v1 =	vld [tilespmem:$0x1F900]  }
0xdc: {  	v8 =	vld [tilespmem:s24+$0xA000]  }
0xdd: {  	v33 =	vld [tilespmem:s24+$0x7830]  }
0xde: {  	v30 =	vld [tilespmem:s24+$0xA030]  }
0xdf: {  	v19 =	vld [tilespmem:$0x1F930]  }
0xe0: {  	v2 =	vadd.f32 v4, v2;
	v4 =	vmul.f32 v17, v1;
	v1 =	vld [tilespmem:$0x1F920];
	_ =	sdelay $0x1  }
0xe1: {  	v44 =	vld [tilespmem:s24+$0x7880]  }
0xe2: {  	v34 =	vld [tilespmem:s24+$0xA080];
	v8 =	vmul.f32 v8, v9;
	v3 =	vadd.f32 v3, v13  }
0xe3: {  	v49 =	vmul.f32 v30, v33;
	v33 =	vld [tilespmem:$0x1F950]  }
0xe4: {  	v9 =	vadd.f32 v6, v8;
	v6 =	vadd.f32 v7, v3;
	v7 =	vmul.f32 v19, v1;
	v1 =	vld [tilespmem:$0x1F940];
	_ =	sdelay $0x3  }
0xe5: {  	v43 =	vld [tilespmem:$0x1F970]  }
0xe6: {  	v61 =	vmul.f32 v34, v44;
	v34 =	vmul.f32 v33, v1;
	v1 =	vld [tilespmem:$0x1F960];
	_ =	sdelay $0x1  }
0xe7: {  	v60 =	vld [tilespmem:s24+$0x7840];
	v3 =	vadd.f32 v28, v9  }
0xe8: {  	v50 =	vld [tilespmem:s24+$0xA040]  }
0xe9: {  	v3 =	vadd.f32 v49, v3;
	v49 =	vld [tilespmem:$0x1F990]  }
0xea: {  	v44 =	vmul.f32 v43, v1;
	v1 =	vld [tilespmem:$0x1F980];
	_ =	sdelay $0x1  }
0xeb: {  	v63 =	vld [tilespmem:s24+$0x78A0]  }
0xec: {  	v55 =	vld [tilespmem:s24+$0xA0A0]  }
0xed: {  	v51 =	vld [tilespmem:$0x1F9B0]  }
0xee: {  	v60 =	vmul.f32 v50, v60;
	v50 =	vmul.f32 v49, v1;
	v1 =	vld [tilespmem:$0x1F9A0];
	_ =	sdelay $0x1  }
0xef: {  	v57 =	vld [tilespmem:s24+$0x7890]  }
0xf0: {  	v32 =	vld [tilespmem:s24+$0xA090]  }
0xf1: {  	v5 =	vadd.f32 v15, v5;
	v28 =	vmul.f32 v55, v63;
	v55 =	vld [tilespmem:$0x1F9D0]  }
0xf2: {  	v11 =	vmul.f32 v51, v1;
	v1 =	vld [tilespmem:$0x1F9C0]  }
0xf3: {  	v5 =	vadd.f32 v16, v5;
	_ =	sdelay $0x1  }
0xf4: {  	v5 =	vadd.f32 v45, v5  }
0xf5: {  	v16 =	vmul.f32 v32, v57;
	v57 =	vld [tilespmem:$0x1F9F0]  }
0xf6: {  	v5 =	vadd.f32 v56, v5;
	v56 =	vmul.f32 v55, v1;
	v1 =	vld [tilespmem:$0x1F9E0];
	_ =	sdelay $0x1  }
0xf7: {  	v27 =	vld [tilespmem:s24+$0x7900]  }
0xf8: {  	v26 =	vld [tilespmem:s24+$0xA100]  }
0xf9: {  	v3 =	vadd.f32 v60, v3;
	v60 =	vld [tilespmem:$0x1FA10]  }
0xfa: {  	v59 =	vmul.f32 v57, v1;
	v1 =	vld [tilespmem:$0x1FA00];
	_ =	sdelay $0x1  }
0xfb: {  	v46 =	vld [tilespmem:s24+$0x7920]  }
0xfc: {  	v41 =	vld [tilespmem:s24+$0xA120]  }
0xfd: {  	v10 =	vadd.f32 v16, v61;
	v61 =	vld [tilespmem:$0x1FA30]  }
0xfe: {  	v30 =	vmul.f32 v26, v27;
	v26 =	vmul.f32 v60, v1;
	v1 =	vld [tilespmem:$0x1FA20];
	_ =	sdelay $0x1  }
0xff: {  	v25 =	vld [tilespmem:s24+$0x7910]  }
0x100: {  	v22 =	vld [tilespmem:s24+$0xA110]  }
0x101: {  	v48 =	vmul.f32 v41, v46;
	v41 =	vld [tilespmem:$0x1FA50]  }
0x102: {  	v63 =	vmul.f32 v61, v1;
	v1 =	vld [tilespmem:$0x1FA40]  }
0x103: {  	v10 =	vadd.f32 v28, v10;
	v3 =	vadd.f32 v4, v3;
	_ =	sdelay $0x1  }
0x104: {  	v3 =	vadd.f32 v7, v3;
	v10 =	vadd.f32 v44, v10  }
0x105: {  	v32 =	vmul.f32 v22, v25;
	v43 =	vld [tilespmem:$0x1FA70]  }
0x106: {  	v7 =	vadd.f32 v50, v3;
	v3 =	vadd.f32 v11, v10;
	v11 =	vmul.f32 v41, v1;
	v1 =	vld [tilespmem:$0x1FA60];
	_ =	sdelay $0x1  }
0x107: {  	v45 =	vadd.f32 v32, v30;
	_ =	sdelay $0x1  }
0x108: {  	v17 =	vadd.f32 v34, v2;
	v2 =	vadd.f32 v48, v45;
	v45 =	vld [tilespmem:$0x1FA90]  }
0x109: {  	v44 =	vmul.f32 v43, v1;
	v1 =	vld [tilespmem:$0x1FA80];
	_ =	sdelay $0x3  }
0x10a: {  	v46 =	vld [tilespmem:$0x1FAB0]  }
0x10b: {  	v2 =	vadd.f32 v56, v2;
	v27 =	vmul.f32 v45, v1;
	v1 =	vld [tilespmem:$0x1FAA0];
	_ =	sdelay $0x1  }
0x10c: {  	v2 =	vadd.f32 v63, v2;
	_ =	sdelay $0x1  }
0x10d: {  	v30 =	vadd.f32 v44, v2;
	v2 =	vld [tilespmem:$0x1FAD0]  }
0x10e: {  	v48 =	vmul.f32 v46, v1;
	v1 =	vld [tilespmem:$0x1FAC0];
	_ =	sdelay $0x4  }
0x10f: {  	v50 =	vmul.f32 v2, v1;
	v1 =	vld [tilespmem:$0x1FAE0]  }
0x110: {  	v2 =	vld [tilespmem:$0x1FAF0];
	_ =	sdelay $0x3  }
0x111: {  	v56 =	vld [tilespmem:$0x1FB10]  }
0x112: {  	v51 =	vmul.f32 v2, v1;
	v1 =	vld [tilespmem:$0x1FB00]  }
0x113: {  	v3 =	vadd.f32 v59, v3  }
0x114: {  	v62 =	vld [tilespmem:s24+$0x7A20]  }
0x115: {  	v52 =	vld [tilespmem:s24+$0xA220];
	v3 =	vadd.f32 v26, v3  }
0x116: {  	v60 =	vld [tilespmem:$0x1FB30]  }
0x117: {  	v2 =	vadd.f32 v11, v3;
	v11 =	vmul.f32 v56, v1;
	v1 =	vld [tilespmem:$0x1FB20];
	_ =	sdelay $0x1  }
0x118: {  	v38 =	vld [tilespmem:s24+$0x7A10]  }
0x119: {  	v31 =	vld [tilespmem:s24+$0xA210]  }
0x11a: {  	v55 =	vmul.f32 v52, v62;
	v62 =	vld [tilespmem:$0x1FB50]  }
0x11b: {  	v61 =	vmul.f32 v60, v1;
	v1 =	vld [tilespmem:$0x1FB40];
	_ =	sdelay $0x3  }
0x11c: {  	v31 =	vmul.f32 v31, v38;
	v38 =	vld [tilespmem:$0x1FB70]  }
0x11d: {  	v63 =	vmul.f32 v62, v1;
	v1 =	vld [tilespmem:$0x1FB60]  }
0x11e: {  	v27 =	vadd.f32 v48, v27;
	_ =	sdelay $0x1  }
0x11f: {  	v3 =	vadd.f32 v50, v27  }
0x120: {  	v43 =	vld [tilespmem:$0x1FB90]  }
0x121: {  	v3 =	vadd.f32 v11, v3;
	v11 =	vmul.f32 v38, v1;
	v1 =	vld [tilespmem:$0x1FB80];
	_ =	sdelay $0x2  }
0x122: {  	v42 =	vld [tilespmem:s24+$0x7A00]  }
0x123: {  	v59 =	vadd.f32 v51, v30;
	v51 =	vld [tilespmem:$0x1FBB0]  }
0x124: {  	v45 =	vmul.f32 v43, v1;
	v1 =	vld [tilespmem:$0x1FBA0]  }
0x125: {  	v37 =	vld [tilespmem:s24+$0xA200];
	_ =	sdelay $0x2  }
0x126: {  	v11 =	vadd.f32 v11, v3;
	v3 =	vld [tilespmem:$0x1FBD0]  }
0x127: {  	v52 =	vmul.f32 v51, v1;
	v1 =	vld [tilespmem:$0x1FBC0]  }
0x128: {  	v49 =	vmul.f32 v37, v42;
	_ =	sdelay $0x1  }
0x129: {  	v26 =	vadd.f32 v31, v49;
	_ =	sdelay $0x1  }
0x12a: {  	v26 =	vadd.f32 v55, v26;
	v55 =	vmul.f32 v3, v1;
	v1 =	vld [tilespmem:$0x1FBE0]  }
0x12b: {  	v3 =	vld [tilespmem:$0x1FBF0];
	_ =	sdelay $0x4  }
0x12c: {  	v56 =	vmul.f32 v3, v1;
	v1 =	vld [tilespmem:$0x1FC00]  }
0x12d: {  	v3 =	vadd.f32 v63, v59;
	v59 =	vld [tilespmem:$0x1FC10];
	_ =	sdelay $0x3  }
0x12e: {  	v60 =	vld [tilespmem:$0x1FC30]  }
0x12f: {  	v27 =	vmul.f32 v59, v1;
	v1 =	vld [tilespmem:$0x1FC20];
	_ =	sdelay $0x3  }
0x130: {  	v31 =	vadd.f32 v56, v55;
	v56 =	vld [tilespmem:$0x1FC50]  }
0x131: {  	v26 =	vadd.f32 v61, v26;
	v61 =	vmul.f32 v60, v1;
	v1 =	vld [tilespmem:$0x1FC40];
	_ =	sdelay $0x3  }
0x132: {  	v62 =	vld [tilespmem:$0x1FC70]  }
0x133: {  	v59 =	vmul.f32 v56, v1;
	v1 =	vld [tilespmem:$0x1FC60];
	_ =	sdelay $0x3  }
0x134: {  	v63 =	vld [tilespmem:$0x1FC90]  }
0x135: {  	v51 =	vmul.f32 v62, v1;
	v1 =	vld [tilespmem:$0x1FC80];
	_ =	sdelay $0x3  }
0x136: {  	v60 =	vld [tilespmem:$0x1FCB0]  }
0x137: {  	v11 =	vadd.f32 v45, v11;
	v45 =	vmul.f32 v63, v1;
	v1 =	vld [tilespmem:$0x1FCA0]  }
0x138: {  	v58 =	vld [tilespmem:s24+$0x7C00]  }
0x139: {  	v47 =	vld [tilespmem:s24+$0xA400]  }
0x13a: {  	v35 =	vld [tilespmem:s24+$0xA410]  }
0x13b: {  	v62 =	vld [tilespmem:$0x1FCD0]  }
0x13c: {  	v31 =	vadd.f32 v61, v31;
	v61 =	vmul.f32 v60, v1;
	v1 =	vld [tilespmem:$0x1FCC0]  }
0x13d: {  	v53 =	vld [tilespmem:s24+$0xA430]  }
0x13e: {  	v29 =	vld [tilespmem:s24+$0x7C80]  }
0x13f: {  	v40 =	vld [tilespmem:s24+$0x7C10]  }
0x140: {  	v63 =	vld [tilespmem:$0x1FCF0]  }
0x141: {  	v50 =	vmul.f32 v62, v1;
	v1 =	vld [tilespmem:$0x1FCE0]  }
0x142: {  	v8 =	vld [tilespmem:s24+$0x7C90]  }
0x143: {  	v54 =	vld [tilespmem:s24+$0x7C20]  }
0x144: {  	v39 =	vld [tilespmem:s24+$0xA420]  }
0x145: {  	v55 =	vadd.f32 v61, v31;
	v31 =	vld [tilespmem:$0x1FD10]  }
0x146: {  	v56 =	vmul.f32 v63, v1;
	v1 =	vld [tilespmem:$0x1FD00]  }
0x147: {  	v35 =	vmul.f32 v35, v40;
	v40 =	vld [tilespmem:s24+$0xA5A0];
	v26 =	vadd.f32 v52, v26  }
0x148: {  	v23 =	vld [tilespmem:s24+$0xA440]  }
0x149: {  	v20 =	vld [tilespmem:s24+$0xA450];
	v26 =	vadd.f32 v27, v26  }
0x14a: {  	v47 =	vmul.f32 v47, v58;
	v62 =	vld [tilespmem:$0x1FD30]  }
0x14b: {  	v52 =	vadd.f32 v45, v26;
	v45 =	vmul.f32 v31, v1;
	v1 =	vld [tilespmem:$0x1FD20]  }
0x14c: {  	v35 =	vadd.f32 v35, v47;
	v47 =	vld [tilespmem:s24+$0xA5B0]  }
0x14d: {  	v14 =	vld [tilespmem:s24+$0x7CB0]  }
0x14e: {  	v12 =	vld [tilespmem:s24+$0xA4F0]  }
0x14f: {  	v63 =	vld [tilespmem:$0x1FD50]  }
0x150: {  	v61 =	vmul.f32 v62, v1;
	v1 =	vld [tilespmem:$0x1FD40]  }
0x151: {  	v18 =	vld [tilespmem:s24+$0xA4A0]  }
0x152: {  	v24 =	vld [tilespmem:s24+$0xA4B0]  }
0x153: {  	v15 =	vld [tilespmem:s24+$0x7CC0]  }
0x154: {  	v28 =	vld [tilespmem:$0x1FD70]  }
0x155: {  	v50 =	vadd.f32 v56, v50;
	v56 =	vmul.f32 v63, v1;
	v1 =	vld [tilespmem:$0x1FD60]  }
0x156: {  	v13 =	vld [tilespmem:s24+$0xA490]  }
0x157: {  	v39 =	vmul.f32 v39, v54;
	v54 =	vld [tilespmem:$0x1FE60];
	v11 =	vadd.f32 v59, v11  }
0x158: {  	v58 =	vld [tilespmem:$0x1FE40]  }
0x159: {  	v26 =	vadd.f32 v51, v11;
	v11 =	vadd.f32 v61, v52;
	v61 =	vld [tilespmem:$0x1FD90]  }
0x15a: {  	v51 =	vadd.f32 v45, v55;
	v45 =	vmul.f32 v28, v1;
	v1 =	vld [tilespmem:$0x1FD80]  }
0x15b: {  	v8 =	vmul.f32 v13, v8;
	v13 =	vld [tilespmem:s24+$0x7DF0]  }
0x15c: {  	v22 =	vld [tilespmem:s24+$0xA4D0]  }
0x15d: {  	v25 =	vld [tilespmem:s24+$0xA4E0]  }
0x15e: {  	v63 =	vld [tilespmem:$0x1FDB0]  }
0x15f: {  	v52 =	vmul.f32 v61, v1;
	v1 =	vld [tilespmem:$0x1FDA0]  }
0x160: {  	v16 =	vld [tilespmem:s24+$0xA4C0]  }
0x161: {  	v9 =	vld [tilespmem:s24+$0x7CA0]  }
0x162: {  	v21 =	vld [tilespmem:s24+$0xA480]  }
0x163: {  	v51 =	vadd.f32 v45, v51;
	v45 =	vld [tilespmem:$0x1FDD0]  }
0x164: {  	v55 =	vmul.f32 v63, v1;
	v1 =	vld [tilespmem:$0x1FDC0]  }
0x165: {  	v32 =	vld [tilespmem:s24+$0x7D00]  }
0x166: {  	v9 =	vmul.f32 v18, v9;
	v18 =	vld [tilespmem:s24+$0x7E00]  }
0x167: {  	v4 =	vld [tilespmem:s24+$0x7CD0]  }
0x168: {  	v59 =	vld [tilespmem:$0x1FDF0]  }
0x169: {  	v61 =	vmul.f32 v45, v1;
	v1 =	vld [tilespmem:$0x1FDE0]  }
0x16a: {  	v19 =	vld [tilespmem:s24+$0x7CE0]  }
0x16b: {  	v33 =	vld [tilespmem:s24+$0x7D50]  }
0x16c: {  	v34 =	vld [tilespmem:s24+$0xA560];
	v50 =	vadd.f32 v56, v50  }
0x16d: {  	v45 =	vld [tilespmem:$0x1FE10]  }
0x16e: {  	v50 =	vadd.f32 v52, v50;
	v52 =	vmul.f32 v59, v1;
	v1 =	vld [tilespmem:$0x1FE00]  }
0x16f: {  	v42 =	vld [tilespmem:s24+$0x7D20]  }
0x170: {  	v37 =	vld [tilespmem:s24+$0x7D40]  }
0x171: {  	v50 =	vadd.f32 v61, v50;
	v61 =	vld [tilespmem:$0x1FE50]  }
0x172: {  	v57 =	vld [tilespmem:s24+$0xA500]  }
0x173: {  	v10 =	vld [tilespmem:s24+$0x7CF0];
	v1 =	vmul.f32 v45, v1  }
0x174: {  	v51 =	vadd.f32 v55, v51;
	v55 =	vld [tilespmem:$0x1FE30]  }
0x175: {  	v1 =	vadd.f32 v1, v52;
	v52 =	vld [tilespmem:$0x1FE20]  }
0x176: {  	v58 =	vmul.f32 v61, v58;
	v61 =	vld [tilespmem:$0x1FE70]  }
0x177: {  	v57 =	vmul.f32 v57, v32;
	v32 =	vld [tilespmem:s24+$0xA610]  }
0x178: {  	v49 =	vld [tilespmem:s24+$0xA530]  }
0x179: {  	v48 =	vld [tilespmem:s24+$0x7D30]  }
0x17a: {  	v28 =	vld [tilespmem:$0x1FEB0];
	v52 =	vmul.f32 v55, v52  }
0x17b: {  	v54 =	vmul.f32 v61, v54;
	v61 =	vld [tilespmem:$0x1FE90]  }
0x17c: {  	v1 =	vadd.f32 v52, v1;
	v52 =	vld [tilespmem:$0x1FE80]  }
0x17d: {  	v50 =	vadd.f32 v58, v50;
	v58 =	vld [tilespmem:$0x1FEC0]  }
0x17e: {  	v41 =	vld [tilespmem:s24+$0x7D10]  }
0x17f: {  	v44 =	vld [tilespmem:s24+$0xA510]  }
0x180: {  	v46 =	vld [tilespmem:s24+$0xA520]  }
0x181: {  	v48 =	vmul.f32 v49, v48;
	v49 =	vld [tilespmem:s24+$0x7E30];
	v52 =	vmul.f32 v61, v52  }
0x182: {  	v58 =	vmul.f32 v58, v28;
	v28 =	vld [tilespmem:$0x1FED0]  }
0x183: {  	v1 =	vadd.f32 v52, v1;
	v52 =	vld [tilespmem:$0x1FEE0]  }
0x184: {  	v30 =	vld [tilespmem:s24+$0x7D60]  }
0x185: {  	v38 =	vld [tilespmem:s24+$0xA550]  }
0x186: {  	v45 =	vld [tilespmem:$0x1FEA0]  }
0x187: {  	v50 =	vadd.f32 v58, v50;
	v58 =	vld [tilespmem:$0x1FF10]  }
0x188: {  	v52 =	vmul.f32 v52, v28;
	v28 =	vld [tilespmem:$0x1FF00]  }
0x189: {  	v51 =	vadd.f32 v54, v51;
	v54 =	vld [tilespmem:$0x1FEF0]  }
0x18a: {  	v43 =	vld [tilespmem:s24+$0xA540]  }
0x18b: {  	v27 =	vld [tilespmem:s24+$0x7D70]  }
0x18c: {  	v35 =	vadd.f32 v39, v35;
	v60 =	vld [tilespmem:s24+$0xA580];
	v39 =	vmul.f32 v53, v45  }
0x18d: {  	v1 =	vadd.f32 v52, v1;
	v52 =	vmul.f32 v58, v28;
	v58 =	vld [tilespmem:$0x1FF20]  }
0x18e: {  	v35 =	vadd.f32 v39, v35;
	v23 =	vmul.f32 v23, v54;
	v28 =	vld [tilespmem:$0x1FF30]  }
0x18f: {  	v31 =	vld [tilespmem:s24+$0xA570]  }
0x190: {  	v23 =	vadd.f32 v23, v35;
	v35 =	vld [tilespmem:$0x1FF40]  }
0x191: {  	v62 =	vld [tilespmem:s24+$0x7D80]  }
0x192: {  	v1 =	vadd.f32 v52, v1;
	v52 =	vld [tilespmem:$0x1FF60]  }
0x193: {  	v58 =	vmul.f32 v28, v58;
	v28 =	vld [tilespmem:$0x1FF50]  }
0x194: {  	v56 =	vld [tilespmem:s24+$0x7D90]  }
0x195: {  	v63 =	vld [tilespmem:s24+$0xA590];
	v20 =	vmul.f32 v20, v35  }
0x196: {  	v59 =	vld [tilespmem:s24+$0x7DA0]  }
0x197: {  	v20 =	vadd.f32 v20, v23;
	v23 =	vld [tilespmem:$0x1FF70]  }
0x198: {  	v21 =	vmul.f32 v21, v29;
	v29 =	vmul.f32 v52, v28;
	v52 =	vld [tilespmem:$0x1FF80]  }
0x199: {  	v53 =	vld [tilespmem:s24+$0xA5C0]  }
0x19a: {  	v45 =	vld [tilespmem:s24+$0x7DD0]  }
0x19b: {  	v55 =	vld [tilespmem:s24+$0x7DB0]  }
0x19c: {  	v50 =	vadd.f32 v58, v50;
	v58 =	vld [tilespmem:$0x1FF90]  }
0x19d: {  	v23 =	vmul.f32 v52, v23;
	v52 =	vld [tilespmem:$0x1FFA0]  }
0x19e: {  	v39 =	vld [tilespmem:s24+$0xA5D0]  }
0x19f: {  	v4 =	vmul.f32 v22, v4;
	v10 =	vmul.f32 v12, v10;
	v28 =	vld [tilespmem:s24+$0xA5F0]  }
0x1a0: {  	v42 =	vmul.f32 v46, v42;
	v46 =	vmul.f32 v25, v19;
	v54 =	vld [tilespmem:s24+$0x7DE0]  }
0x1a1: {  	v56 =	vmul.f32 v63, v56;
	v63 =	vmul.f32 v40, v59;
	v1 =	vadd.f32 v29, v1;
	v29 =	vld [tilespmem:$0x1FFB0]  }
0x1a2: {  	v8 =	vadd.f32 v8, v21;
	v40 =	vmul.f32 v43, v37;
	v21 =	vmul.f32 v52, v58;
	v58 =	vld [tilespmem:$0x1FFC0]  }
0x1a3: {  	v59 =	vmul.f32 v34, v30;
	v61 =	vld [tilespmem:s24+$0x7DC0];
	v37 =	vperm.xlane v50, v0  }
0x1a4: {  	v8 =	vadd.f32 v9, v8;
	v35 =	vld [tilespmem:s24+$0xA5E0];
	v22 =	vmul.f32 v28, v13;
	v52 =	vmul.f32 v24, v14  }
0x1a5: {  	v20 =	vadd.f32 v23, v20;
	v23 =	vld [tilespmem:s24+$0xA600];
	v24 =	vperm.xlane v6, v0;
	v1 =	vadd.f32 v21, v1  }
0x1a6: {  	v14 =	vld [tilespmem:s24+$0x7E10];
	v8 =	vadd.f32 v52, v8;
	v52 =	vmul.f32 v60, v62;
	v21 =	vmul.f32 v31, v27  }
0x1a7: {  	v60 =	vld [tilespmem:s24+$0x7E40];
	v27 =	vperm.xlane v51, v0;
	v29 =	vmul.f32 v58, v29  }
0x1a8: {  	v30 =	vsel vm2, v24, v51;
	v31 =	vperm.xlane v17, v0;
	v58 =	vmul.f32 v44, v41;
	v44 =	vld [tilespmem:s24+$0xA620]  }
0x1a9: {  	v62 =	vadd.f32 v56, v52;
	v20 =	vadd.f32 v29, v20;
	v29 =	vmul.f32 v16, v15;
	v15 =	vld [tilespmem:s24+$0x7E20]  }
0x1aa: {  	v52 =	vmul.f32 v53, v61;
	v6 =	vsel vm2, v6, v27;
	v41 =	vadd.f32 v58, v57;
	v57 =	vld [tilespmem:s24+$0xA630]  }
0x1ab: {  	v61 =	vmul.f32 v35, v54;
	v14 =	vmul.f32 v32, v14;
	v32 =	vld [tilespmem:s24+$0xA640];
	v6 =	vadd.f32 v6, v30  }
0x1ac: {  	v35 =	vperm.xlane v26, v0;
	v43 =	vadd.f32 v63, v62;
	v8 =	vadd.f32 v29, v8  }
0x1ad: {  	v58 =	vmul.f32 v23, v18;
	v16 =	vadd.f32 v42, v41;
	v29 =	vperm.xlane v2, v0  }
0x1ae: {  	v53 =	vld [tilespmem:s24+$0xA660];
	v4 =	vadd.f32 v4, v8;
	v41 =	vmul.f32 v44, v15;
	v44 =	vmul.f32 v47, v55  }
0x1af: {  	v56 =	vld [tilespmem:s24+$0x7E70];
	v16 =	vadd.f32 v48, v16;
	v47 =	vmul.f32 v57, v49;
	v49 =	vmul.f32 v38, v33  }
0x1b0: {  	v42 =	vld [tilespmem:s24+$0x7E50];
	v8 =	vadd.f32 v14, v58;
	v55 =	vmul.f32 v32, v60;
	v57 =	vmul.f32 v39, v45  }
0x1b1: {  	v48 =	vld [tilespmem:s24+$0x7E60];
	v32 =	vperm.xlane v1, v0;
	v1 =	vsel vm2, v31, v1;
	v38 =	vperm.xlane v5, v0  }
0x1b2: {  	v58 =	vld [tilespmem:s24+$0xA670];
	v5 =	vsel vm2, v5, v37;
	v4 =	vadd.f32 v46, v4;
	v16 =	vadd.f32 v40, v16  }
0x1b3: {  	v46 =	vld [tilespmem:s24+$0xA650];
	v40 =	vperm.xlane v3, v0;
	v8 =	vadd.f32 v41, v8;
	v9 =	vadd.f32 v44, v43  }
0x1b4: {  	v34 =	vsel vm2, v17, v32;
	v41 =	vperm.xlane v7, v0;
	v16 =	vadd.f32 v49, v16  }
0x1b5: {  	v44 =	vperm.xlane v11, v0;
	v4 =	vadd.f32 v10, v4;
	v1 =	vadd.f32 v34, v1  }
0x1b6: {  	v10 =	vsel vm2, v38, v50;
	v8 =	vadd.f32 v47, v8;
	v9 =	vadd.f32 v52, v9  }
0x1b7: {  	v63 =	vmul.f32 v53, v48;
	v23 =	vmul.f32 v58, v56;
	v5 =	vadd.f32 v5, v10  }
0x1b8: {  	v45 =	vsel vm2, v41, v20;
	v8 =	vadd.f32 v55, v8;
	v60 =	vmul.f32 v46, v42  }
0x1b9: {  	v62 =	vadd.f32 v59, v16;
	v28 =	vperm.xlane v4, v0;
	v9 =	vadd.f32 v57, v9  }
0x1ba: {  	v4 =	vsel vm2, v29, v4;
	v49 =	vperm.xlane v1, v36;
	v8 =	vadd.f32 v60, v8  }
0x1bb: {  	v42 =	vperm.xlane v20, v0;
	v46 =	vperm.xlane v6, v36;
	v9 =	vadd.f32 v61, v9  }
0x1bc: {  	v25 =	vadd.f32 v21, v62;
	v2 =	vsel vm2, v2, v28;
	v8 =	vadd.f32 v63, v8  }
0x1bd: {  	v50 =	vperm.xlane v5, v36;
	v2 =	vadd.f32 v2, v4;
	v9 =	vadd.f32 v22, v9  }
0x1be: {  	v7 =	vsel vm2, v7, v42;
	v39 =	vperm.xlane v25, v0;
	v8 =	vadd.f32 v23, v8  }
0x1bf: {  	v7 =	vadd.f32 v7, v45;
	v47 =	vperm.xlane v2, v36;
	v33 =	vperm.xlane v9, v0  }
0x1c0: {  	v2 =	vsel vm0, v46, v2;
	v3 =	vsel vm2, v3, v39;
	v43 =	vperm.xlane v8, v0  }
0x1c1: {  	v9 =	vsel vm2, v35, v9;
	v4 =	vsel vm2, v26, v33;
	v8 =	vsel vm2, v44, v8  }
0x1c2: {  	v4 =	vadd.f32 v4, v9;
	v9 =	vsel vm2, v40, v25;
	v11 =	vsel vm2, v11, v43  }
0x1c3: {  	v6 =	vsel vm0, v6, v47;
	v3 =	vadd.f32 v3, v9;
	v8 =	vadd.f32 v11, v8  }
0x1c4: {  	v57 =	vld [tilespmem:$0x1FFE0];
	v52 =	vperm.xlane v7, v36;
	v2 =	vadd.f32 v6, v2;
	v48 =	vperm.xlane v4, v36  }
0x1c5: {  	v4 =	vsel vm0, v49, v4;
	v51 =	vperm.xlane v3, v36;
	v53 =	vperm.xlane v8, v36  }
0x1c6: {  	v3 =	vsel vm0, v50, v3;
	v1 =	vsel vm0, v1, v48;
	v56 =	vsel vm0, v52, v8  }
0x1c7: {  	v1 =	vadd.f32 v1, v4;
	v54 =	vsel vm0, v5, v51;
	v55 =	vsel vm0, v7, v53  }
0x1c8: {  	v3 =	vadd.f32 v54, v3;
	v58 =	vadd.f32 v55, v56  }
0x1c9: {  	v59 =	vperm.xlane v2, v57;
	v60 =	vperm.xlane v1, v57  }
0x1ca: {  	v63 =	vld [tilespmem:$0x1FFF0];
	v61 =	vperm.xlane v3, v57;
	v62 =	vperm.xlane v58, v57  }
0x1cb: {  	v1 =	vsel vm1, v59, v1  }
0x1cc: {  	v2 =	vsel vm1, v2, v60;
	v4 =	vsel vm1, v61, v58;
	v3 =	vsel vm1, v3, v62  }
0x1cd: {  	v1 =	vadd.f32 v2, v1;
	v2 =	vadd.f32 v3, v4;
	_ =	sdelay $0x1  }
0x1ce: {  	v3 =	vperm.xlane v1, v63;
	v4 =	vperm.xlane v2, v63;
	_ =	sdelay $0x1  }
0x1cf: {  	v2 =	vsel vm3, v3, v2;
	v1 =	vsel vm3, v1, v4  }
0x1d0: {  	v1 =	vadd.f32 v2, v1;
	v2 =	vld [tilespmem:$0x1FFD0];
	_ =	sdelay $0x2  }
0x1d1: {  	p0 =	slt.u32 s23, $0x40  }
.Ltmp0:
0x1d2: {  	_ = 	snop;
	(pc) =	sbr.rel @p0 .LBB2_3-.Ltmp0, $3  }
0x1d3: {  	_ =	sdelay $0x1  }
0x1d4: {  	s31 =	sadd.s32 $0x10, s23  }
0x1d5: {  	[tilespmem:v2+s23+$0x0 ss:$0x1] =	vst.idx.msk $0xffff, v1;
	s23 =	smov.u32 s31  }
0x1d6: {  	s23 =	sshll.u32 s22, $0x1  }
0x1d7: {  	s24 =	smin.u32 s23, $0x7A  }
0x1d8: {  	s24 =	smul.u32 $0x50, s24;
	_ =	sdelay $0x1  }
0x1d9: {  	s25 =	sadd.s32 $0xA0, s24  }
0x1da: {  	[tilespmem:s11], [sflag:$0x1] =	stream.indirect.gather [hbm4b:s0+s10], $0x80, s25, s10, $0xb8;
	[tilespmem:$0x11680] =	vst v63  }
0x1db: {  	s30 =	sshllo.u32 s22, $0x1;
	s24 =	sadd.s32 $0x2820, s24  }
0x1dc: {  	[tilespmem:s12], [sflag:$0x2] =	stream.indirect.gather [hbm4b:s0+s10], $0x80, s24, s10, $0xb8;
	[tilespmem:$0x11680] =	vst v63  }
0x1dd: {  	s24 =	smin.u32 s30, $0x7C  }
0x1de: {  	_ =	swait.ge [sflag:s18], $0x2800;
	s24 =	smul.u32 $0x140, s24  }
0x1df: {  	[sflag:s18] =	ssyncset.done $0x0  }
0x1e0: {  	[sflag:s18] =	ssyncadd.s32 $0xFFFFD800;
	s24 =	sshrl.u32 s24, $0x2  }
0x1e1: {  	_ =	swait.ge [sflag:s19], $0x2800;
	s31 =	sadd.s32 $0x4F00, s24  }
0x1e2: {  	[sflag:s19] =	ssyncset.done $0x0;
	v1 =	vmov s31  }
0x1e3: {  	s24 =	simm.s32 $0x0;
	[sflag:s19] =	ssyncadd.s32 $0xFFFFD800;
	[tilespmem:$0x1F820] =	vst v1  }
.LBB2_5:
0x1e4: {  	s25 =	sshll.u32 s24, $0x7  }
0x1e5: {  	v40 =	vld [tilespmem:s25+$0xC680]  }
0x1e6: {  	v47 =	vld [tilespmem:s25+$0xEE80]  }
0x1e7: {  	v58 =	vld [tilespmem:s25+$0xC690]  }
0x1e8: {  	v14 =	vld [tilespmem:s25+$0xEE90]  }
0x1e9: {  	v35 =	vld [tilespmem:s25+$0xC6A0]  }
0x1ea: {  	v1 =	vld [tilespmem:s25+$0xC6E0];
	_ =	sdelay $0x4  }
0x1eb: {  	[tilespmem:$0x1F080] =	vst v1;
	v1 =	vld [tilespmem:s25+$0xEEE0];
	_ =	sdelay $0x4  }
0x1ec: {  	[tilespmem:$0x1F090] =	vst v1;
	v1 =	vld [tilespmem:s25+$0xC6F0];
	_ =	sdelay $0x4  }
0x1ed: {  	[tilespmem:$0x1F0B0] =	vst v1;
	v1 =	vld [tilespmem:s25+$0xEEF0];
	_ =	sdelay $0x4  }
0x1ee: {  	[tilespmem:$0x1F0C0] =	vst v1;
	v1 =	vld [tilespmem:s25+$0xC750];
	_ =	sdelay $0x4  }
0x1ef: {  	[tilespmem:$0x1F0A0] =	vst v1;
	v1 =	vld [tilespmem:s25+$0xC760];
	_ =	sdelay $0x4  }
0x1f0: {  	[tilespmem:$0x1F0D0] =	vst v1;
	v1 =	vld [tilespmem:s25+$0xEF60];
	_ =	sdelay $0x4  }
0x1f1: {  	[tilespmem:$0x1F0E0] =	vst v1;
	v1 =	vld [tilespmem:s25+$0xC770];
	_ =	sdelay $0x4  }
0x1f2: {  	[tilespmem:$0x1F110] =	vst v1;
	v1 =	vld [tilespmem:s25+$0xEF70];
	_ =	sdelay $0x4  }
0x1f3: {  	[tilespmem:$0x1F120] =	vst v1;
	v1 =	vld [tilespmem:s25+$0xC7D0];
	_ =	sdelay $0x4  }
0x1f4: {  	[tilespmem:$0x1F0F0] =	vst v1;
	v1 =	vld [tilespmem:s25+$0xEFD0];
	_ =	sdelay $0x4  }
0x1f5: {  	[tilespmem:$0x1F100] =	vst v1;
	v1 =	vld [tilespmem:s25+$0xC7E0];
	_ =	sdelay $0x4  }
0x1f6: {  	[tilespmem:$0x1F130] =	vst v1;
	v1 =	vld [tilespmem:s25+$0xEFE0];
	_ =	sdelay $0x4  }
0x1f7: {  	[tilespmem:$0x1F140] =	vst v1;
	v1 =	vld [tilespmem:s25+$0xC7F0];
	_ =	sdelay $0x4  }
0x1f8: {  	[tilespmem:$0x1F190] =	vst v1;
	v1 =	vld [tilespmem:s25+$0xEFF0];
	_ =	sdelay $0x4  }
0x1f9: {  	[tilespmem:$0x1F1A0] =	vst v1;
	v1 =	vld [tilespmem:s25+$0xC850];
	_ =	sdelay $0x4  }
0x1fa: {  	[tilespmem:$0x1F150] =	vst v1;
	v1 =	vld [tilespmem:s25+$0xF050];
	_ =	sdelay $0x4  }
0x1fb: {  	[tilespmem:$0x1F160] =	vst v1;
	v1 =	vld [tilespmem:s25+$0xC860];
	_ =	sdelay $0x4  }
0x1fc: {  	[tilespmem:$0x1F170] =	vst v1;
	v1 =	vld [tilespmem:s25+$0xF060];
	_ =	sdelay $0x4  }
0x1fd: {  	[tilespmem:$0x1F180] =	vst v1;
	v1 =	vld [tilespmem:s25+$0xC870];
	_ =	sdelay $0x4  }
0x1fe: {  	[tilespmem:$0x1F1D0] =	vst v1;
	v1 =	vld [tilespmem:s25+$0xF070];
	_ =	sdelay $0x4  }
0x1ff: {  	[tilespmem:$0x1F1E0] =	vst v1;
	v1 =	vld [tilespmem:s25+$0xC8B0];
	_ =	sdelay $0x4  }
0x200: {  	[tilespmem:$0x1F1B0] =	vst v1;
	v1 =	vld [tilespmem:s25+$0xF0B0];
	_ =	sdelay $0x4  }
0x201: {  	[tilespmem:$0x1F1C0] =	vst v1;
	v1 =	vld [tilespmem:s25+$0xC8C0];
	_ =	sdelay $0x4  }
0x202: {  	[tilespmem:$0x1F1F0] =	vst v1;
	v1 =	vld [tilespmem:s25+$0xF0C0];
	_ =	sdelay $0x4  }
0x203: {  	[tilespmem:$0x1F200] =	vst v1;
	v1 =	vld [tilespmem:s25+$0xC8D0];
	_ =	sdelay $0x4  }
0x204: {  	[tilespmem:$0x1F230] =	vst v1;
	v1 =	vld [tilespmem:s25+$0xF0D0];
	_ =	sdelay $0x4  }
0x205: {  	[tilespmem:$0x1F240] =	vst v1;
	v1 =	vld [tilespmem:s25+$0xC8E0];
	_ =	sdelay $0x4  }
0x206: {  	[tilespmem:$0x1F250] =	vst v1;
	v1 =	vld [tilespmem:s25+$0xF0E0];
	_ =	sdelay $0x4  }
0x207: {  	[tilespmem:$0x1F260] =	vst v1;
	v1 =	vld [tilespmem:s25+$0xC8F0];
	_ =	sdelay $0x4  }
0x208: {  	[tilespmem:$0x1F290] =	vst v1;
	v1 =	vld [tilespmem:s25+$0xF0F0];
	_ =	sdelay $0x4  }
0x209: {  	[tilespmem:$0x1F2A0] =	vst v1;
	v1 =	vld [tilespmem:s25+$0xC930];
	_ =	sdelay $0x4  }
0x20a: {  	[tilespmem:$0x1F210] =	vst v1;
	v1 =	vld [tilespmem:s25+$0xF130];
	_ =	sdelay $0x4  }
0x20b: {  	[tilespmem:$0x1F220] =	vst v1;
	v1 =	vld [tilespmem:s25+$0xC940];
	_ =	sdelay $0x4  }
0x20c: {  	[tilespmem:$0x1F270] =	vst v1;
	v1 =	vld [tilespmem:s25+$0xF140];
	_ =	sdelay $0x4  }
0x20d: {  	[tilespmem:$0x1F280] =	vst v1;
	v1 =	vld [tilespmem:s25+$0xC950];
	_ =	sdelay $0x4  }
0x20e: {  	[tilespmem:$0x1F2B0] =	vst v1;
	v1 =	vld [tilespmem:s25+$0xF150];
	_ =	sdelay $0x4  }
0x20f: {  	[tilespmem:$0x1F2C0] =	vst v1;
	v1 =	vld [tilespmem:s25+$0xC960];
	_ =	sdelay $0x4  }
0x210: {  	[tilespmem:$0x1F330] =	vst v1;
	v1 =	vld [tilespmem:s25+$0xF160];
	_ =	sdelay $0x4  }
0x211: {  	[tilespmem:$0x1F340] =	vst v1;
	v1 =	vld [tilespmem:s25+$0xC970];
	_ =	sdelay $0x4  }
0x212: {  	[tilespmem:$0x1F390] =	vst v1;
	v1 =	vld [tilespmem:s25+$0xF170];
	_ =	sdelay $0x4  }
0x213: {  	[tilespmem:$0x1F3A0] =	vst v1;
	v1 =	vld [tilespmem:s25+$0xC980];
	_ =	sdelay $0x4  }
0x214: {  	[tilespmem:$0x1F2D0] =	vst v1;
	v1 =	vld [tilespmem:s25+$0xF180];
	_ =	sdelay $0x4  }
0x215: {  	[tilespmem:$0x1F2E0] =	vst v1;
	v1 =	vld [tilespmem:s25+$0xC990];
	_ =	sdelay $0x4  }
0x216: {  	[tilespmem:$0x1F2F0] =	vst v1;
	v1 =	vld [tilespmem:s25+$0xF190];
	_ =	sdelay $0x4  }
0x217: {  	[tilespmem:$0x1F300] =	vst v1;
	v1 =	vld [tilespmem:s25+$0xC9A0];
	_ =	sdelay $0x4  }
0x218: {  	[tilespmem:$0x1F310] =	vst v1;
	v1 =	vld [tilespmem:s25+$0xF1A0];
	_ =	sdelay $0x4  }
0x219: {  	[tilespmem:$0x1F320] =	vst v1;
	v1 =	vld [tilespmem:s25+$0xC9B0];
	_ =	sdelay $0x4  }
0x21a: {  	[tilespmem:$0x1F350] =	vst v1;
	v1 =	vld [tilespmem:s25+$0xF1B0];
	_ =	sdelay $0x4  }
0x21b: {  	[tilespmem:$0x1F360] =	vst v1;
	v1 =	vld [tilespmem:s25+$0xC9C0];
	_ =	sdelay $0x4  }
0x21c: {  	[tilespmem:$0x1F3B0] =	vst v1;
	v1 =	vld [tilespmem:s25+$0xF1C0];
	_ =	sdelay $0x4  }
0x21d: {  	[tilespmem:$0x1F3C0] =	vst v1;
	v1 =	vld [tilespmem:s25+$0xC9D0];
	_ =	sdelay $0x4  }
0x21e: {  	[tilespmem:$0x1F3D0] =	vst v1;
	v1 =	vld [tilespmem:s25+$0xF1D0];
	_ =	sdelay $0x4  }
0x21f: {  	[tilespmem:$0x1F3E0] =	vst v1;
	v1 =	vld [tilespmem:s25+$0xC9E0];
	_ =	sdelay $0x4  }
0x220: {  	[tilespmem:$0x1F490] =	vst v1;
	v1 =	vld [tilespmem:s25+$0xF1E0];
	_ =	sdelay $0x4  }
0x221: {  	[tilespmem:$0x1F4A0] =	vst v1;
	v1 =	vld [tilespmem:s25+$0xC9F0];
	_ =	sdelay $0x4  }
0x222: {  	[tilespmem:$0x1F4B0] =	vst v1;
	v1 =	vld [tilespmem:s25+$0xF1F0];
	_ =	sdelay $0x4  }
0x223: {  	[tilespmem:$0x1F4C0] =	vst v1;
	v1 =	vld [tilespmem:s25+$0xCA30];
	_ =	sdelay $0x4  }
0x224: {  	[tilespmem:$0x1F370] =	vst v1;
	v1 =	vld [tilespmem:s25+$0xF230];
	_ =	sdelay $0x4  }
0x225: {  	[tilespmem:$0x1F380] =	vst v1;
	v1 =	vld [tilespmem:s25+$0xCA40];
	_ =	sdelay $0x4  }
0x226: {  	[tilespmem:$0x1F3F0] =	vst v1;
	v1 =	vld [tilespmem:s25+$0xF240];
	_ =	sdelay $0x4  }
0x227: {  	[tilespmem:$0x1F400] =	vst v1;
	v1 =	vld [tilespmem:s25+$0xCA50];
	_ =	sdelay $0x4  }
0x228: {  	[tilespmem:$0x1F450] =	vst v1;
	v1 =	vld [tilespmem:s25+$0xF250];
	_ =	sdelay $0x4  }
0x229: {  	[tilespmem:$0x1F460] =	vst v1;
	v1 =	vld [tilespmem:s25+$0xCA60];
	_ =	sdelay $0x4  }
0x22a: {  	[tilespmem:$0x1F4D0] =	vst v1;
	v1 =	vld [tilespmem:s25+$0xF260];
	_ =	sdelay $0x4  }
0x22b: {  	[tilespmem:$0x1F4E0] =	vst v1;
	v1 =	vld [tilespmem:s25+$0xCA70];
	_ =	sdelay $0x4  }
0x22c: {  	[tilespmem:$0x1F570] =	vst v1;
	v1 =	vld [tilespmem:s25+$0xF270];
	_ =	sdelay $0x4  }
0x22d: {  	[tilespmem:$0x1F580] =	vst v1;
	v1 =	vld [tilespmem:s25+$0xCA80];
	_ =	sdelay $0x4  }
0x22e: {  	[tilespmem:$0x1F410] =	vst v1;
	v1 =	vld [tilespmem:s25+$0xF280];
	_ =	sdelay $0x4  }
0x22f: {  	[tilespmem:$0x1F420] =	vst v1;
	v1 =	vld [tilespmem:s25+$0xCA90];
	_ =	sdelay $0x4  }
0x230: {  	[tilespmem:$0x1F430] =	vst v1;
	v1 =	vld [tilespmem:s25+$0xF290];
	_ =	sdelay $0x4  }
0x231: {  	[tilespmem:$0x1F440] =	vst v1;
	v1 =	vld [tilespmem:s25+$0xCAA0];
	_ =	sdelay $0x4  }
0x232: {  	[tilespmem:$0x1F470] =	vst v1;
	v1 =	vld [tilespmem:s25+$0xF2A0];
	_ =	sdelay $0x4  }
0x233: {  	[tilespmem:$0x1F480] =	vst v1;
	v1 =	vld [tilespmem:s25+$0xCAB0];
	_ =	sdelay $0x4  }
0x234: {  	[tilespmem:$0x1F4F0] =	vst v1;
	v1 =	vld [tilespmem:s25+$0xF2B0];
	_ =	sdelay $0x4  }
0x235: {  	[tilespmem:$0x1F500] =	vst v1;
	v1 =	vld [tilespmem:s25+$0xCAC0];
	_ =	sdelay $0x4  }
0x236: {  	[tilespmem:$0x1F550] =	vst v1;
	v1 =	vld [tilespmem:s25+$0xF2C0];
	_ =	sdelay $0x4  }
0x237: {  	[tilespmem:$0x1F560] =	vst v1;
	v1 =	vld [tilespmem:s25+$0xCAD0];
	_ =	sdelay $0x4  }
0x238: {  	[tilespmem:$0x1F5B0] =	vst v1;
	v1 =	vld [tilespmem:s25+$0xF2D0];
	_ =	sdelay $0x4  }
0x239: {  	[tilespmem:$0x1F5C0] =	vst v1;
	v1 =	vld [tilespmem:s25+$0xCAE0];
	_ =	sdelay $0x4  }
0x23a: {  	[tilespmem:$0x1F5F0] =	vst v1;
	v1 =	vld [tilespmem:s25+$0xF2E0];
	_ =	sdelay $0x4  }
0x23b: {  	[tilespmem:$0x1F600] =	vst v1;
	v1 =	vld [tilespmem:s25+$0xCAF0];
	_ =	sdelay $0x4  }
0x23c: {  	[tilespmem:$0x1F6B0] =	vst v1;
	v1 =	vld [tilespmem:s25+$0xF2F0];
	_ =	sdelay $0x4  }
0x23d: {  	[tilespmem:$0x1F6C0] =	vst v1;
	v1 =	vld [tilespmem:s25+$0xCB00];
	_ =	sdelay $0x4  }
0x23e: {  	[tilespmem:$0x1F510] =	vst v1;
	v1 =	vld [tilespmem:s25+$0xF300];
	_ =	sdelay $0x4  }
0x23f: {  	[tilespmem:$0x1F520] =	vst v1;
	v1 =	vld [tilespmem:s25+$0xCB10];
	_ =	sdelay $0x4  }
0x240: {  	[tilespmem:$0x1F530] =	vst v1;
	v1 =	vld [tilespmem:s25+$0xF310];
	_ =	sdelay $0x4  }
0x241: {  	[tilespmem:$0x1F540] =	vst v1;
	v1 =	vld [tilespmem:s25+$0xCB20];
	_ =	sdelay $0x4  }
0x242: {  	[tilespmem:$0x1F590] =	vst v1;
	v1 =	vld [tilespmem:s25+$0xF320];
	_ =	sdelay $0x4  }
0x243: {  	[tilespmem:$0x1F5A0] =	vst v1;
	v1 =	vld [tilespmem:s25+$0xCB30];
	_ =	sdelay $0x4  }
0x244: {  	[tilespmem:$0x1F5D0] =	vst v1;
	v1 =	vld [tilespmem:s25+$0xF330];
	_ =	sdelay $0x4  }
0x245: {  	[tilespmem:$0x1F5E0] =	vst v1;
	v1 =	vld [tilespmem:s25+$0xCB40];
	_ =	sdelay $0x4  }
0x246: {  	[tilespmem:$0x1F610] =	vst v1;
	v1 =	vld [tilespmem:s25+$0xF340];
	_ =	sdelay $0x4  }
0x247: {  	[tilespmem:$0x1F620] =	vst v1;
	v1 =	vld [tilespmem:s25+$0xCB50];
	_ =	sdelay $0x4  }
0x248: {  	[tilespmem:$0x1F690] =	vst v1;
	v1 =	vld [tilespmem:s25+$0xF350];
	_ =	sdelay $0x4  }
0x249: {  	[tilespmem:$0x1F6A0] =	vst v1;
	v1 =	vld [tilespmem:s25+$0xCB60];
	_ =	sdelay $0x4  }
0x24a: {  	[tilespmem:$0x1F700] =	vst v1;
	v1 =	vld [tilespmem:s25+$0xF360];
	_ =	sdelay $0x4  }
0x24b: {  	[tilespmem:$0x1F710] =	vst v1;
	v1 =	vld [tilespmem:s25+$0xCB70];
	_ =	sdelay $0x4  }
0x24c: {  	[tilespmem:$0x1F770] =	vst v1;
	v1 =	vld [tilespmem:s25+$0xF370];
	_ =	sdelay $0x4  }
0x24d: {  	[tilespmem:$0x1F780] =	vst v1;
	v1 =	vld [tilespmem:s25+$0xCB80];
	_ =	sdelay $0x4  }
0x24e: {  	[tilespmem:$0x1F630] =	vst v1;
	v1 =	vld [tilespmem:s25+$0xF380];
	_ =	sdelay $0x4  }
0x24f: {  	[tilespmem:$0x1F640] =	vst v1;
	v1 =	vld [tilespmem:s25+$0xCB90];
	_ =	sdelay $0x4  }
0x250: {  	[tilespmem:$0x1F650] =	vst v1;
	v1 =	vld [tilespmem:s25+$0xF390];
	_ =	sdelay $0x4  }
0x251: {  	[tilespmem:$0x1F660] =	vst v1;
	v1 =	vld [tilespmem:s25+$0xCBA0];
	_ =	sdelay $0x4  }
0x252: {  	[tilespmem:$0x1F670] =	vst v1;
	v1 =	vld [tilespmem:s25+$0xF3A0];
	_ =	sdelay $0x4  }
0x253: {  	[tilespmem:$0x1F680] =	vst v1;
	v1 =	vld [tilespmem:s25+$0xCBB0];
	_ =	sdelay $0x4  }
0x254: {  	[tilespmem:$0x1F6D0] =	vst v1;
	v1 =	vld [tilespmem:s25+$0xF3B0];
	_ =	sdelay $0x4  }
0x255: {  	[tilespmem:$0x1F6E0] =	vst v1;
	v1 =	vld [tilespmem:s25+$0xCBC0];
	_ =	sdelay $0x4  }
0x256: {  	[tilespmem:$0x1F720] =	vst v1;
	v1 =	vld [tilespmem:s25+$0xF3C0];
	_ =	sdelay $0x4  }
0x257: {  	[tilespmem:$0x1F730] =	vst v1;
	v1 =	vld [tilespmem:s25+$0xCBD0];
	_ =	sdelay $0x4  }
0x258: {  	[tilespmem:$0x1F750] =	vst v1;
	v1 =	vld [tilespmem:s25+$0xF3D0];
	_ =	sdelay $0x4  }
0x259: {  	[tilespmem:$0x1F760] =	vst v1;
	v1 =	vld [tilespmem:s25+$0xCBE0];
	_ =	sdelay $0x4  }
0x25a: {  	[tilespmem:$0x1F7A0] =	vst v1;
	v1 =	vld [tilespmem:s25+$0xF3E0];
	_ =	sdelay $0x4  }
0x25b: {  	[tilespmem:$0x1F7B0] =	vst v1;
	v1 =	vld [tilespmem:s25+$0xCBF0];
	_ =	sdelay $0x4  }
0x25c: {  	[tilespmem:$0x1F7D0] =	vst v1;
	v1 =	vld [tilespmem:s25+$0xF3F0];
	_ =	sdelay $0x4  }
0x25d: {  	[tilespmem:$0x1F7E0] =	vst v1;
	v1 =	vld [tilespmem:s25+$0xCC30];
	_ =	sdelay $0x3  }
0x25e: {  	v18 =	vld [tilespmem:s25+$0xEEA0]  }
0x25f: {  	[tilespmem:$0x1F6F0] =	vst v1;
	v1 =	vld [tilespmem:s25+$0xCC40]  }
0x260: {  	v39 =	vld [tilespmem:s25+$0xC6B0]  }
0x261: {  	v54 =	vld [tilespmem:s25+$0xEEB0]  }
0x262: {  	v3 =	vld [tilespmem:s25+$0xC790]  }
0x263: {  	v2 =	vld [tilespmem:s25+$0xEF90]  }
0x264: {  	[tilespmem:$0x1F740] =	vst v1;
	v1 =	vld [tilespmem:s25+$0xCC50]  }
0x265: {  	v53 =	vld [tilespmem:s25+$0xC6C0]  }
0x266: {  	v28 =	vld [tilespmem:s25+$0xEEC0]  }
0x267: {  	v49 =	vld [tilespmem:s25+$0xC6D0]  }
0x268: {  	v2 =	vmul.f32 v2, v3;
	v3 =	vld [tilespmem:$0x1F090]  }
0x269: {  	[tilespmem:$0x1F790] =	vst v1;
	v1 =	vld [tilespmem:$0x1F080]  }
0x26a: {  	v45 =	vld [tilespmem:s25+$0xEED0]  }
0x26b: {  	v23 =	vld [tilespmem:s25+$0xC720]  }
0x26c: {  	v20 =	vld [tilespmem:s25+$0xEF20]  }
0x26d: {  	v59 =	vld [tilespmem:s25+$0xC730];
	v40 =	vmul.f32 v47, v40  }
0x26e: {  	v14 =	vmul.f32 v14, v58;
	v3 =	vmul.f32 v3, v1;
	v1 =	vld [tilespmem:s25+$0xCC60]  }
0x26f: {  	v29 =	vld [tilespmem:s25+$0xEF30]  }
0x270: {  	v61 =	vld [tilespmem:s25+$0xC740];
	v18 =	vmul.f32 v18, v35;
	v14 =	vadd.f32 v14, v40  }
0x271: {  	v51 =	vld [tilespmem:s25+$0xEF40]  }
0x272: {  	v56 =	vld [tilespmem:s25+$0xEF50];
	v14 =	vadd.f32 v18, v14;
	v18 =	vmul.f32 v54, v39  }
0x273: {  	[tilespmem:$0x1F7C0] =	vst v1;
	v1 =	vld [tilespmem:$0x1F0A0]  }
0x274: {  	v28 =	vmul.f32 v28, v53;
	v14 =	vadd.f32 v18, v14;
	_ =	sdelay $0x1  }
0x275: {  	v18 =	vadd.f32 v28, v14;
	v28 =	vmul.f32 v45, v49  }
0x276: {  	v16 =	vld [tilespmem:s25+$0xC700];
	v49 =	vmul.f32 v20, v23;
	v20 =	vmul.f32 v29, v59  }
0x277: {  	v59 =	vmul.f32 v51, v61;
	v61 =	vmul.f32 v56, v1;
	v1 =	vld [tilespmem:s25+$0xCC70]  }
0x278: {  	v13 =	vld [tilespmem:s25+$0xC710]  }
0x279: {  	v12 =	vld [tilespmem:s25+$0xEF10]  }
0x27a: {  	v15 =	vld [tilespmem:s25+$0xEF00]  }
0x27b: {  	v5 =	vld [tilespmem:s25+$0xC780]  }
0x27c: {  	[tilespmem:$0x1F7F0] =	vst v1;
	v1 =	vld [tilespmem:s25+$0xF470]  }
0x27d: {  	v4 =	vld [tilespmem:s25+$0xEF80]  }
0x27e: {  	v7 =	vld [tilespmem:s25+$0xC810];
	v12 =	vmul.f32 v12, v13;
	v13 =	vadd.f32 v28, v18  }
0x27f: {  	v6 =	vld [tilespmem:s25+$0xF010]  }
0x280: {  	v3 =	vadd.f32 v3, v13;
	v13 =	vld [tilespmem:$0x1F0C0]  }
0x281: {  	[tilespmem:$0x1F800] =	vst v1;
	v1 =	vld [tilespmem:$0x1F0B0]  }
0x282: {  	v11 =	vld [tilespmem:s25+$0xC7A0]  }
0x283: {  	v19 =	vld [tilespmem:s25+$0xC820]  }
0x284: {  	v17 =	vld [tilespmem:s25+$0xF020];
	v15 =	vmul.f32 v15, v16  }
0x285: {  	v16 =	vld [tilespmem:$0x1F0E0]  }
0x286: {  	v6 =	vmul.f32 v6, v7;
	v12 =	vadd.f32 v12, v15;
	v7 =	vmul.f32 v13, v1;
	v1 =	vld [tilespmem:$0x1F0D0]  }
0x287: {  	v10 =	vld [tilespmem:s25+$0xEFA0]  }
0x288: {  	v24 =	vld [tilespmem:s25+$0xC7B0];
	v18 =	vadd.f32 v49, v12  }
0x289: {  	v21 =	vld [tilespmem:s25+$0xEFB0]  }
0x28a: {  	v4 =	vmul.f32 v4, v5;
	v5 =	vadd.f32 v20, v18;
	v20 =	vld [tilespmem:$0x1F100]  }
0x28b: {  	v15 =	vmul.f32 v17, v19;
	v17 =	vmul.f32 v16, v1;
	v1 =	vld [tilespmem:$0x1F0F0]  }
0x28c: {  	v48 =	vld [tilespmem:s25+$0xC7C0]  }
0x28d: {  	v33 =	vld [tilespmem:s25+$0xC830]  }
0x28e: {  	v30 =	vld [tilespmem:s25+$0xF030]  }
0x28f: {  	v12 =	vmul.f32 v21, v24;
	v24 =	vld [tilespmem:$0x1F120]  }
0x290: {  	v2 =	vadd.f32 v2, v4;
	v4 =	vmul.f32 v20, v1;
	v1 =	vld [tilespmem:$0x1F110]  }
0x291: {  	v43 =	vld [tilespmem:s25+$0xEFC0]  }
0x292: {  	v60 =	vld [tilespmem:s25+$0xC840];
	v23 =	vmul.f32 v10, v11  }
0x293: {  	v50 =	vld [tilespmem:s25+$0xF040]  }
0x294: {  	v2 =	vadd.f32 v23, v2;
	v23 =	vmul.f32 v30, v33;
	v33 =	vld [tilespmem:$0x1F140]  }
0x295: {  	v30 =	vmul.f32 v24, v1;
	v1 =	vld [tilespmem:$0x1F130]  }
0x296: {  	v14 =	vmul.f32 v43, v48;
	v2 =	vadd.f32 v12, v2;
	_ =	sdelay $0x1  }
0x297: {  	v9 =	vld [tilespmem:s25+$0xC800];
	v2 =	vadd.f32 v14, v2  }
0x298: {  	v43 =	vmul.f32 v50, v60;
	v50 =	vld [tilespmem:$0x1F160]  }
0x299: {  	v2 =	vadd.f32 v4, v2;
	v4 =	vmul.f32 v33, v1;
	v1 =	vld [tilespmem:$0x1F150]  }
0x29a: {  	v57 =	vld [tilespmem:s25+$0xC890]  }
0x29b: {  	v32 =	vld [tilespmem:s25+$0xF090]  }
0x29c: {  	v63 =	vld [tilespmem:s25+$0xC8A0]  }
0x29d: {  	v51 =	vld [tilespmem:$0x1F180]  }
0x29e: {  	v2 =	vadd.f32 v4, v2;
	v4 =	vmul.f32 v50, v1;
	v1 =	vld [tilespmem:$0x1F170]  }
0x29f: {  	v55 =	vld [tilespmem:s25+$0xF0A0]  }
0x2a0: {  	v27 =	vld [tilespmem:s25+$0xC900];
	v5 =	vadd.f32 v59, v5  }
0x2a1: {  	v26 =	vld [tilespmem:s25+$0xF100]  }
0x2a2: {  	v5 =	vadd.f32 v61, v5;
	v61 =	vld [tilespmem:$0x1F1A0]  }
0x2a3: {  	v56 =	vmul.f32 v51, v1;
	v1 =	vld [tilespmem:$0x1F190]  }
0x2a4: {  	v8 =	vld [tilespmem:s25+$0xF000]  }
0x2a5: {  	v44 =	vld [tilespmem:s25+$0xC880]  }
0x2a6: {  	v34 =	vld [tilespmem:s25+$0xF080]  }
0x2a7: {  	v48 =	vmul.f32 v32, v57;
	v59 =	vmul.f32 v26, v27;
	v27 =	vld [tilespmem:$0x1F1C0]  }
0x2a8: {  	v57 =	vmul.f32 v55, v63;
	v63 =	vmul.f32 v61, v1;
	v1 =	vld [tilespmem:$0x1F1B0]  }
0x2a9: {  	v8 =	vmul.f32 v8, v9  }
0x2aa: {  	v46 =	vld [tilespmem:s25+$0xC920]  }
0x2ab: {  	v41 =	vld [tilespmem:s25+$0xF120];
	v9 =	vadd.f32 v6, v8;
	v5 =	vadd.f32 v17, v5  }
0x2ac: {  	v44 =	vmul.f32 v34, v44;
	v34 =	vld [tilespmem:$0x1F1E0];
	v6 =	vadd.f32 v7, v3  }
0x2ad: {  	v3 =	vadd.f32 v15, v9;
	v8 =	vadd.f32 v30, v5;
	v30 =	vmul.f32 v27, v1;
	v1 =	vld [tilespmem:$0x1F1D0];
	_ =	sdelay $0x1  }
0x2ae: {  	v3 =	vadd.f32 v23, v3;
	_ =	sdelay $0x1  }
0x2af: {  	v3 =	vadd.f32 v43, v3;
	v43 =	vld [tilespmem:$0x1F200]  }
0x2b0: {  	v33 =	vmul.f32 v41, v46;
	v41 =	vmul.f32 v34, v1;
	v1 =	vld [tilespmem:$0x1F1F0];
	_ =	sdelay $0x3  }
0x2b1: {  	v46 =	vld [tilespmem:$0x1F220]  }
0x2b2: {  	v10 =	vadd.f32 v48, v44;
	v44 =	vmul.f32 v43, v1;
	v1 =	vld [tilespmem:$0x1F210]  }
0x2b3: {  	v3 =	vadd.f32 v4, v3;
	_ =	sdelay $0x1  }
0x2b4: {  	v3 =	vadd.f32 v56, v3;
	_ =	sdelay $0x1  }
0x2b5: {  	v48 =	vmul.f32 v46, v1;
	v1 =	vadd.f32 v41, v3  }
0x2b6: {  	v50 =	vld [tilespmem:$0x1F240]  }
0x2b7: {  	[tilespmem:$0x1F810] =	vst v1;
	v1 =	vld [tilespmem:$0x1F230];
	_ =	sdelay $0x3  }
0x2b8: {  	v55 =	vld [tilespmem:$0x1F260]  }
0x2b9: {  	v51 =	vmul.f32 v50, v1;
	v1 =	vld [tilespmem:$0x1F250]  }
0x2ba: {  	v25 =	vld [tilespmem:s25+$0xC910]  }
0x2bb: {  	v22 =	vld [tilespmem:s25+$0xF110];
	_ =	sdelay $0x1  }
0x2bc: {  	v10 =	vadd.f32 v57, v10;
	v57 =	vld [tilespmem:$0x1F280]  }
0x2bd: {  	v56 =	vmul.f32 v55, v1;
	v1 =	vld [tilespmem:$0x1F270];
	_ =	sdelay $0x1  }
0x2be: {  	v60 =	vmul.f32 v22, v25;
	_ =	sdelay $0x1  }
0x2bf: {  	v32 =	vadd.f32 v60, v59;
	v60 =	vld [tilespmem:$0x1F2A0]  }
0x2c0: {  	v59 =	vmul.f32 v57, v1;
	v1 =	vld [tilespmem:$0x1F290];
	_ =	sdelay $0x3  }
0x2c1: {  	v17 =	vadd.f32 v63, v2;
	v63 =	vld [tilespmem:$0x1F2C0]  }
0x2c2: {  	v61 =	vmul.f32 v60, v1;
	v1 =	vld [tilespmem:$0x1F2B0];
	_ =	sdelay $0x1  }
0x2c3: {  	v10 =	vadd.f32 v30, v10;
	_ =	sdelay $0x1  }
0x2c4: {  	v3 =	vadd.f32 v44, v10;
	v44 =	vld [tilespmem:$0x1F2E0]  }
0x2c5: {  	v23 =	vmul.f32 v63, v1;
	v1 =	vld [tilespmem:$0x1F2D0];
	_ =	sdelay $0x1  }
0x2c6: {  	v2 =	vadd.f32 v33, v32;
	_ =	sdelay $0x1  }
0x2c7: {  	v2 =	vadd.f32 v48, v2;
	v48 =	vld [tilespmem:$0x1F300]  }
0x2c8: {  	v46 =	vmul.f32 v44, v1;
	v1 =	vld [tilespmem:$0x1F2F0];
	_ =	sdelay $0x1  }
0x2c9: {  	v2 =	vadd.f32 v59, v2;
	_ =	sdelay $0x1  }
0x2ca: {  	v30 =	vadd.f32 v23, v2;
	v2 =	vld [tilespmem:$0x1F320]  }
0x2cb: {  	v50 =	vmul.f32 v48, v1;
	v1 =	vld [tilespmem:$0x1F310];
	_ =	sdelay $0x4  }
0x2cc: {  	v55 =	vmul.f32 v2, v1;
	v1 =	vld [tilespmem:$0x1F330]  }
0x2cd: {  	v2 =	vld [tilespmem:$0x1F340];
	_ =	sdelay $0x2  }
0x2ce: {  	v3 =	vadd.f32 v51, v3;
	_ =	sdelay $0x1  }
0x2cf: {  	v3 =	vadd.f32 v56, v3;
	v56 =	vmul.f32 v2, v1;
	v1 =	vld [tilespmem:$0x1F350]  }
0x2d0: {  	v2 =	vld [tilespmem:$0x1F360];
	_ =	sdelay $0x4  }
0x2d1: {  	v59 =	vmul.f32 v2, v1;
	v1 =	vld [tilespmem:$0x1F370]  }
0x2d2: {  	v2 =	vld [tilespmem:$0x1F380];
	_ =	sdelay $0x2  }
0x2d3: {  	v62 =	vld [tilespmem:s25+$0xCA20]  }
0x2d4: {  	v52 =	vld [tilespmem:s25+$0xF220]  }
0x2d5: {  	v7 =	vadd.f32 v61, v3;
	v61 =	vmul.f32 v2, v1;
	v1 =	vld [tilespmem:$0x1F390]  }
0x2d6: {  	v2 =	vld [tilespmem:$0x1F3A0];
	_ =	sdelay $0x4  }
0x2d7: {  	v57 =	vmul.f32 v52, v62;
	v62 =	vmul.f32 v2, v1;
	v1 =	vld [tilespmem:$0x1F3B0]  }
0x2d8: {  	v2 =	vld [tilespmem:$0x1F3C0];
	_ =	sdelay $0x4  }
0x2d9: {  	v63 =	vmul.f32 v2, v1;
	v1 =	vld [tilespmem:$0x1F3D0]  }
0x2da: {  	v2 =	vld [tilespmem:$0x1F3E0];
	_ =	sdelay $0x4  }
0x2db: {  	v23 =	vmul.f32 v2, v1;
	v1 =	vld [tilespmem:$0x1F3F0]  }
0x2dc: {  	v2 =	vld [tilespmem:$0x1F400];
	_ =	sdelay $0x4  }
0x2dd: {  	v33 =	vmul.f32 v2, v1;
	v1 =	vld [tilespmem:$0x1F410]  }
0x2de: {  	v2 =	vld [tilespmem:$0x1F420];
	_ =	sdelay $0x2  }
0x2df: {  	v42 =	vld [tilespmem:s25+$0xCA00];
	v27 =	vadd.f32 v50, v46  }
0x2e0: {  	v37 =	vld [tilespmem:s25+$0xF200]  }
0x2e1: {  	v3 =	vadd.f32 v55, v27;
	v55 =	vmul.f32 v2, v1;
	v1 =	vld [tilespmem:$0x1F430]  }
0x2e2: {  	v2 =	vld [tilespmem:$0x1F440]  }
0x2e3: {  	v38 =	vld [tilespmem:s25+$0xCA10]  }
0x2e4: {  	v31 =	vld [tilespmem:s25+$0xF210];
	_ =	sdelay $0x2  }
0x2e5: {  	v60 =	vadd.f32 v56, v30;
	v56 =	vmul.f32 v2, v1;
	v1 =	vld [tilespmem:$0x1F450]  }
0x2e6: {  	v2 =	vld [tilespmem:$0x1F460]  }
0x2e7: {  	v31 =	vmul.f32 v31, v38;
	v51 =	vmul.f32 v37, v42;
	_ =	sdelay $0x1  }
0x2e8: {  	v26 =	vadd.f32 v31, v51;
	_ =	sdelay $0x1  }
0x2e9: {  	v26 =	vadd.f32 v57, v26;
	v57 =	vmul.f32 v2, v1;
	v1 =	vld [tilespmem:$0x1F470]  }
0x2ea: {  	v2 =	vld [tilespmem:$0x1F480];
	_ =	sdelay $0x2  }
0x2eb: {  	v3 =	vadd.f32 v59, v3;
	_ =	sdelay $0x1  }
0x2ec: {  	v11 =	vadd.f32 v63, v3;
	v3 =	vadd.f32 v62, v60;
	v60 =	vmul.f32 v2, v1;
	v1 =	vld [tilespmem:$0x1F490]  }
0x2ed: {  	v2 =	vld [tilespmem:$0x1F4A0];
	_ =	sdelay $0x4  }
0x2ee: {  	v26 =	vadd.f32 v61, v26;
	v61 =	vmul.f32 v2, v1;
	v1 =	vld [tilespmem:$0x1F4B0]  }
0x2ef: {  	v2 =	vld [tilespmem:$0x1F4C0];
	_ =	sdelay $0x4  }
0x2f0: {  	v52 =	vmul.f32 v2, v1;
	v1 =	vld [tilespmem:$0x1F4D0]  }
0x2f1: {  	v2 =	vld [tilespmem:$0x1F4E0];
	_ =	sdelay $0x4  }
0x2f2: {  	v62 =	vmul.f32 v2, v1;
	v1 =	vld [tilespmem:$0x1F4F0]  }
0x2f3: {  	v2 =	vld [tilespmem:$0x1F500];
	_ =	sdelay $0x4  }
0x2f4: {  	v63 =	vmul.f32 v2, v1;
	v1 =	vld [tilespmem:$0x1F510]  }
0x2f5: {  	v2 =	vld [tilespmem:$0x1F520];
	_ =	sdelay $0x4  }
0x2f6: {  	v51 =	vmul.f32 v2, v1;
	v1 =	vld [tilespmem:$0x1F530]  }
0x2f7: {  	v2 =	vld [tilespmem:$0x1F540];
	_ =	sdelay $0x4  }
0x2f8: {  	v11 =	vadd.f32 v23, v11;
	v23 =	vmul.f32 v2, v1;
	v1 =	vld [tilespmem:$0x1F550]  }
0x2f9: {  	v2 =	vld [tilespmem:$0x1F560];
	_ =	sdelay $0x2  }
0x2fa: {  	v59 =	vadd.f32 v56, v55;
	_ =	sdelay $0x1  }
0x2fb: {  	v31 =	vadd.f32 v60, v59;
	v60 =	vmul.f32 v2, v1;
	v1 =	vld [tilespmem:$0x1F570]  }
0x2fc: {  	v2 =	vld [tilespmem:$0x1F580];
	_ =	sdelay $0x1  }
0x2fd: {  	v58 =	vld [tilespmem:s25+$0xCC00]  }
0x2fe: {  	v47 =	vld [tilespmem:s25+$0xF400]  }
0x2ff: {  	v35 =	vld [tilespmem:s25+$0xF410]  }
0x300: {  	v11 =	vadd.f32 v61, v11;
	v61 =	vmul.f32 v2, v1;
	v1 =	vld [tilespmem:$0x1F590]  }
0x301: {  	v2 =	vld [tilespmem:$0x1F5A0]  }
0x302: {  	v53 =	vld [tilespmem:s25+$0xF430]  }
0x303: {  	v38 =	vld [tilespmem:s25+$0xF550]  }
0x304: {  	v40 =	vld [tilespmem:s25+$0xCC10]  }
0x305: {  	v19 =	vld [tilespmem:s25+$0xCCE0]  }
0x306: {  	v51 =	vadd.f32 v23, v51;
	v23 =	vmul.f32 v2, v1;
	v1 =	vld [tilespmem:$0x1F5B0]  }
0x307: {  	v26 =	vadd.f32 v33, v26;
	v2 =	vld [tilespmem:$0x1F5C0]  }
0x308: {  	v54 =	vld [tilespmem:s25+$0xCC20]  }
0x309: {  	v39 =	vld [tilespmem:s25+$0xF420];
	v26 =	vadd.f32 v57, v26  }
0x30a: {  	v35 =	vmul.f32 v35, v40;
	v40 =	vld [tilespmem:s25+$0xF5A0];
	v56 =	vadd.f32 v63, v31  }
0x30b: {  	v45 =	vld [tilespmem:s25+$0xF440];
	v55 =	vadd.f32 v62, v26  }
0x30c: {  	v26 =	vadd.f32 v52, v11;
	v52 =	vadd.f32 v60, v56;
	v56 =	vmul.f32 v2, v1;
	v1 =	vld [tilespmem:$0x1F5D0]  }
0x30d: {  	v2 =	vld [tilespmem:$0x1F5E0]  }
0x30e: {  	v29 =	vld [tilespmem:s25+$0xCC80]  }
0x30f: {  	v47 =	vmul.f32 v47, v58;
	v22 =	vld [tilespmem:s25+$0xF4D0]  }
0x310: {  	v25 =	vld [tilespmem:s25+$0xF4E0]  }
0x311: {  	v35 =	vadd.f32 v35, v47;
	v47 =	vld [tilespmem:s25+$0xF5B0]  }
0x312: {  	v51 =	vadd.f32 v23, v51;
	v23 =	vmul.f32 v2, v1;
	v1 =	vld [tilespmem:$0x1F5F0]  }
0x313: {  	v2 =	vld [tilespmem:$0x1F600]  }
0x314: {  	v49 =	vld [tilespmem:s25+$0xF450]  }
0x315: {  	v28 =	vld [tilespmem:s25+$0xF460]  }
0x316: {  	v21 =	vld [tilespmem:s25+$0xF480]  }
0x317: {  	v18 =	vld [tilespmem:s25+$0xF4A0]  }
0x318: {  	v52 =	vadd.f32 v56, v52;
	v56 =	vmul.f32 v2, v1;
	v1 =	vld [tilespmem:$0x1F610]  }
0x319: {  	v2 =	vld [tilespmem:$0x1F620]  }
0x31a: {  	v12 =	vld [tilespmem:s25+$0xF4F0]  }
0x31b: {  	v14 =	vld [tilespmem:s25+$0xCCB0]  }
0x31c: {  	v39 =	vmul.f32 v39, v54;
	v54 =	vld [tilespmem:$0x1F6C0]  }
0x31d: {  	v58 =	vld [tilespmem:$0x1F680]  }
0x31e: {  	v11 =	vadd.f32 v61, v55;
	v61 =	vmul.f32 v2, v1;
	v1 =	vld [tilespmem:$0x1F630]  }
0x31f: {  	v2 =	vld [tilespmem:$0x1F640]  }
0x320: {  	v13 =	vld [tilespmem:s25+$0xF490]  }
0x321: {  	v9 =	vld [tilespmem:s25+$0xCCA0]  }
0x322: {  	v15 =	vld [tilespmem:s25+$0xCCC0]  }
0x323: {  	v20 =	vld [tilespmem:s25+$0xCC90]  }
0x324: {  	v55 =	vmul.f32 v2, v1;
	v1 =	vld [tilespmem:$0x1F650]  }
0x325: {  	v2 =	vld [tilespmem:$0x1F660]  }
0x326: {  	v16 =	vld [tilespmem:s25+$0xF4C0]  }
0x327: {  	v9 =	vmul.f32 v18, v9;
	v18 =	vld [tilespmem:s25+$0xCE00]  }
0x328: {  	v24 =	vld [tilespmem:s25+$0xF4B0]  }
0x329: {  	v13 =	vmul.f32 v13, v20;
	v20 =	vld [tilespmem:s25+$0xCDF0]  }
0x32a: {  	v51 =	vadd.f32 v23, v51;
	v23 =	vmul.f32 v2, v1;
	v2 =	vld [tilespmem:$0x1F670]  }
0x32b: {  	v5 =	vld [tilespmem:s25+$0xCCD0]  }
0x32c: {  	v4 =	vld [tilespmem:s25+$0xF500]  }
0x32d: {  	v32 =	vld [tilespmem:s25+$0xCD00]  }
0x32e: {  	v51 =	vadd.f32 v61, v51;
	v61 =	vld [tilespmem:$0x1F6A0]  }
0x32f: {  	v52 =	vadd.f32 v56, v52;
	v56 =	vmul.f32 v58, v2;
	v2 =	vld [tilespmem:$0x1F690]  }
0x330: {  	v34 =	vld [tilespmem:s25+$0xF560]  }
0x331: {  	v43 =	vld [tilespmem:s25+$0xF540]  }
0x332: {  	v10 =	vld [tilespmem:s25+$0xCCF0]  }
0x333: {  	v41 =	vld [tilespmem:s25+$0xCD10]  }
0x334: {  	v58 =	vmul.f32 v61, v2;
	v2 =	vld [tilespmem:$0x1F6B0]  }
0x335: {  	v42 =	vld [tilespmem:s25+$0xCD20]  }
0x336: {  	v37 =	vld [tilespmem:s25+$0xCD40];
	v55 =	vadd.f32 v23, v55  }
0x337: {  	v44 =	vld [tilespmem:s25+$0xF510]  }
0x338: {  	v55 =	vadd.f32 v56, v55;
	v56 =	vld [tilespmem:$0x1F6E0]  }
0x339: {  	v54 =	vmul.f32 v54, v2;
	v2 =	vld [tilespmem:$0x1F6D0]  }
0x33a: {  	v48 =	vld [tilespmem:s25+$0xCD30]  }
0x33b: {  	v4 =	vmul.f32 v4, v32;
	v46 =	vld [tilespmem:s25+$0xF520]  }
0x33c: {  	v32 =	vmul.f32 v44, v41;
	v41 =	vmul.f32 v16, v15;
	v15 =	vld [tilespmem:s25+$0xCE20]  }
0x33d: {  	v50 =	vld [tilespmem:s25+$0xF530]  }
0x33e: {  	v56 =	vmul.f32 v56, v2;
	v2 =	vld [tilespmem:$0x1F6F0]  }
0x33f: {  	v27 =	vld [tilespmem:s25+$0xCD70]  }
0x340: {  	v44 =	vmul.f32 v46, v42;
	v46 =	vld [tilespmem:s25+$0xF620]  }
0x341: {  	v30 =	vld [tilespmem:s25+$0xCD60]  }
0x342: {  	v51 =	vadd.f32 v58, v51;
	v58 =	vld [tilespmem:$0x1F710]  }
0x343: {  	v35 =	vadd.f32 v39, v35;
	v39 =	vmul.f32 v53, v2;
	v2 =	vld [tilespmem:$0x1F700]  }
0x344: {  	v33 =	vld [tilespmem:s25+$0xCD50]  }
0x345: {  	v57 =	vld [tilespmem:s25+$0xCDB0]  }
0x346: {  	v23 =	vld [tilespmem:$0x1F750]  }
0x347: {  	v55 =	vadd.f32 v56, v55;
	v56 =	vld [tilespmem:$0x1F730]  }
0x348: {  	v58 =	vmul.f32 v58, v2;
	v2 =	vld [tilespmem:$0x1F720]  }
0x349: {  	v52 =	vadd.f32 v54, v52;
	v54 =	vld [tilespmem:$0x1F740]  }
0x34a: {  	v51 =	vadd.f32 v58, v51;
	v58 =	vld [tilespmem:$0x1F760]  }
0x34b: {  	v59 =	vld [tilespmem:s25+$0xCD90]  }
0x34c: {  	v62 =	vld [tilespmem:s25+$0xCD80]  }
0x34d: {  	v63 =	vld [tilespmem:s25+$0xF590];
	v56 =	vmul.f32 v56, v2  }
0x34e: {  	v60 =	vld [tilespmem:s25+$0xF580];
	v35 =	vadd.f32 v39, v35  }
0x34f: {  	v39 =	vmul.f32 v45, v54;
	v54 =	vadd.f32 v56, v55;
	v55 =	vmul.f32 v58, v23;
	v58 =	vld [tilespmem:$0x1F770]  }
0x350: {  	v23 =	vld [tilespmem:$0x1F780]  }
0x351: {  	v31 =	vld [tilespmem:s25+$0xF570]  }
0x352: {  	v1 =	vld [tilespmem:s25+$0xCDA0]  }
0x353: {  	v60 =	vmul.f32 v60, v62;
	v62 =	vmul.f32 v63, v59;
	v63 =	vld [tilespmem:s25+$0xF630]  }
0x354: {  	v54 =	vadd.f32 v55, v54;
	v55 =	vld [tilespmem:$0x1F7B0]  }
0x355: {  	v58 =	vmul.f32 v23, v58;
	v23 =	vld [tilespmem:$0x1F7A0]  }
0x356: {  	v35 =	vadd.f32 v39, v35;
	v39 =	vld [tilespmem:$0x1F790]  }
0x357: {  	v1 =	vmul.f32 v40, v1;
	v40 =	vld [tilespmem:s25+$0xF640]  }
0x358: {  	v45 =	vld [tilespmem:s25+$0xF5D0]  }
0x359: {  	v51 =	vadd.f32 v58, v51;
	v58 =	vld [tilespmem:$0x1F7D0]  }
0x35a: {  	v21 =	vmul.f32 v21, v29;
	v29 =	vmul.f32 v55, v23;
	v23 =	vld [tilespmem:$0x1F7E0]  }
0x35b: {  	v39 =	vmul.f32 v49, v39;
	v49 =	vld [tilespmem:s25+$0xF5E0]  }
0x35c: {  	v55 =	vld [tilespmem:$0x1F7C0]  }
0x35d: {  	v2 =	vld [tilespmem:s25+$0xCDD0]  }
0x35e: {  	v13 =	vadd.f32 v13, v21;
	v35 =	vadd.f32 v39, v35;
	v39 =	vld [tilespmem:s25+$0xF5F0]  }
0x35f: {  	v4 =	vadd.f32 v32, v4;
	v21 =	vadd.f32 v29, v54;
	v29 =	vmul.f32 v23, v58;
	v23 =	vld [tilespmem:$0x1F7F0]  }
0x360: {  	v9 =	vadd.f32 v9, v13;
	v5 =	vmul.f32 v22, v5;
	v10 =	vmul.f32 v12, v10;
	v58 =	vld [tilespmem:$0x1F800]  }
0x361: {  	v4 =	vadd.f32 v44, v4;
	v42 =	vmul.f32 v46, v15;
	v56 =	vld [tilespmem:s25+$0xCDE0];
	v28 =	vmul.f32 v28, v55  }
0x362: {  	v44 =	vmul.f32 v47, v57;
	v16 =	vadd.f32 v62, v60;
	v55 =	vmul.f32 v50, v48;
	v48 =	vld [tilespmem:s25+$0xCE60]  }
0x363: {  	v59 =	vmul.f32 v45, v2;
	v22 =	vmul.f32 v39, v20;
	v28 =	vadd.f32 v28, v35;
	v35 =	vld [tilespmem:s25+$0xF600]  }
0x364: {  	v54 =	vmul.f32 v25, v19;
	v19 =	vmul.f32 v31, v27;
	v4 =	vadd.f32 v55, v4;
	v55 =	vld [tilespmem:s25+$0xF660]  }
0x365: {  	v21 =	vadd.f32 v29, v21;
	v29 =	vld [tilespmem:s25+$0xF610];
	v23 =	vmul.f32 v58, v23;
	v58 =	vmul.f32 v24, v14  }
0x366: {  	v1 =	vadd.f32 v1, v16;
	v25 =	vperm.xlane v6, v0;
	v27 =	vperm.xlane v52, v0;
	v14 =	vld [tilespmem:s25+$0xCE10]  }
0x367: {  	v31 =	vperm.xlane v17, v0;
	v50 =	vmul.f32 v38, v33;
	v9 =	vadd.f32 v58, v9;
	v58 =	vld [tilespmem:s25+$0xCE30]  }
0x368: {  	v38 =	vperm.xlane v8, v0;
	v23 =	vadd.f32 v23, v28;
	v32 =	vmul.f32 v35, v18;
	v35 =	vld [tilespmem:s25+$0xCE40]  }
0x369: {  	v61 =	vld [tilespmem:s25+$0xCDC0];
	v16 =	vmul.f32 v55, v48;
	v9 =	vadd.f32 v41, v9;
	v41 =	vmul.f32 v43, v37  }
0x36a: {  	v1 =	vadd.f32 v44, v1;
	v53 =	vld [tilespmem:s25+$0xF5C0];
	v37 =	vperm.xlane v51, v0;
	v45 =	vperm.xlane v23, v0  }
0x36b: {  	v46 =	vld [tilespmem:s25+$0xF650];
	v6 =	vsel vm2, v6, v27;
	v14 =	vmul.f32 v29, v14;
	v29 =	vperm.xlane v7, v0  }
0x36c: {  	v43 =	vld [tilespmem:s25+$0xCE50];
	v4 =	vadd.f32 v41, v4;
	v41 =	vperm.xlane v3, v0;
	v47 =	vmul.f32 v63, v58  }
0x36d: {  	v5 =	vadd.f32 v5, v9;
	v57 =	vmul.f32 v40, v35;
	v63 =	vmul.f32 v49, v56  }
0x36e: {  	v9 =	vadd.f32 v14, v32;
	v32 =	vperm.xlane v21, v0;
	v35 =	vperm.xlane v26, v0  }
0x36f: {  	v40 =	vsel vm2, v8, v37;
	v5 =	vadd.f32 v54, v5;
	v54 =	vmul.f32 v53, v61  }
0x370: {  	v60 =	vld [tilespmem:s25+$0xF670];
	v4 =	vadd.f32 v50, v4;
	v61 =	vmul.f32 v34, v30;
	v30 =	vsel vm2, v25, v52  }
0x371: {  	v58 =	vld [tilespmem:s25+$0xCE70];
	v9 =	vadd.f32 v42, v9;
	v62 =	vmul.f32 v46, v43;
	v6 =	vadd.f32 v6, v30  }
0x372: {  	v34 =	vsel vm2, v17, v32;
	v42 =	vsel vm2, v38, v51;
	v1 =	vadd.f32 v54, v1  }
0x373: {  	v5 =	vadd.f32 v10, v5;
	v10 =	vsel vm2, v31, v21;
	v9 =	vadd.f32 v47, v9  }
0x374: {  	v43 =	vld [tilespmem:$0x1F810];
	v4 =	vadd.f32 v61, v4;
	v10 =	vadd.f32 v34, v10;
	v47 =	vperm.xlane v11, v0  }
0x375: {  	v49 =	vperm.xlane v6, v36;
	v1 =	vadd.f32 v59, v1;
	v9 =	vadd.f32 v57, v9  }
0x376: {  	v24 =	vmul.f32 v60, v58;
	v4 =	vadd.f32 v19, v4;
	v28 =	vperm.xlane v5, v0  }
0x377: {  	v5 =	vsel vm2, v29, v5;
	v1 =	vadd.f32 v63, v1;
	v9 =	vadd.f32 v62, v9  }
0x378: {  	v52 =	vperm.xlane v10, v36;
	v2 =	vsel vm2, v7, v28;
	v39 =	vperm.xlane v4, v0  }
0x379: {  	v44 =	vperm.xlane v43, v0;
	v1 =	vadd.f32 v22, v1;
	v9 =	vadd.f32 v16, v9  }
0x37a: {  	v4 =	vsel vm2, v41, v4;
	v7 =	vsel vm2, v43, v45;
	v2 =	vadd.f32 v2, v5  }
0x37b: {  	v3 =	vsel vm2, v3, v39;
	v33 =	vperm.xlane v1, v0;
	v9 =	vadd.f32 v24, v9  }
0x37c: {  	v48 =	vsel vm2, v44, v23;
	v3 =	vadd.f32 v3, v4;
	v50 =	vperm.xlane v2, v36  }
0x37d: {  	v1 =	vsel vm2, v35, v1;
	v5 =	vsel vm2, v26, v33;
	v46 =	vperm.xlane v9, v0  }
0x37e: {  	v7 =	vadd.f32 v7, v48;
	v2 =	vsel vm0, v49, v2;
	v1 =	vadd.f32 v5, v1  }
0x37f: {  	v5 =	vadd.f32 v40, v42;
	v4 =	vsel vm2, v47, v9;
	v11 =	vsel vm2, v11, v46  }
0x380: {  	v54 =	vperm.xlane v3, v36;
	v55 =	vperm.xlane v7, v36;
	v4 =	vadd.f32 v11, v4  }
0x381: {  	v58 =	vld [tilespmem:$0x1FFE0];
	v6 =	vsel vm0, v6, v50;
	v51 =	vperm.xlane v1, v36;
	v53 =	vperm.xlane v5, v36  }
0x382: {  	v2 =	vadd.f32 v6, v2;
	v1 =	vsel vm0, v52, v1;
	v56 =	vperm.xlane v4, v36  }
0x383: {  	v5 =	vsel vm0, v5, v54;
	v8 =	vsel vm0, v10, v51;
	v3 =	vsel vm0, v53, v3  }
0x384: {  	v1 =	vadd.f32 v8, v1;
	v4 =	vsel vm0, v55, v4;
	v57 =	vsel vm0, v7, v56  }
0x385: {  	v3 =	vadd.f32 v5, v3;
	v4 =	vadd.f32 v57, v4  }
0x386: {  	v59 =	vperm.xlane v2, v58;
	v60 =	vperm.xlane v1, v58  }
0x387: {  	v63 =	vld [tilespmem:$0x1FFF0];
	v61 =	vperm.xlane v3, v58;
	v62 =	vperm.xlane v4, v58  }
0x388: {  	v1 =	vsel vm1, v59, v1  }
0x389: {  	v2 =	vsel vm1, v2, v60;
	v4 =	vsel vm1, v61, v4;
	v3 =	vsel vm1, v3, v62  }
0x38a: {  	v1 =	vadd.f32 v2, v1;
	v2 =	vadd.f32 v3, v4;
	_ =	sdelay $0x1  }
0x38b: {  	v3 =	vperm.xlane v1, v63;
	v4 =	vperm.xlane v2, v63;
	_ =	sdelay $0x1  }
0x38c: {  	v2 =	vsel vm3, v3, v2;
	v1 =	vsel vm3, v1, v4  }
0x38d: {  	v1 =	vadd.f32 v2, v1;
	v2 =	vld [tilespmem:$0x1F820];
	_ =	sdelay $0x2  }
0x38e: {  	p0 =	slt.u32 s24, $0x40  }
.Ltmp1:
0x38f: {  	_ = 	snop;
	(pc) =	sbr.rel @p0 .LBB2_5-.Ltmp1, $3  }
0x390: {  	_ =	sdelay $0x1  }
0x391: {  	s31 =	sadd.s32 $0x10, s24  }
0x392: {  	[tilespmem:v2+s24+$0x0 ss:$0x1] =	vst.idx.msk $0xffff, v1;
	s24 =	smov.u32 s31  }
0x393: {  	s23 =	smin.u32 s23, $0x79;
	s22 =	sadd.s32 $0x1, s22  }
0x394: {  	s23 =	smul.u32 $0x50, s23;
	p0 =	sne.s32 s22, $0x3F  }
.Ltmp2:
0x395: {  	_ = 	snop;
	(pc) =	sbr.rel @p0 .LBB2_2-.Ltmp2, $4  }
0x396: {  	s24 =	sadd.s32 $0xF0, s23  }
0x397: {  	[tilespmem:s13], [sflag:$0x3] =	stream.indirect.gather [hbm4b:s0+s10], $0x80, s24, s10, $0xb8;
	[tilespmem:$0x11680] =	vst v63  }
0x398: {  	s23 =	sadd.s32 $0x2870, s23  }
0x399: {  	[tilespmem:s15], [sflag:$0x4] =	stream.indirect.gather [hbm4b:s0+s10], $0x80, s23, s10, $0xb8;
	[tilespmem:$0x11680] =	vst v63  }
0x39a: {  	_ =	swait.ge [sflag:s16], $0x2800  }
0x39b: {  	[sflag:s16] =	ssyncset.done $0x0  }
0x39c: {  	[sflag:s16] =	ssyncadd.s32 $0xFFFFD800  }
0x39d: {  	_ =	swait.ge [sflag:s17], $0x2800  }
0x39e: {  	[sflag:s17] =	ssyncset.done $0x0  }
0x39f: {  	[sflag:s17] =	ssyncadd.s32 $0xFFFFD800  }
0x3a0: {  	_ =	swait.ge [sflag:s18], $0x2800  }
0x3a1: {  	[sflag:s18] =	ssyncset.done $0x0  }
0x3a2: {  	[sflag:s18] =	ssyncadd.s32 $0xFFFFD800  }
0x3a3: {  	s21 =	sadd.s32 $0x1, s21;
	_ =	swait.ge [sflag:s19], $0x2800  }
0x3a4: {  	p0 =	sne.s32 s21, s7;
	[sflag:s19] =	ssyncset.done $0x0  }
.Ltmp3:
0x3a5: {  	[sflag:s19] =	ssyncadd.s32 $0xFFFFD800;
	(pc) =	sbr.rel @p0 .LBB2_1-.Ltmp3, $4  }
0x3a6: {  	[hbm4b:s6+s3] =	stream.linear.scatter [tilespmem:s20], [sflag:$0x5], $0x2710, $0x38;
	[tilespmem:$0x11680] =	vst v63  }
0x3a7: {  	_ =	swait.ge [sflag:s8], $0x2710  }
0x3a8: {  	[sflag:s8] =	ssyncset.done $0x0  }
0x3a9: {  	[sflag:s8] =	ssyncadd.s32 $0xFFFFD8F0  }
0x3aa: {  	_ =	sfence.sel $0x180000  }
0x3ab: {  	[bflag:$0x0] =	sbarrier.arrive $0xFFFF  }
0x3ac: {  	p0 =	sne.s32 s1, $0x0;
	_ =	strace $0x90000047  }
0x3ad: {  	s0 =	sadd.s32 @!p0 $0x100000, s2;
	[bflag:$0x2] =	sbarrier.arrive $0xFFFF  }
0x3ae: {  	[sflag:s0] =	ssyncadd.tile.s32 @!p0 $0x1;
	_ =	shalt  }
.Lfunc_end2:
_tile_overlayer_lowered:
.L_overlay_start_2:
0x3af: {  	(tag) =	ssettag $0x2  }
0x3b0: {  	s0 =	rddreg [dreg:$0x0];
	s2 =	stileid.u32  }
0x3b1: {  	s1 =	rddreg [dreg:$0x1];
	p0 =	sne.s32 s2, $0x0  }
0x3b2: {  	s3 =	rddreg [dreg:$0x2];
	[bflag:$0x3] =	sbarrier.arrive $0xFFFF;
	s2 =	simm.s32 @!p0 $0x1C05  }
0x3b3: {  	[timem:s3], [sflag:s2] =	dma.local @!p0 [hbm:s0], s1  }
0x3b4: {  	s0 =	simm.s32 @!p0 $0x5  }
0x3b5: {  	_ =	swait.ge @!p0 [sflag:s0], s1  }
0x3b6: {  	s1 =	ssub.s32 @!p0 $0x0, s1;
	[sflag:s0] =	ssyncset.done @!p0 $0x0  }
0x3b7: {  	[sflag:s0] =	ssyncadd.s32 @!p0 s1  }
0x3b8: {  	[bflag:$0x3] =	sbarrier.arrive $0xFFFF  }
0x3b9: {  	_ =	shalt  }

</sc_bundles>
